<compile_context>
chip_gen: v7x
topology: tpu7x:2x2x1
jax: 0.10.2.dev20260603
libtpu: 0.0.44.dev20260713+nightly
codegen_flags: <defaults>
</compile_context>

<pallas_src>
import functools

import jax
import jax.numpy as jnp
from jax import lax
from jax.experimental import pallas as pl
from jax.experimental.pallas import tpu as pltpu
from jax.experimental.pallas import tpu_sc as plsc

NC = 2
NS = 16
L = 16
HEAD = 4
NORMW = 16

_i32 = jnp.int32
_f32 = jnp.float32

_SC_PARAMS = pltpu.CompilerParams(
    needs_layout_passes=False, use_tc_tiling_on_sc=False)


def _iota16():
    return lax.iota(_i32, L)


def _take(v, idx):
    dnums = lax.GatherDimensionNumbers(
        offset_dims=(), collapsed_slice_dims=(0,), start_index_map=(0,))
    return lax.gather(v, idx[:, None], dnums, (1,),
                      mode=lax.GatherScatterMode.PROMISE_IN_BOUNDS)


def _fill2d(ref, nrows, ncols, val):
    vvec = jnp.full((L,), val, _f32)
    def body(i, _):
        flat = i * L + _iota16()
        plsc.store_scatter(ref, [flat // ncols, flat % ncols], vvec)
        return 0
    lax.fori_loop(0, nrows * ncols // L, body, 0)



def _qk(embeds, qT, kT):
    n, d = embeds.shape
    br = 1000
    def body(e_ref, q_ref, k_ref, oq, ok):
        x = e_ref[...]
        oq[...] = jnp.dot(x, q_ref[...], preferred_element_type=_f32)
        ok[...] = jnp.dot(x, k_ref[...], preferred_element_type=_f32)
    return pl.pallas_call(
        body,
        grid=(n // br,),
        in_specs=[pl.BlockSpec((br, d), lambda i: (i, 0)),
                  pl.BlockSpec((d, d), lambda i: (0, 0)),
                  pl.BlockSpec((d, d), lambda i: (0, 0))],
        out_specs=[pl.BlockSpec((br, d), lambda i: (i, 0))] * 2,
        out_shape=[jax.ShapeDtypeStruct((n, d), _f32)] * 2,
    )(embeds, qT, kT)


def _vmat(embeds, vT):
    n, d = embeds.shape
    br = 1000
    def body(e_ref, v_ref, ov):
        ov[...] = jnp.dot(e_ref[...], v_ref[...], preferred_element_type=_f32)
    return pl.pallas_call(
        body,
        grid=(n // br,),
        in_specs=[pl.BlockSpec((br, d), lambda i: (i, 0)),
                  pl.BlockSpec((d, d), lambda i: (0, 0))],
        out_specs=pl.BlockSpec((br, d), lambda i: (i, 0)),
        out_shape=jax.ShapeDtypeStruct((n, d), _f32),
    )(embeds, vT)


def _combine(a, b):
    n, d = a.shape
    br = 1000
    def body(a_ref, b_ref, o_ref):
        o_ref[...] = a_ref[...] + b_ref[...]
    return pl.pallas_call(
        body,
        grid=(n // br,),
        in_specs=[pl.BlockSpec((br, d), lambda i: (i, 0))] * 2,
        out_specs=pl.BlockSpec((br, d), lambda i: (i, 0)),
        out_shape=jax.ShapeDtypeStruct((n, d), _f32),
    )(a, b)



def _make_pass1(n_nodes, n_edges, dim, c_edges):
    epw = n_edges // (NC * NS)
    nchunks = epw // c_edges
    npairs = nchunks // 2
    mesh = plsc.VectorSubcoreMesh(core_axis_name="c", subcore_axis_name="s",
                                  num_cores=NC, num_subcores=NS)

    @functools.partial(
        pl.kernel,
        out_type=(jax.ShapeDtypeStruct((n_edges, HEAD), _f32),
                  jax.ShapeDtypeStruct((n_nodes, NORMW), _f32),
                  jax.ShapeDtypeStruct((n_nodes, NORMW), _f32)),
        mesh=mesh,
        compiler_params=_SC_PARAMS,
        scratch_types=[
            pltpu.VMEM((nchunks, c_edges), _i32),
            pltpu.VMEM((2, c_edges), _i32),
            pltpu.VMEM((2, c_edges, dim), _f32),
            pltpu.VMEM((2, c_edges, dim), _f32),
            pltpu.VMEM((2, c_edges, HEAD), _f32),
            pltpu.VMEM((2, c_edges, NORMW), _f32),
            pltpu.VMEM((200, NORMW), _f32),
            pltpu.SemaphoreType.DMA,
            pltpu.SemaphoreType.DMA,
            pltpu.SemaphoreType.DMA,
            pltpu.SemaphoreType.DMA,
            pltpu.SemaphoreType.DMA,
            pltpu.SemaphoreType.DMA,
            pltpu.VMEM_SHARED((n_nodes, NORMW), _f32),
        ],
    )
    def pass1(rows3_hbm, cols3_hbm, q_hbm, k_hbm,
              expatt_hbm, norm0_hbm, norm1_hbm,
              sidx, scol, qbuf, kbuf, attc, attp, znorm,
              semg0, semg1, semw0, semw1, semi0, semi1, norm_acc):
        c = lax.axis_index("c")
        s = lax.axis_index("s")
        wid = c * NS + s
        semg = (semg0, semg1)
        semw = (semw0, semw1)
        semi = (semi0, semi1)
        nzt = 10
        rpt = n_nodes // nzt
        hd = dim // HEAD

        pltpu.sync_copy(rows3_hbm.at[wid], sidx)

        for b in (0, 1):
            pltpu.sync_copy(cols3_hbm.at[wid, b], scol.at[b])
            pltpu.async_copy(q_hbm.at[sidx.at[b]], qbuf.at[b], semg[b])
            pltpu.async_copy(k_hbm.at[scol.at[b]], kbuf.at[b], semg[b])

        _fill2d(attp.at[0], c_edges, NORMW, 0.0)
        _fill2d(attp.at[1], c_edges, NORMW, 0.0)
        _fill2d(znorm, 200, NORMW, 0.0)
        @pl.when(s < nzt)
        def _():
            def zb(i, _):
                pltpu.sync_copy(znorm,
                                norm_acc.at[pl.ds(s * rpt + i * 200, 200), :])
                return 0
            lax.fori_loop(0, rpt // 200, zb, 0)
        plsc.subcore_barrier()

        ii = _iota16()
        r8 = ii ^ 8
        r4 = ii ^ 4
        r2 = ii ^ 2
        r1 = ii ^ 1
        qid = ii // HEAD
        m0 = qid == 0
        m1 = qid == 1
        m2 = qid == 2
        smask = (ii % HEAD) == 0

        def chunk_work(g, b):
            base = wid * epw + g * c_edges
            qb = qbuf.at[b]
            kb = kbuf.at[b]
            ab = attc.at[b]
            pb = attp.at[b]
            pltpu.make_async_copy(q_hbm.at[sidx.at[g]], qb, semg[b]).wait()
            pltpu.make_async_copy(k_hbm.at[scol.at[b]], kb, semg[b]).wait()
            @pl.when(g + 2 < nchunks)
            def _():
                pltpu.async_copy(cols3_hbm.at[wid, g + 2], scol.at[b],
                                 semi[b])
            @pl.when(g >= 2)
            def _():
                pltpu.make_async_copy(
                    ab, expatt_hbm.at[pl.ds(base, c_edges)], semw[b]).wait()

            def edge(e, _):
                ph = []
                for h in range(HEAD):
                    p = qb[e, pl.ds(h * hd, L)] * kb[e, pl.ds(h * hd, L)]
                    for j in range(1, hd // L):
                        off = h * hd + j * L
                        p = p + qb[e, pl.ds(off, L)] * kb[e, pl.ds(off, L)]
                    p = p + _take(p, r8)
                    p = p + _take(p, r4)
                    ph.append(p)
                d = jnp.where(m0, ph[0],
                              jnp.where(m1, ph[1],
                                        jnp.where(m2, ph[2], ph[3])))
                f = d + _take(d, r2)
                f = f + _take(f, r1)
                plsc.store_scatter(ab, [jnp.full((L,), e, _i32), qid],
                                   f, mask=smask)
                return 0
            lax.fori_loop(0, c_edges, edge, 0)

            def pgrp(i2, _):
                flat = i2 * L + _iota16()
                ee = flat // HEAD
                hh = flat % HEAD
                raw = plsc.load_gather(ab, [ee, hh])
                v = jnp.exp(jnp.clip(raw, -10.0, 10.0))
                plsc.store_scatter(ab, [ee, hh], v)
                plsc.store_scatter(pb, [ee, hh], v)
                return 0
            lax.fori_loop(0, c_edges * HEAD // L, pgrp, 0)

            pltpu.async_copy(ab, expatt_hbm.at[pl.ds(base, c_edges)], semw[b])
            pltpu.sync_copy(pb, norm_acc.at[sidx.at[g]], add=True)
            @pl.when(g + 2 < nchunks)
            def _():
                pltpu.make_async_copy(cols3_hbm.at[wid, g + 2], scol.at[b],
                                      semi[b]).wait()
                pltpu.async_copy(q_hbm.at[sidx.at[g + 2]], qb, semg[b])
                pltpu.async_copy(k_hbm.at[scol.at[b]], kb, semg[b])

        def pair(gp, _):
            chunk_work(gp * 2, 0)
            chunk_work(gp * 2 + 1, 1)
            return 0
        lax.fori_loop(0, npairs, pair, 0)
        if nchunks % 2:
            chunk_work(jnp.int32(nchunks - 1), 0)

        for b in (0, 1):
            g_last = nchunks - 2 + b
            base = wid * epw + g_last * c_edges
            pltpu.make_async_copy(
                attc.at[b], expatt_hbm.at[pl.ds(base, c_edges)],
                semw[b]).wait()

        plsc.subcore_barrier()
        @pl.when(jnp.logical_and(s < nzt, c == 0))
        def _():
            pltpu.sync_copy(norm_acc.at[pl.ds(s * rpt, rpt), :],
                            norm0_hbm.at[pl.ds(s * rpt, rpt), :])

        @pl.when(jnp.logical_and(s < nzt, c == 1))
        def _():
            pltpu.sync_copy(norm_acc.at[pl.ds(s * rpt, rpt), :],
                            norm1_hbm.at[pl.ds(s * rpt, rpt), :])

    return pass1



def _make_pass2(n_nodes, n_edges, dim, c_edges):
    epw = n_edges // (NC * NS)
    nchunks = epw // c_edges
    npairs = nchunks // 2
    mesh = plsc.VectorSubcoreMesh(core_axis_name="c", subcore_axis_name="s",
                                  num_cores=NC, num_subcores=NS)

    @functools.partial(
        pl.kernel,
        out_type=(jax.ShapeDtypeStruct((n_edges, HEAD), _f32),
                  jax.ShapeDtypeStruct((NC, n_nodes, dim), _f32)),
        mesh=mesh,
        compiler_params=_SC_PARAMS,
        scratch_types=[
            pltpu.VMEM((nchunks, c_edges), _i32),
            pltpu.VMEM((2, c_edges), _i32),
            pltpu.VMEM((2, c_edges, dim), _f32),
            pltpu.VMEM((2, c_edges, HEAD), _f32),
            pltpu.VMEM((2, c_edges, HEAD), _f32),
            pltpu.VMEM((c_edges * HEAD,), _f32),
            pltpu.VMEM((2, c_edges, NORMW), _f32),
            pltpu.VMEM((2, c_edges, NORMW), _f32),
            pltpu.SemaphoreType.DMA,
            pltpu.SemaphoreType.DMA,
            pltpu.SemaphoreType.DMA,
            pltpu.SemaphoreType.DMA,
            pltpu.SemaphoreType.DMA,
            pltpu.SemaphoreType.DMA,
            pltpu.VMEM_SHARED((n_nodes, dim), _f32),
        ],
    )
    def pass2(rows3_hbm, cols3_hbm, v_hbm, expatt_hbm, norm0_hbm, norm1_hbm,
              attout_hbm, accpart_hbm,
              sidx, cidx, vbuf, eabuf, attc, attf, nbuf0, nbuf1,
              semg0, semg1, semi0, semi1, semw0, semw1, acc):
        c = lax.axis_index("c")
        s = lax.axis_index("s")
        wid = c * NS + s
        semg = (semg0, semg1)
        semi = (semi0, semi1)
        semw = (semw0, semw1)
        nzt = 10
        rpt = n_nodes // nzt
        hd = dim // HEAD
        epg = L // HEAD

        pltpu.sync_copy(rows3_hbm.at[wid], sidx)

        _fill2d(vbuf.at[0], 40, dim, 0.0)
        @pl.when(s < nzt)
        def _():
            def zb(i, _):
                pltpu.sync_copy(vbuf.at[0, pl.ds(0, 40), :],
                                acc.at[pl.ds(s * rpt + i * 40, 40), :])
                return 0
            lax.fori_loop(0, rpt // 40, zb, 0)
        plsc.subcore_barrier()

        for b in (0, 1):
            base_b = wid * epw + b * c_edges
            pltpu.sync_copy(cols3_hbm.at[wid, b], cidx.at[b])
            pltpu.async_copy(v_hbm.at[cidx.at[b]], vbuf.at[b], semg[b])
            pltpu.async_copy(norm0_hbm.at[sidx.at[b]], nbuf0.at[b], semg[b])
            pltpu.async_copy(norm1_hbm.at[sidx.at[b]], nbuf1.at[b], semg[b])
            pltpu.async_copy(expatt_hbm.at[pl.ds(base_b, c_edges)],
                             eabuf.at[b], semg[b])

        def chunk_work(g, b):
            base = wid * epw + g * c_edges
            vb = vbuf.at[b]
            eb = eabuf.at[b]
            ab = attc.at[b]
            n0b = nbuf0.at[b]
            n1b = nbuf1.at[b]
            pltpu.make_async_copy(v_hbm.at[cidx.at[b]], vb, semg[b]).wait()
            @pl.when(g + 2 < nchunks)
            def _():
                pltpu.async_copy(cols3_hbm.at[wid, g + 2], cidx.at[b],
                                 semi[b])
            pltpu.make_async_copy(norm0_hbm.at[sidx.at[g]], n0b,
                                  semg[b]).wait()
            pltpu.make_async_copy(norm1_hbm.at[sidx.at[g]], n1b,
                                  semg[b]).wait()
            pltpu.make_async_copy(expatt_hbm.at[pl.ds(base, c_edges)], eb,
                                  semg[b]).wait()
            @pl.when(g >= 2)
            def _():
                pltpu.make_async_copy(
                    ab, attout_hbm.at[pl.ds(base, c_edges)], semw[b]).wait()

            def pgrp(i2, _):
                flat = i2 * L + _iota16()
                ee = flat // HEAD
                hh = flat % HEAD
                ea = plsc.load_gather(eb, [ee, hh])
                n0 = plsc.load_gather(n0b, [ee, hh])
                n1 = plsc.load_gather(n1b, [ee, hh])
                att = ea / (n0 + n1 + 1e-8)
                plsc.store_scatter(ab, [ee, hh], att)
                attf[pl.ds(i2 * L, L)] = att
                return 0
            lax.fori_loop(0, c_edges * HEAD // L, pgrp, 0)

            def edge4(q4, _):
                va = attf[pl.ds(q4 * L, L)]
                for eo in range(epg):
                    e = q4 * epg + eo
                    for h in range(HEAD):
                        a_h = va[eo * HEAD + h]
                        for j in range(hd // L):
                            off = h * hd + j * L
                            vb[e, pl.ds(off, L)] = vb[e, pl.ds(off, L)] * a_h
                return 0
            lax.fori_loop(0, c_edges // epg, edge4, 0)

            pltpu.async_copy(ab, attout_hbm.at[pl.ds(base, c_edges)], semw[b])
            pltpu.sync_copy(vb, acc.at[sidx.at[g]], add=True)
            @pl.when(g + 2 < nchunks)
            def _():
                base2 = wid * epw + (g + 2) * c_edges
                pltpu.make_async_copy(cols3_hbm.at[wid, g + 2], cidx.at[b],
                                      semi[b]).wait()
                pltpu.async_copy(v_hbm.at[cidx.at[b]], vb, semg[b])
                pltpu.async_copy(norm0_hbm.at[sidx.at[g + 2]], n0b, semg[b])
                pltpu.async_copy(norm1_hbm.at[sidx.at[g + 2]], n1b, semg[b])
                pltpu.async_copy(expatt_hbm.at[pl.ds(base2, c_edges)],
                                 eabuf.at[b], semg[b])

        def pair(gp, _):
            chunk_work(gp * 2, 0)
            chunk_work(gp * 2 + 1, 1)
            return 0
        lax.fori_loop(0, npairs, pair, 0)

        for b in (0, 1):
            g_last = nchunks - 2 + b
            base = wid * epw + g_last * c_edges
            pltpu.make_async_copy(
                attc.at[b], attout_hbm.at[pl.ds(base, c_edges)],
                semw[b]).wait()

        plsc.subcore_barrier()
        @pl.when(s < nzt)
        def _():
            pltpu.sync_copy(
                acc.at[pl.ds(s * rpt, rpt), :],
                accpart_hbm.at[c, pl.ds(s * rpt, rpt), :])

    return pass2



def kernel(adj, embeds, qTrans, kTrans, vTrans):
    n_nodes, dim = embeds.shape
    n_edges = adj.shape[1]
    nw = NC * NS
    c1 = 80
    c2 = 40
    rows3a = adj[0].reshape(nw, n_edges // (nw * c1), c1)
    cols3a = adj[1].reshape(nw, n_edges // (nw * c1), c1)
    rows3b = adj[0].reshape(nw, n_edges // (nw * c2), c2)
    cols3b = adj[1].reshape(nw, n_edges // (nw * c2), c2)

    q, k = _qk(embeds, qTrans, kTrans)
    v = _vmat(embeds, vTrans)

    expatt, norm0, norm1 = _make_pass1(n_nodes, n_edges, dim, c1)(
        rows3a, cols3a, q, k)
    att, accpart = _make_pass2(n_nodes, n_edges, dim, c2)(
        rows3b, cols3b, v, expatt, norm0, norm1)
    res = _combine(accpart[0], accpart[1])
    return res, att

# --- scband reference (transcript-rebuilt; emitter-appended) ---
"""Pipeline reference for scband-gtlayer-29180007809572 (READ-ONLY COPY).

The authoritative reference and input builder live on the scoring server;
editing this copy changes nothing except your own understanding.
"""

import jax, jax.numpy as jnp
import numpy as np

N_NODES = 10000
N_EDGES = 320000
DIM_E = 128
HEAD = 4


def setup_inputs(seed: int = 0) -> dict:
    key = jax.random.key(seed)
    k1, k2, k3, k4, k5 = jax.random.split(key, 5)
    adj = jax.random.randint(k1, (2, N_EDGES), 0, N_NODES, dtype=jnp.int32)
    embeds = jax.random.normal(k2, (N_NODES, DIM_E), dtype=jnp.float32)
    # xavier_uniform for square [DIM_E, DIM_E] matrices
    a = float(np.sqrt(6.0 / (DIM_E + DIM_E)))
    qTrans = jax.random.uniform(k3, (DIM_E, DIM_E), dtype=jnp.float32, minval=-a, maxval=a)
    kTrans = jax.random.uniform(k4, (DIM_E, DIM_E), dtype=jnp.float32, minval=-a, maxval=a)
    vTrans = jax.random.uniform(k5, (DIM_E, DIM_E), dtype=jnp.float32, minval=-a, maxval=a)
    return {"adj": adj, "embeds": embeds, "qTrans": qTrans, "kTrans": kTrans, "vTrans": vTrans}


def reference(adj, embeds, qTrans, kTrans, vTrans):
    head = HEAD
    dim_E = embeds.shape[1]
    n_nodes = embeds.shape[0]
    rows = adj[0, :]
    cols = adj[1, :]
    rowEmbeds = jnp.take(embeds, rows, axis=0)
    colEmbeds = jnp.take(embeds, cols, axis=0)
    qEmbeds = (rowEmbeds @ qTrans).reshape(-1, head, dim_E // head)
    kEmbeds = (colEmbeds @ kTrans).reshape(-1, head, dim_E // head)
    vEmbeds = (colEmbeds @ vTrans).reshape(-1, head, dim_E // head)
    att = jnp.einsum('ehd,ehd->eh', qEmbeds, kEmbeds)
    att = jnp.clip(att, -10.0, 10.0)
    expAtt = jnp.exp(att)
    attNormFull = jax.ops.segment_sum(expAtt, rows, num_segments=n_nodes)
    attNorm = jnp.take(attNormFull, rows, axis=0)
    att = expAtt / (attNorm + 1e-08)
    resEmbeds = jnp.einsum('eh,ehd->ehd', att, vEmbeds).reshape(-1, dim_E)
    resEmbeds = jax.ops.segment_sum(resEmbeds, rows, num_segments=n_nodes)
    return (resEmbeds, att)

if __name__ == "__main__":
    import jax
    _d = setup_inputs()
    print(jax.jit(kernel)(*tuple(_d.values())))

</pallas_src>

<mosaic_0001>
#map = affine_map<(d0, d1) -> (0, 0, 0)>
#map1 = affine_map<(d0, d1) -> (0, 0)>
module attributes {stable_mosaic.version = 14 : i64} {
  func.func @pass2(%arg0: i32, %arg1: i32, %arg2: memref<32x250x40xi32, #tpu.memory_space<hbm>>, %arg3: memref<32x250x40xi32, #tpu.memory_space<hbm>>, %arg4: memref<10000x128xf32, #tpu.memory_space<hbm>>, %arg5: memref<320000x4xf32, #tpu.memory_space<hbm>>, %arg6: memref<10000x16xf32, #tpu.memory_space<hbm>>, %arg7: memref<10000x16xf32, #tpu.memory_space<hbm>>, %arg8: memref<320000x4xf32, #tpu.memory_space<hbm>>, %arg9: memref<2x10000x128xf32, #tpu.memory_space<hbm>>, %arg10: memref<250x40xi32, #tpu.memory_space<vmem>>, %arg11: memref<2x40xi32, #tpu.memory_space<vmem>>, %arg12: memref<2x40x128xf32, #tpu.memory_space<vmem>>, %arg13: memref<2x40x4xf32, #tpu.memory_space<vmem>>, %arg14: memref<2x40x4xf32, #tpu.memory_space<vmem>>, %arg15: memref<160xf32, #tpu.memory_space<vmem>>, %arg16: memref<2x40x16xf32, #tpu.memory_space<vmem>>, %arg17: memref<2x40x16xf32, #tpu.memory_space<vmem>>, %arg18: memref<!tpu.dma_semaphore, #tpu.memory_space<semaphore_mem>>, %arg19: memref<!tpu.dma_semaphore, #tpu.memory_space<semaphore_mem>>, %arg20: memref<!tpu.dma_semaphore, #tpu.memory_space<semaphore_mem>>, %arg21: memref<!tpu.dma_semaphore, #tpu.memory_space<semaphore_mem>>, %arg22: memref<!tpu.dma_semaphore, #tpu.memory_space<semaphore_mem>>, %arg23: memref<!tpu.dma_semaphore, #tpu.memory_space<semaphore_mem>>, %arg24: memref<10000x128xf32, #tpu.memory_space<vmem_shared>>) attributes {dimension_semantics = [#tpu.dimension_semantics<core_parallel>, #tpu.dimension_semantics<subcore_parallel>], iteration_bounds = array<i64: 2, 16>, scalar_prefetch = 0 : i64, scratch_operands = 15 : i64, tpu.core_type = #tpu.core_type<sc_vector_subcore>, window_params = [{transform_indices = #map}, {transform_indices = #map}, {transform_indices = #map1}, {transform_indices = #map1}, {transform_indices = #map1}, {transform_indices = #map1}, {transform_indices = #map1}, {transform_indices = #map}]} {
    %mul3A = arith.constant 16 : i32
    %mul3A_0 = arith.muli %arg0, %mul3A : i32
    %add3A = arith.addi %mul3A_0, %arg1 : i32
    "tpu.region"() ({
      %run_scoped3A_165 = tpu.sem_alloc : memref<!tpu.dma_semaphore, #tpu.memory_space<semaphore_mem>>
      %dma_start3A_166 = arith.constant 0 : i32
      %dma_start3A_167 = arith.constant 0 : i32
      %dma_start3A_168 = tpu.memref_slice %arg2[%add3A, %dma_start3A_166, %dma_start3A_167] : memref<32x250x40xi32, #tpu.memory_space<hbm>> -> memref<1x250x40xi32, #tpu.memory_space<hbm>>
      %dma_start3A_169 = tpu.memref_squeeze %dma_start3A_168 : memref<1x250x40xi32, #tpu.memory_space<hbm>> -> memref<250x40xi32, #tpu.memory_space<hbm>>
      %dma_start3A_170 = arith.constant 0 : i32
      %dma_start3A_171 = arith.constant 0 : i32
      %dma_start3A_172 = tpu.memref_slice %arg2[%add3A, %dma_start3A_170, %dma_start3A_171] : memref<32x250x40xi32, #tpu.memory_space<hbm>> -> memref<1x250x40xi32, #tpu.memory_space<hbm>>
      %dma_start3A_173 = tpu.memref_squeeze %dma_start3A_172 : memref<1x250x40xi32, #tpu.memory_space<hbm>> -> memref<250x40xi32, #tpu.memory_space<hbm>>
      tpu.enqueue_dma source(%dma_start3A_173 : memref<250x40xi32, #tpu.memory_space<hbm>>) target(%arg10 : memref<250x40xi32, #tpu.memory_space<vmem>>) target_semaphore(%run_scoped3A_165 : memref<!tpu.dma_semaphore, #tpu.memory_space<semaphore_mem>>)
      %dma_wait3A_174 = arith.constant 0 : i32
      %dma_wait3A_175 = arith.constant 0 : i32
      %dma_wait3A_176 = tpu.memref_slice %arg2[%add3A, %dma_wait3A_174, %dma_wait3A_175] : memref<32x250x40xi32, #tpu.memory_space<hbm>> -> memref<1x250x40xi32, #tpu.memory_space<hbm>>
      %dma_wait3A_177 = tpu.memref_squeeze %dma_wait3A_176 : memref<1x250x40xi32, #tpu.memory_space<hbm>> -> memref<250x40xi32, #tpu.memory_space<hbm>>
      %dma_wait3A_178 = arith.constant 0 : i32
      %dma_wait3A_179 = arith.constant 0 : i32
      %dma_wait3A_180 = tpu.memref_slice %arg2[%add3A, %dma_wait3A_178, %dma_wait3A_179] : memref<32x250x40xi32, #tpu.memory_space<hbm>> -> memref<1x250x40xi32, #tpu.memory_space<hbm>>
      %dma_wait3A_181 = tpu.memref_squeeze %dma_wait3A_180 : memref<1x250x40xi32, #tpu.memory_space<hbm>> -> memref<250x40xi32, #tpu.memory_space<hbm>>
      tpu.wait_dma2 semaphore(%run_scoped3A_165 : memref<!tpu.dma_semaphore, #tpu.memory_space<semaphore_mem>>) src(%dma_wait3A_181 : memref<250x40xi32, #tpu.memory_space<hbm>>) dst(%arg10 : memref<250x40xi32, #tpu.memory_space<vmem>>)
      tpu.yield
    }) : () -> ()
    %broadcast_in_dim3A = arith.constant 0.000000e+00 : f32
    %broadcast_in_dim3A_1 = vector.broadcast %broadcast_in_dim3A : f32 to vector<16xf32>
    %scan3A = arith.constant 0 : i32
    %scan3A_2 = arith.constant 0 : i32
    %scan3A_3 = arith.constant 0 : i32
    %scan3A_4 = arith.constant 320 : i32
    %scan3A_5 = arith.addi %scan3A_3, %scan3A_4 : i32
    %scan3A_6 = arith.constant 1 : i32
    %scan3A_7 = scf.for %scan3A_165 = %scan3A_3 to %scan3A_5 step %scan3A_6 iter_args(%scan3A_166 = %scan3A_2) -> (i32)  : i32 {
      %mul3A_167 = arith.constant 16 : i32
      %mul3A_168 = arith.muli %scan3A_165, %mul3A_167 : i32
      %iota3A = tpu.iota {dimensions = array<i32: 0>} : vector<16xi32>
      %add3A_169 = vector.broadcast %mul3A_168 : i32 to vector<16xi32>
      %add3A_170 = arith.addi %add3A_169, %iota3A : vector<16xi32>
      %jit3A = arith.constant 128 : i32
      %div3A = vector.broadcast %jit3A : i32 to vector<16xi32>
      %div3A_171 = arith.divsi %add3A_170, %div3A : vector<16xi32>
      %sign3A = arith.constant 0 : i32
      %sign3A_172 = vector.broadcast %sign3A : i32 to vector<16xi32>
      %sign3A_173 = arith.cmpi sgt, %add3A_170, %sign3A_172 : vector<16xi32>
      %sign3A_174 = arith.extui %sign3A_173 : vector<16xi1> to vector<16xi32>
      %sign3A_175 = arith.constant 0 : i32
      %sign3A_176 = vector.broadcast %sign3A_175 : i32 to vector<16xi32>
      %sign3A_177 = arith.cmpi slt, %add3A_170, %sign3A_176 : vector<16xi32>
      %sign3A_178 = arith.extui %sign3A_177 : vector<16xi1> to vector<16xi32>
      %sign3A_179 = arith.subi %sign3A_174, %sign3A_178 : vector<16xi32>
      %sign3A_180 = arith.constant 0 : i32
      %sign3A_181 = arith.cmpi sgt, %jit3A, %sign3A_180 : i32
      %sign3A_182 = arith.extui %sign3A_181 : i1 to i32
      %sign3A_183 = arith.constant 0 : i32
      %sign3A_184 = arith.cmpi slt, %jit3A, %sign3A_183 : i32
      %sign3A_185 = arith.extui %sign3A_184 : i1 to i32
      %sign3A_186 = arith.subi %sign3A_182, %sign3A_185 : i32
      %ne3A = vector.broadcast %sign3A_186 : i32 to vector<16xi32>
      %ne3A_187 = arith.cmpi ne, %sign3A_179, %ne3A : vector<16xi32>
      %rem3A = vector.broadcast %jit3A : i32 to vector<16xi32>
      %rem3A_188 = arith.remsi %add3A_170, %rem3A : vector<16xi32>
      %ne3A_189 = arith.constant 0 : i32
      %ne3A_190 = vector.broadcast %ne3A_189 : i32 to vector<16xi32>
      %ne3A_191 = arith.cmpi ne, %rem3A_188, %ne3A_190 : vector<16xi32>
      %and3A = arith.andi %ne3A_187, %ne3A_191 : vector<16xi1>
      %sub3A = arith.constant 1 : i32
      %sub3A_192 = vector.broadcast %sub3A : i32 to vector<16xi32>
      %sub3A_193 = arith.subi %div3A_171, %sub3A_192 : vector<16xi32>
      %select_n3A = arith.select %and3A, %sub3A_193, %div3A_171 : vector<16xi1>, vector<16xi32>
      %jit3A_194 = arith.constant 128 : i32
      %eq3A = arith.constant 0 : i32
      %eq3A_195 = arith.cmpi eq, %jit3A_194, %eq3A : i32
      %jit3A_196 = arith.constant 1 : i32
      %select_n3A_197 = arith.select %eq3A_195, %jit3A_196, %jit3A_194 : i32
      %rem3A_198 = vector.broadcast %select_n3A_197 : i32 to vector<16xi32>
      %rem3A_199 = arith.remsi %add3A_170, %rem3A_198 : vector<16xi32>
      %ne3A_200 = arith.constant 0 : i32
      %ne3A_201 = vector.broadcast %ne3A_200 : i32 to vector<16xi32>
      %ne3A_202 = arith.cmpi ne, %rem3A_199, %ne3A_201 : vector<16xi32>
      %lt3A_203 = arith.constant 0 : i32
      %lt3A_204 = vector.broadcast %lt3A_203 : i32 to vector<16xi32>
      %lt3A_205 = arith.cmpi slt, %rem3A_199, %lt3A_204 : vector<16xi32>
      %lt3A_206 = arith.constant 0 : i32
      %lt3A_207 = arith.cmpi slt, %select_n3A_197, %lt3A_206 : i32
      %ne3A_208 = vector.broadcast %lt3A_207 : i1 to vector<16xi1>
      %ne3A_209 = vector.broadcast %ne3A_208 : vector<16xi1> to vector<16xi1>
      %ne3A_210 = arith.xori %lt3A_205, %ne3A_209 : vector<16xi1>
      %and3A_211 = arith.andi %ne3A_210, %ne3A_202 : vector<16xi1>
      %add3A_212 = vector.broadcast %select_n3A_197 : i32 to vector<16xi32>
      %add3A_213 = arith.addi %rem3A_199, %add3A_212 : vector<16xi32>
      %select_n3A_214 = arith.select %and3A_211, %add3A_213, %rem3A_199 : vector<16xi1>, vector<16xi32>
      %scatter3A = arith.constant 0 : i32
      %scatter3A_215 = arith.constant 0 : i32
      %scatter3A_216 = tpu.memref_slice %arg12[%scan3A, %scatter3A, %scatter3A_215] : memref<2x40x128xf32, #tpu.memory_space<vmem>> -> memref<1x40x128xf32, #tpu.memory_space<vmem>>
      %scatter3A_217 = tpu.memref_squeeze %scatter3A_216 : memref<1x40x128xf32, #tpu.memory_space<vmem>> -> memref<40x128xf32, #tpu.memory_space<vmem>>
      tpu.vector_store_idx %scatter3A_217[%select_n3A, %select_n3A_214], %broadcast_in_dim3A_1 : memref<40x128xf32, #tpu.memory_space<vmem>>[vector<16xi32>, vector<16xi32>], vector<16xf32>,
      %scan3A_218 = arith.constant 0 : i32
      scf.yield %scan3A_218 : i32
    }
    %scan3A_8 = arith.constant 320 : i32
    %lt3A = arith.constant 10 : i32
    %lt3A_9 = arith.cmpi slt, %arg1, %lt3A : i32
    %convert_element_type3A = arith.extui %lt3A_9 : i1 to i32
    %cond3A = arith.constant 0 : i32
    %cond3A_10 = arith.cmpi ne, %convert_element_type3A, %cond3A : i32
    scf.if %cond3A_10 {
      %scan3A_165 = arith.constant 0 : i32
      %scan3A_166 = arith.constant 0 : i32
      %scan3A_167 = arith.constant 25 : i32
      %scan3A_168 = arith.addi %scan3A_166, %scan3A_167 : i32
      %scan3A_169 = arith.constant 1 : i32
      %scan3A_170 = scf.for %scan3A_172 = %scan3A_166 to %scan3A_168 step %scan3A_169 iter_args(%scan3A_173 = %scan3A_165) -> (i32)  : i32 {
        %mul3A_174 = arith.constant 1000 : i32
        %mul3A_175 = arith.muli %arg1, %mul3A_174 : i32
        %mul3A_176 = arith.constant 40 : i32
        %mul3A_177 = arith.muli %scan3A_172, %mul3A_176 : i32
        %add3A_178 = arith.addi %mul3A_175, %mul3A_177 : i32
        %run_scoped3A_179 = arith.constant 0 : i32
        "tpu.region"() ({
          %run_scoped3A_181 = tpu.sem_alloc : memref<!tpu.dma_semaphore, #tpu.memory_space<semaphore_mem>>
          %dma_start3A_182 = arith.constant 0 : i32
          %dma_start3A_183 = arith.constant 0 : i32
          %dma_start3A_184 = tpu.memref_slice %arg12[%run_scoped3A_179, %dma_start3A_182, %dma_start3A_183] : memref<2x40x128xf32, #tpu.memory_space<vmem>> -> memref<1x40x128xf32, #tpu.memory_space<vmem>>
          %dma_start3A_185 = tpu.memref_squeeze %dma_start3A_184 : memref<1x40x128xf32, #tpu.memory_space<vmem>> -> memref<40x128xf32, #tpu.memory_space<vmem>>
          %dma_start3A_186 = arith.constant 0 : i32
          %dma_start3A_187 = tpu.memref_slice %arg24[%add3A_178, %dma_start3A_186] : memref<10000x128xf32, #tpu.memory_space<vmem_shared>> -> memref<40x128xf32, #tpu.memory_space<vmem_shared>>
          %dma_start3A_188 = arith.constant 0 : i32
          %dma_start3A_189 = tpu.memref_slice %arg24[%add3A_178, %dma_start3A_188] : memref<10000x128xf32, #tpu.memory_space<vmem_shared>> -> memref<40x128xf32, #tpu.memory_space<vmem_shared>>
          %dma_start3A_190 = arith.constant 0 : i32
          %dma_start3A_191 = arith.constant 0 : i32
          %dma_start3A_192 = tpu.memref_slice %arg12[%run_scoped3A_179, %dma_start3A_190, %dma_start3A_191] : memref<2x40x128xf32, #tpu.memory_space<vmem>> -> memref<1x40x128xf32, #tpu.memory_space<vmem>>
          %dma_start3A_193 = tpu.memref_squeeze %dma_start3A_192 : memref<1x40x128xf32, #tpu.memory_space<vmem>> -> memref<40x128xf32, #tpu.memory_space<vmem>>
          tpu.enqueue_dma source(%dma_start3A_193 : memref<40x128xf32, #tpu.memory_space<vmem>>) target(%dma_start3A_189 : memref<40x128xf32, #tpu.memory_space<vmem_shared>>) target_semaphore(%run_scoped3A_181 : memref<!tpu.dma_semaphore, #tpu.memory_space<semaphore_mem>>)
          %dma_wait3A_194 = arith.constant 0 : i32
          %dma_wait3A_195 = arith.constant 0 : i32
          %dma_wait3A_196 = tpu.memref_slice %arg12[%run_scoped3A_179, %dma_wait3A_194, %dma_wait3A_195] : memref<2x40x128xf32, #tpu.memory_space<vmem>> -> memref<1x40x128xf32, #tpu.memory_space<vmem>>
          %dma_wait3A_197 = tpu.memref_squeeze %dma_wait3A_196 : memref<1x40x128xf32, #tpu.memory_space<vmem>> -> memref<40x128xf32, #tpu.memory_space<vmem>>
          %dma_wait3A_198 = arith.constant 0 : i32
          %dma_wait3A_199 = tpu.memref_slice %arg24[%add3A_178, %dma_wait3A_198] : memref<10000x128xf32, #tpu.memory_space<vmem_shared>> -> memref<40x128xf32, #tpu.memory_space<vmem_shared>>
          %dma_wait3A_200 = arith.constant 0 : i32
          %dma_wait3A_201 = tpu.memref_slice %arg24[%add3A_178, %dma_wait3A_200] : memref<10000x128xf32, #tpu.memory_space<vmem_shared>> -> memref<40x128xf32, #tpu.memory_space<vmem_shared>>
          %dma_wait3A_202 = arith.constant 0 : i32
          %dma_wait3A_203 = arith.constant 0 : i32
          %dma_wait3A_204 = tpu.memref_slice %arg12[%run_scoped3A_179, %dma_wait3A_202, %dma_wait3A_203] : memref<2x40x128xf32, #tpu.memory_space<vmem>> -> memref<1x40x128xf32, #tpu.memory_space<vmem>>
          %dma_wait3A_205 = tpu.memref_squeeze %dma_wait3A_204 : memref<1x40x128xf32, #tpu.memory_space<vmem>> -> memref<40x128xf32, #tpu.memory_space<vmem>>
          tpu.wait_dma2 semaphore(%run_scoped3A_181 : memref<!tpu.dma_semaphore, #tpu.memory_space<semaphore_mem>>) src(%dma_wait3A_205 : memref<40x128xf32, #tpu.memory_space<vmem>>) dst(%dma_wait3A_201 : memref<40x128xf32, #tpu.memory_space<vmem_shared>>)
          tpu.yield
        }) : () -> ()
        %scan3A_180 = arith.constant 0 : i32
        scf.yield %scan3A_180 : i32
      }
      %scan3A_171 = arith.constant 25 : i32
    } else {
    }
    %barrier3A = arith.constant 0 : index
    tpu.barrier barrier_id(%barrier3A)
    %mul3A_11 = arith.constant 10000 : i32
    %mul3A_12 = arith.muli %add3A, %mul3A_11 : i32
    %add3A_13 = arith.constant 0 : i32
    %add3A_14 = arith.addi %mul3A_12, %add3A_13 : i32
    %run_scoped3A = arith.constant 0 : i32
    %run_scoped3A_15 = arith.constant 0 : i32
    "tpu.region"() ({
      %run_scoped3A_165 = tpu.sem_alloc : memref<!tpu.dma_semaphore, #tpu.memory_space<semaphore_mem>>
      %dma_start3A_166 = arith.constant 0 : i32
      %dma_start3A_167 = tpu.memref_slice %arg11[%run_scoped3A_15, %dma_start3A_166] : memref<2x40xi32, #tpu.memory_space<vmem>> -> memref<1x40xi32, #tpu.memory_space<vmem>>
      %dma_start3A_168 = tpu.memref_squeeze %dma_start3A_167 : memref<1x40xi32, #tpu.memory_space<vmem>> -> memref<40xi32, #tpu.memory_space<vmem>>
      %dma_start3A_169 = arith.constant 0 : i32
      %dma_start3A_170 = tpu.memref_slice %arg3[%add3A, %run_scoped3A, %dma_start3A_169] : memref<32x250x40xi32, #tpu.memory_space<hbm>> -> memref<1x1x40xi32, #tpu.memory_space<hbm>>
      %dma_start3A_171 = tpu.memref_squeeze %dma_start3A_170 : memref<1x1x40xi32, #tpu.memory_space<hbm>> -> memref<40xi32, #tpu.memory_space<hbm>>
      %dma_start3A_172 = arith.constant 0 : i32
      %dma_start3A_173 = tpu.memref_slice %arg11[%run_scoped3A_15, %dma_start3A_172] : memref<2x40xi32, #tpu.memory_space<vmem>> -> memref<1x40xi32, #tpu.memory_space<vmem>>
      %dma_start3A_174 = tpu.memref_squeeze %dma_start3A_173 : memref<1x40xi32, #tpu.memory_space<vmem>> -> memref<40xi32, #tpu.memory_space<vmem>>
      %dma_start3A_175 = arith.constant 0 : i32
      %dma_start3A_176 = tpu.memref_slice %arg3[%add3A, %run_scoped3A, %dma_start3A_175] : memref<32x250x40xi32, #tpu.memory_space<hbm>> -> memref<1x1x40xi32, #tpu.memory_space<hbm>>
      %dma_start3A_177 = tpu.memref_squeeze %dma_start3A_176 : memref<1x1x40xi32, #tpu.memory_space<hbm>> -> memref<40xi32, #tpu.memory_space<hbm>>
      tpu.enqueue_dma source(%dma_start3A_177 : memref<40xi32, #tpu.memory_space<hbm>>) target(%dma_start3A_174 : memref<40xi32, #tpu.memory_space<vmem>>) target_semaphore(%run_scoped3A_165 : memref<!tpu.dma_semaphore, #tpu.memory_space<semaphore_mem>>)
      %dma_wait3A_178 = arith.constant 0 : i32
      %dma_wait3A_179 = tpu.memref_slice %arg11[%run_scoped3A_15, %dma_wait3A_178] : memref<2x40xi32, #tpu.memory_space<vmem>> -> memref<1x40xi32, #tpu.memory_space<vmem>>
      %dma_wait3A_180 = tpu.memref_squeeze %dma_wait3A_179 : memref<1x40xi32, #tpu.memory_space<vmem>> -> memref<40xi32, #tpu.memory_space<vmem>>
      %dma_wait3A_181 = arith.constant 0 : i32
      %dma_wait3A_182 = tpu.memref_slice %arg3[%add3A, %run_scoped3A, %dma_wait3A_181] : memref<32x250x40xi32, #tpu.memory_space<hbm>> -> memref<1x1x40xi32, #tpu.memory_space<hbm>>
      %dma_wait3A_183 = tpu.memref_squeeze %dma_wait3A_182 : memref<1x1x40xi32, #tpu.memory_space<hbm>> -> memref<40xi32, #tpu.memory_space<hbm>>
      %dma_wait3A_184 = arith.constant 0 : i32
      %dma_wait3A_185 = tpu.memref_slice %arg11[%run_scoped3A_15, %dma_wait3A_184] : memref<2x40xi32, #tpu.memory_space<vmem>> -> memref<1x40xi32, #tpu.memory_space<vmem>>
      %dma_wait3A_186 = tpu.memref_squeeze %dma_wait3A_185 : memref<1x40xi32, #tpu.memory_space<vmem>> -> memref<40xi32, #tpu.memory_space<vmem>>
      %dma_wait3A_187 = arith.constant 0 : i32
      %dma_wait3A_188 = tpu.memref_slice %arg3[%add3A, %run_scoped3A, %dma_wait3A_187] : memref<32x250x40xi32, #tpu.memory_space<hbm>> -> memref<1x1x40xi32, #tpu.memory_space<hbm>>
      %dma_wait3A_189 = tpu.memref_squeeze %dma_wait3A_188 : memref<1x1x40xi32, #tpu.memory_space<hbm>> -> memref<40xi32, #tpu.memory_space<hbm>>
      tpu.wait_dma2 semaphore(%run_scoped3A_165 : memref<!tpu.dma_semaphore, #tpu.memory_space<semaphore_mem>>) src(%dma_wait3A_189 : memref<40xi32, #tpu.memory_space<hbm>>) dst(%dma_wait3A_186 : memref<40xi32, #tpu.memory_space<vmem>>)
      tpu.yield
    }) : () -> ()
    %dma_start3A = arith.constant 0 : i32
    %dma_start3A_16 = arith.constant 0 : i32
    %dma_start3A_17 = arith.constant 0 : i32
    %dma_start3A_18 = arith.constant 0 : i32
    %dma_start3A_19 = tpu.memref_slice %arg12[%dma_start3A_16, %dma_start3A_17, %dma_start3A_18] : memref<2x40x128xf32, #tpu.memory_space<vmem>> -> memref<1x40x128xf32, #tpu.memory_space<vmem>>
    %dma_start3A_20 = tpu.memref_squeeze %dma_start3A_19 : memref<1x40x128xf32, #tpu.memory_space<vmem>> -> memref<40x128xf32, #tpu.memory_space<vmem>>
    %dma_start3A_21 = arith.constant 0 : i32
    %dma_start3A_22 = tpu.memref_slice %arg11[%dma_start3A, %dma_start3A_21] : memref<2x40xi32, #tpu.memory_space<vmem>> -> memref<1x40xi32, #tpu.memory_space<vmem>>
    %dma_start3A_23 = tpu.memref_squeeze %dma_start3A_22 : memref<1x40xi32, #tpu.memory_space<vmem>> -> memref<40xi32, #tpu.memory_space<vmem>>
    %dma_start3A_24 = arith.constant 0 : i32
    %dma_start3A_25 = arith.constant 0 : i32
    %dma_start3A_26 = tpu.memref_slice %arg4[%dma_start3A_24, %dma_start3A_25] : memref<10000x128xf32, #tpu.memory_space<hbm>> -> memref<10000x128xf32, #tpu.memory_space<hbm>>
    tpu.enqueue_indirect_dma source(%dma_start3A_26 : memref<10000x128xf32, #tpu.memory_space<hbm>>) target(%dma_start3A_20 : memref<40x128xf32, #tpu.memory_space<vmem>>) offsets(%dma_start3A_23 : memref<40xi32, #tpu.memory_space<vmem>>) semaphore(%arg18 : memref<!tpu.dma_semaphore, #tpu.memory_space<semaphore_mem>>)
    %dma_start3A_27 = arith.constant 0 : i32
    %dma_start3A_28 = arith.constant 0 : i32
    %dma_start3A_29 = arith.constant 0 : i32
    %dma_start3A_30 = arith.constant 0 : i32
    %dma_start3A_31 = tpu.memref_slice %arg16[%dma_start3A_28, %dma_start3A_29, %dma_start3A_30] : memref<2x40x16xf32, #tpu.memory_space<vmem>> -> memref<1x40x16xf32, #tpu.memory_space<vmem>>
    %dma_start3A_32 = tpu.memref_squeeze %dma_start3A_31 : memref<1x40x16xf32, #tpu.memory_space<vmem>> -> memref<40x16xf32, #tpu.memory_space<vmem>>
    %dma_start3A_33 = arith.constant 0 : i32
    %dma_start3A_34 = tpu.memref_slice %arg10[%dma_start3A_27, %dma_start3A_33] : memref<250x40xi32, #tpu.memory_space<vmem>> -> memref<1x40xi32, #tpu.memory_space<vmem>>
    %dma_start3A_35 = tpu.memref_squeeze %dma_start3A_34 : memref<1x40xi32, #tpu.memory_space<vmem>> -> memref<40xi32, #tpu.memory_space<vmem>>
    %dma_start3A_36 = arith.constant 0 : i32
    %dma_start3A_37 = arith.constant 0 : i32
    %dma_start3A_38 = tpu.memref_slice %arg6[%dma_start3A_36, %dma_start3A_37] : memref<10000x16xf32, #tpu.memory_space<hbm>> -> memref<10000x16xf32, #tpu.memory_space<hbm>>
    tpu.enqueue_indirect_dma source(%dma_start3A_38 : memref<10000x16xf32, #tpu.memory_space<hbm>>) target(%dma_start3A_32 : memref<40x16xf32, #tpu.memory_space<vmem>>) offsets(%dma_start3A_35 : memref<40xi32, #tpu.memory_space<vmem>>) semaphore(%arg18 : memref<!tpu.dma_semaphore, #tpu.memory_space<semaphore_mem>>)
    %dma_start3A_39 = arith.constant 0 : i32
    %dma_start3A_40 = arith.constant 0 : i32
    %dma_start3A_41 = arith.constant 0 : i32
    %dma_start3A_42 = arith.constant 0 : i32
    %dma_start3A_43 = tpu.memref_slice %arg17[%dma_start3A_40, %dma_start3A_41, %dma_start3A_42] : memref<2x40x16xf32, #tpu.memory_space<vmem>> -> memref<1x40x16xf32, #tpu.memory_space<vmem>>
    %dma_start3A_44 = tpu.memref_squeeze %dma_start3A_43 : memref<1x40x16xf32, #tpu.memory_space<vmem>> -> memref<40x16xf32, #tpu.memory_space<vmem>>
    %dma_start3A_45 = arith.constant 0 : i32
    %dma_start3A_46 = tpu.memref_slice %arg10[%dma_start3A_39, %dma_start3A_45] : memref<250x40xi32, #tpu.memory_space<vmem>> -> memref<1x40xi32, #tpu.memory_space<vmem>>
    %dma_start3A_47 = tpu.memref_squeeze %dma_start3A_46 : memref<1x40xi32, #tpu.memory_space<vmem>> -> memref<40xi32, #tpu.memory_space<vmem>>
    %dma_start3A_48 = arith.constant 0 : i32
    %dma_start3A_49 = arith.constant 0 : i32
    %dma_start3A_50 = tpu.memref_slice %arg7[%dma_start3A_48, %dma_start3A_49] : memref<10000x16xf32, #tpu.memory_space<hbm>> -> memref<10000x16xf32, #tpu.memory_space<hbm>>
    tpu.enqueue_indirect_dma source(%dma_start3A_50 : memref<10000x16xf32, #tpu.memory_space<hbm>>) target(%dma_start3A_44 : memref<40x16xf32, #tpu.memory_space<vmem>>) offsets(%dma_start3A_47 : memref<40xi32, #tpu.memory_space<vmem>>) semaphore(%arg18 : memref<!tpu.dma_semaphore, #tpu.memory_space<semaphore_mem>>)
    %dma_start3A_51 = arith.constant 0 : i32
    %dma_start3A_52 = arith.constant 0 : i32
    %dma_start3A_53 = arith.constant 0 : i32
    %dma_start3A_54 = tpu.memref_slice %arg13[%dma_start3A_51, %dma_start3A_52, %dma_start3A_53] : memref<2x40x4xf32, #tpu.memory_space<vmem>> -> memref<1x40x4xf32, #tpu.memory_space<vmem>>
    %dma_start3A_55 = tpu.memref_squeeze %dma_start3A_54 : memref<1x40x4xf32, #tpu.memory_space<vmem>> -> memref<40x4xf32, #tpu.memory_space<vmem>>
    %dma_start3A_56 = arith.constant 0 : i32
    %dma_start3A_57 = tpu.memref_slice %arg5[%add3A_14, %dma_start3A_56] : memref<320000x4xf32, #tpu.memory_space<hbm>> -> memref<40x4xf32, #tpu.memory_space<hbm>>
    %dma_start3A_58 = arith.constant 0 : i32
    %dma_start3A_59 = arith.constant 0 : i32
    %dma_start3A_60 = tpu.memref_slice %arg13[%dma_start3A_51, %dma_start3A_58, %dma_start3A_59] : memref<2x40x4xf32, #tpu.memory_space<vmem>> -> memref<1x40x4xf32, #tpu.memory_space<vmem>>
    %dma_start3A_61 = tpu.memref_squeeze %dma_start3A_60 : memref<1x40x4xf32, #tpu.memory_space<vmem>> -> memref<40x4xf32, #tpu.memory_space<vmem>>
    %dma_start3A_62 = arith.constant 0 : i32
    %dma_start3A_63 = tpu.memref_slice %arg5[%add3A_14, %dma_start3A_62] : memref<320000x4xf32, #tpu.memory_space<hbm>> -> memref<40x4xf32, #tpu.memory_space<hbm>>
    tpu.enqueue_dma source(%dma_start3A_63 : memref<40x4xf32, #tpu.memory_space<hbm>>) target(%dma_start3A_61 : memref<40x4xf32, #tpu.memory_space<vmem>>) target_semaphore(%arg18 : memref<!tpu.dma_semaphore, #tpu.memory_space<semaphore_mem>>)
    %mul3A_64 = arith.constant 10000 : i32
    %mul3A_65 = arith.muli %add3A, %mul3A_64 : i32
    %add3A_66 = arith.constant 40 : i32
    %add3A_67 = arith.addi %mul3A_65, %add3A_66 : i32
    %run_scoped3A_68 = arith.constant 1 : i32
    %run_scoped3A_69 = arith.constant 1 : i32
    "tpu.region"() ({
      %run_scoped3A_165 = tpu.sem_alloc : memref<!tpu.dma_semaphore, #tpu.memory_space<semaphore_mem>>
      %dma_start3A_166 = arith.constant 0 : i32
      %dma_start3A_167 = tpu.memref_slice %arg11[%run_scoped3A_69, %dma_start3A_166] : memref<2x40xi32, #tpu.memory_space<vmem>> -> memref<1x40xi32, #tpu.memory_space<vmem>>
      %dma_start3A_168 = tpu.memref_squeeze %dma_start3A_167 : memref<1x40xi32, #tpu.memory_space<vmem>> -> memref<40xi32, #tpu.memory_space<vmem>>
      %dma_start3A_169 = arith.constant 0 : i32
      %dma_start3A_170 = tpu.memref_slice %arg3[%add3A, %run_scoped3A_68, %dma_start3A_169] : memref<32x250x40xi32, #tpu.memory_space<hbm>> -> memref<1x1x40xi32, #tpu.memory_space<hbm>>
      %dma_start3A_171 = tpu.memref_squeeze %dma_start3A_170 : memref<1x1x40xi32, #tpu.memory_space<hbm>> -> memref<40xi32, #tpu.memory_space<hbm>>
      %dma_start3A_172 = arith.constant 0 : i32
      %dma_start3A_173 = tpu.memref_slice %arg11[%run_scoped3A_69, %dma_start3A_172] : memref<2x40xi32, #tpu.memory_space<vmem>> -> memref<1x40xi32, #tpu.memory_space<vmem>>
      %dma_start3A_174 = tpu.memref_squeeze %dma_start3A_173 : memref<1x40xi32, #tpu.memory_space<vmem>> -> memref<40xi32, #tpu.memory_space<vmem>>
      %dma_start3A_175 = arith.constant 0 : i32
      %dma_start3A_176 = tpu.memref_slice %arg3[%add3A, %run_scoped3A_68, %dma_start3A_175] : memref<32x250x40xi32, #tpu.memory_space<hbm>> -> memref<1x1x40xi32, #tpu.memory_space<hbm>>
      %dma_start3A_177 = tpu.memref_squeeze %dma_start3A_176 : memref<1x1x40xi32, #tpu.memory_space<hbm>> -> memref<40xi32, #tpu.memory_space<hbm>>
      tpu.enqueue_dma source(%dma_start3A_177 : memref<40xi32, #tpu.memory_space<hbm>>) target(%dma_start3A_174 : memref<40xi32, #tpu.memory_space<vmem>>) target_semaphore(%run_scoped3A_165 : memref<!tpu.dma_semaphore, #tpu.memory_space<semaphore_mem>>)
      %dma_wait3A_178 = arith.constant 0 : i32
      %dma_wait3A_179 = tpu.memref_slice %arg11[%run_scoped3A_69, %dma_wait3A_178] : memref<2x40xi32, #tpu.memory_space<vmem>> -> memref<1x40xi32, #tpu.memory_space<vmem>>
      %dma_wait3A_180 = tpu.memref_squeeze %dma_wait3A_179 : memref<1x40xi32, #tpu.memory_space<vmem>> -> memref<40xi32, #tpu.memory_space<vmem>>
      %dma_wait3A_181 = arith.constant 0 : i32
      %dma_wait3A_182 = tpu.memref_slice %arg3[%add3A, %run_scoped3A_68, %dma_wait3A_181] : memref<32x250x40xi32, #tpu.memory_space<hbm>> -> memref<1x1x40xi32, #tpu.memory_space<hbm>>
      %dma_wait3A_183 = tpu.memref_squeeze %dma_wait3A_182 : memref<1x1x40xi32, #tpu.memory_space<hbm>> -> memref<40xi32, #tpu.memory_space<hbm>>
      %dma_wait3A_184 = arith.constant 0 : i32
      %dma_wait3A_185 = tpu.memref_slice %arg11[%run_scoped3A_69, %dma_wait3A_184] : memref<2x40xi32, #tpu.memory_space<vmem>> -> memref<1x40xi32, #tpu.memory_space<vmem>>
      %dma_wait3A_186 = tpu.memref_squeeze %dma_wait3A_185 : memref<1x40xi32, #tpu.memory_space<vmem>> -> memref<40xi32, #tpu.memory_space<vmem>>
      %dma_wait3A_187 = arith.constant 0 : i32
      %dma_wait3A_188 = tpu.memref_slice %arg3[%add3A, %run_scoped3A_68, %dma_wait3A_187] : memref<32x250x40xi32, #tpu.memory_space<hbm>> -> memref<1x1x40xi32, #tpu.memory_space<hbm>>
      %dma_wait3A_189 = tpu.memref_squeeze %dma_wait3A_188 : memref<1x1x40xi32, #tpu.memory_space<hbm>> -> memref<40xi32, #tpu.memory_space<hbm>>
      tpu.wait_dma2 semaphore(%run_scoped3A_165 : memref<!tpu.dma_semaphore, #tpu.memory_space<semaphore_mem>>) src(%dma_wait3A_189 : memref<40xi32, #tpu.memory_space<hbm>>) dst(%dma_wait3A_186 : memref<40xi32, #tpu.memory_space<vmem>>)
      tpu.yield
    }) : () -> ()
    %dma_start3A_70 = arith.constant 1 : i32
    %dma_start3A_71 = arith.constant 1 : i32
    %dma_start3A_72 = arith.constant 0 : i32
    %dma_start3A_73 = arith.constant 0 : i32
    %dma_start3A_74 = tpu.memref_slice %arg12[%dma_start3A_71, %dma_start3A_72, %dma_start3A_73] : memref<2x40x128xf32, #tpu.memory_space<vmem>> -> memref<1x40x128xf32, #tpu.memory_space<vmem>>
    %dma_start3A_75 = tpu.memref_squeeze %dma_start3A_74 : memref<1x40x128xf32, #tpu.memory_space<vmem>> -> memref<40x128xf32, #tpu.memory_space<vmem>>
    %dma_start3A_76 = arith.constant 0 : i32
    %dma_start3A_77 = tpu.memref_slice %arg11[%dma_start3A_70, %dma_start3A_76] : memref<2x40xi32, #tpu.memory_space<vmem>> -> memref<1x40xi32, #tpu.memory_space<vmem>>
    %dma_start3A_78 = tpu.memref_squeeze %dma_start3A_77 : memref<1x40xi32, #tpu.memory_space<vmem>> -> memref<40xi32, #tpu.memory_space<vmem>>
    %dma_start3A_79 = arith.constant 0 : i32
    %dma_start3A_80 = arith.constant 0 : i32
    %dma_start3A_81 = tpu.memref_slice %arg4[%dma_start3A_79, %dma_start3A_80] : memref<10000x128xf32, #tpu.memory_space<hbm>> -> memref<10000x128xf32, #tpu.memory_space<hbm>>
    tpu.enqueue_indirect_dma source(%dma_start3A_81 : memref<10000x128xf32, #tpu.memory_space<hbm>>) target(%dma_start3A_75 : memref<40x128xf32, #tpu.memory_space<vmem>>) offsets(%dma_start3A_78 : memref<40xi32, #tpu.memory_space<vmem>>) semaphore(%arg19 : memref<!tpu.dma_semaphore, #tpu.memory_space<semaphore_mem>>)
    %dma_start3A_82 = arith.constant 1 : i32
    %dma_start3A_83 = arith.constant 1 : i32
    %dma_start3A_84 = arith.constant 0 : i32
    %dma_start3A_85 = arith.constant 0 : i32
    %dma_start3A_86 = tpu.memref_slice %arg16[%dma_start3A_83, %dma_start3A_84, %dma_start3A_85] : memref<2x40x16xf32, #tpu.memory_space<vmem>> -> memref<1x40x16xf32, #tpu.memory_space<vmem>>
    %dma_start3A_87 = tpu.memref_squeeze %dma_start3A_86 : memref<1x40x16xf32, #tpu.memory_space<vmem>> -> memref<40x16xf32, #tpu.memory_space<vmem>>
    %dma_start3A_88 = arith.constant 0 : i32
    %dma_start3A_89 = tpu.memref_slice %arg10[%dma_start3A_82, %dma_start3A_88] : memref<250x40xi32, #tpu.memory_space<vmem>> -> memref<1x40xi32, #tpu.memory_space<vmem>>
    %dma_start3A_90 = tpu.memref_squeeze %dma_start3A_89 : memref<1x40xi32, #tpu.memory_space<vmem>> -> memref<40xi32, #tpu.memory_space<vmem>>
    %dma_start3A_91 = arith.constant 0 : i32
    %dma_start3A_92 = arith.constant 0 : i32
    %dma_start3A_93 = tpu.memref_slice %arg6[%dma_start3A_91, %dma_start3A_92] : memref<10000x16xf32, #tpu.memory_space<hbm>> -> memref<10000x16xf32, #tpu.memory_space<hbm>>
    tpu.enqueue_indirect_dma source(%dma_start3A_93 : memref<10000x16xf32, #tpu.memory_space<hbm>>) target(%dma_start3A_87 : memref<40x16xf32, #tpu.memory_space<vmem>>) offsets(%dma_start3A_90 : memref<40xi32, #tpu.memory_space<vmem>>) semaphore(%arg19 : memref<!tpu.dma_semaphore, #tpu.memory_space<semaphore_mem>>)
    %dma_start3A_94 = arith.constant 1 : i32
    %dma_start3A_95 = arith.constant 1 : i32
    %dma_start3A_96 = arith.constant 0 : i32
    %dma_start3A_97 = arith.constant 0 : i32
    %dma_start3A_98 = tpu.memref_slice %arg17[%dma_start3A_95, %dma_start3A_96, %dma_start3A_97] : memref<2x40x16xf32, #tpu.memory_space<vmem>> -> memref<1x40x16xf32, #tpu.memory_space<vmem>>
    %dma_start3A_99 = tpu.memref_squeeze %dma_start3A_98 : memref<1x40x16xf32, #tpu.memory_space<vmem>> -> memref<40x16xf32, #tpu.memory_space<vmem>>
    %dma_start3A_100 = arith.constant 0 : i32
    %dma_start3A_101 = tpu.memref_slice %arg10[%dma_start3A_94, %dma_start3A_100] : memref<250x40xi32, #tpu.memory_space<vmem>> -> memref<1x40xi32, #tpu.memory_space<vmem>>
    %dma_start3A_102 = tpu.memref_squeeze %dma_start3A_101 : memref<1x40xi32, #tpu.memory_space<vmem>> -> memref<40xi32, #tpu.memory_space<vmem>>
    %dma_start3A_103 = arith.constant 0 : i32
    %dma_start3A_104 = arith.constant 0 : i32
    %dma_start3A_105 = tpu.memref_slice %arg7[%dma_start3A_103, %dma_start3A_104] : memref<10000x16xf32, #tpu.memory_space<hbm>> -> memref<10000x16xf32, #tpu.memory_space<hbm>>
    tpu.enqueue_indirect_dma source(%dma_start3A_105 : memref<10000x16xf32, #tpu.memory_space<hbm>>) target(%dma_start3A_99 : memref<40x16xf32, #tpu.memory_space<vmem>>) offsets(%dma_start3A_102 : memref<40xi32, #tpu.memory_space<vmem>>) semaphore(%arg19 : memref<!tpu.dma_semaphore, #tpu.memory_space<semaphore_mem>>)
    %dma_start3A_106 = arith.constant 1 : i32
    %dma_start3A_107 = arith.constant 0 : i32
    %dma_start3A_108 = arith.constant 0 : i32
    %dma_start3A_109 = tpu.memref_slice %arg13[%dma_start3A_106, %dma_start3A_107, %dma_start3A_108] : memref<2x40x4xf32, #tpu.memory_space<vmem>> -> memref<1x40x4xf32, #tpu.memory_space<vmem>>
    %dma_start3A_110 = tpu.memref_squeeze %dma_start3A_109 : memref<1x40x4xf32, #tpu.memory_space<vmem>> -> memref<40x4xf32, #tpu.memory_space<vmem>>
    %dma_start3A_111 = arith.constant 0 : i32
    %dma_start3A_112 = tpu.memref_slice %arg5[%add3A_67, %dma_start3A_111] : memref<320000x4xf32, #tpu.memory_space<hbm>> -> memref<40x4xf32, #tpu.memory_space<hbm>>
    %dma_start3A_113 = arith.constant 0 : i32
    %dma_start3A_114 = arith.constant 0 : i32
    %dma_start3A_115 = tpu.memref_slice %arg13[%dma_start3A_106, %dma_start3A_113, %dma_start3A_114] : memref<2x40x4xf32, #tpu.memory_space<vmem>> -> memref<1x40x4xf32, #tpu.memory_space<vmem>>
    %dma_start3A_116 = tpu.memref_squeeze %dma_start3A_115 : memref<1x40x4xf32, #tpu.memory_space<vmem>> -> memref<40x4xf32, #tpu.memory_space<vmem>>
    %dma_start3A_117 = arith.constant 0 : i32
    %dma_start3A_118 = tpu.memref_slice %arg5[%add3A_67, %dma_start3A_117] : memref<320000x4xf32, #tpu.memory_space<hbm>> -> memref<40x4xf32, #tpu.memory_space<hbm>>
    tpu.enqueue_dma source(%dma_start3A_118 : memref<40x4xf32, #tpu.memory_space<hbm>>) target(%dma_start3A_116 : memref<40x4xf32, #tpu.memory_space<vmem>>) target_semaphore(%arg19 : memref<!tpu.dma_semaphore, #tpu.memory_space<semaphore_mem>>)
    %scan3A_119 = arith.constant 0 : i32
    %scan3A_120 = arith.constant 0 : i32
    %scan3A_121 = arith.constant 125 : i32
    %scan3A_122 = arith.addi %scan3A_120, %scan3A_121 : i32
    %scan3A_123 = arith.constant 1 : i32
    %scan3A_124 = scf.for %scan3A_165 = %scan3A_120 to %scan3A_122 step %scan3A_123 iter_args(%scan3A_166 = %scan3A_119) -> (i32)  : i32 {
      %mul3A_167 = arith.constant 2 : i32
      %mul3A_168 = arith.muli %scan3A_165, %mul3A_167 : i32
      %mul3A_169 = arith.constant 10000 : i32
      %mul3A_170 = arith.muli %add3A, %mul3A_169 : i32
      %mul3A_171 = arith.constant 40 : i32
      %mul3A_172 = arith.muli %mul3A_168, %mul3A_171 : i32
      %add3A_173 = arith.addi %mul3A_170, %mul3A_172 : i32
      %dma_wait3A_174 = arith.constant 0 : i32
      %dma_wait3A_175 = arith.constant 0 : i32
      %dma_wait3A_176 = arith.constant 0 : i32
      %dma_wait3A_177 = arith.constant 0 : i32
      %dma_wait3A_178 = tpu.memref_slice %arg12[%dma_wait3A_175, %dma_wait3A_176, %dma_wait3A_177] : memref<2x40x128xf32, #tpu.memory_space<vmem>> -> memref<1x40x128xf32, #tpu.memory_space<vmem>>
      %dma_wait3A_179 = tpu.memref_squeeze %dma_wait3A_178 : memref<1x40x128xf32, #tpu.memory_space<vmem>> -> memref<40x128xf32, #tpu.memory_space<vmem>>
      %dma_wait3A_180 = arith.constant 0 : i32
      %dma_wait3A_181 = tpu.memref_slice %arg11[%dma_wait3A_174, %dma_wait3A_180] : memref<2x40xi32, #tpu.memory_space<vmem>> -> memref<1x40xi32, #tpu.memory_space<vmem>>
      %dma_wait3A_182 = tpu.memref_squeeze %dma_wait3A_181 : memref<1x40xi32, #tpu.memory_space<vmem>> -> memref<40xi32, #tpu.memory_space<vmem>>
      %dma_wait3A_183 = arith.constant 0 : i32
      %dma_wait3A_184 = arith.constant 0 : i32
      %dma_wait3A_185 = tpu.memref_slice %arg4[%dma_wait3A_183, %dma_wait3A_184] : memref<10000x128xf32, #tpu.memory_space<hbm>> -> memref<10000x128xf32, #tpu.memory_space<hbm>>
      tpu.wait_indirect_dma semaphore(%arg18 : memref<!tpu.dma_semaphore, #tpu.memory_space<semaphore_mem>>) src(%dma_wait3A_185 : memref<10000x128xf32, #tpu.memory_space<hbm>>) dst(%dma_wait3A_179 : memref<40x128xf32, #tpu.memory_space<vmem>>)
      %add3A_186 = arith.constant 2 : i32
      %add3A_187 = arith.addi %mul3A_168, %add3A_186 : i32
      %lt3A_188 = arith.constant 250 : i32
      %lt3A_189 = arith.cmpi slt, %add3A_187, %lt3A_188 : i32
      %convert_element_type3A_190 = arith.extui %lt3A_189 : i1 to i32
      %cond3A_191 = arith.constant 0 : i32
      %cond3A_192 = arith.cmpi ne, %convert_element_type3A_190, %cond3A_191 : i32
      scf.if %cond3A_192 {
        %add3A_389 = arith.constant 2 : i32
        %add3A_390 = arith.addi %mul3A_168, %add3A_389 : i32
        %dma_start3A_391 = arith.constant 0 : i32
        %dma_start3A_392 = arith.constant 0 : i32
        %dma_start3A_393 = tpu.memref_slice %arg11[%dma_start3A_391, %dma_start3A_392] : memref<2x40xi32, #tpu.memory_space<vmem>> -> memref<1x40xi32, #tpu.memory_space<vmem>>
        %dma_start3A_394 = tpu.memref_squeeze %dma_start3A_393 : memref<1x40xi32, #tpu.memory_space<vmem>> -> memref<40xi32, #tpu.memory_space<vmem>>
        %dma_start3A_395 = arith.constant 0 : i32
        %dma_start3A_396 = tpu.memref_slice %arg3[%add3A, %add3A_390, %dma_start3A_395] : memref<32x250x40xi32, #tpu.memory_space<hbm>> -> memref<1x1x40xi32, #tpu.memory_space<hbm>>
        %dma_start3A_397 = tpu.memref_squeeze %dma_start3A_396 : memref<1x1x40xi32, #tpu.memory_space<hbm>> -> memref<40xi32, #tpu.memory_space<hbm>>
        %dma_start3A_398 = arith.constant 0 : i32
        %dma_start3A_399 = tpu.memref_slice %arg11[%dma_start3A_391, %dma_start3A_398] : memref<2x40xi32, #tpu.memory_space<vmem>> -> memref<1x40xi32, #tpu.memory_space<vmem>>
        %dma_start3A_400 = tpu.memref_squeeze %dma_start3A_399 : memref<1x40xi32, #tpu.memory_space<vmem>> -> memref<40xi32, #tpu.memory_space<vmem>>
        %dma_start3A_401 = arith.constant 0 : i32
        %dma_start3A_402 = tpu.memref_slice %arg3[%add3A, %add3A_390, %dma_start3A_401] : memref<32x250x40xi32, #tpu.memory_space<hbm>> -> memref<1x1x40xi32, #tpu.memory_space<hbm>>
        %dma_start3A_403 = tpu.memref_squeeze %dma_start3A_402 : memref<1x1x40xi32, #tpu.memory_space<hbm>> -> memref<40xi32, #tpu.memory_space<hbm>>
        tpu.enqueue_dma source(%dma_start3A_403 : memref<40xi32, #tpu.memory_space<hbm>>) target(%dma_start3A_400 : memref<40xi32, #tpu.memory_space<vmem>>) target_semaphore(%arg20 : memref<!tpu.dma_semaphore, #tpu.memory_space<semaphore_mem>>)
      } else {
      }
      %dma_wait3A_193 = arith.constant 0 : i32
      %dma_wait3A_194 = arith.constant 0 : i32
      %dma_wait3A_195 = arith.constant 0 : i32
      %dma_wait3A_196 = tpu.memref_slice %arg16[%dma_wait3A_193, %dma_wait3A_194, %dma_wait3A_195] : memref<2x40x16xf32, #tpu.memory_space<vmem>> -> memref<1x40x16xf32, #tpu.memory_space<vmem>>
      %dma_wait3A_197 = tpu.memref_squeeze %dma_wait3A_196 : memref<1x40x16xf32, #tpu.memory_space<vmem>> -> memref<40x16xf32, #tpu.memory_space<vmem>>
      %dma_wait3A_198 = arith.constant 0 : i32
      %dma_wait3A_199 = tpu.memref_slice %arg10[%mul3A_168, %dma_wait3A_198] : memref<250x40xi32, #tpu.memory_space<vmem>> -> memref<1x40xi32, #tpu.memory_space<vmem>>
      %dma_wait3A_200 = tpu.memref_squeeze %dma_wait3A_199 : memref<1x40xi32, #tpu.memory_space<vmem>> -> memref<40xi32, #tpu.memory_space<vmem>>
      %dma_wait3A_201 = arith.constant 0 : i32
      %dma_wait3A_202 = arith.constant 0 : i32
      %dma_wait3A_203 = tpu.memref_slice %arg6[%dma_wait3A_201, %dma_wait3A_202] : memref<10000x16xf32, #tpu.memory_space<hbm>> -> memref<10000x16xf32, #tpu.memory_space<hbm>>
      tpu.wait_indirect_dma semaphore(%arg18 : memref<!tpu.dma_semaphore, #tpu.memory_space<semaphore_mem>>) src(%dma_wait3A_203 : memref<10000x16xf32, #tpu.memory_space<hbm>>) dst(%dma_wait3A_197 : memref<40x16xf32, #tpu.memory_space<vmem>>)
      %dma_wait3A_204 = arith.constant 0 : i32
      %dma_wait3A_205 = arith.constant 0 : i32
      %dma_wait3A_206 = arith.constant 0 : i32
      %dma_wait3A_207 = tpu.memref_slice %arg17[%dma_wait3A_204, %dma_wait3A_205, %dma_wait3A_206] : memref<2x40x16xf32, #tpu.memory_space<vmem>> -> memref<1x40x16xf32, #tpu.memory_space<vmem>>
      %dma_wait3A_208 = tpu.memref_squeeze %dma_wait3A_207 : memref<1x40x16xf32, #tpu.memory_space<vmem>> -> memref<40x16xf32, #tpu.memory_space<vmem>>
      %dma_wait3A_209 = arith.constant 0 : i32
      %dma_wait3A_210 = tpu.memref_slice %arg10[%mul3A_168, %dma_wait3A_209] : memref<250x40xi32, #tpu.memory_space<vmem>> -> memref<1x40xi32, #tpu.memory_space<vmem>>
      %dma_wait3A_211 = tpu.memref_squeeze %dma_wait3A_210 : memref<1x40xi32, #tpu.memory_space<vmem>> -> memref<40xi32, #tpu.memory_space<vmem>>
      %dma_wait3A_212 = arith.constant 0 : i32
      %dma_wait3A_213 = arith.constant 0 : i32
      %dma_wait3A_214 = tpu.memref_slice %arg7[%dma_wait3A_212, %dma_wait3A_213] : memref<10000x16xf32, #tpu.memory_space<hbm>> -> memref<10000x16xf32, #tpu.memory_space<hbm>>
      tpu.wait_indirect_dma semaphore(%arg18 : memref<!tpu.dma_semaphore, #tpu.memory_space<semaphore_mem>>) src(%dma_wait3A_214 : memref<10000x16xf32, #tpu.memory_space<hbm>>) dst(%dma_wait3A_208 : memref<40x16xf32, #tpu.memory_space<vmem>>)
      %dma_wait3A_215 = arith.constant 0 : i32
      %dma_wait3A_216 = arith.constant 0 : i32
      %dma_wait3A_217 = arith.constant 0 : i32
      %dma_wait3A_218 = tpu.memref_slice %arg13[%dma_wait3A_215, %dma_wait3A_216, %dma_wait3A_217] : memref<2x40x4xf32, #tpu.memory_space<vmem>> -> memref<1x40x4xf32, #tpu.memory_space<vmem>>
      %dma_wait3A_219 = tpu.memref_squeeze %dma_wait3A_218 : memref<1x40x4xf32, #tpu.memory_space<vmem>> -> memref<40x4xf32, #tpu.memory_space<vmem>>
      %dma_wait3A_220 = arith.constant 0 : i32
      %dma_wait3A_221 = tpu.memref_slice %arg5[%add3A_173, %dma_wait3A_220] : memref<320000x4xf32, #tpu.memory_space<hbm>> -> memref<40x4xf32, #tpu.memory_space<hbm>>
      %dma_wait3A_222 = arith.constant 0 : i32
      %dma_wait3A_223 = arith.constant 0 : i32
      %dma_wait3A_224 = tpu.memref_slice %arg13[%dma_wait3A_215, %dma_wait3A_222, %dma_wait3A_223] : memref<2x40x4xf32, #tpu.memory_space<vmem>> -> memref<1x40x4xf32, #tpu.memory_space<vmem>>
      %dma_wait3A_225 = tpu.memref_squeeze %dma_wait3A_224 : memref<1x40x4xf32, #tpu.memory_space<vmem>> -> memref<40x4xf32, #tpu.memory_space<vmem>>
      %dma_wait3A_226 = arith.constant 0 : i32
      %dma_wait3A_227 = tpu.memref_slice %arg5[%add3A_173, %dma_wait3A_226] : memref<320000x4xf32, #tpu.memory_space<hbm>> -> memref<40x4xf32, #tpu.memory_space<hbm>>
      tpu.wait_dma2 semaphore(%arg18 : memref<!tpu.dma_semaphore, #tpu.memory_space<semaphore_mem>>) src(%dma_wait3A_227 : memref<40x4xf32, #tpu.memory_space<hbm>>) dst(%dma_wait3A_225 : memref<40x4xf32, #tpu.memory_space<vmem>>)
      %ge3A = arith.constant 2 : i32
      %ge3A_228 = arith.cmpi sge, %mul3A_168, %ge3A : i32
      %convert_element_type3A_229 = arith.extui %ge3A_228 : i1 to i32
      %cond3A_230 = arith.constant 0 : i32
      %cond3A_231 = arith.constant 0 : i32
      %cond3A_232 = arith.cmpi ne, %convert_element_type3A_229, %cond3A_231 : i32
      scf.if %cond3A_232 {
        %dma_wait3A_389 = arith.constant 0 : i32
        %dma_wait3A_390 = arith.constant 0 : i32
        %dma_wait3A_391 = tpu.memref_slice %arg14[%cond3A_230, %dma_wait3A_389, %dma_wait3A_390] : memref<2x40x4xf32, #tpu.memory_space<vmem>> -> memref<1x40x4xf32, #tpu.memory_space<vmem>>
        %dma_wait3A_392 = tpu.memref_squeeze %dma_wait3A_391 : memref<1x40x4xf32, #tpu.memory_space<vmem>> -> memref<40x4xf32, #tpu.memory_space<vmem>>
        %dma_wait3A_393 = arith.constant 0 : i32
        %dma_wait3A_394 = tpu.memref_slice %arg8[%add3A_173, %dma_wait3A_393] : memref<320000x4xf32, #tpu.memory_space<hbm>> -> memref<40x4xf32, #tpu.memory_space<hbm>>
        %dma_wait3A_395 = arith.constant 0 : i32
        %dma_wait3A_396 = tpu.memref_slice %arg8[%add3A_173, %dma_wait3A_395] : memref<320000x4xf32, #tpu.memory_space<hbm>> -> memref<40x4xf32, #tpu.memory_space<hbm>>
        %dma_wait3A_397 = arith.constant 0 : i32
        %dma_wait3A_398 = arith.constant 0 : i32
        %dma_wait3A_399 = tpu.memref_slice %arg14[%cond3A_230, %dma_wait3A_397, %dma_wait3A_398] : memref<2x40x4xf32, #tpu.memory_space<vmem>> -> memref<1x40x4xf32, #tpu.memory_space<vmem>>
        %dma_wait3A_400 = tpu.memref_squeeze %dma_wait3A_399 : memref<1x40x4xf32, #tpu.memory_space<vmem>> -> memref<40x4xf32, #tpu.memory_space<vmem>>
        tpu.wait_dma2 semaphore(%arg22 : memref<!tpu.dma_semaphore, #tpu.memory_space<semaphore_mem>>) src(%dma_wait3A_400 : memref<40x4xf32, #tpu.memory_space<vmem>>) dst(%dma_wait3A_396 : memref<40x4xf32, #tpu.memory_space<hbm>>)
      } else {
      }
      %scan3A_233 = arith.constant 0 : i32
      %scan3A_234 = arith.constant 0 : i32
      %scan3A_235 = arith.constant 0 : i32
      %scan3A_236 = arith.constant 0 : i32
      %scan3A_237 = arith.constant 0 : i32
      %scan3A_238 = arith.constant 0 : i32
      %scan3A_239 = arith.constant 10 : i32
      %scan3A_240 = arith.addi %scan3A_238, %scan3A_239 : i32
      %scan3A_241 = arith.constant 1 : i32
      %scan3A_242 = scf.for %scan3A_389 = %scan3A_238 to %scan3A_240 step %scan3A_241 iter_args(%scan3A_390 = %scan3A_237) -> (i32)  : i32 {
        %mul3A_391 = arith.constant 16 : i32
        %mul3A_392 = arith.muli %scan3A_389, %mul3A_391 : i32
        %iota3A = tpu.iota {dimensions = array<i32: 0>} : vector<16xi32>
        %add3A_393 = vector.broadcast %mul3A_392 : i32 to vector<16xi32>
        %add3A_394 = arith.addi %add3A_393, %iota3A : vector<16xi32>
        %jit3A = arith.constant 4 : i32
        %div3A = vector.broadcast %jit3A : i32 to vector<16xi32>
        %div3A_395 = arith.divsi %add3A_394, %div3A : vector<16xi32>
        %sign3A = arith.constant 0 : i32
        %sign3A_396 = vector.broadcast %sign3A : i32 to vector<16xi32>
        %sign3A_397 = arith.cmpi sgt, %add3A_394, %sign3A_396 : vector<16xi32>
        %sign3A_398 = arith.extui %sign3A_397 : vector<16xi1> to vector<16xi32>
        %sign3A_399 = arith.constant 0 : i32
        %sign3A_400 = vector.broadcast %sign3A_399 : i32 to vector<16xi32>
        %sign3A_401 = arith.cmpi slt, %add3A_394, %sign3A_400 : vector<16xi32>
        %sign3A_402 = arith.extui %sign3A_401 : vector<16xi1> to vector<16xi32>
        %sign3A_403 = arith.subi %sign3A_398, %sign3A_402 : vector<16xi32>
        %sign3A_404 = arith.constant 0 : i32
        %sign3A_405 = arith.cmpi sgt, %jit3A, %sign3A_404 : i32
        %sign3A_406 = arith.extui %sign3A_405 : i1 to i32
        %sign3A_407 = arith.constant 0 : i32
        %sign3A_408 = arith.cmpi slt, %jit3A, %sign3A_407 : i32
        %sign3A_409 = arith.extui %sign3A_408 : i1 to i32
        %sign3A_410 = arith.subi %sign3A_406, %sign3A_409 : i32
        %ne3A = vector.broadcast %sign3A_410 : i32 to vector<16xi32>
        %ne3A_411 = arith.cmpi ne, %sign3A_403, %ne3A : vector<16xi32>
        %rem3A = vector.broadcast %jit3A : i32 to vector<16xi32>
        %rem3A_412 = arith.remsi %add3A_394, %rem3A : vector<16xi32>
        %ne3A_413 = arith.constant 0 : i32
        %ne3A_414 = vector.broadcast %ne3A_413 : i32 to vector<16xi32>
        %ne3A_415 = arith.cmpi ne, %rem3A_412, %ne3A_414 : vector<16xi32>
        %and3A = arith.andi %ne3A_411, %ne3A_415 : vector<16xi1>
        %sub3A = arith.constant 1 : i32
        %sub3A_416 = vector.broadcast %sub3A : i32 to vector<16xi32>
        %sub3A_417 = arith.subi %div3A_395, %sub3A_416 : vector<16xi32>
        %select_n3A = arith.select %and3A, %sub3A_417, %div3A_395 : vector<16xi1>, vector<16xi32>
        %jit3A_418 = arith.constant 4 : i32
        %eq3A = arith.constant 0 : i32
        %eq3A_419 = arith.cmpi eq, %jit3A_418, %eq3A : i32
        %jit3A_420 = arith.constant 1 : i32
        %select_n3A_421 = arith.select %eq3A_419, %jit3A_420, %jit3A_418 : i32
        %rem3A_422 = vector.broadcast %select_n3A_421 : i32 to vector<16xi32>
        %rem3A_423 = arith.remsi %add3A_394, %rem3A_422 : vector<16xi32>
        %ne3A_424 = arith.constant 0 : i32
        %ne3A_425 = vector.broadcast %ne3A_424 : i32 to vector<16xi32>
        %ne3A_426 = arith.cmpi ne, %rem3A_423, %ne3A_425 : vector<16xi32>
        %lt3A_427 = arith.constant 0 : i32
        %lt3A_428 = vector.broadcast %lt3A_427 : i32 to vector<16xi32>
        %lt3A_429 = arith.cmpi slt, %rem3A_423, %lt3A_428 : vector<16xi32>
        %lt3A_430 = arith.constant 0 : i32
        %lt3A_431 = arith.cmpi slt, %select_n3A_421, %lt3A_430 : i32
        %ne3A_432 = vector.broadcast %lt3A_431 : i1 to vector<16xi1>
        %ne3A_433 = vector.broadcast %ne3A_432 : vector<16xi1> to vector<16xi1>
        %ne3A_434 = arith.xori %lt3A_429, %ne3A_433 : vector<16xi1>
        %and3A_435 = arith.andi %ne3A_434, %ne3A_426 : vector<16xi1>
        %add3A_436 = vector.broadcast %select_n3A_421 : i32 to vector<16xi32>
        %add3A_437 = arith.addi %rem3A_423, %add3A_436 : vector<16xi32>
        %select_n3A_438 = arith.select %and3A_435, %add3A_437, %rem3A_423 : vector<16xi1>, vector<16xi32>
        %gather3A = arith.constant 0 : i32
        %gather3A_439 = arith.constant 0 : i32
        %gather3A_440 = tpu.memref_slice %arg13[%scan3A_233, %gather3A, %gather3A_439] : memref<2x40x4xf32, #tpu.memory_space<vmem>> -> memref<1x40x4xf32, #tpu.memory_space<vmem>>
        %gather3A_441 = tpu.memref_squeeze %gather3A_440 : memref<1x40x4xf32, #tpu.memory_space<vmem>> -> memref<40x4xf32, #tpu.memory_space<vmem>>
        %gather3A_442 = tpu.vector_load_idx %gather3A_441[%select_n3A, %select_n3A_438] : memref<40x4xf32, #tpu.memory_space<vmem>>[vector<16xi32>, vector<16xi32>], vector<16xf32>,
        %gather3A_443 = arith.constant 0 : i32
        %gather3A_444 = arith.constant 0 : i32
        %gather3A_445 = tpu.memref_slice %arg16[%scan3A_234, %gather3A_443, %gather3A_444] : memref<2x40x16xf32, #tpu.memory_space<vmem>> -> memref<1x40x16xf32, #tpu.memory_space<vmem>>
        %gather3A_446 = tpu.memref_squeeze %gather3A_445 : memref<1x40x16xf32, #tpu.memory_space<vmem>> -> memref<40x16xf32, #tpu.memory_space<vmem>>
        %gather3A_447 = tpu.vector_load_idx %gather3A_446[%select_n3A, %select_n3A_438] : memref<40x16xf32, #tpu.memory_space<vmem>>[vector<16xi32>, vector<16xi32>], vector<16xf32>,
        %gather3A_448 = arith.constant 0 : i32
        %gather3A_449 = arith.constant 0 : i32
        %gather3A_450 = tpu.memref_slice %arg17[%scan3A_235, %gather3A_448, %gather3A_449] : memref<2x40x16xf32, #tpu.memory_space<vmem>> -> memref<1x40x16xf32, #tpu.memory_space<vmem>>
        %gather3A_451 = tpu.memref_squeeze %gather3A_450 : memref<1x40x16xf32, #tpu.memory_space<vmem>> -> memref<40x16xf32, #tpu.memory_space<vmem>>
        %gather3A_452 = tpu.vector_load_idx %gather3A_451[%select_n3A, %select_n3A_438] : memref<40x16xf32, #tpu.memory_space<vmem>>[vector<16xi32>, vector<16xi32>], vector<16xf32>,
        %add3A_453 = arith.addf %gather3A_447, %gather3A_452 : vector<16xf32>
        %add3A_454 = arith.constant 9.99999993E-9 : f32
        %add3A_455 = vector.broadcast %add3A_454 : f32 to vector<16xf32>
        %add3A_456 = arith.addf %add3A_453, %add3A_455 : vector<16xf32>
        %div3A_457 = arith.divf %gather3A_442, %add3A_456 : vector<16xf32>
        %scatter3A = arith.constant 0 : i32
        %scatter3A_458 = arith.constant 0 : i32
        %scatter3A_459 = tpu.memref_slice %arg14[%scan3A_236, %scatter3A, %scatter3A_458] : memref<2x40x4xf32, #tpu.memory_space<vmem>> -> memref<1x40x4xf32, #tpu.memory_space<vmem>>
        %scatter3A_460 = tpu.memref_squeeze %scatter3A_459 : memref<1x40x4xf32, #tpu.memory_space<vmem>> -> memref<40x4xf32, #tpu.memory_space<vmem>>
        tpu.vector_store_idx %scatter3A_460[%select_n3A, %select_n3A_438], %div3A_457 : memref<40x4xf32, #tpu.memory_space<vmem>>[vector<16xi32>, vector<16xi32>], vector<16xf32>,
        %mul3A_461 = arith.constant 16 : i32
        %mul3A_462 = arith.muli %scan3A_389, %mul3A_461 : i32
        %swap3A = arith.index_cast %mul3A_462 : i32 to index
        %swap3A_463 = tpu.vector_load %arg15[%swap3A] {strides = array<i32>} : memref<160xf32, #tpu.memory_space<vmem>>, vector<16xf32>,
        tpu.vector_store %arg15[%swap3A], %div3A_457 {strides = array<i32>} : memref<160xf32, #tpu.memory_space<vmem>>, vector<16xf32>,
        %scan3A_464 = arith.constant 0 : i32
        scf.yield %scan3A_464 : i32
      }
      %scan3A_243 = arith.constant 10 : i32
      %scan3A_244 = arith.constant 0 : i32
      %scan3A_245 = arith.constant 0 : i32
      %scan3A_246 = arith.constant 0 : i32
      %scan3A_247 = arith.constant 10 : i32
      %scan3A_248 = arith.addi %scan3A_246, %scan3A_247 : i32
      %scan3A_249 = arith.constant 1 : i32
      %scan3A_250 = scf.for %scan3A_389 = %scan3A_246 to %scan3A_248 step %scan3A_249 iter_args(%scan3A_390 = %scan3A_245) -> (i32)  : i32 {
        %mul3A_391 = arith.constant 16 : i32
        %mul3A_392 = arith.muli %scan3A_389, %mul3A_391 : i32
        %get3A = arith.index_cast %mul3A_392 : i32 to index
        %get3A_393 = tpu.vector_load %arg15[%get3A] {strides = array<i32>} : memref<160xf32, #tpu.memory_space<vmem>>, vector<16xf32>,
        %mul3A_394 = arith.constant 4 : i32
        %mul3A_395 = arith.muli %scan3A_389, %mul3A_394 : i32
        %add3A_396 = arith.constant 0 : i32
        %add3A_397 = arith.addi %mul3A_395, %add3A_396 : i32
        %slice3A = vector.extract_strided_slice %get3A_393 {offsets = [0], sizes = [1], strides = [1]} : vector<16xf32> to vector<1xf32>
        %squeeze3A = vector.extract %slice3A[0] : f32 from vector<1xf32>
        %get3A_398 = arith.constant 0 : i32
        %get3A_399 = arith.constant 0 : i32
        %get3A_400 = tpu.memref_slice %arg12[%scan3A_244, %get3A_398, %get3A_399] : memref<2x40x128xf32, #tpu.memory_space<vmem>> -> memref<1x40x128xf32, #tpu.memory_space<vmem>>
        %get3A_401 = tpu.memref_squeeze %get3A_400 : memref<1x40x128xf32, #tpu.memory_space<vmem>> -> memref<40x128xf32, #tpu.memory_space<vmem>>
        %get3A_402 = arith.index_cast %add3A_397 : i32 to index
        %get3A_403 = arith.constant 0 : index
        %get3A_404 = tpu.vector_load %get3A_401[%get3A_402, %get3A_403] {strides = array<i32>} : memref<40x128xf32, #tpu.memory_space<vmem>>, vector<16xf32>,
        %mul3A_405 = vector.broadcast %squeeze3A : f32 to vector<16xf32>
        %mul3A_406 = arith.mulf %get3A_404, %mul3A_405 : vector<16xf32>
        %swap3A = arith.constant 0 : i32
        %swap3A_407 = arith.constant 0 : i32
        %swap3A_408 = tpu.memref_slice %arg12[%scan3A_244, %swap3A, %swap3A_407] : memref<2x40x128xf32, #tpu.memory_space<vmem>> -> memref<1x40x128xf32, #tpu.memory_space<vmem>>
        %swap3A_409 = tpu.memref_squeeze %swap3A_408 : memref<1x40x128xf32, #tpu.memory_space<vmem>> -> memref<40x128xf32, #tpu.memory_space<vmem>>
        %swap3A_410 = arith.index_cast %add3A_397 : i32 to index
        %swap3A_411 = arith.constant 0 : index
        %swap3A_412 = tpu.vector_load %swap3A_409[%swap3A_410, %swap3A_411] {strides = array<i32>} : memref<40x128xf32, #tpu.memory_space<vmem>>, vector<16xf32>,
        tpu.vector_store %swap3A_409[%swap3A_410, %swap3A_411], %mul3A_406 {strides = array<i32>} : memref<40x128xf32, #tpu.memory_space<vmem>>, vector<16xf32>,
        %get3A_413 = arith.constant 0 : i32
        %get3A_414 = arith.constant 0 : i32
        %get3A_415 = tpu.memref_slice %arg12[%scan3A_244, %get3A_413, %get3A_414] : memref<2x40x128xf32, #tpu.memory_space<vmem>> -> memref<1x40x128xf32, #tpu.memory_space<vmem>>
        %get3A_416 = tpu.memref_squeeze %get3A_415 : memref<1x40x128xf32, #tpu.memory_space<vmem>> -> memref<40x128xf32, #tpu.memory_space<vmem>>
        %get3A_417 = arith.index_cast %add3A_397 : i32 to index
        %get3A_418 = arith.constant 16 : index
        %get3A_419 = tpu.vector_load %get3A_416[%get3A_417, %get3A_418] {strides = array<i32>} : memref<40x128xf32, #tpu.memory_space<vmem>>, vector<16xf32>,
        %mul3A_420 = vector.broadcast %squeeze3A : f32 to vector<16xf32>
        %mul3A_421 = arith.mulf %get3A_419, %mul3A_420 : vector<16xf32>
        %swap3A_422 = arith.constant 0 : i32
        %swap3A_423 = arith.constant 0 : i32
        %swap3A_424 = tpu.memref_slice %arg12[%scan3A_244, %swap3A_422, %swap3A_423] : memref<2x40x128xf32, #tpu.memory_space<vmem>> -> memref<1x40x128xf32, #tpu.memory_space<vmem>>
        %swap3A_425 = tpu.memref_squeeze %swap3A_424 : memref<1x40x128xf32, #tpu.memory_space<vmem>> -> memref<40x128xf32, #tpu.memory_space<vmem>>
        %swap3A_426 = arith.index_cast %add3A_397 : i32 to index
        %swap3A_427 = arith.constant 16 : index
        %swap3A_428 = tpu.vector_load %swap3A_425[%swap3A_426, %swap3A_427] {strides = array<i32>} : memref<40x128xf32, #tpu.memory_space<vmem>>, vector<16xf32>,
        tpu.vector_store %swap3A_425[%swap3A_426, %swap3A_427], %mul3A_421 {strides = array<i32>} : memref<40x128xf32, #tpu.memory_space<vmem>>, vector<16xf32>,
        %slice3A_429 = vector.extract_strided_slice %get3A_393 {offsets = [1], sizes = [1], strides = [1]} : vector<16xf32> to vector<1xf32>
        %squeeze3A_430 = vector.extract %slice3A_429[0] : f32 from vector<1xf32>
        %get3A_431 = arith.constant 0 : i32
        %get3A_432 = arith.constant 0 : i32
        %get3A_433 = tpu.memref_slice %arg12[%scan3A_244, %get3A_431, %get3A_432] : memref<2x40x128xf32, #tpu.memory_space<vmem>> -> memref<1x40x128xf32, #tpu.memory_space<vmem>>
        %get3A_434 = tpu.memref_squeeze %get3A_433 : memref<1x40x128xf32, #tpu.memory_space<vmem>> -> memref<40x128xf32, #tpu.memory_space<vmem>>
        %get3A_435 = arith.index_cast %add3A_397 : i32 to index
        %get3A_436 = arith.constant 32 : index
        %get3A_437 = tpu.vector_load %get3A_434[%get3A_435, %get3A_436] {strides = array<i32>} : memref<40x128xf32, #tpu.memory_space<vmem>>, vector<16xf32>,
        %mul3A_438 = vector.broadcast %squeeze3A_430 : f32 to vector<16xf32>
        %mul3A_439 = arith.mulf %get3A_437, %mul3A_438 : vector<16xf32>
        %swap3A_440 = arith.constant 0 : i32
        %swap3A_441 = arith.constant 0 : i32
        %swap3A_442 = tpu.memref_slice %arg12[%scan3A_244, %swap3A_440, %swap3A_441] : memref<2x40x128xf32, #tpu.memory_space<vmem>> -> memref<1x40x128xf32, #tpu.memory_space<vmem>>
        %swap3A_443 = tpu.memref_squeeze %swap3A_442 : memref<1x40x128xf32, #tpu.memory_space<vmem>> -> memref<40x128xf32, #tpu.memory_space<vmem>>
        %swap3A_444 = arith.index_cast %add3A_397 : i32 to index
        %swap3A_445 = arith.constant 32 : index
        %swap3A_446 = tpu.vector_load %swap3A_443[%swap3A_444, %swap3A_445] {strides = array<i32>} : memref<40x128xf32, #tpu.memory_space<vmem>>, vector<16xf32>,
        tpu.vector_store %swap3A_443[%swap3A_444, %swap3A_445], %mul3A_439 {strides = array<i32>} : memref<40x128xf32, #tpu.memory_space<vmem>>, vector<16xf32>,
        %get3A_447 = arith.constant 0 : i32
        %get3A_448 = arith.constant 0 : i32
        %get3A_449 = tpu.memref_slice %arg12[%scan3A_244, %get3A_447, %get3A_448] : memref<2x40x128xf32, #tpu.memory_space<vmem>> -> memref<1x40x128xf32, #tpu.memory_space<vmem>>
        %get3A_450 = tpu.memref_squeeze %get3A_449 : memref<1x40x128xf32, #tpu.memory_space<vmem>> -> memref<40x128xf32, #tpu.memory_space<vmem>>
        %get3A_451 = arith.index_cast %add3A_397 : i32 to index
        %get3A_452 = arith.constant 48 : index
        %get3A_453 = tpu.vector_load %get3A_450[%get3A_451, %get3A_452] {strides = array<i32>} : memref<40x128xf32, #tpu.memory_space<vmem>>, vector<16xf32>,
        %mul3A_454 = vector.broadcast %squeeze3A_430 : f32 to vector<16xf32>
        %mul3A_455 = arith.mulf %get3A_453, %mul3A_454 : vector<16xf32>
        %swap3A_456 = arith.constant 0 : i32
        %swap3A_457 = arith.constant 0 : i32
        %swap3A_458 = tpu.memref_slice %arg12[%scan3A_244, %swap3A_456, %swap3A_457] : memref<2x40x128xf32, #tpu.memory_space<vmem>> -> memref<1x40x128xf32, #tpu.memory_space<vmem>>
        %swap3A_459 = tpu.memref_squeeze %swap3A_458 : memref<1x40x128xf32, #tpu.memory_space<vmem>> -> memref<40x128xf32, #tpu.memory_space<vmem>>
        %swap3A_460 = arith.index_cast %add3A_397 : i32 to index
        %swap3A_461 = arith.constant 48 : index
        %swap3A_462 = tpu.vector_load %swap3A_459[%swap3A_460, %swap3A_461] {strides = array<i32>} : memref<40x128xf32, #tpu.memory_space<vmem>>, vector<16xf32>,
        tpu.vector_store %swap3A_459[%swap3A_460, %swap3A_461], %mul3A_455 {strides = array<i32>} : memref<40x128xf32, #tpu.memory_space<vmem>>, vector<16xf32>,
        %slice3A_463 = vector.extract_strided_slice %get3A_393 {offsets = [2], sizes = [1], strides = [1]} : vector<16xf32> to vector<1xf32>
        %squeeze3A_464 = vector.extract %slice3A_463[0] : f32 from vector<1xf32>
        %get3A_465 = arith.constant 0 : i32
        %get3A_466 = arith.constant 0 : i32
        %get3A_467 = tpu.memref_slice %arg12[%scan3A_244, %get3A_465, %get3A_466] : memref<2x40x128xf32, #tpu.memory_space<vmem>> -> memref<1x40x128xf32, #tpu.memory_space<vmem>>
        %get3A_468 = tpu.memref_squeeze %get3A_467 : memref<1x40x128xf32, #tpu.memory_space<vmem>> -> memref<40x128xf32, #tpu.memory_space<vmem>>
        %get3A_469 = arith.index_cast %add3A_397 : i32 to index
        %get3A_470 = arith.constant 64 : index
        %get3A_471 = tpu.vector_load %get3A_468[%get3A_469, %get3A_470] {strides = array<i32>} : memref<40x128xf32, #tpu.memory_space<vmem>>, vector<16xf32>,
        %mul3A_472 = vector.broadcast %squeeze3A_464 : f32 to vector<16xf32>
        %mul3A_473 = arith.mulf %get3A_471, %mul3A_472 : vector<16xf32>
        %swap3A_474 = arith.constant 0 : i32
        %swap3A_475 = arith.constant 0 : i32
        %swap3A_476 = tpu.memref_slice %arg12[%scan3A_244, %swap3A_474, %swap3A_475] : memref<2x40x128xf32, #tpu.memory_space<vmem>> -> memref<1x40x128xf32, #tpu.memory_space<vmem>>
        %swap3A_477 = tpu.memref_squeeze %swap3A_476 : memref<1x40x128xf32, #tpu.memory_space<vmem>> -> memref<40x128xf32, #tpu.memory_space<vmem>>
        %swap3A_478 = arith.index_cast %add3A_397 : i32 to index
        %swap3A_479 = arith.constant 64 : index
        %swap3A_480 = tpu.vector_load %swap3A_477[%swap3A_478, %swap3A_479] {strides = array<i32>} : memref<40x128xf32, #tpu.memory_space<vmem>>, vector<16xf32>,
        tpu.vector_store %swap3A_477[%swap3A_478, %swap3A_479], %mul3A_473 {strides = array<i32>} : memref<40x128xf32, #tpu.memory_space<vmem>>, vector<16xf32>,
        %get3A_481 = arith.constant 0 : i32
        %get3A_482 = arith.constant 0 : i32
        %get3A_483 = tpu.memref_slice %arg12[%scan3A_244, %get3A_481, %get3A_482] : memref<2x40x128xf32, #tpu.memory_space<vmem>> -> memref<1x40x128xf32, #tpu.memory_space<vmem>>
        %get3A_484 = tpu.memref_squeeze %get3A_483 : memref<1x40x128xf32, #tpu.memory_space<vmem>> -> memref<40x128xf32, #tpu.memory_space<vmem>>
        %get3A_485 = arith.index_cast %add3A_397 : i32 to index
        %get3A_486 = arith.constant 80 : index
        %get3A_487 = tpu.vector_load %get3A_484[%get3A_485, %get3A_486] {strides = array<i32>} : memref<40x128xf32, #tpu.memory_space<vmem>>, vector<16xf32>,
        %mul3A_488 = vector.broadcast %squeeze3A_464 : f32 to vector<16xf32>
        %mul3A_489 = arith.mulf %get3A_487, %mul3A_488 : vector<16xf32>
        %swap3A_490 = arith.constant 0 : i32
        %swap3A_491 = arith.constant 0 : i32
        %swap3A_492 = tpu.memref_slice %arg12[%scan3A_244, %swap3A_490, %swap3A_491] : memref<2x40x128xf32, #tpu.memory_space<vmem>> -> memref<1x40x128xf32, #tpu.memory_space<vmem>>
        %swap3A_493 = tpu.memref_squeeze %swap3A_492 : memref<1x40x128xf32, #tpu.memory_space<vmem>> -> memref<40x128xf32, #tpu.memory_space<vmem>>
        %swap3A_494 = arith.index_cast %add3A_397 : i32 to index
        %swap3A_495 = arith.constant 80 : index
        %swap3A_496 = tpu.vector_load %swap3A_493[%swap3A_494, %swap3A_495] {strides = array<i32>} : memref<40x128xf32, #tpu.memory_space<vmem>>, vector<16xf32>,
        tpu.vector_store %swap3A_493[%swap3A_494, %swap3A_495], %mul3A_489 {strides = array<i32>} : memref<40x128xf32, #tpu.memory_space<vmem>>, vector<16xf32>,
        %slice3A_497 = vector.extract_strided_slice %get3A_393 {offsets = [3], sizes = [1], strides = [1]} : vector<16xf32> to vector<1xf32>
        %squeeze3A_498 = vector.extract %slice3A_497[0] : f32 from vector<1xf32>
        %get3A_499 = arith.constant 0 : i32
        %get3A_500 = arith.constant 0 : i32
        %get3A_501 = tpu.memref_slice %arg12[%scan3A_244, %get3A_499, %get3A_500] : memref<2x40x128xf32, #tpu.memory_space<vmem>> -> memref<1x40x128xf32, #tpu.memory_space<vmem>>
        %get3A_502 = tpu.memref_squeeze %get3A_501 : memref<1x40x128xf32, #tpu.memory_space<vmem>> -> memref<40x128xf32, #tpu.memory_space<vmem>>
        %get3A_503 = arith.index_cast %add3A_397 : i32 to index
        %get3A_504 = arith.constant 96 : index
        %get3A_505 = tpu.vector_load %get3A_502[%get3A_503, %get3A_504] {strides = array<i32>} : memref<40x128xf32, #tpu.memory_space<vmem>>, vector<16xf32>,
        %mul3A_506 = vector.broadcast %squeeze3A_498 : f32 to vector<16xf32>
        %mul3A_507 = arith.mulf %get3A_505, %mul3A_506 : vector<16xf32>
        %swap3A_508 = arith.constant 0 : i32
        %swap3A_509 = arith.constant 0 : i32
        %swap3A_510 = tpu.memref_slice %arg12[%scan3A_244, %swap3A_508, %swap3A_509] : memref<2x40x128xf32, #tpu.memory_space<vmem>> -> memref<1x40x128xf32, #tpu.memory_space<vmem>>
        %swap3A_511 = tpu.memref_squeeze %swap3A_510 : memref<1x40x128xf32, #tpu.memory_space<vmem>> -> memref<40x128xf32, #tpu.memory_space<vmem>>
        %swap3A_512 = arith.index_cast %add3A_397 : i32 to index
        %swap3A_513 = arith.constant 96 : index
        %swap3A_514 = tpu.vector_load %swap3A_511[%swap3A_512, %swap3A_513] {strides = array<i32>} : memref<40x128xf32, #tpu.memory_space<vmem>>, vector<16xf32>,
        tpu.vector_store %swap3A_511[%swap3A_512, %swap3A_513], %mul3A_507 {strides = array<i32>} : memref<40x128xf32, #tpu.memory_space<vmem>>, vector<16xf32>,
        %get3A_515 = arith.constant 0 : i32
        %get3A_516 = arith.constant 0 : i32
        %get3A_517 = tpu.memref_slice %arg12[%scan3A_244, %get3A_515, %get3A_516] : memref<2x40x128xf32, #tpu.memory_space<vmem>> -> memref<1x40x128xf32, #tpu.memory_space<vmem>>
        %get3A_518 = tpu.memref_squeeze %get3A_517 : memref<1x40x128xf32, #tpu.memory_space<vmem>> -> memref<40x128xf32, #tpu.memory_space<vmem>>
        %get3A_519 = arith.index_cast %add3A_397 : i32 to index
        %get3A_520 = arith.constant 112 : index
        %get3A_521 = tpu.vector_load %get3A_518[%get3A_519, %get3A_520] {strides = array<i32>} : memref<40x128xf32, #tpu.memory_space<vmem>>, vector<16xf32>,
        %mul3A_522 = vector.broadcast %squeeze3A_498 : f32 to vector<16xf32>
        %mul3A_523 = arith.mulf %get3A_521, %mul3A_522 : vector<16xf32>
        %swap3A_524 = arith.constant 0 : i32
        %swap3A_525 = arith.constant 0 : i32
        %swap3A_526 = tpu.memref_slice %arg12[%scan3A_244, %swap3A_524, %swap3A_525] : memref<2x40x128xf32, #tpu.memory_space<vmem>> -> memref<1x40x128xf32, #tpu.memory_space<vmem>>
        %swap3A_527 = tpu.memref_squeeze %swap3A_526 : memref<1x40x128xf32, #tpu.memory_space<vmem>> -> memref<40x128xf32, #tpu.memory_space<vmem>>
        %swap3A_528 = arith.index_cast %add3A_397 : i32 to index
        %swap3A_529 = arith.constant 112 : index
        %swap3A_530 = tpu.vector_load %swap3A_527[%swap3A_528, %swap3A_529] {strides = array<i32>} : memref<40x128xf32, #tpu.memory_space<vmem>>, vector<16xf32>,
        tpu.vector_store %swap3A_527[%swap3A_528, %swap3A_529], %mul3A_523 {strides = array<i32>} : memref<40x128xf32, #tpu.memory_space<vmem>>, vector<16xf32>,
        %mul3A_531 = arith.constant 4 : i32
        %mul3A_532 = arith.muli %scan3A_389, %mul3A_531 : i32
        %add3A_533 = arith.constant 1 : i32
        %add3A_534 = arith.addi %mul3A_532, %add3A_533 : i32
        %slice3A_535 = vector.extract_strided_slice %get3A_393 {offsets = [4], sizes = [1], strides = [1]} : vector<16xf32> to vector<1xf32>
        %squeeze3A_536 = vector.extract %slice3A_535[0] : f32 from vector<1xf32>
        %get3A_537 = arith.constant 0 : i32
        %get3A_538 = arith.constant 0 : i32
        %get3A_539 = tpu.memref_slice %arg12[%scan3A_244, %get3A_537, %get3A_538] : memref<2x40x128xf32, #tpu.memory_space<vmem>> -> memref<1x40x128xf32, #tpu.memory_space<vmem>>
        %get3A_540 = tpu.memref_squeeze %get3A_539 : memref<1x40x128xf32, #tpu.memory_space<vmem>> -> memref<40x128xf32, #tpu.memory_space<vmem>>
        %get3A_541 = arith.index_cast %add3A_534 : i32 to index
        %get3A_542 = arith.constant 0 : index
        %get3A_543 = tpu.vector_load %get3A_540[%get3A_541, %get3A_542] {strides = array<i32>} : memref<40x128xf32, #tpu.memory_space<vmem>>, vector<16xf32>,
        %mul3A_544 = vector.broadcast %squeeze3A_536 : f32 to vector<16xf32>
        %mul3A_545 = arith.mulf %get3A_543, %mul3A_544 : vector<16xf32>
        %swap3A_546 = arith.constant 0 : i32
        %swap3A_547 = arith.constant 0 : i32
        %swap3A_548 = tpu.memref_slice %arg12[%scan3A_244, %swap3A_546, %swap3A_547] : memref<2x40x128xf32, #tpu.memory_space<vmem>> -> memref<1x40x128xf32, #tpu.memory_space<vmem>>
        %swap3A_549 = tpu.memref_squeeze %swap3A_548 : memref<1x40x128xf32, #tpu.memory_space<vmem>> -> memref<40x128xf32, #tpu.memory_space<vmem>>
        %swap3A_550 = arith.index_cast %add3A_534 : i32 to index
        %swap3A_551 = arith.constant 0 : index
        %swap3A_552 = tpu.vector_load %swap3A_549[%swap3A_550, %swap3A_551] {strides = array<i32>} : memref<40x128xf32, #tpu.memory_space<vmem>>, vector<16xf32>,
        tpu.vector_store %swap3A_549[%swap3A_550, %swap3A_551], %mul3A_545 {strides = array<i32>} : memref<40x128xf32, #tpu.memory_space<vmem>>, vector<16xf32>,
        %get3A_553 = arith.constant 0 : i32
        %get3A_554 = arith.constant 0 : i32
        %get3A_555 = tpu.memref_slice %arg12[%scan3A_244, %get3A_553, %get3A_554] : memref<2x40x128xf32, #tpu.memory_space<vmem>> -> memref<1x40x128xf32, #tpu.memory_space<vmem>>
        %get3A_556 = tpu.memref_squeeze %get3A_555 : memref<1x40x128xf32, #tpu.memory_space<vmem>> -> memref<40x128xf32, #tpu.memory_space<vmem>>
        %get3A_557 = arith.index_cast %add3A_534 : i32 to index
        %get3A_558 = arith.constant 16 : index
        %get3A_559 = tpu.vector_load %get3A_556[%get3A_557, %get3A_558] {strides = array<i32>} : memref<40x128xf32, #tpu.memory_space<vmem>>, vector<16xf32>,
        %mul3A_560 = vector.broadcast %squeeze3A_536 : f32 to vector<16xf32>
        %mul3A_561 = arith.mulf %get3A_559, %mul3A_560 : vector<16xf32>
        %swap3A_562 = arith.constant 0 : i32
        %swap3A_563 = arith.constant 0 : i32
        %swap3A_564 = tpu.memref_slice %arg12[%scan3A_244, %swap3A_562, %swap3A_563] : memref<2x40x128xf32, #tpu.memory_space<vmem>> -> memref<1x40x128xf32, #tpu.memory_space<vmem>>
        %swap3A_565 = tpu.memref_squeeze %swap3A_564 : memref<1x40x128xf32, #tpu.memory_space<vmem>> -> memref<40x128xf32, #tpu.memory_space<vmem>>
        %swap3A_566 = arith.index_cast %add3A_534 : i32 to index
        %swap3A_567 = arith.constant 16 : index
        %swap3A_568 = tpu.vector_load %swap3A_565[%swap3A_566, %swap3A_567] {strides = array<i32>} : memref<40x128xf32, #tpu.memory_space<vmem>>, vector<16xf32>,
        tpu.vector_store %swap3A_565[%swap3A_566, %swap3A_567], %mul3A_561 {strides = array<i32>} : memref<40x128xf32, #tpu.memory_space<vmem>>, vector<16xf32>,
        %slice3A_569 = vector.extract_strided_slice %get3A_393 {offsets = [5], sizes = [1], strides = [1]} : vector<16xf32> to vector<1xf32>
        %squeeze3A_570 = vector.extract %slice3A_569[0] : f32 from vector<1xf32>
        %get3A_571 = arith.constant 0 : i32
        %get3A_572 = arith.constant 0 : i32
        %get3A_573 = tpu.memref_slice %arg12[%scan3A_244, %get3A_571, %get3A_572] : memref<2x40x128xf32, #tpu.memory_space<vmem>> -> memref<1x40x128xf32, #tpu.memory_space<vmem>>
        %get3A_574 = tpu.memref_squeeze %get3A_573 : memref<1x40x128xf32, #tpu.memory_space<vmem>> -> memref<40x128xf32, #tpu.memory_space<vmem>>
        %get3A_575 = arith.index_cast %add3A_534 : i32 to index
        %get3A_576 = arith.constant 32 : index
        %get3A_577 = tpu.vector_load %get3A_574[%get3A_575, %get3A_576] {strides = array<i32>} : memref<40x128xf32, #tpu.memory_space<vmem>>, vector<16xf32>,
        %mul3A_578 = vector.broadcast %squeeze3A_570 : f32 to vector<16xf32>
        %mul3A_579 = arith.mulf %get3A_577, %mul3A_578 : vector<16xf32>
        %swap3A_580 = arith.constant 0 : i32
        %swap3A_581 = arith.constant 0 : i32
        %swap3A_582 = tpu.memref_slice %arg12[%scan3A_244, %swap3A_580, %swap3A_581] : memref<2x40x128xf32, #tpu.memory_space<vmem>> -> memref<1x40x128xf32, #tpu.memory_space<vmem>>
        %swap3A_583 = tpu.memref_squeeze %swap3A_582 : memref<1x40x128xf32, #tpu.memory_space<vmem>> -> memref<40x128xf32, #tpu.memory_space<vmem>>
        %swap3A_584 = arith.index_cast %add3A_534 : i32 to index
        %swap3A_585 = arith.constant 32 : index
        %swap3A_586 = tpu.vector_load %swap3A_583[%swap3A_584, %swap3A_585] {strides = array<i32>} : memref<40x128xf32, #tpu.memory_space<vmem>>, vector<16xf32>,
        tpu.vector_store %swap3A_583[%swap3A_584, %swap3A_585], %mul3A_579 {strides = array<i32>} : memref<40x128xf32, #tpu.memory_space<vmem>>, vector<16xf32>,
        %get3A_587 = arith.constant 0 : i32
        %get3A_588 = arith.constant 0 : i32
        %get3A_589 = tpu.memref_slice %arg12[%scan3A_244, %get3A_587, %get3A_588] : memref<2x40x128xf32, #tpu.memory_space<vmem>> -> memref<1x40x128xf32, #tpu.memory_space<vmem>>
        %get3A_590 = tpu.memref_squeeze %get3A_589 : memref<1x40x128xf32, #tpu.memory_space<vmem>> -> memref<40x128xf32, #tpu.memory_space<vmem>>
        %get3A_591 = arith.index_cast %add3A_534 : i32 to index
        %get3A_592 = arith.constant 48 : index
        %get3A_593 = tpu.vector_load %get3A_590[%get3A_591, %get3A_592] {strides = array<i32>} : memref<40x128xf32, #tpu.memory_space<vmem>>, vector<16xf32>,
        %mul3A_594 = vector.broadcast %squeeze3A_570 : f32 to vector<16xf32>
        %mul3A_595 = arith.mulf %get3A_593, %mul3A_594 : vector<16xf32>
        %swap3A_596 = arith.constant 0 : i32
        %swap3A_597 = arith.constant 0 : i32
        %swap3A_598 = tpu.memref_slice %arg12[%scan3A_244, %swap3A_596, %swap3A_597] : memref<2x40x128xf32, #tpu.memory_space<vmem>> -> memref<1x40x128xf32, #tpu.memory_space<vmem>>
        %swap3A_599 = tpu.memref_squeeze %swap3A_598 : memref<1x40x128xf32, #tpu.memory_space<vmem>> -> memref<40x128xf32, #tpu.memory_space<vmem>>
        %swap3A_600 = arith.index_cast %add3A_534 : i32 to index
        %swap3A_601 = arith.constant 48 : index
        %swap3A_602 = tpu.vector_load %swap3A_599[%swap3A_600, %swap3A_601] {strides = array<i32>} : memref<40x128xf32, #tpu.memory_space<vmem>>, vector<16xf32>,
        tpu.vector_store %swap3A_599[%swap3A_600, %swap3A_601], %mul3A_595 {strides = array<i32>} : memref<40x128xf32, #tpu.memory_space<vmem>>, vector<16xf32>,
        %slice3A_603 = vector.extract_strided_slice %get3A_393 {offsets = [6], sizes = [1], strides = [1]} : vector<16xf32> to vector<1xf32>
        %squeeze3A_604 = vector.extract %slice3A_603[0] : f32 from vector<1xf32>
        %get3A_605 = arith.constant 0 : i32
        %get3A_606 = arith.constant 0 : i32
        %get3A_607 = tpu.memref_slice %arg12[%scan3A_244, %get3A_605, %get3A_606] : memref<2x40x128xf32, #tpu.memory_space<vmem>> -> memref<1x40x128xf32, #tpu.memory_space<vmem>>
        %get3A_608 = tpu.memref_squeeze %get3A_607 : memref<1x40x128xf32, #tpu.memory_space<vmem>> -> memref<40x128xf32, #tpu.memory_space<vmem>>
        %get3A_609 = arith.index_cast %add3A_534 : i32 to index
        %get3A_610 = arith.constant 64 : index
        %get3A_611 = tpu.vector_load %get3A_608[%get3A_609, %get3A_610] {strides = array<i32>} : memref<40x128xf32, #tpu.memory_space<vmem>>, vector<16xf32>,
        %mul3A_612 = vector.broadcast %squeeze3A_604 : f32 to vector<16xf32>
        %mul3A_613 = arith.mulf %get3A_611, %mul3A_612 : vector<16xf32>
        %swap3A_614 = arith.constant 0 : i32
        %swap3A_615 = arith.constant 0 : i32
        %swap3A_616 = tpu.memref_slice %arg12[%scan3A_244, %swap3A_614, %swap3A_615] : memref<2x40x128xf32, #tpu.memory_space<vmem>> -> memref<1x40x128xf32, #tpu.memory_space<vmem>>
        %swap3A_617 = tpu.memref_squeeze %swap3A_616 : memref<1x40x128xf32, #tpu.memory_space<vmem>> -> memref<40x128xf32, #tpu.memory_space<vmem>>
        %swap3A_618 = arith.index_cast %add3A_534 : i32 to index
        %swap3A_619 = arith.constant 64 : index
        %swap3A_620 = tpu.vector_load %swap3A_617[%swap3A_618, %swap3A_619] {strides = array<i32>} : memref<40x128xf32, #tpu.memory_space<vmem>>, vector<16xf32>,
        tpu.vector_store %swap3A_617[%swap3A_618, %swap3A_619], %mul3A_613 {strides = array<i32>} : memref<40x128xf32, #tpu.memory_space<vmem>>, vector<16xf32>,
        %get3A_621 = arith.constant 0 : i32
        %get3A_622 = arith.constant 0 : i32
        %get3A_623 = tpu.memref_slice %arg12[%scan3A_244, %get3A_621, %get3A_622] : memref<2x40x128xf32, #tpu.memory_space<vmem>> -> memref<1x40x128xf32, #tpu.memory_space<vmem>>
        %get3A_624 = tpu.memref_squeeze %get3A_623 : memref<1x40x128xf32, #tpu.memory_space<vmem>> -> memref<40x128xf32, #tpu.memory_space<vmem>>
        %get3A_625 = arith.index_cast %add3A_534 : i32 to index
        %get3A_626 = arith.constant 80 : index
        %get3A_627 = tpu.vector_load %get3A_624[%get3A_625, %get3A_626] {strides = array<i32>} : memref<40x128xf32, #tpu.memory_space<vmem>>, vector<16xf32>,
        %mul3A_628 = vector.broadcast %squeeze3A_604 : f32 to vector<16xf32>
        %mul3A_629 = arith.mulf %get3A_627, %mul3A_628 : vector<16xf32>
        %swap3A_630 = arith.constant 0 : i32
        %swap3A_631 = arith.constant 0 : i32
        %swap3A_632 = tpu.memref_slice %arg12[%scan3A_244, %swap3A_630, %swap3A_631] : memref<2x40x128xf32, #tpu.memory_space<vmem>> -> memref<1x40x128xf32, #tpu.memory_space<vmem>>
        %swap3A_633 = tpu.memref_squeeze %swap3A_632 : memref<1x40x128xf32, #tpu.memory_space<vmem>> -> memref<40x128xf32, #tpu.memory_space<vmem>>
        %swap3A_634 = arith.index_cast %add3A_534 : i32 to index
        %swap3A_635 = arith.constant 80 : index
        %swap3A_636 = tpu.vector_load %swap3A_633[%swap3A_634, %swap3A_635] {strides = array<i32>} : memref<40x128xf32, #tpu.memory_space<vmem>>, vector<16xf32>,
        tpu.vector_store %swap3A_633[%swap3A_634, %swap3A_635], %mul3A_629 {strides = array<i32>} : memref<40x128xf32, #tpu.memory_space<vmem>>, vector<16xf32>,
        %slice3A_637 = vector.extract_strided_slice %get3A_393 {offsets = [7], sizes = [1], strides = [1]} : vector<16xf32> to vector<1xf32>
        %squeeze3A_638 = vector.extract %slice3A_637[0] : f32 from vector<1xf32>
        %get3A_639 = arith.constant 0 : i32
        %get3A_640 = arith.constant 0 : i32
        %get3A_641 = tpu.memref_slice %arg12[%scan3A_244, %get3A_639, %get3A_640] : memref<2x40x128xf32, #tpu.memory_space<vmem>> -> memref<1x40x128xf32, #tpu.memory_space<vmem>>
        %get3A_642 = tpu.memref_squeeze %get3A_641 : memref<1x40x128xf32, #tpu.memory_space<vmem>> -> memref<40x128xf32, #tpu.memory_space<vmem>>
        %get3A_643 = arith.index_cast %add3A_534 : i32 to index
        %get3A_644 = arith.constant 96 : index
        %get3A_645 = tpu.vector_load %get3A_642[%get3A_643, %get3A_644] {strides = array<i32>} : memref<40x128xf32, #tpu.memory_space<vmem>>, vector<16xf32>,
        %mul3A_646 = vector.broadcast %squeeze3A_638 : f32 to vector<16xf32>
        %mul3A_647 = arith.mulf %get3A_645, %mul3A_646 : vector<16xf32>
        %swap3A_648 = arith.constant 0 : i32
        %swap3A_649 = arith.constant 0 : i32
        %swap3A_650 = tpu.memref_slice %arg12[%scan3A_244, %swap3A_648, %swap3A_649] : memref<2x40x128xf32, #tpu.memory_space<vmem>> -> memref<1x40x128xf32, #tpu.memory_space<vmem>>
        %swap3A_651 = tpu.memref_squeeze %swap3A_650 : memref<1x40x128xf32, #tpu.memory_space<vmem>> -> memref<40x128xf32, #tpu.memory_space<vmem>>
        %swap3A_652 = arith.index_cast %add3A_534 : i32 to index
        %swap3A_653 = arith.constant 96 : index
        %swap3A_654 = tpu.vector_load %swap3A_651[%swap3A_652, %swap3A_653] {strides = array<i32>} : memref<40x128xf32, #tpu.memory_space<vmem>>, vector<16xf32>,
        tpu.vector_store %swap3A_651[%swap3A_652, %swap3A_653], %mul3A_647 {strides = array<i32>} : memref<40x128xf32, #tpu.memory_space<vmem>>, vector<16xf32>,
        %get3A_655 = arith.constant 0 : i32
        %get3A_656 = arith.constant 0 : i32
        %get3A_657 = tpu.memref_slice %arg12[%scan3A_244, %get3A_655, %get3A_656] : memref<2x40x128xf32, #tpu.memory_space<vmem>> -> memref<1x40x128xf32, #tpu.memory_space<vmem>>
        %get3A_658 = tpu.memref_squeeze %get3A_657 : memref<1x40x128xf32, #tpu.memory_space<vmem>> -> memref<40x128xf32, #tpu.memory_space<vmem>>
        %get3A_659 = arith.index_cast %add3A_534 : i32 to index
        %get3A_660 = arith.constant 112 : index
        %get3A_661 = tpu.vector_load %get3A_658[%get3A_659, %get3A_660] {strides = array<i32>} : memref<40x128xf32, #tpu.memory_space<vmem>>, vector<16xf32>,
        %mul3A_662 = vector.broadcast %squeeze3A_638 : f32 to vector<16xf32>
        %mul3A_663 = arith.mulf %get3A_661, %mul3A_662 : vector<16xf32>
        %swap3A_664 = arith.constant 0 : i32
        %swap3A_665 = arith.constant 0 : i32
        %swap3A_666 = tpu.memref_slice %arg12[%scan3A_244, %swap3A_664, %swap3A_665] : memref<2x40x128xf32, #tpu.memory_space<vmem>> -> memref<1x40x128xf32, #tpu.memory_space<vmem>>
        %swap3A_667 = tpu.memref_squeeze %swap3A_666 : memref<1x40x128xf32, #tpu.memory_space<vmem>> -> memref<40x128xf32, #tpu.memory_space<vmem>>
        %swap3A_668 = arith.index_cast %add3A_534 : i32 to index
        %swap3A_669 = arith.constant 112 : index
        %swap3A_670 = tpu.vector_load %swap3A_667[%swap3A_668, %swap3A_669] {strides = array<i32>} : memref<40x128xf32, #tpu.memory_space<vmem>>, vector<16xf32>,
        tpu.vector_store %swap3A_667[%swap3A_668, %swap3A_669], %mul3A_663 {strides = array<i32>} : memref<40x128xf32, #tpu.memory_space<vmem>>, vector<16xf32>,
        %mul3A_671 = arith.constant 4 : i32
        %mul3A_672 = arith.muli %scan3A_389, %mul3A_671 : i32
        %add3A_673 = arith.constant 2 : i32
        %add3A_674 = arith.addi %mul3A_672, %add3A_673 : i32
        %slice3A_675 = vector.extract_strided_slice %get3A_393 {offsets = [8], sizes = [1], strides = [1]} : vector<16xf32> to vector<1xf32>
        %squeeze3A_676 = vector.extract %slice3A_675[0] : f32 from vector<1xf32>
        %get3A_677 = arith.constant 0 : i32
        %get3A_678 = arith.constant 0 : i32
        %get3A_679 = tpu.memref_slice %arg12[%scan3A_244, %get3A_677, %get3A_678] : memref<2x40x128xf32, #tpu.memory_space<vmem>> -> memref<1x40x128xf32, #tpu.memory_space<vmem>>
        %get3A_680 = tpu.memref_squeeze %get3A_679 : memref<1x40x128xf32, #tpu.memory_space<vmem>> -> memref<40x128xf32, #tpu.memory_space<vmem>>
        %get3A_681 = arith.index_cast %add3A_674 : i32 to index
        %get3A_682 = arith.constant 0 : index
        %get3A_683 = tpu.vector_load %get3A_680[%get3A_681, %get3A_682] {strides = array<i32>} : memref<40x128xf32, #tpu.memory_space<vmem>>, vector<16xf32>,
        %mul3A_684 = vector.broadcast %squeeze3A_676 : f32 to vector<16xf32>
        %mul3A_685 = arith.mulf %get3A_683, %mul3A_684 : vector<16xf32>
        %swap3A_686 = arith.constant 0 : i32
        %swap3A_687 = arith.constant 0 : i32
        %swap3A_688 = tpu.memref_slice %arg12[%scan3A_244, %swap3A_686, %swap3A_687] : memref<2x40x128xf32, #tpu.memory_space<vmem>> -> memref<1x40x128xf32, #tpu.memory_space<vmem>>
        %swap3A_689 = tpu.memref_squeeze %swap3A_688 : memref<1x40x128xf32, #tpu.memory_space<vmem>> -> memref<40x128xf32, #tpu.memory_space<vmem>>
        %swap3A_690 = arith.index_cast %add3A_674 : i32 to index
        %swap3A_691 = arith.constant 0 : index
        %swap3A_692 = tpu.vector_load %swap3A_689[%swap3A_690, %swap3A_691] {strides = array<i32>} : memref<40x128xf32, #tpu.memory_space<vmem>>, vector<16xf32>,
        tpu.vector_store %swap3A_689[%swap3A_690, %swap3A_691], %mul3A_685 {strides = array<i32>} : memref<40x128xf32, #tpu.memory_space<vmem>>, vector<16xf32>,
        %get3A_693 = arith.constant 0 : i32
        %get3A_694 = arith.constant 0 : i32
        %get3A_695 = tpu.memref_slice %arg12[%scan3A_244, %get3A_693, %get3A_694] : memref<2x40x128xf32, #tpu.memory_space<vmem>> -> memref<1x40x128xf32, #tpu.memory_space<vmem>>
        %get3A_696 = tpu.memref_squeeze %get3A_695 : memref<1x40x128xf32, #tpu.memory_space<vmem>> -> memref<40x128xf32, #tpu.memory_space<vmem>>
        %get3A_697 = arith.index_cast %add3A_674 : i32 to index
        %get3A_698 = arith.constant 16 : index
        %get3A_699 = tpu.vector_load %get3A_696[%get3A_697, %get3A_698] {strides = array<i32>} : memref<40x128xf32, #tpu.memory_space<vmem>>, vector<16xf32>,
        %mul3A_700 = vector.broadcast %squeeze3A_676 : f32 to vector<16xf32>
        %mul3A_701 = arith.mulf %get3A_699, %mul3A_700 : vector<16xf32>
        %swap3A_702 = arith.constant 0 : i32
        %swap3A_703 = arith.constant 0 : i32
        %swap3A_704 = tpu.memref_slice %arg12[%scan3A_244, %swap3A_702, %swap3A_703] : memref<2x40x128xf32, #tpu.memory_space<vmem>> -> memref<1x40x128xf32, #tpu.memory_space<vmem>>
        %swap3A_705 = tpu.memref_squeeze %swap3A_704 : memref<1x40x128xf32, #tpu.memory_space<vmem>> -> memref<40x128xf32, #tpu.memory_space<vmem>>
        %swap3A_706 = arith.index_cast %add3A_674 : i32 to index
        %swap3A_707 = arith.constant 16 : index
        %swap3A_708 = tpu.vector_load %swap3A_705[%swap3A_706, %swap3A_707] {strides = array<i32>} : memref<40x128xf32, #tpu.memory_space<vmem>>, vector<16xf32>,
        tpu.vector_store %swap3A_705[%swap3A_706, %swap3A_707], %mul3A_701 {strides = array<i32>} : memref<40x128xf32, #tpu.memory_space<vmem>>, vector<16xf32>,
        %slice3A_709 = vector.extract_strided_slice %get3A_393 {offsets = [9], sizes = [1], strides = [1]} : vector<16xf32> to vector<1xf32>
        %squeeze3A_710 = vector.extract %slice3A_709[0] : f32 from vector<1xf32>
        %get3A_711 = arith.constant 0 : i32
        %get3A_712 = arith.constant 0 : i32
        %get3A_713 = tpu.memref_slice %arg12[%scan3A_244, %get3A_711, %get3A_712] : memref<2x40x128xf32, #tpu.memory_space<vmem>> -> memref<1x40x128xf32, #tpu.memory_space<vmem>>
        %get3A_714 = tpu.memref_squeeze %get3A_713 : memref<1x40x128xf32, #tpu.memory_space<vmem>> -> memref<40x128xf32, #tpu.memory_space<vmem>>
        %get3A_715 = arith.index_cast %add3A_674 : i32 to index
        %get3A_716 = arith.constant 32 : index
        %get3A_717 = tpu.vector_load %get3A_714[%get3A_715, %get3A_716] {strides = array<i32>} : memref<40x128xf32, #tpu.memory_space<vmem>>, vector<16xf32>,
        %mul3A_718 = vector.broadcast %squeeze3A_710 : f32 to vector<16xf32>
        %mul3A_719 = arith.mulf %get3A_717, %mul3A_718 : vector<16xf32>
        %swap3A_720 = arith.constant 0 : i32
        %swap3A_721 = arith.constant 0 : i32
        %swap3A_722 = tpu.memref_slice %arg12[%scan3A_244, %swap3A_720, %swap3A_721] : memref<2x40x128xf32, #tpu.memory_space<vmem>> -> memref<1x40x128xf32, #tpu.memory_space<vmem>>
        %swap3A_723 = tpu.memref_squeeze %swap3A_722 : memref<1x40x128xf32, #tpu.memory_space<vmem>> -> memref<40x128xf32, #tpu.memory_space<vmem>>
        %swap3A_724 = arith.index_cast %add3A_674 : i32 to index
        %swap3A_725 = arith.constant 32 : index
        %swap3A_726 = tpu.vector_load %swap3A_723[%swap3A_724, %swap3A_725] {strides = array<i32>} : memref<40x128xf32, #tpu.memory_space<vmem>>, vector<16xf32>,
        tpu.vector_store %swap3A_723[%swap3A_724, %swap3A_725], %mul3A_719 {strides = array<i32>} : memref<40x128xf32, #tpu.memory_space<vmem>>, vector<16xf32>,
        %get3A_727 = arith.constant 0 : i32
        %get3A_728 = arith.constant 0 : i32
        %get3A_729 = tpu.memref_slice %arg12[%scan3A_244, %get3A_727, %get3A_728] : memref<2x40x128xf32, #tpu.memory_space<vmem>> -> memref<1x40x128xf32, #tpu.memory_space<vmem>>
        %get3A_730 = tpu.memref_squeeze %get3A_729 : memref<1x40x128xf32, #tpu.memory_space<vmem>> -> memref<40x128xf32, #tpu.memory_space<vmem>>
        %get3A_731 = arith.index_cast %add3A_674 : i32 to index
        %get3A_732 = arith.constant 48 : index
        %get3A_733 = tpu.vector_load %get3A_730[%get3A_731, %get3A_732] {strides = array<i32>} : memref<40x128xf32, #tpu.memory_space<vmem>>, vector<16xf32>,
        %mul3A_734 = vector.broadcast %squeeze3A_710 : f32 to vector<16xf32>
        %mul3A_735 = arith.mulf %get3A_733, %mul3A_734 : vector<16xf32>
        %swap3A_736 = arith.constant 0 : i32
        %swap3A_737 = arith.constant 0 : i32
        %swap3A_738 = tpu.memref_slice %arg12[%scan3A_244, %swap3A_736, %swap3A_737] : memref<2x40x128xf32, #tpu.memory_space<vmem>> -> memref<1x40x128xf32, #tpu.memory_space<vmem>>
        %swap3A_739 = tpu.memref_squeeze %swap3A_738 : memref<1x40x128xf32, #tpu.memory_space<vmem>> -> memref<40x128xf32, #tpu.memory_space<vmem>>
        %swap3A_740 = arith.index_cast %add3A_674 : i32 to index
        %swap3A_741 = arith.constant 48 : index
        %swap3A_742 = tpu.vector_load %swap3A_739[%swap3A_740, %swap3A_741] {strides = array<i32>} : memref<40x128xf32, #tpu.memory_space<vmem>>, vector<16xf32>,
        tpu.vector_store %swap3A_739[%swap3A_740, %swap3A_741], %mul3A_735 {strides = array<i32>} : memref<40x128xf32, #tpu.memory_space<vmem>>, vector<16xf32>,
        %slice3A_743 = vector.extract_strided_slice %get3A_393 {offsets = [10], sizes = [1], strides = [1]} : vector<16xf32> to vector<1xf32>
        %squeeze3A_744 = vector.extract %slice3A_743[0] : f32 from vector<1xf32>
        %get3A_745 = arith.constant 0 : i32
        %get3A_746 = arith.constant 0 : i32
        %get3A_747 = tpu.memref_slice %arg12[%scan3A_244, %get3A_745, %get3A_746] : memref<2x40x128xf32, #tpu.memory_space<vmem>> -> memref<1x40x128xf32, #tpu.memory_space<vmem>>
        %get3A_748 = tpu.memref_squeeze %get3A_747 : memref<1x40x128xf32, #tpu.memory_space<vmem>> -> memref<40x128xf32, #tpu.memory_space<vmem>>
        %get3A_749 = arith.index_cast %add3A_674 : i32 to index
        %get3A_750 = arith.constant 64 : index
        %get3A_751 = tpu.vector_load %get3A_748[%get3A_749, %get3A_750] {strides = array<i32>} : memref<40x128xf32, #tpu.memory_space<vmem>>, vector<16xf32>,
        %mul3A_752 = vector.broadcast %squeeze3A_744 : f32 to vector<16xf32>
        %mul3A_753 = arith.mulf %get3A_751, %mul3A_752 : vector<16xf32>
        %swap3A_754 = arith.constant 0 : i32
        %swap3A_755 = arith.constant 0 : i32
        %swap3A_756 = tpu.memref_slice %arg12[%scan3A_244, %swap3A_754, %swap3A_755] : memref<2x40x128xf32, #tpu.memory_space<vmem>> -> memref<1x40x128xf32, #tpu.memory_space<vmem>>
        %swap3A_757 = tpu.memref_squeeze %swap3A_756 : memref<1x40x128xf32, #tpu.memory_space<vmem>> -> memref<40x128xf32, #tpu.memory_space<vmem>>
        %swap3A_758 = arith.index_cast %add3A_674 : i32 to index
        %swap3A_759 = arith.constant 64 : index
        %swap3A_760 = tpu.vector_load %swap3A_757[%swap3A_758, %swap3A_759] {strides = array<i32>} : memref<40x128xf32, #tpu.memory_space<vmem>>, vector<16xf32>,
        tpu.vector_store %swap3A_757[%swap3A_758, %swap3A_759], %mul3A_753 {strides = array<i32>} : memref<40x128xf32, #tpu.memory_space<vmem>>, vector<16xf32>,
        %get3A_761 = arith.constant 0 : i32
        %get3A_762 = arith.constant 0 : i32
        %get3A_763 = tpu.memref_slice %arg12[%scan3A_244, %get3A_761, %get3A_762] : memref<2x40x128xf32, #tpu.memory_space<vmem>> -> memref<1x40x128xf32, #tpu.memory_space<vmem>>
        %get3A_764 = tpu.memref_squeeze %get3A_763 : memref<1x40x128xf32, #tpu.memory_space<vmem>> -> memref<40x128xf32, #tpu.memory_space<vmem>>
        %get3A_765 = arith.index_cast %add3A_674 : i32 to index
        %get3A_766 = arith.constant 80 : index
        %get3A_767 = tpu.vector_load %get3A_764[%get3A_765, %get3A_766] {strides = array<i32>} : memref<40x128xf32, #tpu.memory_space<vmem>>, vector<16xf32>,
        %mul3A_768 = vector.broadcast %squeeze3A_744 : f32 to vector<16xf32>
        %mul3A_769 = arith.mulf %get3A_767, %mul3A_768 : vector<16xf32>
        %swap3A_770 = arith.constant 0 : i32
        %swap3A_771 = arith.constant 0 : i32
        %swap3A_772 = tpu.memref_slice %arg12[%scan3A_244, %swap3A_770, %swap3A_771] : memref<2x40x128xf32, #tpu.memory_space<vmem>> -> memref<1x40x128xf32, #tpu.memory_space<vmem>>
        %swap3A_773 = tpu.memref_squeeze %swap3A_772 : memref<1x40x128xf32, #tpu.memory_space<vmem>> -> memref<40x128xf32, #tpu.memory_space<vmem>>
        %swap3A_774 = arith.index_cast %add3A_674 : i32 to index
        %swap3A_775 = arith.constant 80 : index
        %swap3A_776 = tpu.vector_load %swap3A_773[%swap3A_774, %swap3A_775] {strides = array<i32>} : memref<40x128xf32, #tpu.memory_space<vmem>>, vector<16xf32>,
        tpu.vector_store %swap3A_773[%swap3A_774, %swap3A_775], %mul3A_769 {strides = array<i32>} : memref<40x128xf32, #tpu.memory_space<vmem>>, vector<16xf32>,
        %slice3A_777 = vector.extract_strided_slice %get3A_393 {offsets = [11], sizes = [1], strides = [1]} : vector<16xf32> to vector<1xf32>
        %squeeze3A_778 = vector.extract %slice3A_777[0] : f32 from vector<1xf32>
        %get3A_779 = arith.constant 0 : i32
        %get3A_780 = arith.constant 0 : i32
        %get3A_781 = tpu.memref_slice %arg12[%scan3A_244, %get3A_779, %get3A_780] : memref<2x40x128xf32, #tpu.memory_space<vmem>> -> memref<1x40x128xf32, #tpu.memory_space<vmem>>
        %get3A_782 = tpu.memref_squeeze %get3A_781 : memref<1x40x128xf32, #tpu.memory_space<vmem>> -> memref<40x128xf32, #tpu.memory_space<vmem>>
        %get3A_783 = arith.index_cast %add3A_674 : i32 to index
        %get3A_784 = arith.constant 96 : index
        %get3A_785 = tpu.vector_load %get3A_782[%get3A_783, %get3A_784] {strides = array<i32>} : memref<40x128xf32, #tpu.memory_space<vmem>>, vector<16xf32>,
        %mul3A_786 = vector.broadcast %squeeze3A_778 : f32 to vector<16xf32>
        %mul3A_787 = arith.mulf %get3A_785, %mul3A_786 : vector<16xf32>
        %swap3A_788 = arith.constant 0 : i32
        %swap3A_789 = arith.constant 0 : i32
        %swap3A_790 = tpu.memref_slice %arg12[%scan3A_244, %swap3A_788, %swap3A_789] : memref<2x40x128xf32, #tpu.memory_space<vmem>> -> memref<1x40x128xf32, #tpu.memory_space<vmem>>
        %swap3A_791 = tpu.memref_squeeze %swap3A_790 : memref<1x40x128xf32, #tpu.memory_space<vmem>> -> memref<40x128xf32, #tpu.memory_space<vmem>>
        %swap3A_792 = arith.index_cast %add3A_674 : i32 to index
        %swap3A_793 = arith.constant 96 : index
        %swap3A_794 = tpu.vector_load %swap3A_791[%swap3A_792, %swap3A_793] {strides = array<i32>} : memref<40x128xf32, #tpu.memory_space<vmem>>, vector<16xf32>,
        tpu.vector_store %swap3A_791[%swap3A_792, %swap3A_793], %mul3A_787 {strides = array<i32>} : memref<40x128xf32, #tpu.memory_space<vmem>>, vector<16xf32>,
        %get3A_795 = arith.constant 0 : i32
        %get3A_796 = arith.constant 0 : i32
        %get3A_797 = tpu.memref_slice %arg12[%scan3A_244, %get3A_795, %get3A_796] : memref<2x40x128xf32, #tpu.memory_space<vmem>> -> memref<1x40x128xf32, #tpu.memory_space<vmem>>
        %get3A_798 = tpu.memref_squeeze %get3A_797 : memref<1x40x128xf32, #tpu.memory_space<vmem>> -> memref<40x128xf32, #tpu.memory_space<vmem>>
        %get3A_799 = arith.index_cast %add3A_674 : i32 to index
        %get3A_800 = arith.constant 112 : index
        %get3A_801 = tpu.vector_load %get3A_798[%get3A_799, %get3A_800] {strides = array<i32>} : memref<40x128xf32, #tpu.memory_space<vmem>>, vector<16xf32>,
        %mul3A_802 = vector.broadcast %squeeze3A_778 : f32 to vector<16xf32>
        %mul3A_803 = arith.mulf %get3A_801, %mul3A_802 : vector<16xf32>
        %swap3A_804 = arith.constant 0 : i32
        %swap3A_805 = arith.constant 0 : i32
        %swap3A_806 = tpu.memref_slice %arg12[%scan3A_244, %swap3A_804, %swap3A_805] : memref<2x40x128xf32, #tpu.memory_space<vmem>> -> memref<1x40x128xf32, #tpu.memory_space<vmem>>
        %swap3A_807 = tpu.memref_squeeze %swap3A_806 : memref<1x40x128xf32, #tpu.memory_space<vmem>> -> memref<40x128xf32, #tpu.memory_space<vmem>>
        %swap3A_808 = arith.index_cast %add3A_674 : i32 to index
        %swap3A_809 = arith.constant 112 : index
        %swap3A_810 = tpu.vector_load %swap3A_807[%swap3A_808, %swap3A_809] {strides = array<i32>} : memref<40x128xf32, #tpu.memory_space<vmem>>, vector<16xf32>,
        tpu.vector_store %swap3A_807[%swap3A_808, %swap3A_809], %mul3A_803 {strides = array<i32>} : memref<40x128xf32, #tpu.memory_space<vmem>>, vector<16xf32>,
        %mul3A_811 = arith.constant 4 : i32
        %mul3A_812 = arith.muli %scan3A_389, %mul3A_811 : i32
        %add3A_813 = arith.constant 3 : i32
        %add3A_814 = arith.addi %mul3A_812, %add3A_813 : i32
        %slice3A_815 = vector.extract_strided_slice %get3A_393 {offsets = [12], sizes = [1], strides = [1]} : vector<16xf32> to vector<1xf32>
        %squeeze3A_816 = vector.extract %slice3A_815[0] : f32 from vector<1xf32>
        %get3A_817 = arith.constant 0 : i32
        %get3A_818 = arith.constant 0 : i32
        %get3A_819 = tpu.memref_slice %arg12[%scan3A_244, %get3A_817, %get3A_818] : memref<2x40x128xf32, #tpu.memory_space<vmem>> -> memref<1x40x128xf32, #tpu.memory_space<vmem>>
        %get3A_820 = tpu.memref_squeeze %get3A_819 : memref<1x40x128xf32, #tpu.memory_space<vmem>> -> memref<40x128xf32, #tpu.memory_space<vmem>>
        %get3A_821 = arith.index_cast %add3A_814 : i32 to index
        %get3A_822 = arith.constant 0 : index
        %get3A_823 = tpu.vector_load %get3A_820[%get3A_821, %get3A_822] {strides = array<i32>} : memref<40x128xf32, #tpu.memory_space<vmem>>, vector<16xf32>,
        %mul3A_824 = vector.broadcast %squeeze3A_816 : f32 to vector<16xf32>
        %mul3A_825 = arith.mulf %get3A_823, %mul3A_824 : vector<16xf32>
        %swap3A_826 = arith.constant 0 : i32
        %swap3A_827 = arith.constant 0 : i32
        %swap3A_828 = tpu.memref_slice %arg12[%scan3A_244, %swap3A_826, %swap3A_827] : memref<2x40x128xf32, #tpu.memory_space<vmem>> -> memref<1x40x128xf32, #tpu.memory_space<vmem>>
        %swap3A_829 = tpu.memref_squeeze %swap3A_828 : memref<1x40x128xf32, #tpu.memory_space<vmem>> -> memref<40x128xf32, #tpu.memory_space<vmem>>
        %swap3A_830 = arith.index_cast %add3A_814 : i32 to index
        %swap3A_831 = arith.constant 0 : index
        %swap3A_832 = tpu.vector_load %swap3A_829[%swap3A_830, %swap3A_831] {strides = array<i32>} : memref<40x128xf32, #tpu.memory_space<vmem>>, vector<16xf32>,
        tpu.vector_store %swap3A_829[%swap3A_830, %swap3A_831], %mul3A_825 {strides = array<i32>} : memref<40x128xf32, #tpu.memory_space<vmem>>, vector<16xf32>,
        %get3A_833 = arith.constant 0 : i32
        %get3A_834 = arith.constant 0 : i32
        %get3A_835 = tpu.memref_slice %arg12[%scan3A_244, %get3A_833, %get3A_834] : memref<2x40x128xf32, #tpu.memory_space<vmem>> -> memref<1x40x128xf32, #tpu.memory_space<vmem>>
        %get3A_836 = tpu.memref_squeeze %get3A_835 : memref<1x40x128xf32, #tpu.memory_space<vmem>> -> memref<40x128xf32, #tpu.memory_space<vmem>>
        %get3A_837 = arith.index_cast %add3A_814 : i32 to index
        %get3A_838 = arith.constant 16 : index
        %get3A_839 = tpu.vector_load %get3A_836[%get3A_837, %get3A_838] {strides = array<i32>} : memref<40x128xf32, #tpu.memory_space<vmem>>, vector<16xf32>,
        %mul3A_840 = vector.broadcast %squeeze3A_816 : f32 to vector<16xf32>
        %mul3A_841 = arith.mulf %get3A_839, %mul3A_840 : vector<16xf32>
        %swap3A_842 = arith.constant 0 : i32
        %swap3A_843 = arith.constant 0 : i32
        %swap3A_844 = tpu.memref_slice %arg12[%scan3A_244, %swap3A_842, %swap3A_843] : memref<2x40x128xf32, #tpu.memory_space<vmem>> -> memref<1x40x128xf32, #tpu.memory_space<vmem>>
        %swap3A_845 = tpu.memref_squeeze %swap3A_844 : memref<1x40x128xf32, #tpu.memory_space<vmem>> -> memref<40x128xf32, #tpu.memory_space<vmem>>
        %swap3A_846 = arith.index_cast %add3A_814 : i32 to index
        %swap3A_847 = arith.constant 16 : index
        %swap3A_848 = tpu.vector_load %swap3A_845[%swap3A_846, %swap3A_847] {strides = array<i32>} : memref<40x128xf32, #tpu.memory_space<vmem>>, vector<16xf32>,
        tpu.vector_store %swap3A_845[%swap3A_846, %swap3A_847], %mul3A_841 {strides = array<i32>} : memref<40x128xf32, #tpu.memory_space<vmem>>, vector<16xf32>,
        %slice3A_849 = vector.extract_strided_slice %get3A_393 {offsets = [13], sizes = [1], strides = [1]} : vector<16xf32> to vector<1xf32>
        %squeeze3A_850 = vector.extract %slice3A_849[0] : f32 from vector<1xf32>
        %get3A_851 = arith.constant 0 : i32
        %get3A_852 = arith.constant 0 : i32
        %get3A_853 = tpu.memref_slice %arg12[%scan3A_244, %get3A_851, %get3A_852] : memref<2x40x128xf32, #tpu.memory_space<vmem>> -> memref<1x40x128xf32, #tpu.memory_space<vmem>>
        %get3A_854 = tpu.memref_squeeze %get3A_853 : memref<1x40x128xf32, #tpu.memory_space<vmem>> -> memref<40x128xf32, #tpu.memory_space<vmem>>
        %get3A_855 = arith.index_cast %add3A_814 : i32 to index
        %get3A_856 = arith.constant 32 : index
        %get3A_857 = tpu.vector_load %get3A_854[%get3A_855, %get3A_856] {strides = array<i32>} : memref<40x128xf32, #tpu.memory_space<vmem>>, vector<16xf32>,
        %mul3A_858 = vector.broadcast %squeeze3A_850 : f32 to vector<16xf32>
        %mul3A_859 = arith.mulf %get3A_857, %mul3A_858 : vector<16xf32>
        %swap3A_860 = arith.constant 0 : i32
        %swap3A_861 = arith.constant 0 : i32
        %swap3A_862 = tpu.memref_slice %arg12[%scan3A_244, %swap3A_860, %swap3A_861] : memref<2x40x128xf32, #tpu.memory_space<vmem>> -> memref<1x40x128xf32, #tpu.memory_space<vmem>>
        %swap3A_863 = tpu.memref_squeeze %swap3A_862 : memref<1x40x128xf32, #tpu.memory_space<vmem>> -> memref<40x128xf32, #tpu.memory_space<vmem>>
        %swap3A_864 = arith.index_cast %add3A_814 : i32 to index
        %swap3A_865 = arith.constant 32 : index
        %swap3A_866 = tpu.vector_load %swap3A_863[%swap3A_864, %swap3A_865] {strides = array<i32>} : memref<40x128xf32, #tpu.memory_space<vmem>>, vector<16xf32>,
        tpu.vector_store %swap3A_863[%swap3A_864, %swap3A_865], %mul3A_859 {strides = array<i32>} : memref<40x128xf32, #tpu.memory_space<vmem>>, vector<16xf32>,
        %get3A_867 = arith.constant 0 : i32
        %get3A_868 = arith.constant 0 : i32
        %get3A_869 = tpu.memref_slice %arg12[%scan3A_244, %get3A_867, %get3A_868] : memref<2x40x128xf32, #tpu.memory_space<vmem>> -> memref<1x40x128xf32, #tpu.memory_space<vmem>>
        %get3A_870 = tpu.memref_squeeze %get3A_869 : memref<1x40x128xf32, #tpu.memory_space<vmem>> -> memref<40x128xf32, #tpu.memory_space<vmem>>
        %get3A_871 = arith.index_cast %add3A_814 : i32 to index
        %get3A_872 = arith.constant 48 : index
        %get3A_873 = tpu.vector_load %get3A_870[%get3A_871, %get3A_872] {strides = array<i32>} : memref<40x128xf32, #tpu.memory_space<vmem>>, vector<16xf32>,
        %mul3A_874 = vector.broadcast %squeeze3A_850 : f32 to vector<16xf32>
        %mul3A_875 = arith.mulf %get3A_873, %mul3A_874 : vector<16xf32>
        %swap3A_876 = arith.constant 0 : i32
        %swap3A_877 = arith.constant 0 : i32
        %swap3A_878 = tpu.memref_slice %arg12[%scan3A_244, %swap3A_876, %swap3A_877] : memref<2x40x128xf32, #tpu.memory_space<vmem>> -> memref<1x40x128xf32, #tpu.memory_space<vmem>>
        %swap3A_879 = tpu.memref_squeeze %swap3A_878 : memref<1x40x128xf32, #tpu.memory_space<vmem>> -> memref<40x128xf32, #tpu.memory_space<vmem>>
        %swap3A_880 = arith.index_cast %add3A_814 : i32 to index
        %swap3A_881 = arith.constant 48 : index
        %swap3A_882 = tpu.vector_load %swap3A_879[%swap3A_880, %swap3A_881] {strides = array<i32>} : memref<40x128xf32, #tpu.memory_space<vmem>>, vector<16xf32>,
        tpu.vector_store %swap3A_879[%swap3A_880, %swap3A_881], %mul3A_875 {strides = array<i32>} : memref<40x128xf32, #tpu.memory_space<vmem>>, vector<16xf32>,
        %slice3A_883 = vector.extract_strided_slice %get3A_393 {offsets = [14], sizes = [1], strides = [1]} : vector<16xf32> to vector<1xf32>
        %squeeze3A_884 = vector.extract %slice3A_883[0] : f32 from vector<1xf32>
        %get3A_885 = arith.constant 0 : i32
        %get3A_886 = arith.constant 0 : i32
        %get3A_887 = tpu.memref_slice %arg12[%scan3A_244, %get3A_885, %get3A_886] : memref<2x40x128xf32, #tpu.memory_space<vmem>> -> memref<1x40x128xf32, #tpu.memory_space<vmem>>
        %get3A_888 = tpu.memref_squeeze %get3A_887 : memref<1x40x128xf32, #tpu.memory_space<vmem>> -> memref<40x128xf32, #tpu.memory_space<vmem>>
        %get3A_889 = arith.index_cast %add3A_814 : i32 to index
        %get3A_890 = arith.constant 64 : index
        %get3A_891 = tpu.vector_load %get3A_888[%get3A_889, %get3A_890] {strides = array<i32>} : memref<40x128xf32, #tpu.memory_space<vmem>>, vector<16xf32>,
        %mul3A_892 = vector.broadcast %squeeze3A_884 : f32 to vector<16xf32>
        %mul3A_893 = arith.mulf %get3A_891, %mul3A_892 : vector<16xf32>
        %swap3A_894 = arith.constant 0 : i32
        %swap3A_895 = arith.constant 0 : i32
        %swap3A_896 = tpu.memref_slice %arg12[%scan3A_244, %swap3A_894, %swap3A_895] : memref<2x40x128xf32, #tpu.memory_space<vmem>> -> memref<1x40x128xf32, #tpu.memory_space<vmem>>
        %swap3A_897 = tpu.memref_squeeze %swap3A_896 : memref<1x40x128xf32, #tpu.memory_space<vmem>> -> memref<40x128xf32, #tpu.memory_space<vmem>>
        %swap3A_898 = arith.index_cast %add3A_814 : i32 to index
        %swap3A_899 = arith.constant 64 : index
        %swap3A_900 = tpu.vector_load %swap3A_897[%swap3A_898, %swap3A_899] {strides = array<i32>} : memref<40x128xf32, #tpu.memory_space<vmem>>, vector<16xf32>,
        tpu.vector_store %swap3A_897[%swap3A_898, %swap3A_899], %mul3A_893 {strides = array<i32>} : memref<40x128xf32, #tpu.memory_space<vmem>>, vector<16xf32>,
        %get3A_901 = arith.constant 0 : i32
        %get3A_902 = arith.constant 0 : i32
        %get3A_903 = tpu.memref_slice %arg12[%scan3A_244, %get3A_901, %get3A_902] : memref<2x40x128xf32, #tpu.memory_space<vmem>> -> memref<1x40x128xf32, #tpu.memory_space<vmem>>
        %get3A_904 = tpu.memref_squeeze %get3A_903 : memref<1x40x128xf32, #tpu.memory_space<vmem>> -> memref<40x128xf32, #tpu.memory_space<vmem>>
        %get3A_905 = arith.index_cast %add3A_814 : i32 to index
        %get3A_906 = arith.constant 80 : index
        %get3A_907 = tpu.vector_load %get3A_904[%get3A_905, %get3A_906] {strides = array<i32>} : memref<40x128xf32, #tpu.memory_space<vmem>>, vector<16xf32>,
        %mul3A_908 = vector.broadcast %squeeze3A_884 : f32 to vector<16xf32>
        %mul3A_909 = arith.mulf %get3A_907, %mul3A_908 : vector<16xf32>
        %swap3A_910 = arith.constant 0 : i32
        %swap3A_911 = arith.constant 0 : i32
        %swap3A_912 = tpu.memref_slice %arg12[%scan3A_244, %swap3A_910, %swap3A_911] : memref<2x40x128xf32, #tpu.memory_space<vmem>> -> memref<1x40x128xf32, #tpu.memory_space<vmem>>
        %swap3A_913 = tpu.memref_squeeze %swap3A_912 : memref<1x40x128xf32, #tpu.memory_space<vmem>> -> memref<40x128xf32, #tpu.memory_space<vmem>>
        %swap3A_914 = arith.index_cast %add3A_814 : i32 to index
        %swap3A_915 = arith.constant 80 : index
        %swap3A_916 = tpu.vector_load %swap3A_913[%swap3A_914, %swap3A_915] {strides = array<i32>} : memref<40x128xf32, #tpu.memory_space<vmem>>, vector<16xf32>,
        tpu.vector_store %swap3A_913[%swap3A_914, %swap3A_915], %mul3A_909 {strides = array<i32>} : memref<40x128xf32, #tpu.memory_space<vmem>>, vector<16xf32>,
        %slice3A_917 = vector.extract_strided_slice %get3A_393 {offsets = [15], sizes = [1], strides = [1]} : vector<16xf32> to vector<1xf32>
        %squeeze3A_918 = vector.extract %slice3A_917[0] : f32 from vector<1xf32>
        %get3A_919 = arith.constant 0 : i32
        %get3A_920 = arith.constant 0 : i32
        %get3A_921 = tpu.memref_slice %arg12[%scan3A_244, %get3A_919, %get3A_920] : memref<2x40x128xf32, #tpu.memory_space<vmem>> -> memref<1x40x128xf32, #tpu.memory_space<vmem>>
        %get3A_922 = tpu.memref_squeeze %get3A_921 : memref<1x40x128xf32, #tpu.memory_space<vmem>> -> memref<40x128xf32, #tpu.memory_space<vmem>>
        %get3A_923 = arith.index_cast %add3A_814 : i32 to index
        %get3A_924 = arith.constant 96 : index
        %get3A_925 = tpu.vector_load %get3A_922[%get3A_923, %get3A_924] {strides = array<i32>} : memref<40x128xf32, #tpu.memory_space<vmem>>, vector<16xf32>,
        %mul3A_926 = vector.broadcast %squeeze3A_918 : f32 to vector<16xf32>
        %mul3A_927 = arith.mulf %get3A_925, %mul3A_926 : vector<16xf32>
        %swap3A_928 = arith.constant 0 : i32
        %swap3A_929 = arith.constant 0 : i32
        %swap3A_930 = tpu.memref_slice %arg12[%scan3A_244, %swap3A_928, %swap3A_929] : memref<2x40x128xf32, #tpu.memory_space<vmem>> -> memref<1x40x128xf32, #tpu.memory_space<vmem>>
        %swap3A_931 = tpu.memref_squeeze %swap3A_930 : memref<1x40x128xf32, #tpu.memory_space<vmem>> -> memref<40x128xf32, #tpu.memory_space<vmem>>
        %swap3A_932 = arith.index_cast %add3A_814 : i32 to index
        %swap3A_933 = arith.constant 96 : index
        %swap3A_934 = tpu.vector_load %swap3A_931[%swap3A_932, %swap3A_933] {strides = array<i32>} : memref<40x128xf32, #tpu.memory_space<vmem>>, vector<16xf32>,
        tpu.vector_store %swap3A_931[%swap3A_932, %swap3A_933], %mul3A_927 {strides = array<i32>} : memref<40x128xf32, #tpu.memory_space<vmem>>, vector<16xf32>,
        %get3A_935 = arith.constant 0 : i32
        %get3A_936 = arith.constant 0 : i32
        %get3A_937 = tpu.memref_slice %arg12[%scan3A_244, %get3A_935, %get3A_936] : memref<2x40x128xf32, #tpu.memory_space<vmem>> -> memref<1x40x128xf32, #tpu.memory_space<vmem>>
        %get3A_938 = tpu.memref_squeeze %get3A_937 : memref<1x40x128xf32, #tpu.memory_space<vmem>> -> memref<40x128xf32, #tpu.memory_space<vmem>>
        %get3A_939 = arith.index_cast %add3A_814 : i32 to index
        %get3A_940 = arith.constant 112 : index
        %get3A_941 = tpu.vector_load %get3A_938[%get3A_939, %get3A_940] {strides = array<i32>} : memref<40x128xf32, #tpu.memory_space<vmem>>, vector<16xf32>,
        %mul3A_942 = vector.broadcast %squeeze3A_918 : f32 to vector<16xf32>
        %mul3A_943 = arith.mulf %get3A_941, %mul3A_942 : vector<16xf32>
        %swap3A_944 = arith.constant 0 : i32
        %swap3A_945 = arith.constant 0 : i32
        %swap3A_946 = tpu.memref_slice %arg12[%scan3A_244, %swap3A_944, %swap3A_945] : memref<2x40x128xf32, #tpu.memory_space<vmem>> -> memref<1x40x128xf32, #tpu.memory_space<vmem>>
        %swap3A_947 = tpu.memref_squeeze %swap3A_946 : memref<1x40x128xf32, #tpu.memory_space<vmem>> -> memref<40x128xf32, #tpu.memory_space<vmem>>
        %swap3A_948 = arith.index_cast %add3A_814 : i32 to index
        %swap3A_949 = arith.constant 112 : index
        %swap3A_950 = tpu.vector_load %swap3A_947[%swap3A_948, %swap3A_949] {strides = array<i32>} : memref<40x128xf32, #tpu.memory_space<vmem>>, vector<16xf32>,
        tpu.vector_store %swap3A_947[%swap3A_948, %swap3A_949], %mul3A_943 {strides = array<i32>} : memref<40x128xf32, #tpu.memory_space<vmem>>, vector<16xf32>,
        %scan3A_951 = arith.constant 0 : i32
        scf.yield %scan3A_951 : i32
      }
      %scan3A_251 = arith.constant 10 : i32
      %dma_start3A_252 = arith.constant 0 : i32
      %dma_start3A_253 = arith.constant 0 : i32
      %dma_start3A_254 = arith.constant 0 : i32
      %dma_start3A_255 = tpu.memref_slice %arg14[%dma_start3A_252, %dma_start3A_253, %dma_start3A_254] : memref<2x40x4xf32, #tpu.memory_space<vmem>> -> memref<1x40x4xf32, #tpu.memory_space<vmem>>
      %dma_start3A_256 = tpu.memref_squeeze %dma_start3A_255 : memref<1x40x4xf32, #tpu.memory_space<vmem>> -> memref<40x4xf32, #tpu.memory_space<vmem>>
      %dma_start3A_257 = arith.constant 0 : i32
      %dma_start3A_258 = tpu.memref_slice %arg8[%add3A_173, %dma_start3A_257] : memref<320000x4xf32, #tpu.memory_space<hbm>> -> memref<40x4xf32, #tpu.memory_space<hbm>>
      %dma_start3A_259 = arith.constant 0 : i32
      %dma_start3A_260 = tpu.memref_slice %arg8[%add3A_173, %dma_start3A_259] : memref<320000x4xf32, #tpu.memory_space<hbm>> -> memref<40x4xf32, #tpu.memory_space<hbm>>
      %dma_start3A_261 = arith.constant 0 : i32
      %dma_start3A_262 = arith.constant 0 : i32
      %dma_start3A_263 = tpu.memref_slice %arg14[%dma_start3A_252, %dma_start3A_261, %dma_start3A_262] : memref<2x40x4xf32, #tpu.memory_space<vmem>> -> memref<1x40x4xf32, #tpu.memory_space<vmem>>
      %dma_start3A_264 = tpu.memref_squeeze %dma_start3A_263 : memref<1x40x4xf32, #tpu.memory_space<vmem>> -> memref<40x4xf32, #tpu.memory_space<vmem>>
      tpu.enqueue_dma source(%dma_start3A_264 : memref<40x4xf32, #tpu.memory_space<vmem>>) target(%dma_start3A_260 : memref<40x4xf32, #tpu.memory_space<hbm>>) target_semaphore(%arg22 : memref<!tpu.dma_semaphore, #tpu.memory_space<semaphore_mem>>)
      %run_scoped3A_265 = arith.constant 0 : i32
      "tpu.region"() ({
        %run_scoped3A_389 = tpu.sem_alloc : memref<!tpu.dma_semaphore, #tpu.memory_space<semaphore_mem>>
        %dma_start3A_390 = arith.constant 0 : i32
        %dma_start3A_391 = arith.constant 0 : i32
        %dma_start3A_392 = tpu.memref_slice %arg12[%run_scoped3A_265, %dma_start3A_390, %dma_start3A_391] : memref<2x40x128xf32, #tpu.memory_space<vmem>> -> memref<1x40x128xf32, #tpu.memory_space<vmem>>
        %dma_start3A_393 = tpu.memref_squeeze %dma_start3A_392 : memref<1x40x128xf32, #tpu.memory_space<vmem>> -> memref<40x128xf32, #tpu.memory_space<vmem>>
        %dma_start3A_394 = arith.constant 0 : i32
        %dma_start3A_395 = tpu.memref_slice %arg10[%mul3A_168, %dma_start3A_394] : memref<250x40xi32, #tpu.memory_space<vmem>> -> memref<1x40xi32, #tpu.memory_space<vmem>>
        %dma_start3A_396 = tpu.memref_squeeze %dma_start3A_395 : memref<1x40xi32, #tpu.memory_space<vmem>> -> memref<40xi32, #tpu.memory_space<vmem>>
        %dma_start3A_397 = arith.constant 0 : i32
        %dma_start3A_398 = arith.constant 0 : i32
        %dma_start3A_399 = tpu.memref_slice %arg24[%dma_start3A_397, %dma_start3A_398] : memref<10000x128xf32, #tpu.memory_space<vmem_shared>> -> memref<10000x128xf32, #tpu.memory_space<vmem_shared>>
        tpu.enqueue_indirect_dma source(%dma_start3A_393 : memref<40x128xf32, #tpu.memory_space<vmem>>) target(%dma_start3A_399 : memref<10000x128xf32, #tpu.memory_space<vmem_shared>>) offsets(%dma_start3A_396 : memref<40xi32, #tpu.memory_space<vmem>>) semaphore(%run_scoped3A_389 : memref<!tpu.dma_semaphore, #tpu.memory_space<semaphore_mem>>) {add = true}
        %dma_wait3A_400 = arith.constant 0 : i32
        %dma_wait3A_401 = arith.constant 0 : i32
        %dma_wait3A_402 = tpu.memref_slice %arg12[%run_scoped3A_265, %dma_wait3A_400, %dma_wait3A_401] : memref<2x40x128xf32, #tpu.memory_space<vmem>> -> memref<1x40x128xf32, #tpu.memory_space<vmem>>
        %dma_wait3A_403 = tpu.memref_squeeze %dma_wait3A_402 : memref<1x40x128xf32, #tpu.memory_space<vmem>> -> memref<40x128xf32, #tpu.memory_space<vmem>>
        %dma_wait3A_404 = arith.constant 0 : i32
        %dma_wait3A_405 = tpu.memref_slice %arg10[%mul3A_168, %dma_wait3A_404] : memref<250x40xi32, #tpu.memory_space<vmem>> -> memref<1x40xi32, #tpu.memory_space<vmem>>
        %dma_wait3A_406 = tpu.memref_squeeze %dma_wait3A_405 : memref<1x40xi32, #tpu.memory_space<vmem>> -> memref<40xi32, #tpu.memory_space<vmem>>
        %dma_wait3A_407 = arith.constant 0 : i32
        %dma_wait3A_408 = arith.constant 0 : i32
        %dma_wait3A_409 = tpu.memref_slice %arg24[%dma_wait3A_407, %dma_wait3A_408] : memref<10000x128xf32, #tpu.memory_space<vmem_shared>> -> memref<10000x128xf32, #tpu.memory_space<vmem_shared>>
        tpu.wait_indirect_dma semaphore(%run_scoped3A_389 : memref<!tpu.dma_semaphore, #tpu.memory_space<semaphore_mem>>) src(%dma_wait3A_403 : memref<40x128xf32, #tpu.memory_space<vmem>>) dst(%dma_wait3A_409 : memref<10000x128xf32, #tpu.memory_space<vmem_shared>>)
        tpu.yield
      }) : () -> ()
      %add3A_266 = arith.constant 2 : i32
      %add3A_267 = arith.addi %mul3A_168, %add3A_266 : i32
      %lt3A_268 = arith.constant 250 : i32
      %lt3A_269 = arith.cmpi slt, %add3A_267, %lt3A_268 : i32
      %convert_element_type3A_270 = arith.extui %lt3A_269 : i1 to i32
      %cond3A_271 = arith.constant 0 : i32
      %cond3A_272 = arith.constant 0 : i32
      %cond3A_273 = arith.constant 0 : i32
      %cond3A_274 = arith.constant 0 : i32
      %cond3A_275 = arith.cmpi ne, %convert_element_type3A_270, %cond3A_274 : i32
      scf.if %cond3A_275 {
        %mul3A_389 = arith.constant 10000 : i32
        %mul3A_390 = arith.muli %add3A, %mul3A_389 : i32
        %add3A_391 = arith.constant 2 : i32
        %add3A_392 = arith.addi %mul3A_168, %add3A_391 : i32
        %mul3A_393 = arith.constant 40 : i32
        %mul3A_394 = arith.muli %add3A_392, %mul3A_393 : i32
        %add3A_395 = arith.addi %mul3A_390, %mul3A_394 : i32
        %add3A_396 = arith.constant 2 : i32
        %add3A_397 = arith.addi %mul3A_168, %add3A_396 : i32
        %dma_wait3A_398 = arith.constant 0 : i32
        %dma_wait3A_399 = arith.constant 0 : i32
        %dma_wait3A_400 = tpu.memref_slice %arg11[%dma_wait3A_398, %dma_wait3A_399] : memref<2x40xi32, #tpu.memory_space<vmem>> -> memref<1x40xi32, #tpu.memory_space<vmem>>
        %dma_wait3A_401 = tpu.memref_squeeze %dma_wait3A_400 : memref<1x40xi32, #tpu.memory_space<vmem>> -> memref<40xi32, #tpu.memory_space<vmem>>
        %dma_wait3A_402 = arith.constant 0 : i32
        %dma_wait3A_403 = tpu.memref_slice %arg3[%add3A, %add3A_397, %dma_wait3A_402] : memref<32x250x40xi32, #tpu.memory_space<hbm>> -> memref<1x1x40xi32, #tpu.memory_space<hbm>>
        %dma_wait3A_404 = tpu.memref_squeeze %dma_wait3A_403 : memref<1x1x40xi32, #tpu.memory_space<hbm>> -> memref<40xi32, #tpu.memory_space<hbm>>
        %dma_wait3A_405 = arith.constant 0 : i32
        %dma_wait3A_406 = tpu.memref_slice %arg11[%dma_wait3A_398, %dma_wait3A_405] : memref<2x40xi32, #tpu.memory_space<vmem>> -> memref<1x40xi32, #tpu.memory_space<vmem>>
        %dma_wait3A_407 = tpu.memref_squeeze %dma_wait3A_406 : memref<1x40xi32, #tpu.memory_space<vmem>> -> memref<40xi32, #tpu.memory_space<vmem>>
        %dma_wait3A_408 = arith.constant 0 : i32
        %dma_wait3A_409 = tpu.memref_slice %arg3[%add3A, %add3A_397, %dma_wait3A_408] : memref<32x250x40xi32, #tpu.memory_space<hbm>> -> memref<1x1x40xi32, #tpu.memory_space<hbm>>
        %dma_wait3A_410 = tpu.memref_squeeze %dma_wait3A_409 : memref<1x1x40xi32, #tpu.memory_space<hbm>> -> memref<40xi32, #tpu.memory_space<hbm>>
        tpu.wait_dma2 semaphore(%arg20 : memref<!tpu.dma_semaphore, #tpu.memory_space<semaphore_mem>>) src(%dma_wait3A_410 : memref<40xi32, #tpu.memory_space<hbm>>) dst(%dma_wait3A_407 : memref<40xi32, #tpu.memory_space<vmem>>)
        %dma_start3A_411 = arith.constant 0 : i32
        %dma_start3A_412 = arith.constant 0 : i32
        %dma_start3A_413 = arith.constant 0 : i32
        %dma_start3A_414 = tpu.memref_slice %arg12[%cond3A_271, %dma_start3A_412, %dma_start3A_413] : memref<2x40x128xf32, #tpu.memory_space<vmem>> -> memref<1x40x128xf32, #tpu.memory_space<vmem>>
        %dma_start3A_415 = tpu.memref_squeeze %dma_start3A_414 : memref<1x40x128xf32, #tpu.memory_space<vmem>> -> memref<40x128xf32, #tpu.memory_space<vmem>>
        %dma_start3A_416 = arith.constant 0 : i32
        %dma_start3A_417 = tpu.memref_slice %arg11[%dma_start3A_411, %dma_start3A_416] : memref<2x40xi32, #tpu.memory_space<vmem>> -> memref<1x40xi32, #tpu.memory_space<vmem>>
        %dma_start3A_418 = tpu.memref_squeeze %dma_start3A_417 : memref<1x40xi32, #tpu.memory_space<vmem>> -> memref<40xi32, #tpu.memory_space<vmem>>
        %dma_start3A_419 = arith.constant 0 : i32
        %dma_start3A_420 = arith.constant 0 : i32
        %dma_start3A_421 = tpu.memref_slice %arg4[%dma_start3A_419, %dma_start3A_420] : memref<10000x128xf32, #tpu.memory_space<hbm>> -> memref<10000x128xf32, #tpu.memory_space<hbm>>
        tpu.enqueue_indirect_dma source(%dma_start3A_421 : memref<10000x128xf32, #tpu.memory_space<hbm>>) target(%dma_start3A_415 : memref<40x128xf32, #tpu.memory_space<vmem>>) offsets(%dma_start3A_418 : memref<40xi32, #tpu.memory_space<vmem>>) semaphore(%arg18 : memref<!tpu.dma_semaphore, #tpu.memory_space<semaphore_mem>>)
        %add3A_422 = arith.constant 2 : i32
        %add3A_423 = arith.addi %mul3A_168, %add3A_422 : i32
        %dma_start3A_424 = arith.constant 0 : i32
        %dma_start3A_425 = arith.constant 0 : i32
        %dma_start3A_426 = tpu.memref_slice %arg16[%cond3A_272, %dma_start3A_424, %dma_start3A_425] : memref<2x40x16xf32, #tpu.memory_space<vmem>> -> memref<1x40x16xf32, #tpu.memory_space<vmem>>
        %dma_start3A_427 = tpu.memref_squeeze %dma_start3A_426 : memref<1x40x16xf32, #tpu.memory_space<vmem>> -> memref<40x16xf32, #tpu.memory_space<vmem>>
        %dma_start3A_428 = arith.constant 0 : i32
        %dma_start3A_429 = tpu.memref_slice %arg10[%add3A_423, %dma_start3A_428] : memref<250x40xi32, #tpu.memory_space<vmem>> -> memref<1x40xi32, #tpu.memory_space<vmem>>
        %dma_start3A_430 = tpu.memref_squeeze %dma_start3A_429 : memref<1x40xi32, #tpu.memory_space<vmem>> -> memref<40xi32, #tpu.memory_space<vmem>>
        %dma_start3A_431 = arith.constant 0 : i32
        %dma_start3A_432 = arith.constant 0 : i32
        %dma_start3A_433 = tpu.memref_slice %arg6[%dma_start3A_431, %dma_start3A_432] : memref<10000x16xf32, #tpu.memory_space<hbm>> -> memref<10000x16xf32, #tpu.memory_space<hbm>>
        tpu.enqueue_indirect_dma source(%dma_start3A_433 : memref<10000x16xf32, #tpu.memory_space<hbm>>) target(%dma_start3A_427 : memref<40x16xf32, #tpu.memory_space<vmem>>) offsets(%dma_start3A_430 : memref<40xi32, #tpu.memory_space<vmem>>) semaphore(%arg18 : memref<!tpu.dma_semaphore, #tpu.memory_space<semaphore_mem>>)
        %add3A_434 = arith.constant 2 : i32
        %add3A_435 = arith.addi %mul3A_168, %add3A_434 : i32
        %dma_start3A_436 = arith.constant 0 : i32
        %dma_start3A_437 = arith.constant 0 : i32
        %dma_start3A_438 = tpu.memref_slice %arg17[%cond3A_273, %dma_start3A_436, %dma_start3A_437] : memref<2x40x16xf32, #tpu.memory_space<vmem>> -> memref<1x40x16xf32, #tpu.memory_space<vmem>>
        %dma_start3A_439 = tpu.memref_squeeze %dma_start3A_438 : memref<1x40x16xf32, #tpu.memory_space<vmem>> -> memref<40x16xf32, #tpu.memory_space<vmem>>
        %dma_start3A_440 = arith.constant 0 : i32
        %dma_start3A_441 = tpu.memref_slice %arg10[%add3A_435, %dma_start3A_440] : memref<250x40xi32, #tpu.memory_space<vmem>> -> memref<1x40xi32, #tpu.memory_space<vmem>>
        %dma_start3A_442 = tpu.memref_squeeze %dma_start3A_441 : memref<1x40xi32, #tpu.memory_space<vmem>> -> memref<40xi32, #tpu.memory_space<vmem>>
        %dma_start3A_443 = arith.constant 0 : i32
        %dma_start3A_444 = arith.constant 0 : i32
        %dma_start3A_445 = tpu.memref_slice %arg7[%dma_start3A_443, %dma_start3A_444] : memref<10000x16xf32, #tpu.memory_space<hbm>> -> memref<10000x16xf32, #tpu.memory_space<hbm>>
        tpu.enqueue_indirect_dma source(%dma_start3A_445 : memref<10000x16xf32, #tpu.memory_space<hbm>>) target(%dma_start3A_439 : memref<40x16xf32, #tpu.memory_space<vmem>>) offsets(%dma_start3A_442 : memref<40xi32, #tpu.memory_space<vmem>>) semaphore(%arg18 : memref<!tpu.dma_semaphore, #tpu.memory_space<semaphore_mem>>)
        %dma_start3A_446 = arith.constant 0 : i32
        %dma_start3A_447 = arith.constant 0 : i32
        %dma_start3A_448 = arith.constant 0 : i32
        %dma_start3A_449 = tpu.memref_slice %arg13[%dma_start3A_446, %dma_start3A_447, %dma_start3A_448] : memref<2x40x4xf32, #tpu.memory_space<vmem>> -> memref<1x40x4xf32, #tpu.memory_space<vmem>>
        %dma_start3A_450 = tpu.memref_squeeze %dma_start3A_449 : memref<1x40x4xf32, #tpu.memory_space<vmem>> -> memref<40x4xf32, #tpu.memory_space<vmem>>
        %dma_start3A_451 = arith.constant 0 : i32
        %dma_start3A_452 = tpu.memref_slice %arg5[%add3A_395, %dma_start3A_451] : memref<320000x4xf32, #tpu.memory_space<hbm>> -> memref<40x4xf32, #tpu.memory_space<hbm>>
        %dma_start3A_453 = arith.constant 0 : i32
        %dma_start3A_454 = arith.constant 0 : i32
        %dma_start3A_455 = tpu.memref_slice %arg13[%dma_start3A_446, %dma_start3A_453, %dma_start3A_454] : memref<2x40x4xf32, #tpu.memory_space<vmem>> -> memref<1x40x4xf32, #tpu.memory_space<vmem>>
        %dma_start3A_456 = tpu.memref_squeeze %dma_start3A_455 : memref<1x40x4xf32, #tpu.memory_space<vmem>> -> memref<40x4xf32, #tpu.memory_space<vmem>>
        %dma_start3A_457 = arith.constant 0 : i32
        %dma_start3A_458 = tpu.memref_slice %arg5[%add3A_395, %dma_start3A_457] : memref<320000x4xf32, #tpu.memory_space<hbm>> -> memref<40x4xf32, #tpu.memory_space<hbm>>
        tpu.enqueue_dma source(%dma_start3A_458 : memref<40x4xf32, #tpu.memory_space<hbm>>) target(%dma_start3A_456 : memref<40x4xf32, #tpu.memory_space<vmem>>) target_semaphore(%arg18 : memref<!tpu.dma_semaphore, #tpu.memory_space<semaphore_mem>>)
      } else {
      }
      %mul3A_276 = arith.constant 2 : i32
      %mul3A_277 = arith.muli %scan3A_165, %mul3A_276 : i32
      %add3A_278 = arith.constant 1 : i32
      %add3A_279 = arith.addi %mul3A_277, %add3A_278 : i32
      %mul3A_280 = arith.constant 10000 : i32
      %mul3A_281 = arith.muli %add3A, %mul3A_280 : i32
      %mul3A_282 = arith.constant 40 : i32
      %mul3A_283 = arith.muli %add3A_279, %mul3A_282 : i32
      %add3A_284 = arith.addi %mul3A_281, %mul3A_283 : i32
      %dma_wait3A_285 = arith.constant 1 : i32
      %dma_wait3A_286 = arith.constant 1 : i32
      %dma_wait3A_287 = arith.constant 0 : i32
      %dma_wait3A_288 = arith.constant 0 : i32
      %dma_wait3A_289 = tpu.memref_slice %arg12[%dma_wait3A_286, %dma_wait3A_287, %dma_wait3A_288] : memref<2x40x128xf32, #tpu.memory_space<vmem>> -> memref<1x40x128xf32, #tpu.memory_space<vmem>>
      %dma_wait3A_290 = tpu.memref_squeeze %dma_wait3A_289 : memref<1x40x128xf32, #tpu.memory_space<vmem>> -> memref<40x128xf32, #tpu.memory_space<vmem>>
      %dma_wait3A_291 = arith.constant 0 : i32
      %dma_wait3A_292 = tpu.memref_slice %arg11[%dma_wait3A_285, %dma_wait3A_291] : memref<2x40xi32, #tpu.memory_space<vmem>> -> memref<1x40xi32, #tpu.memory_space<vmem>>
      %dma_wait3A_293 = tpu.memref_squeeze %dma_wait3A_292 : memref<1x40xi32, #tpu.memory_space<vmem>> -> memref<40xi32, #tpu.memory_space<vmem>>
      %dma_wait3A_294 = arith.constant 0 : i32
      %dma_wait3A_295 = arith.constant 0 : i32
      %dma_wait3A_296 = tpu.memref_slice %arg4[%dma_wait3A_294, %dma_wait3A_295] : memref<10000x128xf32, #tpu.memory_space<hbm>> -> memref<10000x128xf32, #tpu.memory_space<hbm>>
      tpu.wait_indirect_dma semaphore(%arg19 : memref<!tpu.dma_semaphore, #tpu.memory_space<semaphore_mem>>) src(%dma_wait3A_296 : memref<10000x128xf32, #tpu.memory_space<hbm>>) dst(%dma_wait3A_290 : memref<40x128xf32, #tpu.memory_space<vmem>>)
      %add3A_297 = arith.constant 2 : i32
      %add3A_298 = arith.addi %add3A_279, %add3A_297 : i32
      %lt3A_299 = arith.constant 250 : i32
      %lt3A_300 = arith.cmpi slt, %add3A_298, %lt3A_299 : i32
      %convert_element_type3A_301 = arith.extui %lt3A_300 : i1 to i32
      %cond3A_302 = arith.constant 0 : i32
      %cond3A_303 = arith.cmpi ne, %convert_element_type3A_301, %cond3A_302 : i32
      scf.if %cond3A_303 {
        %add3A_389 = arith.constant 2 : i32
        %add3A_390 = arith.addi %add3A_279, %add3A_389 : i32
        %dma_start3A_391 = arith.constant 1 : i32
        %dma_start3A_392 = arith.constant 0 : i32
        %dma_start3A_393 = tpu.memref_slice %arg11[%dma_start3A_391, %dma_start3A_392] : memref<2x40xi32, #tpu.memory_space<vmem>> -> memref<1x40xi32, #tpu.memory_space<vmem>>
        %dma_start3A_394 = tpu.memref_squeeze %dma_start3A_393 : memref<1x40xi32, #tpu.memory_space<vmem>> -> memref<40xi32, #tpu.memory_space<vmem>>
        %dma_start3A_395 = arith.constant 0 : i32
        %dma_start3A_396 = tpu.memref_slice %arg3[%add3A, %add3A_390, %dma_start3A_395] : memref<32x250x40xi32, #tpu.memory_space<hbm>> -> memref<1x1x40xi32, #tpu.memory_space<hbm>>
        %dma_start3A_397 = tpu.memref_squeeze %dma_start3A_396 : memref<1x1x40xi32, #tpu.memory_space<hbm>> -> memref<40xi32, #tpu.memory_space<hbm>>
        %dma_start3A_398 = arith.constant 0 : i32
        %dma_start3A_399 = tpu.memref_slice %arg11[%dma_start3A_391, %dma_start3A_398] : memref<2x40xi32, #tpu.memory_space<vmem>> -> memref<1x40xi32, #tpu.memory_space<vmem>>
        %dma_start3A_400 = tpu.memref_squeeze %dma_start3A_399 : memref<1x40xi32, #tpu.memory_space<vmem>> -> memref<40xi32, #tpu.memory_space<vmem>>
        %dma_start3A_401 = arith.constant 0 : i32
        %dma_start3A_402 = tpu.memref_slice %arg3[%add3A, %add3A_390, %dma_start3A_401] : memref<32x250x40xi32, #tpu.memory_space<hbm>> -> memref<1x1x40xi32, #tpu.memory_space<hbm>>
        %dma_start3A_403 = tpu.memref_squeeze %dma_start3A_402 : memref<1x1x40xi32, #tpu.memory_space<hbm>> -> memref<40xi32, #tpu.memory_space<hbm>>
        tpu.enqueue_dma source(%dma_start3A_403 : memref<40xi32, #tpu.memory_space<hbm>>) target(%dma_start3A_400 : memref<40xi32, #tpu.memory_space<vmem>>) target_semaphore(%arg21 : memref<!tpu.dma_semaphore, #tpu.memory_space<semaphore_mem>>)
      } else {
      }
      %dma_wait3A_304 = arith.constant 1 : i32
      %dma_wait3A_305 = arith.constant 0 : i32
      %dma_wait3A_306 = arith.constant 0 : i32
      %dma_wait3A_307 = tpu.memref_slice %arg16[%dma_wait3A_304, %dma_wait3A_305, %dma_wait3A_306] : memref<2x40x16xf32, #tpu.memory_space<vmem>> -> memref<1x40x16xf32, #tpu.memory_space<vmem>>
      %dma_wait3A_308 = tpu.memref_squeeze %dma_wait3A_307 : memref<1x40x16xf32, #tpu.memory_space<vmem>> -> memref<40x16xf32, #tpu.memory_space<vmem>>
      %dma_wait3A_309 = arith.constant 0 : i32
      %dma_wait3A_310 = tpu.memref_slice %arg10[%add3A_279, %dma_wait3A_309] : memref<250x40xi32, #tpu.memory_space<vmem>> -> memref<1x40xi32, #tpu.memory_space<vmem>>
      %dma_wait3A_311 = tpu.memref_squeeze %dma_wait3A_310 : memref<1x40xi32, #tpu.memory_space<vmem>> -> memref<40xi32, #tpu.memory_space<vmem>>
      %dma_wait3A_312 = arith.constant 0 : i32
      %dma_wait3A_313 = arith.constant 0 : i32
      %dma_wait3A_314 = tpu.memref_slice %arg6[%dma_wait3A_312, %dma_wait3A_313] : memref<10000x16xf32, #tpu.memory_space<hbm>> -> memref<10000x16xf32, #tpu.memory_space<hbm>>
      tpu.wait_indirect_dma semaphore(%arg19 : memref<!tpu.dma_semaphore, #tpu.memory_space<semaphore_mem>>) src(%dma_wait3A_314 : memref<10000x16xf32, #tpu.memory_space<hbm>>) dst(%dma_wait3A_308 : memref<40x16xf32, #tpu.memory_space<vmem>>)
      %dma_wait3A_315 = arith.constant 1 : i32
      %dma_wait3A_316 = arith.constant 0 : i32
      %dma_wait3A_317 = arith.constant 0 : i32
      %dma_wait3A_318 = tpu.memref_slice %arg17[%dma_wait3A_315, %dma_wait3A_316, %dma_wait3A_317] : memref<2x40x16xf32, #tpu.memory_space<vmem>> -> memref<1x40x16xf32, #tpu.memory_space<vmem>>
      %dma_wait3A_319 = tpu.memref_squeeze %dma_wait3A_318 : memref<1x40x16xf32, #tpu.memory_space<vmem>> -> memref<40x16xf32, #tpu.memory_space<vmem>>
      %dma_wait3A_320 = arith.constant 0 : i32
      %dma_wait3A_321 = tpu.memref_slice %arg10[%add3A_279, %dma_wait3A_320] : memref<250x40xi32, #tpu.memory_space<vmem>> -> memref<1x40xi32, #tpu.memory_space<vmem>>
      %dma_wait3A_322 = tpu.memref_squeeze %dma_wait3A_321 : memref<1x40xi32, #tpu.memory_space<vmem>> -> memref<40xi32, #tpu.memory_space<vmem>>
      %dma_wait3A_323 = arith.constant 0 : i32
      %dma_wait3A_324 = arith.constant 0 : i32
      %dma_wait3A_325 = tpu.memref_slice %arg7[%dma_wait3A_323, %dma_wait3A_324] : memref<10000x16xf32, #tpu.memory_space<hbm>> -> memref<10000x16xf32, #tpu.memory_space<hbm>>
      tpu.wait_indirect_dma semaphore(%arg19 : memref<!tpu.dma_semaphore, #tpu.memory_space<semaphore_mem>>) src(%dma_wait3A_325 : memref<10000x16xf32, #tpu.memory_space<hbm>>) dst(%dma_wait3A_319 : memref<40x16xf32, #tpu.memory_space<vmem>>)
      %dma_wait3A_326 = arith.constant 1 : i32
      %dma_wait3A_327 = arith.constant 0 : i32
      %dma_wait3A_328 = arith.constant 0 : i32
      %dma_wait3A_329 = tpu.memref_slice %arg13[%dma_wait3A_326, %dma_wait3A_327, %dma_wait3A_328] : memref<2x40x4xf32, #tpu.memory_space<vmem>> -> memref<1x40x4xf32, #tpu.memory_space<vmem>>
      %dma_wait3A_330 = tpu.memref_squeeze %dma_wait3A_329 : memref<1x40x4xf32, #tpu.memory_space<vmem>> -> memref<40x4xf32, #tpu.memory_space<vmem>>
      %dma_wait3A_331 = arith.constant 0 : i32
      %dma_wait3A_332 = tpu.memref_slice %arg5[%add3A_284, %dma_wait3A_331] : memref<320000x4xf32, #tpu.memory_space<hbm>> -> memref<40x4xf32, #tpu.memory_space<hbm>>
      %dma_wait3A_333 = arith.constant 0 : i32
      %dma_wait3A_334 = arith.constant 0 : i32
      %dma_wait3A_335 = tpu.memref_slice %arg13[%dma_wait3A_326, %dma_wait3A_333, %dma_wait3A_334] : memref<2x40x4xf32, #tpu.memory_space<vmem>> -> memref<1x40x4xf32, #tpu.memory_space<vmem>>
      %dma_wait3A_336 = tpu.memref_squeeze %dma_wait3A_335 : memref<1x40x4xf32, #tpu.memory_space<vmem>> -> memref<40x4xf32, #tpu.memory_space<vmem>>
      %dma_wait3A_337 = arith.constant 0 : i32
      %dma_wait3A_338 = tpu.memref_slice %arg5[%add3A_284, %dma_wait3A_337] : memref<320000x4xf32, #tpu.memory_space<hbm>> -> memref<40x4xf32, #tpu.memory_space<hbm>>
      tpu.wait_dma2 semaphore(%arg19 : memref<!tpu.dma_semaphore, #tpu.memory_space<semaphore_mem>>) src(%dma_wait3A_338 : memref<40x4xf32, #tpu.memory_space<hbm>>) dst(%dma_wait3A_336 : memref<40x4xf32, #tpu.memory_space<vmem>>)
      %ge3A_339 = arith.constant 2 : i32
      %ge3A_340 = arith.cmpi sge, %add3A_279, %ge3A_339 : i32
      %convert_element_type3A_341 = arith.extui %ge3A_340 : i1 to i32
      %cond3A_342 = arith.constant 1 : i32
      %cond3A_343 = arith.constant 0 : i32
      %cond3A_344 = arith.cmpi ne, %convert_element_type3A_341, %cond3A_343 : i32
      scf.if %cond3A_344 {
        %dma_wait3A_389 = arith.constant 0 : i32
        %dma_wait3A_390 = arith.constant 0 : i32
        %dma_wait3A_391 = tpu.memref_slice %arg14[%cond3A_342, %dma_wait3A_389, %dma_wait3A_390] : memref<2x40x4xf32, #tpu.memory_space<vmem>> -> memref<1x40x4xf32, #tpu.memory_space<vmem>>
        %dma_wait3A_392 = tpu.memref_squeeze %dma_wait3A_391 : memref<1x40x4xf32, #tpu.memory_space<vmem>> -> memref<40x4xf32, #tpu.memory_space<vmem>>
        %dma_wait3A_393 = arith.constant 0 : i32
        %dma_wait3A_394 = tpu.memref_slice %arg8[%add3A_284, %dma_wait3A_393] : memref<320000x4xf32, #tpu.memory_space<hbm>> -> memref<40x4xf32, #tpu.memory_space<hbm>>
        %dma_wait3A_395 = arith.constant 0 : i32
        %dma_wait3A_396 = tpu.memref_slice %arg8[%add3A_284, %dma_wait3A_395] : memref<320000x4xf32, #tpu.memory_space<hbm>> -> memref<40x4xf32, #tpu.memory_space<hbm>>
        %dma_wait3A_397 = arith.constant 0 : i32
        %dma_wait3A_398 = arith.constant 0 : i32
        %dma_wait3A_399 = tpu.memref_slice %arg14[%cond3A_342, %dma_wait3A_397, %dma_wait3A_398] : memref<2x40x4xf32, #tpu.memory_space<vmem>> -> memref<1x40x4xf32, #tpu.memory_space<vmem>>
        %dma_wait3A_400 = tpu.memref_squeeze %dma_wait3A_399 : memref<1x40x4xf32, #tpu.memory_space<vmem>> -> memref<40x4xf32, #tpu.memory_space<vmem>>
        tpu.wait_dma2 semaphore(%arg23 : memref<!tpu.dma_semaphore, #tpu.memory_space<semaphore_mem>>) src(%dma_wait3A_400 : memref<40x4xf32, #tpu.memory_space<vmem>>) dst(%dma_wait3A_396 : memref<40x4xf32, #tpu.memory_space<hbm>>)
      } else {
      }
      %scan3A_345 = arith.constant 1 : i32
      %scan3A_346 = arith.constant 1 : i32
      %scan3A_347 = arith.constant 1 : i32
      %scan3A_348 = arith.constant 1 : i32
      %scan3A_349 = arith.constant 0 : i32
      %scan3A_350 = arith.constant 0 : i32
      %scan3A_351 = arith.constant 10 : i32
      %scan3A_352 = arith.addi %scan3A_350, %scan3A_351 : i32
      %scan3A_353 = arith.constant 1 : i32
      %scan3A_354 = scf.for %scan3A_389 = %scan3A_350 to %scan3A_352 step %scan3A_353 iter_args(%scan3A_390 = %scan3A_349) -> (i32)  : i32 {
        %mul3A_391 = arith.constant 16 : i32
        %mul3A_392 = arith.muli %scan3A_389, %mul3A_391 : i32
        %iota3A = tpu.iota {dimensions = array<i32: 0>} : vector<16xi32>
        %add3A_393 = vector.broadcast %mul3A_392 : i32 to vector<16xi32>
        %add3A_394 = arith.addi %add3A_393, %iota3A : vector<16xi32>
        %jit3A = arith.constant 4 : i32
        %div3A = vector.broadcast %jit3A : i32 to vector<16xi32>
        %div3A_395 = arith.divsi %add3A_394, %div3A : vector<16xi32>
        %sign3A = arith.constant 0 : i32
        %sign3A_396 = vector.broadcast %sign3A : i32 to vector<16xi32>
        %sign3A_397 = arith.cmpi sgt, %add3A_394, %sign3A_396 : vector<16xi32>
        %sign3A_398 = arith.extui %sign3A_397 : vector<16xi1> to vector<16xi32>
        %sign3A_399 = arith.constant 0 : i32
        %sign3A_400 = vector.broadcast %sign3A_399 : i32 to vector<16xi32>
        %sign3A_401 = arith.cmpi slt, %add3A_394, %sign3A_400 : vector<16xi32>
        %sign3A_402 = arith.extui %sign3A_401 : vector<16xi1> to vector<16xi32>
        %sign3A_403 = arith.subi %sign3A_398, %sign3A_402 : vector<16xi32>
        %sign3A_404 = arith.constant 0 : i32
        %sign3A_405 = arith.cmpi sgt, %jit3A, %sign3A_404 : i32
        %sign3A_406 = arith.extui %sign3A_405 : i1 to i32
        %sign3A_407 = arith.constant 0 : i32
        %sign3A_408 = arith.cmpi slt, %jit3A, %sign3A_407 : i32
        %sign3A_409 = arith.extui %sign3A_408 : i1 to i32
        %sign3A_410 = arith.subi %sign3A_406, %sign3A_409 : i32
        %ne3A = vector.broadcast %sign3A_410 : i32 to vector<16xi32>
        %ne3A_411 = arith.cmpi ne, %sign3A_403, %ne3A : vector<16xi32>
        %rem3A = vector.broadcast %jit3A : i32 to vector<16xi32>
        %rem3A_412 = arith.remsi %add3A_394, %rem3A : vector<16xi32>
        %ne3A_413 = arith.constant 0 : i32
        %ne3A_414 = vector.broadcast %ne3A_413 : i32 to vector<16xi32>
        %ne3A_415 = arith.cmpi ne, %rem3A_412, %ne3A_414 : vector<16xi32>
        %and3A = arith.andi %ne3A_411, %ne3A_415 : vector<16xi1>
        %sub3A = arith.constant 1 : i32
        %sub3A_416 = vector.broadcast %sub3A : i32 to vector<16xi32>
        %sub3A_417 = arith.subi %div3A_395, %sub3A_416 : vector<16xi32>
        %select_n3A = arith.select %and3A, %sub3A_417, %div3A_395 : vector<16xi1>, vector<16xi32>
        %jit3A_418 = arith.constant 4 : i32
        %eq3A = arith.constant 0 : i32
        %eq3A_419 = arith.cmpi eq, %jit3A_418, %eq3A : i32
        %jit3A_420 = arith.constant 1 : i32
        %select_n3A_421 = arith.select %eq3A_419, %jit3A_420, %jit3A_418 : i32
        %rem3A_422 = vector.broadcast %select_n3A_421 : i32 to vector<16xi32>
        %rem3A_423 = arith.remsi %add3A_394, %rem3A_422 : vector<16xi32>
        %ne3A_424 = arith.constant 0 : i32
        %ne3A_425 = vector.broadcast %ne3A_424 : i32 to vector<16xi32>
        %ne3A_426 = arith.cmpi ne, %rem3A_423, %ne3A_425 : vector<16xi32>
        %lt3A_427 = arith.constant 0 : i32
        %lt3A_428 = vector.broadcast %lt3A_427 : i32 to vector<16xi32>
        %lt3A_429 = arith.cmpi slt, %rem3A_423, %lt3A_428 : vector<16xi32>
        %lt3A_430 = arith.constant 0 : i32
        %lt3A_431 = arith.cmpi slt, %select_n3A_421, %lt3A_430 : i32
        %ne3A_432 = vector.broadcast %lt3A_431 : i1 to vector<16xi1>
        %ne3A_433 = vector.broadcast %ne3A_432 : vector<16xi1> to vector<16xi1>
        %ne3A_434 = arith.xori %lt3A_429, %ne3A_433 : vector<16xi1>
        %and3A_435 = arith.andi %ne3A_434, %ne3A_426 : vector<16xi1>
        %add3A_436 = vector.broadcast %select_n3A_421 : i32 to vector<16xi32>
        %add3A_437 = arith.addi %rem3A_423, %add3A_436 : vector<16xi32>
        %select_n3A_438 = arith.select %and3A_435, %add3A_437, %rem3A_423 : vector<16xi1>, vector<16xi32>
        %gather3A = arith.constant 0 : i32
        %gather3A_439 = arith.constant 0 : i32
        %gather3A_440 = tpu.memref_slice %arg13[%scan3A_345, %gather3A, %gather3A_439] : memref<2x40x4xf32, #tpu.memory_space<vmem>> -> memref<1x40x4xf32, #tpu.memory_space<vmem>>
        %gather3A_441 = tpu.memref_squeeze %gather3A_440 : memref<1x40x4xf32, #tpu.memory_space<vmem>> -> memref<40x4xf32, #tpu.memory_space<vmem>>
        %gather3A_442 = tpu.vector_load_idx %gather3A_441[%select_n3A, %select_n3A_438] : memref<40x4xf32, #tpu.memory_space<vmem>>[vector<16xi32>, vector<16xi32>], vector<16xf32>,
        %gather3A_443 = arith.constant 0 : i32
        %gather3A_444 = arith.constant 0 : i32
        %gather3A_445 = tpu.memref_slice %arg16[%scan3A_346, %gather3A_443, %gather3A_444] : memref<2x40x16xf32, #tpu.memory_space<vmem>> -> memref<1x40x16xf32, #tpu.memory_space<vmem>>
        %gather3A_446 = tpu.memref_squeeze %gather3A_445 : memref<1x40x16xf32, #tpu.memory_space<vmem>> -> memref<40x16xf32, #tpu.memory_space<vmem>>
        %gather3A_447 = tpu.vector_load_idx %gather3A_446[%select_n3A, %select_n3A_438] : memref<40x16xf32, #tpu.memory_space<vmem>>[vector<16xi32>, vector<16xi32>], vector<16xf32>,
        %gather3A_448 = arith.constant 0 : i32
        %gather3A_449 = arith.constant 0 : i32
        %gather3A_450 = tpu.memref_slice %arg17[%scan3A_347, %gather3A_448, %gather3A_449] : memref<2x40x16xf32, #tpu.memory_space<vmem>> -> memref<1x40x16xf32, #tpu.memory_space<vmem>>
        %gather3A_451 = tpu.memref_squeeze %gather3A_450 : memref<1x40x16xf32, #tpu.memory_space<vmem>> -> memref<40x16xf32, #tpu.memory_space<vmem>>
        %gather3A_452 = tpu.vector_load_idx %gather3A_451[%select_n3A, %select_n3A_438] : memref<40x16xf32, #tpu.memory_space<vmem>>[vector<16xi32>, vector<16xi32>], vector<16xf32>,
        %add3A_453 = arith.addf %gather3A_447, %gather3A_452 : vector<16xf32>
        %add3A_454 = arith.constant 9.99999993E-9 : f32
        %add3A_455 = vector.broadcast %add3A_454 : f32 to vector<16xf32>
        %add3A_456 = arith.addf %add3A_453, %add3A_455 : vector<16xf32>
        %div3A_457 = arith.divf %gather3A_442, %add3A_456 : vector<16xf32>
        %scatter3A = arith.constant 0 : i32
        %scatter3A_458 = arith.constant 0 : i32
        %scatter3A_459 = tpu.memref_slice %arg14[%scan3A_348, %scatter3A, %scatter3A_458] : memref<2x40x4xf32, #tpu.memory_space<vmem>> -> memref<1x40x4xf32, #tpu.memory_space<vmem>>
        %scatter3A_460 = tpu.memref_squeeze %scatter3A_459 : memref<1x40x4xf32, #tpu.memory_space<vmem>> -> memref<40x4xf32, #tpu.memory_space<vmem>>
        tpu.vector_store_idx %scatter3A_460[%select_n3A, %select_n3A_438], %div3A_457 : memref<40x4xf32, #tpu.memory_space<vmem>>[vector<16xi32>, vector<16xi32>], vector<16xf32>,
        %mul3A_461 = arith.constant 16 : i32
        %mul3A_462 = arith.muli %scan3A_389, %mul3A_461 : i32
        %swap3A = arith.index_cast %mul3A_462 : i32 to index
        %swap3A_463 = tpu.vector_load %arg15[%swap3A] {strides = array<i32>} : memref<160xf32, #tpu.memory_space<vmem>>, vector<16xf32>,
        tpu.vector_store %arg15[%swap3A], %div3A_457 {strides = array<i32>} : memref<160xf32, #tpu.memory_space<vmem>>, vector<16xf32>,
        %scan3A_464 = arith.constant 0 : i32
        scf.yield %scan3A_464 : i32
      }
      %scan3A_355 = arith.constant 10 : i32
      %scan3A_356 = arith.constant 1 : i32
      %scan3A_357 = arith.constant 0 : i32
      %scan3A_358 = arith.constant 0 : i32
      %scan3A_359 = arith.constant 10 : i32
      %scan3A_360 = arith.addi %scan3A_358, %scan3A_359 : i32
      %scan3A_361 = arith.constant 1 : i32
      %scan3A_362 = scf.for %scan3A_389 = %scan3A_358 to %scan3A_360 step %scan3A_361 iter_args(%scan3A_390 = %scan3A_357) -> (i32)  : i32 {
        %mul3A_391 = arith.constant 16 : i32
        %mul3A_392 = arith.muli %scan3A_389, %mul3A_391 : i32
        %get3A = arith.index_cast %mul3A_392 : i32 to index
        %get3A_393 = tpu.vector_load %arg15[%get3A] {strides = array<i32>} : memref<160xf32, #tpu.memory_space<vmem>>, vector<16xf32>,
        %mul3A_394 = arith.constant 4 : i32
        %mul3A_395 = arith.muli %scan3A_389, %mul3A_394 : i32
        %add3A_396 = arith.constant 0 : i32
        %add3A_397 = arith.addi %mul3A_395, %add3A_396 : i32
        %slice3A = vector.extract_strided_slice %get3A_393 {offsets = [0], sizes = [1], strides = [1]} : vector<16xf32> to vector<1xf32>
        %squeeze3A = vector.extract %slice3A[0] : f32 from vector<1xf32>
        %get3A_398 = arith.constant 0 : i32
        %get3A_399 = arith.constant 0 : i32
        %get3A_400 = tpu.memref_slice %arg12[%scan3A_356, %get3A_398, %get3A_399] : memref<2x40x128xf32, #tpu.memory_space<vmem>> -> memref<1x40x128xf32, #tpu.memory_space<vmem>>
        %get3A_401 = tpu.memref_squeeze %get3A_400 : memref<1x40x128xf32, #tpu.memory_space<vmem>> -> memref<40x128xf32, #tpu.memory_space<vmem>>
        %get3A_402 = arith.index_cast %add3A_397 : i32 to index
        %get3A_403 = arith.constant 0 : index
        %get3A_404 = tpu.vector_load %get3A_401[%get3A_402, %get3A_403] {strides = array<i32>} : memref<40x128xf32, #tpu.memory_space<vmem>>, vector<16xf32>,
        %mul3A_405 = vector.broadcast %squeeze3A : f32 to vector<16xf32>
        %mul3A_406 = arith.mulf %get3A_404, %mul3A_405 : vector<16xf32>
        %swap3A = arith.constant 0 : i32
        %swap3A_407 = arith.constant 0 : i32
        %swap3A_408 = tpu.memref_slice %arg12[%scan3A_356, %swap3A, %swap3A_407] : memref<2x40x128xf32, #tpu.memory_space<vmem>> -> memref<1x40x128xf32, #tpu.memory_space<vmem>>
        %swap3A_409 = tpu.memref_squeeze %swap3A_408 : memref<1x40x128xf32, #tpu.memory_space<vmem>> -> memref<40x128xf32, #tpu.memory_space<vmem>>
        %swap3A_410 = arith.index_cast %add3A_397 : i32 to index
        %swap3A_411 = arith.constant 0 : index
        %swap3A_412 = tpu.vector_load %swap3A_409[%swap3A_410, %swap3A_411] {strides = array<i32>} : memref<40x128xf32, #tpu.memory_space<vmem>>, vector<16xf32>,
        tpu.vector_store %swap3A_409[%swap3A_410, %swap3A_411], %mul3A_406 {strides = array<i32>} : memref<40x128xf32, #tpu.memory_space<vmem>>, vector<16xf32>,
        %get3A_413 = arith.constant 0 : i32
        %get3A_414 = arith.constant 0 : i32
        %get3A_415 = tpu.memref_slice %arg12[%scan3A_356, %get3A_413, %get3A_414] : memref<2x40x128xf32, #tpu.memory_space<vmem>> -> memref<1x40x128xf32, #tpu.memory_space<vmem>>
        %get3A_416 = tpu.memref_squeeze %get3A_415 : memref<1x40x128xf32, #tpu.memory_space<vmem>> -> memref<40x128xf32, #tpu.memory_space<vmem>>
        %get3A_417 = arith.index_cast %add3A_397 : i32 to index
        %get3A_418 = arith.constant 16 : index
        %get3A_419 = tpu.vector_load %get3A_416[%get3A_417, %get3A_418] {strides = array<i32>} : memref<40x128xf32, #tpu.memory_space<vmem>>, vector<16xf32>,
        %mul3A_420 = vector.broadcast %squeeze3A : f32 to vector<16xf32>
        %mul3A_421 = arith.mulf %get3A_419, %mul3A_420 : vector<16xf32>
        %swap3A_422 = arith.constant 0 : i32
        %swap3A_423 = arith.constant 0 : i32
        %swap3A_424 = tpu.memref_slice %arg12[%scan3A_356, %swap3A_422, %swap3A_423] : memref<2x40x128xf32, #tpu.memory_space<vmem>> -> memref<1x40x128xf32, #tpu.memory_space<vmem>>
        %swap3A_425 = tpu.memref_squeeze %swap3A_424 : memref<1x40x128xf32, #tpu.memory_space<vmem>> -> memref<40x128xf32, #tpu.memory_space<vmem>>
        %swap3A_426 = arith.index_cast %add3A_397 : i32 to index
        %swap3A_427 = arith.constant 16 : index
        %swap3A_428 = tpu.vector_load %swap3A_425[%swap3A_426, %swap3A_427] {strides = array<i32>} : memref<40x128xf32, #tpu.memory_space<vmem>>, vector<16xf32>,
        tpu.vector_store %swap3A_425[%swap3A_426, %swap3A_427], %mul3A_421 {strides = array<i32>} : memref<40x128xf32, #tpu.memory_space<vmem>>, vector<16xf32>,
        %slice3A_429 = vector.extract_strided_slice %get3A_393 {offsets = [1], sizes = [1], strides = [1]} : vector<16xf32> to vector<1xf32>
        %squeeze3A_430 = vector.extract %slice3A_429[0] : f32 from vector<1xf32>
        %get3A_431 = arith.constant 0 : i32
        %get3A_432 = arith.constant 0 : i32
        %get3A_433 = tpu.memref_slice %arg12[%scan3A_356, %get3A_431, %get3A_432] : memref<2x40x128xf32, #tpu.memory_space<vmem>> -> memref<1x40x128xf32, #tpu.memory_space<vmem>>
        %get3A_434 = tpu.memref_squeeze %get3A_433 : memref<1x40x128xf32, #tpu.memory_space<vmem>> -> memref<40x128xf32, #tpu.memory_space<vmem>>
        %get3A_435 = arith.index_cast %add3A_397 : i32 to index
        %get3A_436 = arith.constant 32 : index
        %get3A_437 = tpu.vector_load %get3A_434[%get3A_435, %get3A_436] {strides = array<i32>} : memref<40x128xf32, #tpu.memory_space<vmem>>, vector<16xf32>,
        %mul3A_438 = vector.broadcast %squeeze3A_430 : f32 to vector<16xf32>
        %mul3A_439 = arith.mulf %get3A_437, %mul3A_438 : vector<16xf32>
        %swap3A_440 = arith.constant 0 : i32
        %swap3A_441 = arith.constant 0 : i32
        %swap3A_442 = tpu.memref_slice %arg12[%scan3A_356, %swap3A_440, %swap3A_441] : memref<2x40x128xf32, #tpu.memory_space<vmem>> -> memref<1x40x128xf32, #tpu.memory_space<vmem>>
        %swap3A_443 = tpu.memref_squeeze %swap3A_442 : memref<1x40x128xf32, #tpu.memory_space<vmem>> -> memref<40x128xf32, #tpu.memory_space<vmem>>
        %swap3A_444 = arith.index_cast %add3A_397 : i32 to index
        %swap3A_445 = arith.constant 32 : index
        %swap3A_446 = tpu.vector_load %swap3A_443[%swap3A_444, %swap3A_445] {strides = array<i32>} : memref<40x128xf32, #tpu.memory_space<vmem>>, vector<16xf32>,
        tpu.vector_store %swap3A_443[%swap3A_444, %swap3A_445], %mul3A_439 {strides = array<i32>} : memref<40x128xf32, #tpu.memory_space<vmem>>, vector<16xf32>,
        %get3A_447 = arith.constant 0 : i32
        %get3A_448 = arith.constant 0 : i32
        %get3A_449 = tpu.memref_slice %arg12[%scan3A_356, %get3A_447, %get3A_448] : memref<2x40x128xf32, #tpu.memory_space<vmem>> -> memref<1x40x128xf32, #tpu.memory_space<vmem>>
        %get3A_450 = tpu.memref_squeeze %get3A_449 : memref<1x40x128xf32, #tpu.memory_space<vmem>> -> memref<40x128xf32, #tpu.memory_space<vmem>>
        %get3A_451 = arith.index_cast %add3A_397 : i32 to index
        %get3A_452 = arith.constant 48 : index
        %get3A_453 = tpu.vector_load %get3A_450[%get3A_451, %get3A_452] {strides = array<i32>} : memref<40x128xf32, #tpu.memory_space<vmem>>, vector<16xf32>,
        %mul3A_454 = vector.broadcast %squeeze3A_430 : f32 to vector<16xf32>
        %mul3A_455 = arith.mulf %get3A_453, %mul3A_454 : vector<16xf32>
        %swap3A_456 = arith.constant 0 : i32
        %swap3A_457 = arith.constant 0 : i32
        %swap3A_458 = tpu.memref_slice %arg12[%scan3A_356, %swap3A_456, %swap3A_457] : memref<2x40x128xf32, #tpu.memory_space<vmem>> -> memref<1x40x128xf32, #tpu.memory_space<vmem>>
        %swap3A_459 = tpu.memref_squeeze %swap3A_458 : memref<1x40x128xf32, #tpu.memory_space<vmem>> -> memref<40x128xf32, #tpu.memory_space<vmem>>
        %swap3A_460 = arith.index_cast %add3A_397 : i32 to index
        %swap3A_461 = arith.constant 48 : index
        %swap3A_462 = tpu.vector_load %swap3A_459[%swap3A_460, %swap3A_461] {strides = array<i32>} : memref<40x128xf32, #tpu.memory_space<vmem>>, vector<16xf32>,
        tpu.vector_store %swap3A_459[%swap3A_460, %swap3A_461], %mul3A_455 {strides = array<i32>} : memref<40x128xf32, #tpu.memory_space<vmem>>, vector<16xf32>,
        %slice3A_463 = vector.extract_strided_slice %get3A_393 {offsets = [2], sizes = [1], strides = [1]} : vector<16xf32> to vector<1xf32>
        %squeeze3A_464 = vector.extract %slice3A_463[0] : f32 from vector<1xf32>
        %get3A_465 = arith.constant 0 : i32
        %get3A_466 = arith.constant 0 : i32
        %get3A_467 = tpu.memref_slice %arg12[%scan3A_356, %get3A_465, %get3A_466] : memref<2x40x128xf32, #tpu.memory_space<vmem>> -> memref<1x40x128xf32, #tpu.memory_space<vmem>>
        %get3A_468 = tpu.memref_squeeze %get3A_467 : memref<1x40x128xf32, #tpu.memory_space<vmem>> -> memref<40x128xf32, #tpu.memory_space<vmem>>
        %get3A_469 = arith.index_cast %add3A_397 : i32 to index
        %get3A_470 = arith.constant 64 : index
        %get3A_471 = tpu.vector_load %get3A_468[%get3A_469, %get3A_470] {strides = array<i32>} : memref<40x128xf32, #tpu.memory_space<vmem>>, vector<16xf32>,
        %mul3A_472 = vector.broadcast %squeeze3A_464 : f32 to vector<16xf32>
        %mul3A_473 = arith.mulf %get3A_471, %mul3A_472 : vector<16xf32>
        %swap3A_474 = arith.constant 0 : i32
        %swap3A_475 = arith.constant 0 : i32
        %swap3A_476 = tpu.memref_slice %arg12[%scan3A_356, %swap3A_474, %swap3A_475] : memref<2x40x128xf32, #tpu.memory_space<vmem>> -> memref<1x40x128xf32, #tpu.memory_space<vmem>>
        %swap3A_477 = tpu.memref_squeeze %swap3A_476 : memref<1x40x128xf32, #tpu.memory_space<vmem>> -> memref<40x128xf32, #tpu.memory_space<vmem>>
        %swap3A_478 = arith.index_cast %add3A_397 : i32 to index
        %swap3A_479 = arith.constant 64 : index
        %swap3A_480 = tpu.vector_load %swap3A_477[%swap3A_478, %swap3A_479] {strides = array<i32>} : memref<40x128xf32, #tpu.memory_space<vmem>>, vector<16xf32>,
        tpu.vector_store %swap3A_477[%swap3A_478, %swap3A_479], %mul3A_473 {strides = array<i32>} : memref<40x128xf32, #tpu.memory_space<vmem>>, vector<16xf32>,
        %get3A_481 = arith.constant 0 : i32
        %get3A_482 = arith.constant 0 : i32
        %get3A_483 = tpu.memref_slice %arg12[%scan3A_356, %get3A_481, %get3A_482] : memref<2x40x128xf32, #tpu.memory_space<vmem>> -> memref<1x40x128xf32, #tpu.memory_space<vmem>>
        %get3A_484 = tpu.memref_squeeze %get3A_483 : memref<1x40x128xf32, #tpu.memory_space<vmem>> -> memref<40x128xf32, #tpu.memory_space<vmem>>
        %get3A_485 = arith.index_cast %add3A_397 : i32 to index
        %get3A_486 = arith.constant 80 : index
        %get3A_487 = tpu.vector_load %get3A_484[%get3A_485, %get3A_486] {strides = array<i32>} : memref<40x128xf32, #tpu.memory_space<vmem>>, vector<16xf32>,
        %mul3A_488 = vector.broadcast %squeeze3A_464 : f32 to vector<16xf32>
        %mul3A_489 = arith.mulf %get3A_487, %mul3A_488 : vector<16xf32>
        %swap3A_490 = arith.constant 0 : i32
        %swap3A_491 = arith.constant 0 : i32
        %swap3A_492 = tpu.memref_slice %arg12[%scan3A_356, %swap3A_490, %swap3A_491] : memref<2x40x128xf32, #tpu.memory_space<vmem>> -> memref<1x40x128xf32, #tpu.memory_space<vmem>>
        %swap3A_493 = tpu.memref_squeeze %swap3A_492 : memref<1x40x128xf32, #tpu.memory_space<vmem>> -> memref<40x128xf32, #tpu.memory_space<vmem>>
        %swap3A_494 = arith.index_cast %add3A_397 : i32 to index
        %swap3A_495 = arith.constant 80 : index
        %swap3A_496 = tpu.vector_load %swap3A_493[%swap3A_494, %swap3A_495] {strides = array<i32>} : memref<40x128xf32, #tpu.memory_space<vmem>>, vector<16xf32>,
        tpu.vector_store %swap3A_493[%swap3A_494, %swap3A_495], %mul3A_489 {strides = array<i32>} : memref<40x128xf32, #tpu.memory_space<vmem>>, vector<16xf32>,
        %slice3A_497 = vector.extract_strided_slice %get3A_393 {offsets = [3], sizes = [1], strides = [1]} : vector<16xf32> to vector<1xf32>
        %squeeze3A_498 = vector.extract %slice3A_497[0] : f32 from vector<1xf32>
        %get3A_499 = arith.constant 0 : i32
        %get3A_500 = arith.constant 0 : i32
        %get3A_501 = tpu.memref_slice %arg12[%scan3A_356, %get3A_499, %get3A_500] : memref<2x40x128xf32, #tpu.memory_space<vmem>> -> memref<1x40x128xf32, #tpu.memory_space<vmem>>
        %get3A_502 = tpu.memref_squeeze %get3A_501 : memref<1x40x128xf32, #tpu.memory_space<vmem>> -> memref<40x128xf32, #tpu.memory_space<vmem>>
        %get3A_503 = arith.index_cast %add3A_397 : i32 to index
        %get3A_504 = arith.constant 96 : index
        %get3A_505 = tpu.vector_load %get3A_502[%get3A_503, %get3A_504] {strides = array<i32>} : memref<40x128xf32, #tpu.memory_space<vmem>>, vector<16xf32>,
        %mul3A_506 = vector.broadcast %squeeze3A_498 : f32 to vector<16xf32>
        %mul3A_507 = arith.mulf %get3A_505, %mul3A_506 : vector<16xf32>
        %swap3A_508 = arith.constant 0 : i32
        %swap3A_509 = arith.constant 0 : i32
        %swap3A_510 = tpu.memref_slice %arg12[%scan3A_356, %swap3A_508, %swap3A_509] : memref<2x40x128xf32, #tpu.memory_space<vmem>> -> memref<1x40x128xf32, #tpu.memory_space<vmem>>
        %swap3A_511 = tpu.memref_squeeze %swap3A_510 : memref<1x40x128xf32, #tpu.memory_space<vmem>> -> memref<40x128xf32, #tpu.memory_space<vmem>>
        %swap3A_512 = arith.index_cast %add3A_397 : i32 to index
        %swap3A_513 = arith.constant 96 : index
        %swap3A_514 = tpu.vector_load %swap3A_511[%swap3A_512, %swap3A_513] {strides = array<i32>} : memref<40x128xf32, #tpu.memory_space<vmem>>, vector<16xf32>,
        tpu.vector_store %swap3A_511[%swap3A_512, %swap3A_513], %mul3A_507 {strides = array<i32>} : memref<40x128xf32, #tpu.memory_space<vmem>>, vector<16xf32>,
        %get3A_515 = arith.constant 0 : i32
        %get3A_516 = arith.constant 0 : i32
        %get3A_517 = tpu.memref_slice %arg12[%scan3A_356, %get3A_515, %get3A_516] : memref<2x40x128xf32, #tpu.memory_space<vmem>> -> memref<1x40x128xf32, #tpu.memory_space<vmem>>
        %get3A_518 = tpu.memref_squeeze %get3A_517 : memref<1x40x128xf32, #tpu.memory_space<vmem>> -> memref<40x128xf32, #tpu.memory_space<vmem>>
        %get3A_519 = arith.index_cast %add3A_397 : i32 to index
        %get3A_520 = arith.constant 112 : index
        %get3A_521 = tpu.vector_load %get3A_518[%get3A_519, %get3A_520] {strides = array<i32>} : memref<40x128xf32, #tpu.memory_space<vmem>>, vector<16xf32>,
        %mul3A_522 = vector.broadcast %squeeze3A_498 : f32 to vector<16xf32>
        %mul3A_523 = arith.mulf %get3A_521, %mul3A_522 : vector<16xf32>
        %swap3A_524 = arith.constant 0 : i32
        %swap3A_525 = arith.constant 0 : i32
        %swap3A_526 = tpu.memref_slice %arg12[%scan3A_356, %swap3A_524, %swap3A_525] : memref<2x40x128xf32, #tpu.memory_space<vmem>> -> memref<1x40x128xf32, #tpu.memory_space<vmem>>
        %swap3A_527 = tpu.memref_squeeze %swap3A_526 : memref<1x40x128xf32, #tpu.memory_space<vmem>> -> memref<40x128xf32, #tpu.memory_space<vmem>>
        %swap3A_528 = arith.index_cast %add3A_397 : i32 to index
        %swap3A_529 = arith.constant 112 : index
        %swap3A_530 = tpu.vector_load %swap3A_527[%swap3A_528, %swap3A_529] {strides = array<i32>} : memref<40x128xf32, #tpu.memory_space<vmem>>, vector<16xf32>,
        tpu.vector_store %swap3A_527[%swap3A_528, %swap3A_529], %mul3A_523 {strides = array<i32>} : memref<40x128xf32, #tpu.memory_space<vmem>>, vector<16xf32>,
        %mul3A_531 = arith.constant 4 : i32
        %mul3A_532 = arith.muli %scan3A_389, %mul3A_531 : i32
        %add3A_533 = arith.constant 1 : i32
        %add3A_534 = arith.addi %mul3A_532, %add3A_533 : i32
        %slice3A_535 = vector.extract_strided_slice %get3A_393 {offsets = [4], sizes = [1], strides = [1]} : vector<16xf32> to vector<1xf32>
        %squeeze3A_536 = vector.extract %slice3A_535[0] : f32 from vector<1xf32>
        %get3A_537 = arith.constant 0 : i32
        %get3A_538 = arith.constant 0 : i32
        %get3A_539 = tpu.memref_slice %arg12[%scan3A_356, %get3A_537, %get3A_538] : memref<2x40x128xf32, #tpu.memory_space<vmem>> -> memref<1x40x128xf32, #tpu.memory_space<vmem>>
        %get3A_540 = tpu.memref_squeeze %get3A_539 : memref<1x40x128xf32, #tpu.memory_space<vmem>> -> memref<40x128xf32, #tpu.memory_space<vmem>>
        %get3A_541 = arith.index_cast %add3A_534 : i32 to index
        %get3A_542 = arith.constant 0 : index
        %get3A_543 = tpu.vector_load %get3A_540[%get3A_541, %get3A_542] {strides = array<i32>} : memref<40x128xf32, #tpu.memory_space<vmem>>, vector<16xf32>,
        %mul3A_544 = vector.broadcast %squeeze3A_536 : f32 to vector<16xf32>
        %mul3A_545 = arith.mulf %get3A_543, %mul3A_544 : vector<16xf32>
        %swap3A_546 = arith.constant 0 : i32
        %swap3A_547 = arith.constant 0 : i32
        %swap3A_548 = tpu.memref_slice %arg12[%scan3A_356, %swap3A_546, %swap3A_547] : memref<2x40x128xf32, #tpu.memory_space<vmem>> -> memref<1x40x128xf32, #tpu.memory_space<vmem>>
        %swap3A_549 = tpu.memref_squeeze %swap3A_548 : memref<1x40x128xf32, #tpu.memory_space<vmem>> -> memref<40x128xf32, #tpu.memory_space<vmem>>
        %swap3A_550 = arith.index_cast %add3A_534 : i32 to index
        %swap3A_551 = arith.constant 0 : index
        %swap3A_552 = tpu.vector_load %swap3A_549[%swap3A_550, %swap3A_551] {strides = array<i32>} : memref<40x128xf32, #tpu.memory_space<vmem>>, vector<16xf32>,
        tpu.vector_store %swap3A_549[%swap3A_550, %swap3A_551], %mul3A_545 {strides = array<i32>} : memref<40x128xf32, #tpu.memory_space<vmem>>, vector<16xf32>,
        %get3A_553 = arith.constant 0 : i32
        %get3A_554 = arith.constant 0 : i32
        %get3A_555 = tpu.memref_slice %arg12[%scan3A_356, %get3A_553, %get3A_554] : memref<2x40x128xf32, #tpu.memory_space<vmem>> -> memref<1x40x128xf32, #tpu.memory_space<vmem>>
        %get3A_556 = tpu.memref_squeeze %get3A_555 : memref<1x40x128xf32, #tpu.memory_space<vmem>> -> memref<40x128xf32, #tpu.memory_space<vmem>>
        %get3A_557 = arith.index_cast %add3A_534 : i32 to index
        %get3A_558 = arith.constant 16 : index
        %get3A_559 = tpu.vector_load %get3A_556[%get3A_557, %get3A_558] {strides = array<i32>} : memref<40x128xf32, #tpu.memory_space<vmem>>, vector<16xf32>,
        %mul3A_560 = vector.broadcast %squeeze3A_536 : f32 to vector<16xf32>
        %mul3A_561 = arith.mulf %get3A_559, %mul3A_560 : vector<16xf32>
        %swap3A_562 = arith.constant 0 : i32
        %swap3A_563 = arith.constant 0 : i32
        %swap3A_564 = tpu.memref_slice %arg12[%scan3A_356, %swap3A_562, %swap3A_563] : memref<2x40x128xf32, #tpu.memory_space<vmem>> -> memref<1x40x128xf32, #tpu.memory_space<vmem>>
        %swap3A_565 = tpu.memref_squeeze %swap3A_564 : memref<1x40x128xf32, #tpu.memory_space<vmem>> -> memref<40x128xf32, #tpu.memory_space<vmem>>
        %swap3A_566 = arith.index_cast %add3A_534 : i32 to index
        %swap3A_567 = arith.constant 16 : index
        %swap3A_568 = tpu.vector_load %swap3A_565[%swap3A_566, %swap3A_567] {strides = array<i32>} : memref<40x128xf32, #tpu.memory_space<vmem>>, vector<16xf32>,
        tpu.vector_store %swap3A_565[%swap3A_566, %swap3A_567], %mul3A_561 {strides = array<i32>} : memref<40x128xf32, #tpu.memory_space<vmem>>, vector<16xf32>,
        %slice3A_569 = vector.extract_strided_slice %get3A_393 {offsets = [5], sizes = [1], strides = [1]} : vector<16xf32> to vector<1xf32>
        %squeeze3A_570 = vector.extract %slice3A_569[0] : f32 from vector<1xf32>
        %get3A_571 = arith.constant 0 : i32
        %get3A_572 = arith.constant 0 : i32
        %get3A_573 = tpu.memref_slice %arg12[%scan3A_356, %get3A_571, %get3A_572] : memref<2x40x128xf32, #tpu.memory_space<vmem>> -> memref<1x40x128xf32, #tpu.memory_space<vmem>>
        %get3A_574 = tpu.memref_squeeze %get3A_573 : memref<1x40x128xf32, #tpu.memory_space<vmem>> -> memref<40x128xf32, #tpu.memory_space<vmem>>
        %get3A_575 = arith.index_cast %add3A_534 : i32 to index
        %get3A_576 = arith.constant 32 : index
        %get3A_577 = tpu.vector_load %get3A_574[%get3A_575, %get3A_576] {strides = array<i32>} : memref<40x128xf32, #tpu.memory_space<vmem>>, vector<16xf32>,
        %mul3A_578 = vector.broadcast %squeeze3A_570 : f32 to vector<16xf32>
        %mul3A_579 = arith.mulf %get3A_577, %mul3A_578 : vector<16xf32>
        %swap3A_580 = arith.constant 0 : i32
        %swap3A_581 = arith.constant 0 : i32
        %swap3A_582 = tpu.memref_slice %arg12[%scan3A_356, %swap3A_580, %swap3A_581] : memref<2x40x128xf32, #tpu.memory_space<vmem>> -> memref<1x40x128xf32, #tpu.memory_space<vmem>>
        %swap3A_583 = tpu.memref_squeeze %swap3A_582 : memref<1x40x128xf32, #tpu.memory_space<vmem>> -> memref<40x128xf32, #tpu.memory_space<vmem>>
        %swap3A_584 = arith.index_cast %add3A_534 : i32 to index
        %swap3A_585 = arith.constant 32 : index
        %swap3A_586 = tpu.vector_load %swap3A_583[%swap3A_584, %swap3A_585] {strides = array<i32>} : memref<40x128xf32, #tpu.memory_space<vmem>>, vector<16xf32>,
        tpu.vector_store %swap3A_583[%swap3A_584, %swap3A_585], %mul3A_579 {strides = array<i32>} : memref<40x128xf32, #tpu.memory_space<vmem>>, vector<16xf32>,
        %get3A_587 = arith.constant 0 : i32
        %get3A_588 = arith.constant 0 : i32
        %get3A_589 = tpu.memref_slice %arg12[%scan3A_356, %get3A_587, %get3A_588] : memref<2x40x128xf32, #tpu.memory_space<vmem>> -> memref<1x40x128xf32, #tpu.memory_space<vmem>>
        %get3A_590 = tpu.memref_squeeze %get3A_589 : memref<1x40x128xf32, #tpu.memory_space<vmem>> -> memref<40x128xf32, #tpu.memory_space<vmem>>
        %get3A_591 = arith.index_cast %add3A_534 : i32 to index
        %get3A_592 = arith.constant 48 : index
        %get3A_593 = tpu.vector_load %get3A_590[%get3A_591, %get3A_592] {strides = array<i32>} : memref<40x128xf32, #tpu.memory_space<vmem>>, vector<16xf32>,
        %mul3A_594 = vector.broadcast %squeeze3A_570 : f32 to vector<16xf32>
        %mul3A_595 = arith.mulf %get3A_593, %mul3A_594 : vector<16xf32>
        %swap3A_596 = arith.constant 0 : i32
        %swap3A_597 = arith.constant 0 : i32
        %swap3A_598 = tpu.memref_slice %arg12[%scan3A_356, %swap3A_596, %swap3A_597] : memref<2x40x128xf32, #tpu.memory_space<vmem>> -> memref<1x40x128xf32, #tpu.memory_space<vmem>>
        %swap3A_599 = tpu.memref_squeeze %swap3A_598 : memref<1x40x128xf32, #tpu.memory_space<vmem>> -> memref<40x128xf32, #tpu.memory_space<vmem>>
        %swap3A_600 = arith.index_cast %add3A_534 : i32 to index
        %swap3A_601 = arith.constant 48 : index
        %swap3A_602 = tpu.vector_load %swap3A_599[%swap3A_600, %swap3A_601] {strides = array<i32>} : memref<40x128xf32, #tpu.memory_space<vmem>>, vector<16xf32>,
        tpu.vector_store %swap3A_599[%swap3A_600, %swap3A_601], %mul3A_595 {strides = array<i32>} : memref<40x128xf32, #tpu.memory_space<vmem>>, vector<16xf32>,
        %slice3A_603 = vector.extract_strided_slice %get3A_393 {offsets = [6], sizes = [1], strides = [1]} : vector<16xf32> to vector<1xf32>
        %squeeze3A_604 = vector.extract %slice3A_603[0] : f32 from vector<1xf32>
        %get3A_605 = arith.constant 0 : i32
        %get3A_606 = arith.constant 0 : i32
        %get3A_607 = tpu.memref_slice %arg12[%scan3A_356, %get3A_605, %get3A_606] : memref<2x40x128xf32, #tpu.memory_space<vmem>> -> memref<1x40x128xf32, #tpu.memory_space<vmem>>
        %get3A_608 = tpu.memref_squeeze %get3A_607 : memref<1x40x128xf32, #tpu.memory_space<vmem>> -> memref<40x128xf32, #tpu.memory_space<vmem>>
        %get3A_609 = arith.index_cast %add3A_534 : i32 to index
        %get3A_610 = arith.constant 64 : index
        %get3A_611 = tpu.vector_load %get3A_608[%get3A_609, %get3A_610] {strides = array<i32>} : memref<40x128xf32, #tpu.memory_space<vmem>>, vector<16xf32>,
        %mul3A_612 = vector.broadcast %squeeze3A_604 : f32 to vector<16xf32>
        %mul3A_613 = arith.mulf %get3A_611, %mul3A_612 : vector<16xf32>
        %swap3A_614 = arith.constant 0 : i32
        %swap3A_615 = arith.constant 0 : i32
        %swap3A_616 = tpu.memref_slice %arg12[%scan3A_356, %swap3A_614, %swap3A_615] : memref<2x40x128xf32, #tpu.memory_space<vmem>> -> memref<1x40x128xf32, #tpu.memory_space<vmem>>
        %swap3A_617 = tpu.memref_squeeze %swap3A_616 : memref<1x40x128xf32, #tpu.memory_space<vmem>> -> memref<40x128xf32, #tpu.memory_space<vmem>>
        %swap3A_618 = arith.index_cast %add3A_534 : i32 to index
        %swap3A_619 = arith.constant 64 : index
        %swap3A_620 = tpu.vector_load %swap3A_617[%swap3A_618, %swap3A_619] {strides = array<i32>} : memref<40x128xf32, #tpu.memory_space<vmem>>, vector<16xf32>,
        tpu.vector_store %swap3A_617[%swap3A_618, %swap3A_619], %mul3A_613 {strides = array<i32>} : memref<40x128xf32, #tpu.memory_space<vmem>>, vector<16xf32>,
        %get3A_621 = arith.constant 0 : i32
        %get3A_622 = arith.constant 0 : i32
        %get3A_623 = tpu.memref_slice %arg12[%scan3A_356, %get3A_621, %get3A_622] : memref<2x40x128xf32, #tpu.memory_space<vmem>> -> memref<1x40x128xf32, #tpu.memory_space<vmem>>
        %get3A_624 = tpu.memref_squeeze %get3A_623 : memref<1x40x128xf32, #tpu.memory_space<vmem>> -> memref<40x128xf32, #tpu.memory_space<vmem>>
        %get3A_625 = arith.index_cast %add3A_534 : i32 to index
        %get3A_626 = arith.constant 80 : index
        %get3A_627 = tpu.vector_load %get3A_624[%get3A_625, %get3A_626] {strides = array<i32>} : memref<40x128xf32, #tpu.memory_space<vmem>>, vector<16xf32>,
        %mul3A_628 = vector.broadcast %squeeze3A_604 : f32 to vector<16xf32>
        %mul3A_629 = arith.mulf %get3A_627, %mul3A_628 : vector<16xf32>
        %swap3A_630 = arith.constant 0 : i32
        %swap3A_631 = arith.constant 0 : i32
        %swap3A_632 = tpu.memref_slice %arg12[%scan3A_356, %swap3A_630, %swap3A_631] : memref<2x40x128xf32, #tpu.memory_space<vmem>> -> memref<1x40x128xf32, #tpu.memory_space<vmem>>
        %swap3A_633 = tpu.memref_squeeze %swap3A_632 : memref<1x40x128xf32, #tpu.memory_space<vmem>> -> memref<40x128xf32, #tpu.memory_space<vmem>>
        %swap3A_634 = arith.index_cast %add3A_534 : i32 to index
        %swap3A_635 = arith.constant 80 : index
        %swap3A_636 = tpu.vector_load %swap3A_633[%swap3A_634, %swap3A_635] {strides = array<i32>} : memref<40x128xf32, #tpu.memory_space<vmem>>, vector<16xf32>,
        tpu.vector_store %swap3A_633[%swap3A_634, %swap3A_635], %mul3A_629 {strides = array<i32>} : memref<40x128xf32, #tpu.memory_space<vmem>>, vector<16xf32>,
        %slice3A_637 = vector.extract_strided_slice %get3A_393 {offsets = [7], sizes = [1], strides = [1]} : vector<16xf32> to vector<1xf32>
        %squeeze3A_638 = vector.extract %slice3A_637[0] : f32 from vector<1xf32>
        %get3A_639 = arith.constant 0 : i32
        %get3A_640 = arith.constant 0 : i32
        %get3A_641 = tpu.memref_slice %arg12[%scan3A_356, %get3A_639, %get3A_640] : memref<2x40x128xf32, #tpu.memory_space<vmem>> -> memref<1x40x128xf32, #tpu.memory_space<vmem>>
        %get3A_642 = tpu.memref_squeeze %get3A_641 : memref<1x40x128xf32, #tpu.memory_space<vmem>> -> memref<40x128xf32, #tpu.memory_space<vmem>>
        %get3A_643 = arith.index_cast %add3A_534 : i32 to index
        %get3A_644 = arith.constant 96 : index
        %get3A_645 = tpu.vector_load %get3A_642[%get3A_643, %get3A_644] {strides = array<i32>} : memref<40x128xf32, #tpu.memory_space<vmem>>, vector<16xf32>,
        %mul3A_646 = vector.broadcast %squeeze3A_638 : f32 to vector<16xf32>
        %mul3A_647 = arith.mulf %get3A_645, %mul3A_646 : vector<16xf32>
        %swap3A_648 = arith.constant 0 : i32
        %swap3A_649 = arith.constant 0 : i32
        %swap3A_650 = tpu.memref_slice %arg12[%scan3A_356, %swap3A_648, %swap3A_649] : memref<2x40x128xf32, #tpu.memory_space<vmem>> -> memref<1x40x128xf32, #tpu.memory_space<vmem>>
        %swap3A_651 = tpu.memref_squeeze %swap3A_650 : memref<1x40x128xf32, #tpu.memory_space<vmem>> -> memref<40x128xf32, #tpu.memory_space<vmem>>
        %swap3A_652 = arith.index_cast %add3A_534 : i32 to index
        %swap3A_653 = arith.constant 96 : index
        %swap3A_654 = tpu.vector_load %swap3A_651[%swap3A_652, %swap3A_653] {strides = array<i32>} : memref<40x128xf32, #tpu.memory_space<vmem>>, vector<16xf32>,
        tpu.vector_store %swap3A_651[%swap3A_652, %swap3A_653], %mul3A_647 {strides = array<i32>} : memref<40x128xf32, #tpu.memory_space<vmem>>, vector<16xf32>,
        %get3A_655 = arith.constant 0 : i32
        %get3A_656 = arith.constant 0 : i32
        %get3A_657 = tpu.memref_slice %arg12[%scan3A_356, %get3A_655, %get3A_656] : memref<2x40x128xf32, #tpu.memory_space<vmem>> -> memref<1x40x128xf32, #tpu.memory_space<vmem>>
        %get3A_658 = tpu.memref_squeeze %get3A_657 : memref<1x40x128xf32, #tpu.memory_space<vmem>> -> memref<40x128xf32, #tpu.memory_space<vmem>>
        %get3A_659 = arith.index_cast %add3A_534 : i32 to index
        %get3A_660 = arith.constant 112 : index
        %get3A_661 = tpu.vector_load %get3A_658[%get3A_659, %get3A_660] {strides = array<i32>} : memref<40x128xf32, #tpu.memory_space<vmem>>, vector<16xf32>,
        %mul3A_662 = vector.broadcast %squeeze3A_638 : f32 to vector<16xf32>
        %mul3A_663 = arith.mulf %get3A_661, %mul3A_662 : vector<16xf32>
        %swap3A_664 = arith.constant 0 : i32
        %swap3A_665 = arith.constant 0 : i32
        %swap3A_666 = tpu.memref_slice %arg12[%scan3A_356, %swap3A_664, %swap3A_665] : memref<2x40x128xf32, #tpu.memory_space<vmem>> -> memref<1x40x128xf32, #tpu.memory_space<vmem>>
        %swap3A_667 = tpu.memref_squeeze %swap3A_666 : memref<1x40x128xf32, #tpu.memory_space<vmem>> -> memref<40x128xf32, #tpu.memory_space<vmem>>
        %swap3A_668 = arith.index_cast %add3A_534 : i32 to index
        %swap3A_669 = arith.constant 112 : index
        %swap3A_670 = tpu.vector_load %swap3A_667[%swap3A_668, %swap3A_669] {strides = array<i32>} : memref<40x128xf32, #tpu.memory_space<vmem>>, vector<16xf32>,
        tpu.vector_store %swap3A_667[%swap3A_668, %swap3A_669], %mul3A_663 {strides = array<i32>} : memref<40x128xf32, #tpu.memory_space<vmem>>, vector<16xf32>,
        %mul3A_671 = arith.constant 4 : i32
        %mul3A_672 = arith.muli %scan3A_389, %mul3A_671 : i32
        %add3A_673 = arith.constant 2 : i32
        %add3A_674 = arith.addi %mul3A_672, %add3A_673 : i32
        %slice3A_675 = vector.extract_strided_slice %get3A_393 {offsets = [8], sizes = [1], strides = [1]} : vector<16xf32> to vector<1xf32>
        %squeeze3A_676 = vector.extract %slice3A_675[0] : f32 from vector<1xf32>
        %get3A_677 = arith.constant 0 : i32
        %get3A_678 = arith.constant 0 : i32
        %get3A_679 = tpu.memref_slice %arg12[%scan3A_356, %get3A_677, %get3A_678] : memref<2x40x128xf32, #tpu.memory_space<vmem>> -> memref<1x40x128xf32, #tpu.memory_space<vmem>>
        %get3A_680 = tpu.memref_squeeze %get3A_679 : memref<1x40x128xf32, #tpu.memory_space<vmem>> -> memref<40x128xf32, #tpu.memory_space<vmem>>
        %get3A_681 = arith.index_cast %add3A_674 : i32 to index
        %get3A_682 = arith.constant 0 : index
        %get3A_683 = tpu.vector_load %get3A_680[%get3A_681, %get3A_682] {strides = array<i32>} : memref<40x128xf32, #tpu.memory_space<vmem>>, vector<16xf32>,
        %mul3A_684 = vector.broadcast %squeeze3A_676 : f32 to vector<16xf32>
        %mul3A_685 = arith.mulf %get3A_683, %mul3A_684 : vector<16xf32>
        %swap3A_686 = arith.constant 0 : i32
        %swap3A_687 = arith.constant 0 : i32
        %swap3A_688 = tpu.memref_slice %arg12[%scan3A_356, %swap3A_686, %swap3A_687] : memref<2x40x128xf32, #tpu.memory_space<vmem>> -> memref<1x40x128xf32, #tpu.memory_space<vmem>>
        %swap3A_689 = tpu.memref_squeeze %swap3A_688 : memref<1x40x128xf32, #tpu.memory_space<vmem>> -> memref<40x128xf32, #tpu.memory_space<vmem>>
        %swap3A_690 = arith.index_cast %add3A_674 : i32 to index
        %swap3A_691 = arith.constant 0 : index
        %swap3A_692 = tpu.vector_load %swap3A_689[%swap3A_690, %swap3A_691] {strides = array<i32>} : memref<40x128xf32, #tpu.memory_space<vmem>>, vector<16xf32>,
        tpu.vector_store %swap3A_689[%swap3A_690, %swap3A_691], %mul3A_685 {strides = array<i32>} : memref<40x128xf32, #tpu.memory_space<vmem>>, vector<16xf32>,
        %get3A_693 = arith.constant 0 : i32
        %get3A_694 = arith.constant 0 : i32
        %get3A_695 = tpu.memref_slice %arg12[%scan3A_356, %get3A_693, %get3A_694] : memref<2x40x128xf32, #tpu.memory_space<vmem>> -> memref<1x40x128xf32, #tpu.memory_space<vmem>>
        %get3A_696 = tpu.memref_squeeze %get3A_695 : memref<1x40x128xf32, #tpu.memory_space<vmem>> -> memref<40x128xf32, #tpu.memory_space<vmem>>
        %get3A_697 = arith.index_cast %add3A_674 : i32 to index
        %get3A_698 = arith.constant 16 : index
        %get3A_699 = tpu.vector_load %get3A_696[%get3A_697, %get3A_698] {strides = array<i32>} : memref<40x128xf32, #tpu.memory_space<vmem>>, vector<16xf32>,
        %mul3A_700 = vector.broadcast %squeeze3A_676 : f32 to vector<16xf32>
        %mul3A_701 = arith.mulf %get3A_699, %mul3A_700 : vector<16xf32>
        %swap3A_702 = arith.constant 0 : i32
        %swap3A_703 = arith.constant 0 : i32
        %swap3A_704 = tpu.memref_slice %arg12[%scan3A_356, %swap3A_702, %swap3A_703] : memref<2x40x128xf32, #tpu.memory_space<vmem>> -> memref<1x40x128xf32, #tpu.memory_space<vmem>>
        %swap3A_705 = tpu.memref_squeeze %swap3A_704 : memref<1x40x128xf32, #tpu.memory_space<vmem>> -> memref<40x128xf32, #tpu.memory_space<vmem>>
        %swap3A_706 = arith.index_cast %add3A_674 : i32 to index
        %swap3A_707 = arith.constant 16 : index
        %swap3A_708 = tpu.vector_load %swap3A_705[%swap3A_706, %swap3A_707] {strides = array<i32>} : memref<40x128xf32, #tpu.memory_space<vmem>>, vector<16xf32>,
        tpu.vector_store %swap3A_705[%swap3A_706, %swap3A_707], %mul3A_701 {strides = array<i32>} : memref<40x128xf32, #tpu.memory_space<vmem>>, vector<16xf32>,
        %slice3A_709 = vector.extract_strided_slice %get3A_393 {offsets = [9], sizes = [1], strides = [1]} : vector<16xf32> to vector<1xf32>
        %squeeze3A_710 = vector.extract %slice3A_709[0] : f32 from vector<1xf32>
        %get3A_711 = arith.constant 0 : i32
        %get3A_712 = arith.constant 0 : i32
        %get3A_713 = tpu.memref_slice %arg12[%scan3A_356, %get3A_711, %get3A_712] : memref<2x40x128xf32, #tpu.memory_space<vmem>> -> memref<1x40x128xf32, #tpu.memory_space<vmem>>
        %get3A_714 = tpu.memref_squeeze %get3A_713 : memref<1x40x128xf32, #tpu.memory_space<vmem>> -> memref<40x128xf32, #tpu.memory_space<vmem>>
        %get3A_715 = arith.index_cast %add3A_674 : i32 to index
        %get3A_716 = arith.constant 32 : index
        %get3A_717 = tpu.vector_load %get3A_714[%get3A_715, %get3A_716] {strides = array<i32>} : memref<40x128xf32, #tpu.memory_space<vmem>>, vector<16xf32>,
        %mul3A_718 = vector.broadcast %squeeze3A_710 : f32 to vector<16xf32>
        %mul3A_719 = arith.mulf %get3A_717, %mul3A_718 : vector<16xf32>
        %swap3A_720 = arith.constant 0 : i32
        %swap3A_721 = arith.constant 0 : i32
        %swap3A_722 = tpu.memref_slice %arg12[%scan3A_356, %swap3A_720, %swap3A_721] : memref<2x40x128xf32, #tpu.memory_space<vmem>> -> memref<1x40x128xf32, #tpu.memory_space<vmem>>
        %swap3A_723 = tpu.memref_squeeze %swap3A_722 : memref<1x40x128xf32, #tpu.memory_space<vmem>> -> memref<40x128xf32, #tpu.memory_space<vmem>>
        %swap3A_724 = arith.index_cast %add3A_674 : i32 to index
        %swap3A_725 = arith.constant 32 : index
        %swap3A_726 = tpu.vector_load %swap3A_723[%swap3A_724, %swap3A_725] {strides = array<i32>} : memref<40x128xf32, #tpu.memory_space<vmem>>, vector<16xf32>,
        tpu.vector_store %swap3A_723[%swap3A_724, %swap3A_725], %mul3A_719 {strides = array<i32>} : memref<40x128xf32, #tpu.memory_space<vmem>>, vector<16xf32>,
        %get3A_727 = arith.constant 0 : i32
        %get3A_728 = arith.constant 0 : i32
        %get3A_729 = tpu.memref_slice %arg12[%scan3A_356, %get3A_727, %get3A_728] : memref<2x40x128xf32, #tpu.memory_space<vmem>> -> memref<1x40x128xf32, #tpu.memory_space<vmem>>
        %get3A_730 = tpu.memref_squeeze %get3A_729 : memref<1x40x128xf32, #tpu.memory_space<vmem>> -> memref<40x128xf32, #tpu.memory_space<vmem>>
        %get3A_731 = arith.index_cast %add3A_674 : i32 to index
        %get3A_732 = arith.constant 48 : index
        %get3A_733 = tpu.vector_load %get3A_730[%get3A_731, %get3A_732] {strides = array<i32>} : memref<40x128xf32, #tpu.memory_space<vmem>>, vector<16xf32>,
        %mul3A_734 = vector.broadcast %squeeze3A_710 : f32 to vector<16xf32>
        %mul3A_735 = arith.mulf %get3A_733, %mul3A_734 : vector<16xf32>
        %swap3A_736 = arith.constant 0 : i32
        %swap3A_737 = arith.constant 0 : i32
        %swap3A_738 = tpu.memref_slice %arg12[%scan3A_356, %swap3A_736, %swap3A_737] : memref<2x40x128xf32, #tpu.memory_space<vmem>> -> memref<1x40x128xf32, #tpu.memory_space<vmem>>
        %swap3A_739 = tpu.memref_squeeze %swap3A_738 : memref<1x40x128xf32, #tpu.memory_space<vmem>> -> memref<40x128xf32, #tpu.memory_space<vmem>>
        %swap3A_740 = arith.index_cast %add3A_674 : i32 to index
        %swap3A_741 = arith.constant 48 : index
        %swap3A_742 = tpu.vector_load %swap3A_739[%swap3A_740, %swap3A_741] {strides = array<i32>} : memref<40x128xf32, #tpu.memory_space<vmem>>, vector<16xf32>,
        tpu.vector_store %swap3A_739[%swap3A_740, %swap3A_741], %mul3A_735 {strides = array<i32>} : memref<40x128xf32, #tpu.memory_space<vmem>>, vector<16xf32>,
        %slice3A_743 = vector.extract_strided_slice %get3A_393 {offsets = [10], sizes = [1], strides = [1]} : vector<16xf32> to vector<1xf32>
        %squeeze3A_744 = vector.extract %slice3A_743[0] : f32 from vector<1xf32>
        %get3A_745 = arith.constant 0 : i32
        %get3A_746 = arith.constant 0 : i32
        %get3A_747 = tpu.memref_slice %arg12[%scan3A_356, %get3A_745, %get3A_746] : memref<2x40x128xf32, #tpu.memory_space<vmem>> -> memref<1x40x128xf32, #tpu.memory_space<vmem>>
        %get3A_748 = tpu.memref_squeeze %get3A_747 : memref<1x40x128xf32, #tpu.memory_space<vmem>> -> memref<40x128xf32, #tpu.memory_space<vmem>>
        %get3A_749 = arith.index_cast %add3A_674 : i32 to index
        %get3A_750 = arith.constant 64 : index
        %get3A_751 = tpu.vector_load %get3A_748[%get3A_749, %get3A_750] {strides = array<i32>} : memref<40x128xf32, #tpu.memory_space<vmem>>, vector<16xf32>,
        %mul3A_752 = vector.broadcast %squeeze3A_744 : f32 to vector<16xf32>
        %mul3A_753 = arith.mulf %get3A_751, %mul3A_752 : vector<16xf32>
        %swap3A_754 = arith.constant 0 : i32
        %swap3A_755 = arith.constant 0 : i32
        %swap3A_756 = tpu.memref_slice %arg12[%scan3A_356, %swap3A_754, %swap3A_755] : memref<2x40x128xf32, #tpu.memory_space<vmem>> -> memref<1x40x128xf32, #tpu.memory_space<vmem>>
        %swap3A_757 = tpu.memref_squeeze %swap3A_756 : memref<1x40x128xf32, #tpu.memory_space<vmem>> -> memref<40x128xf32, #tpu.memory_space<vmem>>
        %swap3A_758 = arith.index_cast %add3A_674 : i32 to index
        %swap3A_759 = arith.constant 64 : index
        %swap3A_760 = tpu.vector_load %swap3A_757[%swap3A_758, %swap3A_759] {strides = array<i32>} : memref<40x128xf32, #tpu.memory_space<vmem>>, vector<16xf32>,
        tpu.vector_store %swap3A_757[%swap3A_758, %swap3A_759], %mul3A_753 {strides = array<i32>} : memref<40x128xf32, #tpu.memory_space<vmem>>, vector<16xf32>,
        %get3A_761 = arith.constant 0 : i32
        %get3A_762 = arith.constant 0 : i32
        %get3A_763 = tpu.memref_slice %arg12[%scan3A_356, %get3A_761, %get3A_762] : memref<2x40x128xf32, #tpu.memory_space<vmem>> -> memref<1x40x128xf32, #tpu.memory_space<vmem>>
        %get3A_764 = tpu.memref_squeeze %get3A_763 : memref<1x40x128xf32, #tpu.memory_space<vmem>> -> memref<40x128xf32, #tpu.memory_space<vmem>>
        %get3A_765 = arith.index_cast %add3A_674 : i32 to index
        %get3A_766 = arith.constant 80 : index
        %get3A_767 = tpu.vector_load %get3A_764[%get3A_765, %get3A_766] {strides = array<i32>} : memref<40x128xf32, #tpu.memory_space<vmem>>, vector<16xf32>,
        %mul3A_768 = vector.broadcast %squeeze3A_744 : f32 to vector<16xf32>
        %mul3A_769 = arith.mulf %get3A_767, %mul3A_768 : vector<16xf32>
        %swap3A_770 = arith.constant 0 : i32
        %swap3A_771 = arith.constant 0 : i32
        %swap3A_772 = tpu.memref_slice %arg12[%scan3A_356, %swap3A_770, %swap3A_771] : memref<2x40x128xf32, #tpu.memory_space<vmem>> -> memref<1x40x128xf32, #tpu.memory_space<vmem>>
        %swap3A_773 = tpu.memref_squeeze %swap3A_772 : memref<1x40x128xf32, #tpu.memory_space<vmem>> -> memref<40x128xf32, #tpu.memory_space<vmem>>
        %swap3A_774 = arith.index_cast %add3A_674 : i32 to index
        %swap3A_775 = arith.constant 80 : index
        %swap3A_776 = tpu.vector_load %swap3A_773[%swap3A_774, %swap3A_775] {strides = array<i32>} : memref<40x128xf32, #tpu.memory_space<vmem>>, vector<16xf32>,
        tpu.vector_store %swap3A_773[%swap3A_774, %swap3A_775], %mul3A_769 {strides = array<i32>} : memref<40x128xf32, #tpu.memory_space<vmem>>, vector<16xf32>,
        %slice3A_777 = vector.extract_strided_slice %get3A_393 {offsets = [11], sizes = [1], strides = [1]} : vector<16xf32> to vector<1xf32>
        %squeeze3A_778 = vector.extract %slice3A_777[0] : f32 from vector<1xf32>
        %get3A_779 = arith.constant 0 : i32
        %get3A_780 = arith.constant 0 : i32
        %get3A_781 = tpu.memref_slice %arg12[%scan3A_356, %get3A_779, %get3A_780] : memref<2x40x128xf32, #tpu.memory_space<vmem>> -> memref<1x40x128xf32, #tpu.memory_space<vmem>>
        %get3A_782 = tpu.memref_squeeze %get3A_781 : memref<1x40x128xf32, #tpu.memory_space<vmem>> -> memref<40x128xf32, #tpu.memory_space<vmem>>
        %get3A_783 = arith.index_cast %add3A_674 : i32 to index
        %get3A_784 = arith.constant 96 : index
        %get3A_785 = tpu.vector_load %get3A_782[%get3A_783, %get3A_784] {strides = array<i32>} : memref<40x128xf32, #tpu.memory_space<vmem>>, vector<16xf32>,
        %mul3A_786 = vector.broadcast %squeeze3A_778 : f32 to vector<16xf32>
        %mul3A_787 = arith.mulf %get3A_785, %mul3A_786 : vector<16xf32>
        %swap3A_788 = arith.constant 0 : i32
        %swap3A_789 = arith.constant 0 : i32
        %swap3A_790 = tpu.memref_slice %arg12[%scan3A_356, %swap3A_788, %swap3A_789] : memref<2x40x128xf32, #tpu.memory_space<vmem>> -> memref<1x40x128xf32, #tpu.memory_space<vmem>>
        %swap3A_791 = tpu.memref_squeeze %swap3A_790 : memref<1x40x128xf32, #tpu.memory_space<vmem>> -> memref<40x128xf32, #tpu.memory_space<vmem>>
        %swap3A_792 = arith.index_cast %add3A_674 : i32 to index
        %swap3A_793 = arith.constant 96 : index
        %swap3A_794 = tpu.vector_load %swap3A_791[%swap3A_792, %swap3A_793] {strides = array<i32>} : memref<40x128xf32, #tpu.memory_space<vmem>>, vector<16xf32>,
        tpu.vector_store %swap3A_791[%swap3A_792, %swap3A_793], %mul3A_787 {strides = array<i32>} : memref<40x128xf32, #tpu.memory_space<vmem>>, vector<16xf32>,
        %get3A_795 = arith.constant 0 : i32
        %get3A_796 = arith.constant 0 : i32
        %get3A_797 = tpu.memref_slice %arg12[%scan3A_356, %get3A_795, %get3A_796] : memref<2x40x128xf32, #tpu.memory_space<vmem>> -> memref<1x40x128xf32, #tpu.memory_space<vmem>>
        %get3A_798 = tpu.memref_squeeze %get3A_797 : memref<1x40x128xf32, #tpu.memory_space<vmem>> -> memref<40x128xf32, #tpu.memory_space<vmem>>
        %get3A_799 = arith.index_cast %add3A_674 : i32 to index
        %get3A_800 = arith.constant 112 : index
        %get3A_801 = tpu.vector_load %get3A_798[%get3A_799, %get3A_800] {strides = array<i32>} : memref<40x128xf32, #tpu.memory_space<vmem>>, vector<16xf32>,
        %mul3A_802 = vector.broadcast %squeeze3A_778 : f32 to vector<16xf32>
        %mul3A_803 = arith.mulf %get3A_801, %mul3A_802 : vector<16xf32>
        %swap3A_804 = arith.constant 0 : i32
        %swap3A_805 = arith.constant 0 : i32
        %swap3A_806 = tpu.memref_slice %arg12[%scan3A_356, %swap3A_804, %swap3A_805] : memref<2x40x128xf32, #tpu.memory_space<vmem>> -> memref<1x40x128xf32, #tpu.memory_space<vmem>>
        %swap3A_807 = tpu.memref_squeeze %swap3A_806 : memref<1x40x128xf32, #tpu.memory_space<vmem>> -> memref<40x128xf32, #tpu.memory_space<vmem>>
        %swap3A_808 = arith.index_cast %add3A_674 : i32 to index
        %swap3A_809 = arith.constant 112 : index
        %swap3A_810 = tpu.vector_load %swap3A_807[%swap3A_808, %swap3A_809] {strides = array<i32>} : memref<40x128xf32, #tpu.memory_space<vmem>>, vector<16xf32>,
        tpu.vector_store %swap3A_807[%swap3A_808, %swap3A_809], %mul3A_803 {strides = array<i32>} : memref<40x128xf32, #tpu.memory_space<vmem>>, vector<16xf32>,
        %mul3A_811 = arith.constant 4 : i32
        %mul3A_812 = arith.muli %scan3A_389, %mul3A_811 : i32
        %add3A_813 = arith.constant 3 : i32
        %add3A_814 = arith.addi %mul3A_812, %add3A_813 : i32
        %slice3A_815 = vector.extract_strided_slice %get3A_393 {offsets = [12], sizes = [1], strides = [1]} : vector<16xf32> to vector<1xf32>
        %squeeze3A_816 = vector.extract %slice3A_815[0] : f32 from vector<1xf32>
        %get3A_817 = arith.constant 0 : i32
        %get3A_818 = arith.constant 0 : i32
        %get3A_819 = tpu.memref_slice %arg12[%scan3A_356, %get3A_817, %get3A_818] : memref<2x40x128xf32, #tpu.memory_space<vmem>> -> memref<1x40x128xf32, #tpu.memory_space<vmem>>
        %get3A_820 = tpu.memref_squeeze %get3A_819 : memref<1x40x128xf32, #tpu.memory_space<vmem>> -> memref<40x128xf32, #tpu.memory_space<vmem>>
        %get3A_821 = arith.index_cast %add3A_814 : i32 to index
        %get3A_822 = arith.constant 0 : index
        %get3A_823 = tpu.vector_load %get3A_820[%get3A_821, %get3A_822] {strides = array<i32>} : memref<40x128xf32, #tpu.memory_space<vmem>>, vector<16xf32>,
        %mul3A_824 = vector.broadcast %squeeze3A_816 : f32 to vector<16xf32>
        %mul3A_825 = arith.mulf %get3A_823, %mul3A_824 : vector<16xf32>
        %swap3A_826 = arith.constant 0 : i32
        %swap3A_827 = arith.constant 0 : i32
        %swap3A_828 = tpu.memref_slice %arg12[%scan3A_356, %swap3A_826, %swap3A_827] : memref<2x40x128xf32, #tpu.memory_space<vmem>> -> memref<1x40x128xf32, #tpu.memory_space<vmem>>
        %swap3A_829 = tpu.memref_squeeze %swap3A_828 : memref<1x40x128xf32, #tpu.memory_space<vmem>> -> memref<40x128xf32, #tpu.memory_space<vmem>>
        %swap3A_830 = arith.index_cast %add3A_814 : i32 to index
        %swap3A_831 = arith.constant 0 : index
        %swap3A_832 = tpu.vector_load %swap3A_829[%swap3A_830, %swap3A_831] {strides = array<i32>} : memref<40x128xf32, #tpu.memory_space<vmem>>, vector<16xf32>,
        tpu.vector_store %swap3A_829[%swap3A_830, %swap3A_831], %mul3A_825 {strides = array<i32>} : memref<40x128xf32, #tpu.memory_space<vmem>>, vector<16xf32>,
        %get3A_833 = arith.constant 0 : i32
        %get3A_834 = arith.constant 0 : i32
        %get3A_835 = tpu.memref_slice %arg12[%scan3A_356, %get3A_833, %get3A_834] : memref<2x40x128xf32, #tpu.memory_space<vmem>> -> memref<1x40x128xf32, #tpu.memory_space<vmem>>
        %get3A_836 = tpu.memref_squeeze %get3A_835 : memref<1x40x128xf32, #tpu.memory_space<vmem>> -> memref<40x128xf32, #tpu.memory_space<vmem>>
        %get3A_837 = arith.index_cast %add3A_814 : i32 to index
        %get3A_838 = arith.constant 16 : index
        %get3A_839 = tpu.vector_load %get3A_836[%get3A_837, %get3A_838] {strides = array<i32>} : memref<40x128xf32, #tpu.memory_space<vmem>>, vector<16xf32>,
        %mul3A_840 = vector.broadcast %squeeze3A_816 : f32 to vector<16xf32>
        %mul3A_841 = arith.mulf %get3A_839, %mul3A_840 : vector<16xf32>
        %swap3A_842 = arith.constant 0 : i32
        %swap3A_843 = arith.constant 0 : i32
        %swap3A_844 = tpu.memref_slice %arg12[%scan3A_356, %swap3A_842, %swap3A_843] : memref<2x40x128xf32, #tpu.memory_space<vmem>> -> memref<1x40x128xf32, #tpu.memory_space<vmem>>
        %swap3A_845 = tpu.memref_squeeze %swap3A_844 : memref<1x40x128xf32, #tpu.memory_space<vmem>> -> memref<40x128xf32, #tpu.memory_space<vmem>>
        %swap3A_846 = arith.index_cast %add3A_814 : i32 to index
        %swap3A_847 = arith.constant 16 : index
        %swap3A_848 = tpu.vector_load %swap3A_845[%swap3A_846, %swap3A_847] {strides = array<i32>} : memref<40x128xf32, #tpu.memory_space<vmem>>, vector<16xf32>,
        tpu.vector_store %swap3A_845[%swap3A_846, %swap3A_847], %mul3A_841 {strides = array<i32>} : memref<40x128xf32, #tpu.memory_space<vmem>>, vector<16xf32>,
        %slice3A_849 = vector.extract_strided_slice %get3A_393 {offsets = [13], sizes = [1], strides = [1]} : vector<16xf32> to vector<1xf32>
        %squeeze3A_850 = vector.extract %slice3A_849[0] : f32 from vector<1xf32>
        %get3A_851 = arith.constant 0 : i32
        %get3A_852 = arith.constant 0 : i32
        %get3A_853 = tpu.memref_slice %arg12[%scan3A_356, %get3A_851, %get3A_852] : memref<2x40x128xf32, #tpu.memory_space<vmem>> -> memref<1x40x128xf32, #tpu.memory_space<vmem>>
        %get3A_854 = tpu.memref_squeeze %get3A_853 : memref<1x40x128xf32, #tpu.memory_space<vmem>> -> memref<40x128xf32, #tpu.memory_space<vmem>>
        %get3A_855 = arith.index_cast %add3A_814 : i32 to index
        %get3A_856 = arith.constant 32 : index
        %get3A_857 = tpu.vector_load %get3A_854[%get3A_855, %get3A_856] {strides = array<i32>} : memref<40x128xf32, #tpu.memory_space<vmem>>, vector<16xf32>,
        %mul3A_858 = vector.broadcast %squeeze3A_850 : f32 to vector<16xf32>
        %mul3A_859 = arith.mulf %get3A_857, %mul3A_858 : vector<16xf32>
        %swap3A_860 = arith.constant 0 : i32
        %swap3A_861 = arith.constant 0 : i32
        %swap3A_862 = tpu.memref_slice %arg12[%scan3A_356, %swap3A_860, %swap3A_861] : memref<2x40x128xf32, #tpu.memory_space<vmem>> -> memref<1x40x128xf32, #tpu.memory_space<vmem>>
        %swap3A_863 = tpu.memref_squeeze %swap3A_862 : memref<1x40x128xf32, #tpu.memory_space<vmem>> -> memref<40x128xf32, #tpu.memory_space<vmem>>
        %swap3A_864 = arith.index_cast %add3A_814 : i32 to index
        %swap3A_865 = arith.constant 32 : index
        %swap3A_866 = tpu.vector_load %swap3A_863[%swap3A_864, %swap3A_865] {strides = array<i32>} : memref<40x128xf32, #tpu.memory_space<vmem>>, vector<16xf32>,
        tpu.vector_store %swap3A_863[%swap3A_864, %swap3A_865], %mul3A_859 {strides = array<i32>} : memref<40x128xf32, #tpu.memory_space<vmem>>, vector<16xf32>,
        %get3A_867 = arith.constant 0 : i32
        %get3A_868 = arith.constant 0 : i32
        %get3A_869 = tpu.memref_slice %arg12[%scan3A_356, %get3A_867, %get3A_868] : memref<2x40x128xf32, #tpu.memory_space<vmem>> -> memref<1x40x128xf32, #tpu.memory_space<vmem>>
        %get3A_870 = tpu.memref_squeeze %get3A_869 : memref<1x40x128xf32, #tpu.memory_space<vmem>> -> memref<40x128xf32, #tpu.memory_space<vmem>>
        %get3A_871 = arith.index_cast %add3A_814 : i32 to index
        %get3A_872 = arith.constant 48 : index
        %get3A_873 = tpu.vector_load %get3A_870[%get3A_871, %get3A_872] {strides = array<i32>} : memref<40x128xf32, #tpu.memory_space<vmem>>, vector<16xf32>,
        %mul3A_874 = vector.broadcast %squeeze3A_850 : f32 to vector<16xf32>
        %mul3A_875 = arith.mulf %get3A_873, %mul3A_874 : vector<16xf32>
        %swap3A_876 = arith.constant 0 : i32
        %swap3A_877 = arith.constant 0 : i32
        %swap3A_878 = tpu.memref_slice %arg12[%scan3A_356, %swap3A_876, %swap3A_877] : memref<2x40x128xf32, #tpu.memory_space<vmem>> -> memref<1x40x128xf32, #tpu.memory_space<vmem>>
        %swap3A_879 = tpu.memref_squeeze %swap3A_878 : memref<1x40x128xf32, #tpu.memory_space<vmem>> -> memref<40x128xf32, #tpu.memory_space<vmem>>
        %swap3A_880 = arith.index_cast %add3A_814 : i32 to index
        %swap3A_881 = arith.constant 48 : index
        %swap3A_882 = tpu.vector_load %swap3A_879[%swap3A_880, %swap3A_881] {strides = array<i32>} : memref<40x128xf32, #tpu.memory_space<vmem>>, vector<16xf32>,
        tpu.vector_store %swap3A_879[%swap3A_880, %swap3A_881], %mul3A_875 {strides = array<i32>} : memref<40x128xf32, #tpu.memory_space<vmem>>, vector<16xf32>,
        %slice3A_883 = vector.extract_strided_slice %get3A_393 {offsets = [14], sizes = [1], strides = [1]} : vector<16xf32> to vector<1xf32>
        %squeeze3A_884 = vector.extract %slice3A_883[0] : f32 from vector<1xf32>
        %get3A_885 = arith.constant 0 : i32
        %get3A_886 = arith.constant 0 : i32
        %get3A_887 = tpu.memref_slice %arg12[%scan3A_356, %get3A_885, %get3A_886] : memref<2x40x128xf32, #tpu.memory_space<vmem>> -> memref<1x40x128xf32, #tpu.memory_space<vmem>>
        %get3A_888 = tpu.memref_squeeze %get3A_887 : memref<1x40x128xf32, #tpu.memory_space<vmem>> -> memref<40x128xf32, #tpu.memory_space<vmem>>
        %get3A_889 = arith.index_cast %add3A_814 : i32 to index
        %get3A_890 = arith.constant 64 : index
        %get3A_891 = tpu.vector_load %get3A_888[%get3A_889, %get3A_890] {strides = array<i32>} : memref<40x128xf32, #tpu.memory_space<vmem>>, vector<16xf32>,
        %mul3A_892 = vector.broadcast %squeeze3A_884 : f32 to vector<16xf32>
        %mul3A_893 = arith.mulf %get3A_891, %mul3A_892 : vector<16xf32>
        %swap3A_894 = arith.constant 0 : i32
        %swap3A_895 = arith.constant 0 : i32
        %swap3A_896 = tpu.memref_slice %arg12[%scan3A_356, %swap3A_894, %swap3A_895] : memref<2x40x128xf32, #tpu.memory_space<vmem>> -> memref<1x40x128xf32, #tpu.memory_space<vmem>>
        %swap3A_897 = tpu.memref_squeeze %swap3A_896 : memref<1x40x128xf32, #tpu.memory_space<vmem>> -> memref<40x128xf32, #tpu.memory_space<vmem>>
        %swap3A_898 = arith.index_cast %add3A_814 : i32 to index
        %swap3A_899 = arith.constant 64 : index
        %swap3A_900 = tpu.vector_load %swap3A_897[%swap3A_898, %swap3A_899] {strides = array<i32>} : memref<40x128xf32, #tpu.memory_space<vmem>>, vector<16xf32>,
        tpu.vector_store %swap3A_897[%swap3A_898, %swap3A_899], %mul3A_893 {strides = array<i32>} : memref<40x128xf32, #tpu.memory_space<vmem>>, vector<16xf32>,
        %get3A_901 = arith.constant 0 : i32
        %get3A_902 = arith.constant 0 : i32
        %get3A_903 = tpu.memref_slice %arg12[%scan3A_356, %get3A_901, %get3A_902] : memref<2x40x128xf32, #tpu.memory_space<vmem>> -> memref<1x40x128xf32, #tpu.memory_space<vmem>>
        %get3A_904 = tpu.memref_squeeze %get3A_903 : memref<1x40x128xf32, #tpu.memory_space<vmem>> -> memref<40x128xf32, #tpu.memory_space<vmem>>
        %get3A_905 = arith.index_cast %add3A_814 : i32 to index
        %get3A_906 = arith.constant 80 : index
        %get3A_907 = tpu.vector_load %get3A_904[%get3A_905, %get3A_906] {strides = array<i32>} : memref<40x128xf32, #tpu.memory_space<vmem>>, vector<16xf32>,
        %mul3A_908 = vector.broadcast %squeeze3A_884 : f32 to vector<16xf32>
        %mul3A_909 = arith.mulf %get3A_907, %mul3A_908 : vector<16xf32>
        %swap3A_910 = arith.constant 0 : i32
        %swap3A_911 = arith.constant 0 : i32
        %swap3A_912 = tpu.memref_slice %arg12[%scan3A_356, %swap3A_910, %swap3A_911] : memref<2x40x128xf32, #tpu.memory_space<vmem>> -> memref<1x40x128xf32, #tpu.memory_space<vmem>>
        %swap3A_913 = tpu.memref_squeeze %swap3A_912 : memref<1x40x128xf32, #tpu.memory_space<vmem>> -> memref<40x128xf32, #tpu.memory_space<vmem>>
        %swap3A_914 = arith.index_cast %add3A_814 : i32 to index
        %swap3A_915 = arith.constant 80 : index
        %swap3A_916 = tpu.vector_load %swap3A_913[%swap3A_914, %swap3A_915] {strides = array<i32>} : memref<40x128xf32, #tpu.memory_space<vmem>>, vector<16xf32>,
        tpu.vector_store %swap3A_913[%swap3A_914, %swap3A_915], %mul3A_909 {strides = array<i32>} : memref<40x128xf32, #tpu.memory_space<vmem>>, vector<16xf32>,
        %slice3A_917 = vector.extract_strided_slice %get3A_393 {offsets = [15], sizes = [1], strides = [1]} : vector<16xf32> to vector<1xf32>
        %squeeze3A_918 = vector.extract %slice3A_917[0] : f32 from vector<1xf32>
        %get3A_919 = arith.constant 0 : i32
        %get3A_920 = arith.constant 0 : i32
        %get3A_921 = tpu.memref_slice %arg12[%scan3A_356, %get3A_919, %get3A_920] : memref<2x40x128xf32, #tpu.memory_space<vmem>> -> memref<1x40x128xf32, #tpu.memory_space<vmem>>
        %get3A_922 = tpu.memref_squeeze %get3A_921 : memref<1x40x128xf32, #tpu.memory_space<vmem>> -> memref<40x128xf32, #tpu.memory_space<vmem>>
        %get3A_923 = arith.index_cast %add3A_814 : i32 to index
        %get3A_924 = arith.constant 96 : index
        %get3A_925 = tpu.vector_load %get3A_922[%get3A_923, %get3A_924] {strides = array<i32>} : memref<40x128xf32, #tpu.memory_space<vmem>>, vector<16xf32>,
        %mul3A_926 = vector.broadcast %squeeze3A_918 : f32 to vector<16xf32>
        %mul3A_927 = arith.mulf %get3A_925, %mul3A_926 : vector<16xf32>
        %swap3A_928 = arith.constant 0 : i32
        %swap3A_929 = arith.constant 0 : i32
        %swap3A_930 = tpu.memref_slice %arg12[%scan3A_356, %swap3A_928, %swap3A_929] : memref<2x40x128xf32, #tpu.memory_space<vmem>> -> memref<1x40x128xf32, #tpu.memory_space<vmem>>
        %swap3A_931 = tpu.memref_squeeze %swap3A_930 : memref<1x40x128xf32, #tpu.memory_space<vmem>> -> memref<40x128xf32, #tpu.memory_space<vmem>>
        %swap3A_932 = arith.index_cast %add3A_814 : i32 to index
        %swap3A_933 = arith.constant 96 : index
        %swap3A_934 = tpu.vector_load %swap3A_931[%swap3A_932, %swap3A_933] {strides = array<i32>} : memref<40x128xf32, #tpu.memory_space<vmem>>, vector<16xf32>,
        tpu.vector_store %swap3A_931[%swap3A_932, %swap3A_933], %mul3A_927 {strides = array<i32>} : memref<40x128xf32, #tpu.memory_space<vmem>>, vector<16xf32>,
        %get3A_935 = arith.constant 0 : i32
        %get3A_936 = arith.constant 0 : i32
        %get3A_937 = tpu.memref_slice %arg12[%scan3A_356, %get3A_935, %get3A_936] : memref<2x40x128xf32, #tpu.memory_space<vmem>> -> memref<1x40x128xf32, #tpu.memory_space<vmem>>
        %get3A_938 = tpu.memref_squeeze %get3A_937 : memref<1x40x128xf32, #tpu.memory_space<vmem>> -> memref<40x128xf32, #tpu.memory_space<vmem>>
        %get3A_939 = arith.index_cast %add3A_814 : i32 to index
        %get3A_940 = arith.constant 112 : index
        %get3A_941 = tpu.vector_load %get3A_938[%get3A_939, %get3A_940] {strides = array<i32>} : memref<40x128xf32, #tpu.memory_space<vmem>>, vector<16xf32>,
        %mul3A_942 = vector.broadcast %squeeze3A_918 : f32 to vector<16xf32>
        %mul3A_943 = arith.mulf %get3A_941, %mul3A_942 : vector<16xf32>
        %swap3A_944 = arith.constant 0 : i32
        %swap3A_945 = arith.constant 0 : i32
        %swap3A_946 = tpu.memref_slice %arg12[%scan3A_356, %swap3A_944, %swap3A_945] : memref<2x40x128xf32, #tpu.memory_space<vmem>> -> memref<1x40x128xf32, #tpu.memory_space<vmem>>
        %swap3A_947 = tpu.memref_squeeze %swap3A_946 : memref<1x40x128xf32, #tpu.memory_space<vmem>> -> memref<40x128xf32, #tpu.memory_space<vmem>>
        %swap3A_948 = arith.index_cast %add3A_814 : i32 to index
        %swap3A_949 = arith.constant 112 : index
        %swap3A_950 = tpu.vector_load %swap3A_947[%swap3A_948, %swap3A_949] {strides = array<i32>} : memref<40x128xf32, #tpu.memory_space<vmem>>, vector<16xf32>,
        tpu.vector_store %swap3A_947[%swap3A_948, %swap3A_949], %mul3A_943 {strides = array<i32>} : memref<40x128xf32, #tpu.memory_space<vmem>>, vector<16xf32>,
        %scan3A_951 = arith.constant 0 : i32
        scf.yield %scan3A_951 : i32
      }
      %scan3A_363 = arith.constant 10 : i32
      %dma_start3A_364 = arith.constant 1 : i32
      %dma_start3A_365 = arith.constant 0 : i32
      %dma_start3A_366 = arith.constant 0 : i32
      %dma_start3A_367 = tpu.memref_slice %arg14[%dma_start3A_364, %dma_start3A_365, %dma_start3A_366] : memref<2x40x4xf32, #tpu.memory_space<vmem>> -> memref<1x40x4xf32, #tpu.memory_space<vmem>>
      %dma_start3A_368 = tpu.memref_squeeze %dma_start3A_367 : memref<1x40x4xf32, #tpu.memory_space<vmem>> -> memref<40x4xf32, #tpu.memory_space<vmem>>
      %dma_start3A_369 = arith.constant 0 : i32
      %dma_start3A_370 = tpu.memref_slice %arg8[%add3A_284, %dma_start3A_369] : memref<320000x4xf32, #tpu.memory_space<hbm>> -> memref<40x4xf32, #tpu.memory_space<hbm>>
      %dma_start3A_371 = arith.constant 0 : i32
      %dma_start3A_372 = tpu.memref_slice %arg8[%add3A_284, %dma_start3A_371] : memref<320000x4xf32, #tpu.memory_space<hbm>> -> memref<40x4xf32, #tpu.memory_space<hbm>>
      %dma_start3A_373 = arith.constant 0 : i32
      %dma_start3A_374 = arith.constant 0 : i32
      %dma_start3A_375 = tpu.memref_slice %arg14[%dma_start3A_364, %dma_start3A_373, %dma_start3A_374] : memref<2x40x4xf32, #tpu.memory_space<vmem>> -> memref<1x40x4xf32, #tpu.memory_space<vmem>>
      %dma_start3A_376 = tpu.memref_squeeze %dma_start3A_375 : memref<1x40x4xf32, #tpu.memory_space<vmem>> -> memref<40x4xf32, #tpu.memory_space<vmem>>
      tpu.enqueue_dma source(%dma_start3A_376 : memref<40x4xf32, #tpu.memory_space<vmem>>) target(%dma_start3A_372 : memref<40x4xf32, #tpu.memory_space<hbm>>) target_semaphore(%arg23 : memref<!tpu.dma_semaphore, #tpu.memory_space<semaphore_mem>>)
      %run_scoped3A_377 = arith.constant 1 : i32
      "tpu.region"() ({
        %run_scoped3A_389 = tpu.sem_alloc : memref<!tpu.dma_semaphore, #tpu.memory_space<semaphore_mem>>
        %dma_start3A_390 = arith.constant 0 : i32
        %dma_start3A_391 = arith.constant 0 : i32
        %dma_start3A_392 = tpu.memref_slice %arg12[%run_scoped3A_377, %dma_start3A_390, %dma_start3A_391] : memref<2x40x128xf32, #tpu.memory_space<vmem>> -> memref<1x40x128xf32, #tpu.memory_space<vmem>>
        %dma_start3A_393 = tpu.memref_squeeze %dma_start3A_392 : memref<1x40x128xf32, #tpu.memory_space<vmem>> -> memref<40x128xf32, #tpu.memory_space<vmem>>
        %dma_start3A_394 = arith.constant 0 : i32
        %dma_start3A_395 = tpu.memref_slice %arg10[%add3A_279, %dma_start3A_394] : memref<250x40xi32, #tpu.memory_space<vmem>> -> memref<1x40xi32, #tpu.memory_space<vmem>>
        %dma_start3A_396 = tpu.memref_squeeze %dma_start3A_395 : memref<1x40xi32, #tpu.memory_space<vmem>> -> memref<40xi32, #tpu.memory_space<vmem>>
        %dma_start3A_397 = arith.constant 0 : i32
        %dma_start3A_398 = arith.constant 0 : i32
        %dma_start3A_399 = tpu.memref_slice %arg24[%dma_start3A_397, %dma_start3A_398] : memref<10000x128xf32, #tpu.memory_space<vmem_shared>> -> memref<10000x128xf32, #tpu.memory_space<vmem_shared>>
        tpu.enqueue_indirect_dma source(%dma_start3A_393 : memref<40x128xf32, #tpu.memory_space<vmem>>) target(%dma_start3A_399 : memref<10000x128xf32, #tpu.memory_space<vmem_shared>>) offsets(%dma_start3A_396 : memref<40xi32, #tpu.memory_space<vmem>>) semaphore(%run_scoped3A_389 : memref<!tpu.dma_semaphore, #tpu.memory_space<semaphore_mem>>) {add = true}
        %dma_wait3A_400 = arith.constant 0 : i32
        %dma_wait3A_401 = arith.constant 0 : i32
        %dma_wait3A_402 = tpu.memref_slice %arg12[%run_scoped3A_377, %dma_wait3A_400, %dma_wait3A_401] : memref<2x40x128xf32, #tpu.memory_space<vmem>> -> memref<1x40x128xf32, #tpu.memory_space<vmem>>
        %dma_wait3A_403 = tpu.memref_squeeze %dma_wait3A_402 : memref<1x40x128xf32, #tpu.memory_space<vmem>> -> memref<40x128xf32, #tpu.memory_space<vmem>>
        %dma_wait3A_404 = arith.constant 0 : i32
        %dma_wait3A_405 = tpu.memref_slice %arg10[%add3A_279, %dma_wait3A_404] : memref<250x40xi32, #tpu.memory_space<vmem>> -> memref<1x40xi32, #tpu.memory_space<vmem>>
        %dma_wait3A_406 = tpu.memref_squeeze %dma_wait3A_405 : memref<1x40xi32, #tpu.memory_space<vmem>> -> memref<40xi32, #tpu.memory_space<vmem>>
        %dma_wait3A_407 = arith.constant 0 : i32
        %dma_wait3A_408 = arith.constant 0 : i32
        %dma_wait3A_409 = tpu.memref_slice %arg24[%dma_wait3A_407, %dma_wait3A_408] : memref<10000x128xf32, #tpu.memory_space<vmem_shared>> -> memref<10000x128xf32, #tpu.memory_space<vmem_shared>>
        tpu.wait_indirect_dma semaphore(%run_scoped3A_389 : memref<!tpu.dma_semaphore, #tpu.memory_space<semaphore_mem>>) src(%dma_wait3A_403 : memref<40x128xf32, #tpu.memory_space<vmem>>) dst(%dma_wait3A_409 : memref<10000x128xf32, #tpu.memory_space<vmem_shared>>)
        tpu.yield
      }) : () -> ()
      %add3A_378 = arith.constant 2 : i32
      %add3A_379 = arith.addi %add3A_279, %add3A_378 : i32
      %lt3A_380 = arith.constant 250 : i32
      %lt3A_381 = arith.cmpi slt, %add3A_379, %lt3A_380 : i32
      %convert_element_type3A_382 = arith.extui %lt3A_381 : i1 to i32
      %cond3A_383 = arith.constant 1 : i32
      %cond3A_384 = arith.constant 1 : i32
      %cond3A_385 = arith.constant 1 : i32
      %cond3A_386 = arith.constant 0 : i32
      %cond3A_387 = arith.cmpi ne, %convert_element_type3A_382, %cond3A_386 : i32
      scf.if %cond3A_387 {
        %mul3A_389 = arith.constant 10000 : i32
        %mul3A_390 = arith.muli %add3A, %mul3A_389 : i32
        %add3A_391 = arith.constant 2 : i32
        %add3A_392 = arith.addi %add3A_279, %add3A_391 : i32
        %mul3A_393 = arith.constant 40 : i32
        %mul3A_394 = arith.muli %add3A_392, %mul3A_393 : i32
        %add3A_395 = arith.addi %mul3A_390, %mul3A_394 : i32
        %add3A_396 = arith.constant 2 : i32
        %add3A_397 = arith.addi %add3A_279, %add3A_396 : i32
        %dma_wait3A_398 = arith.constant 1 : i32
        %dma_wait3A_399 = arith.constant 0 : i32
        %dma_wait3A_400 = tpu.memref_slice %arg11[%dma_wait3A_398, %dma_wait3A_399] : memref<2x40xi32, #tpu.memory_space<vmem>> -> memref<1x40xi32, #tpu.memory_space<vmem>>
        %dma_wait3A_401 = tpu.memref_squeeze %dma_wait3A_400 : memref<1x40xi32, #tpu.memory_space<vmem>> -> memref<40xi32, #tpu.memory_space<vmem>>
        %dma_wait3A_402 = arith.constant 0 : i32
        %dma_wait3A_403 = tpu.memref_slice %arg3[%add3A, %add3A_397, %dma_wait3A_402] : memref<32x250x40xi32, #tpu.memory_space<hbm>> -> memref<1x1x40xi32, #tpu.memory_space<hbm>>
        %dma_wait3A_404 = tpu.memref_squeeze %dma_wait3A_403 : memref<1x1x40xi32, #tpu.memory_space<hbm>> -> memref<40xi32, #tpu.memory_space<hbm>>
        %dma_wait3A_405 = arith.constant 0 : i32
        %dma_wait3A_406 = tpu.memref_slice %arg11[%dma_wait3A_398, %dma_wait3A_405] : memref<2x40xi32, #tpu.memory_space<vmem>> -> memref<1x40xi32, #tpu.memory_space<vmem>>
        %dma_wait3A_407 = tpu.memref_squeeze %dma_wait3A_406 : memref<1x40xi32, #tpu.memory_space<vmem>> -> memref<40xi32, #tpu.memory_space<vmem>>
        %dma_wait3A_408 = arith.constant 0 : i32
        %dma_wait3A_409 = tpu.memref_slice %arg3[%add3A, %add3A_397, %dma_wait3A_408] : memref<32x250x40xi32, #tpu.memory_space<hbm>> -> memref<1x1x40xi32, #tpu.memory_space<hbm>>
        %dma_wait3A_410 = tpu.memref_squeeze %dma_wait3A_409 : memref<1x1x40xi32, #tpu.memory_space<hbm>> -> memref<40xi32, #tpu.memory_space<hbm>>
        tpu.wait_dma2 semaphore(%arg21 : memref<!tpu.dma_semaphore, #tpu.memory_space<semaphore_mem>>) src(%dma_wait3A_410 : memref<40xi32, #tpu.memory_space<hbm>>) dst(%dma_wait3A_407 : memref<40xi32, #tpu.memory_space<vmem>>)
        %dma_start3A_411 = arith.constant 1 : i32
        %dma_start3A_412 = arith.constant 0 : i32
        %dma_start3A_413 = arith.constant 0 : i32
        %dma_start3A_414 = tpu.memref_slice %arg12[%cond3A_383, %dma_start3A_412, %dma_start3A_413] : memref<2x40x128xf32, #tpu.memory_space<vmem>> -> memref<1x40x128xf32, #tpu.memory_space<vmem>>
        %dma_start3A_415 = tpu.memref_squeeze %dma_start3A_414 : memref<1x40x128xf32, #tpu.memory_space<vmem>> -> memref<40x128xf32, #tpu.memory_space<vmem>>
        %dma_start3A_416 = arith.constant 0 : i32
        %dma_start3A_417 = tpu.memref_slice %arg11[%dma_start3A_411, %dma_start3A_416] : memref<2x40xi32, #tpu.memory_space<vmem>> -> memref<1x40xi32, #tpu.memory_space<vmem>>
        %dma_start3A_418 = tpu.memref_squeeze %dma_start3A_417 : memref<1x40xi32, #tpu.memory_space<vmem>> -> memref<40xi32, #tpu.memory_space<vmem>>
        %dma_start3A_419 = arith.constant 0 : i32
        %dma_start3A_420 = arith.constant 0 : i32
        %dma_start3A_421 = tpu.memref_slice %arg4[%dma_start3A_419, %dma_start3A_420] : memref<10000x128xf32, #tpu.memory_space<hbm>> -> memref<10000x128xf32, #tpu.memory_space<hbm>>
        tpu.enqueue_indirect_dma source(%dma_start3A_421 : memref<10000x128xf32, #tpu.memory_space<hbm>>) target(%dma_start3A_415 : memref<40x128xf32, #tpu.memory_space<vmem>>) offsets(%dma_start3A_418 : memref<40xi32, #tpu.memory_space<vmem>>) semaphore(%arg19 : memref<!tpu.dma_semaphore, #tpu.memory_space<semaphore_mem>>)
        %add3A_422 = arith.constant 2 : i32
        %add3A_423 = arith.addi %add3A_279, %add3A_422 : i32
        %dma_start3A_424 = arith.constant 0 : i32
        %dma_start3A_425 = arith.constant 0 : i32
        %dma_start3A_426 = tpu.memref_slice %arg16[%cond3A_384, %dma_start3A_424, %dma_start3A_425] : memref<2x40x16xf32, #tpu.memory_space<vmem>> -> memref<1x40x16xf32, #tpu.memory_space<vmem>>
        %dma_start3A_427 = tpu.memref_squeeze %dma_start3A_426 : memref<1x40x16xf32, #tpu.memory_space<vmem>> -> memref<40x16xf32, #tpu.memory_space<vmem>>
        %dma_start3A_428 = arith.constant 0 : i32
        %dma_start3A_429 = tpu.memref_slice %arg10[%add3A_423, %dma_start3A_428] : memref<250x40xi32, #tpu.memory_space<vmem>> -> memref<1x40xi32, #tpu.memory_space<vmem>>
        %dma_start3A_430 = tpu.memref_squeeze %dma_start3A_429 : memref<1x40xi32, #tpu.memory_space<vmem>> -> memref<40xi32, #tpu.memory_space<vmem>>
        %dma_start3A_431 = arith.constant 0 : i32
        %dma_start3A_432 = arith.constant 0 : i32
        %dma_start3A_433 = tpu.memref_slice %arg6[%dma_start3A_431, %dma_start3A_432] : memref<10000x16xf32, #tpu.memory_space<hbm>> -> memref<10000x16xf32, #tpu.memory_space<hbm>>
        tpu.enqueue_indirect_dma source(%dma_start3A_433 : memref<10000x16xf32, #tpu.memory_space<hbm>>) target(%dma_start3A_427 : memref<40x16xf32, #tpu.memory_space<vmem>>) offsets(%dma_start3A_430 : memref<40xi32, #tpu.memory_space<vmem>>) semaphore(%arg19 : memref<!tpu.dma_semaphore, #tpu.memory_space<semaphore_mem>>)
        %add3A_434 = arith.constant 2 : i32
        %add3A_435 = arith.addi %add3A_279, %add3A_434 : i32
        %dma_start3A_436 = arith.constant 0 : i32
        %dma_start3A_437 = arith.constant 0 : i32
        %dma_start3A_438 = tpu.memref_slice %arg17[%cond3A_385, %dma_start3A_436, %dma_start3A_437] : memref<2x40x16xf32, #tpu.memory_space<vmem>> -> memref<1x40x16xf32, #tpu.memory_space<vmem>>
        %dma_start3A_439 = tpu.memref_squeeze %dma_start3A_438 : memref<1x40x16xf32, #tpu.memory_space<vmem>> -> memref<40x16xf32, #tpu.memory_space<vmem>>
        %dma_start3A_440 = arith.constant 0 : i32
        %dma_start3A_441 = tpu.memref_slice %arg10[%add3A_435, %dma_start3A_440] : memref<250x40xi32, #tpu.memory_space<vmem>> -> memref<1x40xi32, #tpu.memory_space<vmem>>
        %dma_start3A_442 = tpu.memref_squeeze %dma_start3A_441 : memref<1x40xi32, #tpu.memory_space<vmem>> -> memref<40xi32, #tpu.memory_space<vmem>>
        %dma_start3A_443 = arith.constant 0 : i32
        %dma_start3A_444 = arith.constant 0 : i32
        %dma_start3A_445 = tpu.memref_slice %arg7[%dma_start3A_443, %dma_start3A_444] : memref<10000x16xf32, #tpu.memory_space<hbm>> -> memref<10000x16xf32, #tpu.memory_space<hbm>>
        tpu.enqueue_indirect_dma source(%dma_start3A_445 : memref<10000x16xf32, #tpu.memory_space<hbm>>) target(%dma_start3A_439 : memref<40x16xf32, #tpu.memory_space<vmem>>) offsets(%dma_start3A_442 : memref<40xi32, #tpu.memory_space<vmem>>) semaphore(%arg19 : memref<!tpu.dma_semaphore, #tpu.memory_space<semaphore_mem>>)
        %dma_start3A_446 = arith.constant 1 : i32
        %dma_start3A_447 = arith.constant 0 : i32
        %dma_start3A_448 = arith.constant 0 : i32
        %dma_start3A_449 = tpu.memref_slice %arg13[%dma_start3A_446, %dma_start3A_447, %dma_start3A_448] : memref<2x40x4xf32, #tpu.memory_space<vmem>> -> memref<1x40x4xf32, #tpu.memory_space<vmem>>
        %dma_start3A_450 = tpu.memref_squeeze %dma_start3A_449 : memref<1x40x4xf32, #tpu.memory_space<vmem>> -> memref<40x4xf32, #tpu.memory_space<vmem>>
        %dma_start3A_451 = arith.constant 0 : i32
        %dma_start3A_452 = tpu.memref_slice %arg5[%add3A_395, %dma_start3A_451] : memref<320000x4xf32, #tpu.memory_space<hbm>> -> memref<40x4xf32, #tpu.memory_space<hbm>>
        %dma_start3A_453 = arith.constant 0 : i32
        %dma_start3A_454 = arith.constant 0 : i32
        %dma_start3A_455 = tpu.memref_slice %arg13[%dma_start3A_446, %dma_start3A_453, %dma_start3A_454] : memref<2x40x4xf32, #tpu.memory_space<vmem>> -> memref<1x40x4xf32, #tpu.memory_space<vmem>>
        %dma_start3A_456 = tpu.memref_squeeze %dma_start3A_455 : memref<1x40x4xf32, #tpu.memory_space<vmem>> -> memref<40x4xf32, #tpu.memory_space<vmem>>
        %dma_start3A_457 = arith.constant 0 : i32
        %dma_start3A_458 = tpu.memref_slice %arg5[%add3A_395, %dma_start3A_457] : memref<320000x4xf32, #tpu.memory_space<hbm>> -> memref<40x4xf32, #tpu.memory_space<hbm>>
        tpu.enqueue_dma source(%dma_start3A_458 : memref<40x4xf32, #tpu.memory_space<hbm>>) target(%dma_start3A_456 : memref<40x4xf32, #tpu.memory_space<vmem>>) target_semaphore(%arg19 : memref<!tpu.dma_semaphore, #tpu.memory_space<semaphore_mem>>)
      } else {
      }
      %scan3A_388 = arith.constant 0 : i32
      scf.yield %scan3A_388 : i32
    }
    %scan3A_125 = arith.constant 125 : i32
    %mul3A_126 = arith.constant 10000 : i32
    %mul3A_127 = arith.muli %add3A, %mul3A_126 : i32
    %add3A_128 = arith.constant 9920 : i32
    %add3A_129 = arith.addi %mul3A_127, %add3A_128 : i32
    %dma_wait3A = arith.constant 0 : i32
    %dma_wait3A_130 = arith.constant 0 : i32
    %dma_wait3A_131 = arith.constant 0 : i32
    %dma_wait3A_132 = tpu.memref_slice %arg14[%dma_wait3A, %dma_wait3A_130, %dma_wait3A_131] : memref<2x40x4xf32, #tpu.memory_space<vmem>> -> memref<1x40x4xf32, #tpu.memory_space<vmem>>
    %dma_wait3A_133 = tpu.memref_squeeze %dma_wait3A_132 : memref<1x40x4xf32, #tpu.memory_space<vmem>> -> memref<40x4xf32, #tpu.memory_space<vmem>>
    %dma_wait3A_134 = arith.constant 0 : i32
    %dma_wait3A_135 = tpu.memref_slice %arg8[%add3A_129, %dma_wait3A_134] : memref<320000x4xf32, #tpu.memory_space<hbm>> -> memref<40x4xf32, #tpu.memory_space<hbm>>
    %dma_wait3A_136 = arith.constant 0 : i32
    %dma_wait3A_137 = tpu.memref_slice %arg8[%add3A_129, %dma_wait3A_136] : memref<320000x4xf32, #tpu.memory_space<hbm>> -> memref<40x4xf32, #tpu.memory_space<hbm>>
    %dma_wait3A_138 = arith.constant 0 : i32
    %dma_wait3A_139 = arith.constant 0 : i32
    %dma_wait3A_140 = tpu.memref_slice %arg14[%dma_wait3A, %dma_wait3A_138, %dma_wait3A_139] : memref<2x40x4xf32, #tpu.memory_space<vmem>> -> memref<1x40x4xf32, #tpu.memory_space<vmem>>
    %dma_wait3A_141 = tpu.memref_squeeze %dma_wait3A_140 : memref<1x40x4xf32, #tpu.memory_space<vmem>> -> memref<40x4xf32, #tpu.memory_space<vmem>>
    tpu.wait_dma2 semaphore(%arg22 : memref<!tpu.dma_semaphore, #tpu.memory_space<semaphore_mem>>) src(%dma_wait3A_141 : memref<40x4xf32, #tpu.memory_space<vmem>>) dst(%dma_wait3A_137 : memref<40x4xf32, #tpu.memory_space<hbm>>)
    %mul3A_142 = arith.constant 10000 : i32
    %mul3A_143 = arith.muli %add3A, %mul3A_142 : i32
    %add3A_144 = arith.constant 9960 : i32
    %add3A_145 = arith.addi %mul3A_143, %add3A_144 : i32
    %dma_wait3A_146 = arith.constant 1 : i32
    %dma_wait3A_147 = arith.constant 0 : i32
    %dma_wait3A_148 = arith.constant 0 : i32
    %dma_wait3A_149 = tpu.memref_slice %arg14[%dma_wait3A_146, %dma_wait3A_147, %dma_wait3A_148] : memref<2x40x4xf32, #tpu.memory_space<vmem>> -> memref<1x40x4xf32, #tpu.memory_space<vmem>>
    %dma_wait3A_150 = tpu.memref_squeeze %dma_wait3A_149 : memref<1x40x4xf32, #tpu.memory_space<vmem>> -> memref<40x4xf32, #tpu.memory_space<vmem>>
    %dma_wait3A_151 = arith.constant 0 : i32
    %dma_wait3A_152 = tpu.memref_slice %arg8[%add3A_145, %dma_wait3A_151] : memref<320000x4xf32, #tpu.memory_space<hbm>> -> memref<40x4xf32, #tpu.memory_space<hbm>>
    %dma_wait3A_153 = arith.constant 0 : i32
    %dma_wait3A_154 = tpu.memref_slice %arg8[%add3A_145, %dma_wait3A_153] : memref<320000x4xf32, #tpu.memory_space<hbm>> -> memref<40x4xf32, #tpu.memory_space<hbm>>
    %dma_wait3A_155 = arith.constant 0 : i32
    %dma_wait3A_156 = arith.constant 0 : i32
    %dma_wait3A_157 = tpu.memref_slice %arg14[%dma_wait3A_146, %dma_wait3A_155, %dma_wait3A_156] : memref<2x40x4xf32, #tpu.memory_space<vmem>> -> memref<1x40x4xf32, #tpu.memory_space<vmem>>
    %dma_wait3A_158 = tpu.memref_squeeze %dma_wait3A_157 : memref<1x40x4xf32, #tpu.memory_space<vmem>> -> memref<40x4xf32, #tpu.memory_space<vmem>>
    tpu.wait_dma2 semaphore(%arg23 : memref<!tpu.dma_semaphore, #tpu.memory_space<semaphore_mem>>) src(%dma_wait3A_158 : memref<40x4xf32, #tpu.memory_space<vmem>>) dst(%dma_wait3A_154 : memref<40x4xf32, #tpu.memory_space<hbm>>)
    %barrier3A_159 = arith.constant 0 : index
    tpu.barrier barrier_id(%barrier3A_159)
    %lt3A_160 = arith.constant 10 : i32
    %lt3A_161 = arith.cmpi slt, %arg1, %lt3A_160 : i32
    %convert_element_type3A_162 = arith.extui %lt3A_161 : i1 to i32
    %cond3A_163 = arith.constant 0 : i32
    %cond3A_164 = arith.cmpi ne, %convert_element_type3A_162, %cond3A_163 : i32
    scf.if %cond3A_164 {
      %mul3A_165 = arith.constant 1000 : i32
      %mul3A_166 = arith.muli %arg1, %mul3A_165 : i32
      %mul3A_167 = arith.constant 1000 : i32
      %mul3A_168 = arith.muli %arg1, %mul3A_167 : i32
      "tpu.region"() ({
        %run_scoped3A_169 = tpu.sem_alloc : memref<!tpu.dma_semaphore, #tpu.memory_space<semaphore_mem>>
        %dma_start3A_170 = arith.constant 0 : i32
        %dma_start3A_171 = tpu.memref_slice %arg9[%arg0, %mul3A_168, %dma_start3A_170] : memref<2x10000x128xf32, #tpu.memory_space<hbm>> -> memref<1x1000x128xf32, #tpu.memory_space<hbm>>
        %dma_start3A_172 = tpu.memref_squeeze %dma_start3A_171 : memref<1x1000x128xf32, #tpu.memory_space<hbm>> -> memref<1000x128xf32, #tpu.memory_space<hbm>>
        %dma_start3A_173 = arith.constant 0 : i32
        %dma_start3A_174 = tpu.memref_slice %arg24[%mul3A_166, %dma_start3A_173] : memref<10000x128xf32, #tpu.memory_space<vmem_shared>> -> memref<1000x128xf32, #tpu.memory_space<vmem_shared>>
        tpu.enqueue_dma source(%dma_start3A_174 : memref<1000x128xf32, #tpu.memory_space<vmem_shared>>) target(%dma_start3A_172 : memref<1000x128xf32, #tpu.memory_space<hbm>>) target_semaphore(%run_scoped3A_169 : memref<!tpu.dma_semaphore, #tpu.memory_space<semaphore_mem>>)
        %dma_wait3A_175 = arith.constant 0 : i32
        %dma_wait3A_176 = tpu.memref_slice %arg9[%arg0, %mul3A_168, %dma_wait3A_175] : memref<2x10000x128xf32, #tpu.memory_space<hbm>> -> memref<1x1000x128xf32, #tpu.memory_space<hbm>>
        %dma_wait3A_177 = tpu.memref_squeeze %dma_wait3A_176 : memref<1x1000x128xf32, #tpu.memory_space<hbm>> -> memref<1000x128xf32, #tpu.memory_space<hbm>>
        %dma_wait3A_178 = arith.constant 0 : i32
        %dma_wait3A_179 = tpu.memref_slice %arg24[%mul3A_166, %dma_wait3A_178] : memref<10000x128xf32, #tpu.memory_space<vmem_shared>> -> memref<1000x128xf32, #tpu.memory_space<vmem_shared>>
        tpu.wait_dma2 semaphore(%run_scoped3A_169 : memref<!tpu.dma_semaphore, #tpu.memory_space<semaphore_mem>>) src(%dma_wait3A_179 : memref<1000x128xf32, #tpu.memory_space<vmem_shared>>) dst(%dma_wait3A_177 : memref<1000x128xf32, #tpu.memory_space<hbm>>)
        tpu.yield
      }) : () -> ()
    } else {
    }
    return
  }
}

#map = affine_map<(d0, d1) -> (0, 0, 0)>
#map1 = affine_map<(d0, d1) -> (0, 0)>
module attributes {stable_mosaic.version = 14 : i64} {
  func.func @pass1(%arg0: i32, %arg1: i32, %arg2: memref<32x125x80xi32, #tpu.memory_space<hbm>>, %arg3: memref<32x125x80xi32, #tpu.memory_space<hbm>>, %arg4: memref<10000x128xf32, #tpu.memory_space<hbm>>, %arg5: memref<10000x128xf32, #tpu.memory_space<hbm>>, %arg6: memref<320000x4xf32, #tpu.memory_space<hbm>>, %arg7: memref<10000x16xf32, #tpu.memory_space<hbm>>, %arg8: memref<10000x16xf32, #tpu.memory_space<hbm>>, %arg9: memref<125x80xi32, #tpu.memory_space<vmem>>, %arg10: memref<2x80xi32, #tpu.memory_space<vmem>>, %arg11: memref<2x80x128xf32, #tpu.memory_space<vmem>>, %arg12: memref<2x80x128xf32, #tpu.memory_space<vmem>>, %arg13: memref<2x80x4xf32, #tpu.memory_space<vmem>>, %arg14: memref<2x80x16xf32, #tpu.memory_space<vmem>>, %arg15: memref<200x16xf32, #tpu.memory_space<vmem>>, %arg16: memref<!tpu.dma_semaphore, #tpu.memory_space<semaphore_mem>>, %arg17: memref<!tpu.dma_semaphore, #tpu.memory_space<semaphore_mem>>, %arg18: memref<!tpu.dma_semaphore, #tpu.memory_space<semaphore_mem>>, %arg19: memref<!tpu.dma_semaphore, #tpu.memory_space<semaphore_mem>>, %arg20: memref<!tpu.dma_semaphore, #tpu.memory_space<semaphore_mem>>, %arg21: memref<!tpu.dma_semaphore, #tpu.memory_space<semaphore_mem>>, %arg22: memref<10000x16xf32, #tpu.memory_space<vmem_shared>>) attributes {dimension_semantics = [#tpu.dimension_semantics<core_parallel>, #tpu.dimension_semantics<subcore_parallel>], iteration_bounds = array<i64: 2, 16>, scalar_prefetch = 0 : i64, scratch_operands = 14 : i64, tpu.core_type = #tpu.core_type<sc_vector_subcore>, window_params = [{transform_indices = #map}, {transform_indices = #map}, {transform_indices = #map1}, {transform_indices = #map1}, {transform_indices = #map1}, {transform_indices = #map1}, {transform_indices = #map1}]} {
    %mul3A = arith.constant 16 : i32
    %mul3A_0 = arith.muli %arg0, %mul3A : i32
    %add3A = arith.addi %mul3A_0, %arg1 : i32
    "tpu.region"() ({
      %run_scoped3A_294 = tpu.sem_alloc : memref<!tpu.dma_semaphore, #tpu.memory_space<semaphore_mem>>
      %dma_start3A_295 = arith.constant 0 : i32
      %dma_start3A_296 = arith.constant 0 : i32
      %dma_start3A_297 = tpu.memref_slice %arg2[%add3A, %dma_start3A_295, %dma_start3A_296] : memref<32x125x80xi32, #tpu.memory_space<hbm>> -> memref<1x125x80xi32, #tpu.memory_space<hbm>>
      %dma_start3A_298 = tpu.memref_squeeze %dma_start3A_297 : memref<1x125x80xi32, #tpu.memory_space<hbm>> -> memref<125x80xi32, #tpu.memory_space<hbm>>
      %dma_start3A_299 = arith.constant 0 : i32
      %dma_start3A_300 = arith.constant 0 : i32
      %dma_start3A_301 = tpu.memref_slice %arg2[%add3A, %dma_start3A_299, %dma_start3A_300] : memref<32x125x80xi32, #tpu.memory_space<hbm>> -> memref<1x125x80xi32, #tpu.memory_space<hbm>>
      %dma_start3A_302 = tpu.memref_squeeze %dma_start3A_301 : memref<1x125x80xi32, #tpu.memory_space<hbm>> -> memref<125x80xi32, #tpu.memory_space<hbm>>
      tpu.enqueue_dma source(%dma_start3A_302 : memref<125x80xi32, #tpu.memory_space<hbm>>) target(%arg9 : memref<125x80xi32, #tpu.memory_space<vmem>>) target_semaphore(%run_scoped3A_294 : memref<!tpu.dma_semaphore, #tpu.memory_space<semaphore_mem>>)
      %dma_wait3A_303 = arith.constant 0 : i32
      %dma_wait3A_304 = arith.constant 0 : i32
      %dma_wait3A_305 = tpu.memref_slice %arg2[%add3A, %dma_wait3A_303, %dma_wait3A_304] : memref<32x125x80xi32, #tpu.memory_space<hbm>> -> memref<1x125x80xi32, #tpu.memory_space<hbm>>
      %dma_wait3A_306 = tpu.memref_squeeze %dma_wait3A_305 : memref<1x125x80xi32, #tpu.memory_space<hbm>> -> memref<125x80xi32, #tpu.memory_space<hbm>>
      %dma_wait3A_307 = arith.constant 0 : i32
      %dma_wait3A_308 = arith.constant 0 : i32
      %dma_wait3A_309 = tpu.memref_slice %arg2[%add3A, %dma_wait3A_307, %dma_wait3A_308] : memref<32x125x80xi32, #tpu.memory_space<hbm>> -> memref<1x125x80xi32, #tpu.memory_space<hbm>>
      %dma_wait3A_310 = tpu.memref_squeeze %dma_wait3A_309 : memref<1x125x80xi32, #tpu.memory_space<hbm>> -> memref<125x80xi32, #tpu.memory_space<hbm>>
      tpu.wait_dma2 semaphore(%run_scoped3A_294 : memref<!tpu.dma_semaphore, #tpu.memory_space<semaphore_mem>>) src(%dma_wait3A_310 : memref<125x80xi32, #tpu.memory_space<hbm>>) dst(%arg9 : memref<125x80xi32, #tpu.memory_space<vmem>>)
      tpu.yield
    }) : () -> ()
    %run_scoped3A = arith.constant 0 : i32
    %run_scoped3A_1 = arith.constant 0 : i32
    "tpu.region"() ({
      %run_scoped3A_294 = tpu.sem_alloc : memref<!tpu.dma_semaphore, #tpu.memory_space<semaphore_mem>>
      %dma_start3A_295 = arith.constant 0 : i32
      %dma_start3A_296 = tpu.memref_slice %arg10[%run_scoped3A_1, %dma_start3A_295] : memref<2x80xi32, #tpu.memory_space<vmem>> -> memref<1x80xi32, #tpu.memory_space<vmem>>
      %dma_start3A_297 = tpu.memref_squeeze %dma_start3A_296 : memref<1x80xi32, #tpu.memory_space<vmem>> -> memref<80xi32, #tpu.memory_space<vmem>>
      %dma_start3A_298 = arith.constant 0 : i32
      %dma_start3A_299 = tpu.memref_slice %arg3[%add3A, %run_scoped3A, %dma_start3A_298] : memref<32x125x80xi32, #tpu.memory_space<hbm>> -> memref<1x1x80xi32, #tpu.memory_space<hbm>>
      %dma_start3A_300 = tpu.memref_squeeze %dma_start3A_299 : memref<1x1x80xi32, #tpu.memory_space<hbm>> -> memref<80xi32, #tpu.memory_space<hbm>>
      %dma_start3A_301 = arith.constant 0 : i32
      %dma_start3A_302 = tpu.memref_slice %arg10[%run_scoped3A_1, %dma_start3A_301] : memref<2x80xi32, #tpu.memory_space<vmem>> -> memref<1x80xi32, #tpu.memory_space<vmem>>
      %dma_start3A_303 = tpu.memref_squeeze %dma_start3A_302 : memref<1x80xi32, #tpu.memory_space<vmem>> -> memref<80xi32, #tpu.memory_space<vmem>>
      %dma_start3A_304 = arith.constant 0 : i32
      %dma_start3A_305 = tpu.memref_slice %arg3[%add3A, %run_scoped3A, %dma_start3A_304] : memref<32x125x80xi32, #tpu.memory_space<hbm>> -> memref<1x1x80xi32, #tpu.memory_space<hbm>>
      %dma_start3A_306 = tpu.memref_squeeze %dma_start3A_305 : memref<1x1x80xi32, #tpu.memory_space<hbm>> -> memref<80xi32, #tpu.memory_space<hbm>>
      tpu.enqueue_dma source(%dma_start3A_306 : memref<80xi32, #tpu.memory_space<hbm>>) target(%dma_start3A_303 : memref<80xi32, #tpu.memory_space<vmem>>) target_semaphore(%run_scoped3A_294 : memref<!tpu.dma_semaphore, #tpu.memory_space<semaphore_mem>>)
      %dma_wait3A_307 = arith.constant 0 : i32
      %dma_wait3A_308 = tpu.memref_slice %arg10[%run_scoped3A_1, %dma_wait3A_307] : memref<2x80xi32, #tpu.memory_space<vmem>> -> memref<1x80xi32, #tpu.memory_space<vmem>>
      %dma_wait3A_309 = tpu.memref_squeeze %dma_wait3A_308 : memref<1x80xi32, #tpu.memory_space<vmem>> -> memref<80xi32, #tpu.memory_space<vmem>>
      %dma_wait3A_310 = arith.constant 0 : i32
      %dma_wait3A_311 = tpu.memref_slice %arg3[%add3A, %run_scoped3A, %dma_wait3A_310] : memref<32x125x80xi32, #tpu.memory_space<hbm>> -> memref<1x1x80xi32, #tpu.memory_space<hbm>>
      %dma_wait3A_312 = tpu.memref_squeeze %dma_wait3A_311 : memref<1x1x80xi32, #tpu.memory_space<hbm>> -> memref<80xi32, #tpu.memory_space<hbm>>
      %dma_wait3A_313 = arith.constant 0 : i32
      %dma_wait3A_314 = tpu.memref_slice %arg10[%run_scoped3A_1, %dma_wait3A_313] : memref<2x80xi32, #tpu.memory_space<vmem>> -> memref<1x80xi32, #tpu.memory_space<vmem>>
      %dma_wait3A_315 = tpu.memref_squeeze %dma_wait3A_314 : memref<1x80xi32, #tpu.memory_space<vmem>> -> memref<80xi32, #tpu.memory_space<vmem>>
      %dma_wait3A_316 = arith.constant 0 : i32
      %dma_wait3A_317 = tpu.memref_slice %arg3[%add3A, %run_scoped3A, %dma_wait3A_316] : memref<32x125x80xi32, #tpu.memory_space<hbm>> -> memref<1x1x80xi32, #tpu.memory_space<hbm>>
      %dma_wait3A_318 = tpu.memref_squeeze %dma_wait3A_317 : memref<1x1x80xi32, #tpu.memory_space<hbm>> -> memref<80xi32, #tpu.memory_space<hbm>>
      tpu.wait_dma2 semaphore(%run_scoped3A_294 : memref<!tpu.dma_semaphore, #tpu.memory_space<semaphore_mem>>) src(%dma_wait3A_318 : memref<80xi32, #tpu.memory_space<hbm>>) dst(%dma_wait3A_315 : memref<80xi32, #tpu.memory_space<vmem>>)
      tpu.yield
    }) : () -> ()
    %dma_start3A = arith.constant 0 : i32
    %dma_start3A_2 = arith.constant 0 : i32
    %dma_start3A_3 = arith.constant 0 : i32
    %dma_start3A_4 = arith.constant 0 : i32
    %dma_start3A_5 = tpu.memref_slice %arg11[%dma_start3A_2, %dma_start3A_3, %dma_start3A_4] : memref<2x80x128xf32, #tpu.memory_space<vmem>> -> memref<1x80x128xf32, #tpu.memory_space<vmem>>
    %dma_start3A_6 = tpu.memref_squeeze %dma_start3A_5 : memref<1x80x128xf32, #tpu.memory_space<vmem>> -> memref<80x128xf32, #tpu.memory_space<vmem>>
    %dma_start3A_7 = arith.constant 0 : i32
    %dma_start3A_8 = tpu.memref_slice %arg9[%dma_start3A, %dma_start3A_7] : memref<125x80xi32, #tpu.memory_space<vmem>> -> memref<1x80xi32, #tpu.memory_space<vmem>>
    %dma_start3A_9 = tpu.memref_squeeze %dma_start3A_8 : memref<1x80xi32, #tpu.memory_space<vmem>> -> memref<80xi32, #tpu.memory_space<vmem>>
    %dma_start3A_10 = arith.constant 0 : i32
    %dma_start3A_11 = arith.constant 0 : i32
    %dma_start3A_12 = tpu.memref_slice %arg4[%dma_start3A_10, %dma_start3A_11] : memref<10000x128xf32, #tpu.memory_space<hbm>> -> memref<10000x128xf32, #tpu.memory_space<hbm>>
    tpu.enqueue_indirect_dma source(%dma_start3A_12 : memref<10000x128xf32, #tpu.memory_space<hbm>>) target(%dma_start3A_6 : memref<80x128xf32, #tpu.memory_space<vmem>>) offsets(%dma_start3A_9 : memref<80xi32, #tpu.memory_space<vmem>>) semaphore(%arg16 : memref<!tpu.dma_semaphore, #tpu.memory_space<semaphore_mem>>)
    %dma_start3A_13 = arith.constant 0 : i32
    %dma_start3A_14 = arith.constant 0 : i32
    %dma_start3A_15 = arith.constant 0 : i32
    %dma_start3A_16 = arith.constant 0 : i32
    %dma_start3A_17 = tpu.memref_slice %arg12[%dma_start3A_14, %dma_start3A_15, %dma_start3A_16] : memref<2x80x128xf32, #tpu.memory_space<vmem>> -> memref<1x80x128xf32, #tpu.memory_space<vmem>>
    %dma_start3A_18 = tpu.memref_squeeze %dma_start3A_17 : memref<1x80x128xf32, #tpu.memory_space<vmem>> -> memref<80x128xf32, #tpu.memory_space<vmem>>
    %dma_start3A_19 = arith.constant 0 : i32
    %dma_start3A_20 = tpu.memref_slice %arg10[%dma_start3A_13, %dma_start3A_19] : memref<2x80xi32, #tpu.memory_space<vmem>> -> memref<1x80xi32, #tpu.memory_space<vmem>>
    %dma_start3A_21 = tpu.memref_squeeze %dma_start3A_20 : memref<1x80xi32, #tpu.memory_space<vmem>> -> memref<80xi32, #tpu.memory_space<vmem>>
    %dma_start3A_22 = arith.constant 0 : i32
    %dma_start3A_23 = arith.constant 0 : i32
    %dma_start3A_24 = tpu.memref_slice %arg5[%dma_start3A_22, %dma_start3A_23] : memref<10000x128xf32, #tpu.memory_space<hbm>> -> memref<10000x128xf32, #tpu.memory_space<hbm>>
    tpu.enqueue_indirect_dma source(%dma_start3A_24 : memref<10000x128xf32, #tpu.memory_space<hbm>>) target(%dma_start3A_18 : memref<80x128xf32, #tpu.memory_space<vmem>>) offsets(%dma_start3A_21 : memref<80xi32, #tpu.memory_space<vmem>>) semaphore(%arg16 : memref<!tpu.dma_semaphore, #tpu.memory_space<semaphore_mem>>)
    %run_scoped3A_25 = arith.constant 1 : i32
    %run_scoped3A_26 = arith.constant 1 : i32
    "tpu.region"() ({
      %run_scoped3A_294 = tpu.sem_alloc : memref<!tpu.dma_semaphore, #tpu.memory_space<semaphore_mem>>
      %dma_start3A_295 = arith.constant 0 : i32
      %dma_start3A_296 = tpu.memref_slice %arg10[%run_scoped3A_26, %dma_start3A_295] : memref<2x80xi32, #tpu.memory_space<vmem>> -> memref<1x80xi32, #tpu.memory_space<vmem>>
      %dma_start3A_297 = tpu.memref_squeeze %dma_start3A_296 : memref<1x80xi32, #tpu.memory_space<vmem>> -> memref<80xi32, #tpu.memory_space<vmem>>
      %dma_start3A_298 = arith.constant 0 : i32
      %dma_start3A_299 = tpu.memref_slice %arg3[%add3A, %run_scoped3A_25, %dma_start3A_298] : memref<32x125x80xi32, #tpu.memory_space<hbm>> -> memref<1x1x80xi32, #tpu.memory_space<hbm>>
      %dma_start3A_300 = tpu.memref_squeeze %dma_start3A_299 : memref<1x1x80xi32, #tpu.memory_space<hbm>> -> memref<80xi32, #tpu.memory_space<hbm>>
      %dma_start3A_301 = arith.constant 0 : i32
      %dma_start3A_302 = tpu.memref_slice %arg10[%run_scoped3A_26, %dma_start3A_301] : memref<2x80xi32, #tpu.memory_space<vmem>> -> memref<1x80xi32, #tpu.memory_space<vmem>>
      %dma_start3A_303 = tpu.memref_squeeze %dma_start3A_302 : memref<1x80xi32, #tpu.memory_space<vmem>> -> memref<80xi32, #tpu.memory_space<vmem>>
      %dma_start3A_304 = arith.constant 0 : i32
      %dma_start3A_305 = tpu.memref_slice %arg3[%add3A, %run_scoped3A_25, %dma_start3A_304] : memref<32x125x80xi32, #tpu.memory_space<hbm>> -> memref<1x1x80xi32, #tpu.memory_space<hbm>>
      %dma_start3A_306 = tpu.memref_squeeze %dma_start3A_305 : memref<1x1x80xi32, #tpu.memory_space<hbm>> -> memref<80xi32, #tpu.memory_space<hbm>>
      tpu.enqueue_dma source(%dma_start3A_306 : memref<80xi32, #tpu.memory_space<hbm>>) target(%dma_start3A_303 : memref<80xi32, #tpu.memory_space<vmem>>) target_semaphore(%run_scoped3A_294 : memref<!tpu.dma_semaphore, #tpu.memory_space<semaphore_mem>>)
      %dma_wait3A_307 = arith.constant 0 : i32
      %dma_wait3A_308 = tpu.memref_slice %arg10[%run_scoped3A_26, %dma_wait3A_307] : memref<2x80xi32, #tpu.memory_space<vmem>> -> memref<1x80xi32, #tpu.memory_space<vmem>>
      %dma_wait3A_309 = tpu.memref_squeeze %dma_wait3A_308 : memref<1x80xi32, #tpu.memory_space<vmem>> -> memref<80xi32, #tpu.memory_space<vmem>>
      %dma_wait3A_310 = arith.constant 0 : i32
      %dma_wait3A_311 = tpu.memref_slice %arg3[%add3A, %run_scoped3A_25, %dma_wait3A_310] : memref<32x125x80xi32, #tpu.memory_space<hbm>> -> memref<1x1x80xi32, #tpu.memory_space<hbm>>
      %dma_wait3A_312 = tpu.memref_squeeze %dma_wait3A_311 : memref<1x1x80xi32, #tpu.memory_space<hbm>> -> memref<80xi32, #tpu.memory_space<hbm>>
      %dma_wait3A_313 = arith.constant 0 : i32
      %dma_wait3A_314 = tpu.memref_slice %arg10[%run_scoped3A_26, %dma_wait3A_313] : memref<2x80xi32, #tpu.memory_space<vmem>> -> memref<1x80xi32, #tpu.memory_space<vmem>>
      %dma_wait3A_315 = tpu.memref_squeeze %dma_wait3A_314 : memref<1x80xi32, #tpu.memory_space<vmem>> -> memref<80xi32, #tpu.memory_space<vmem>>
      %dma_wait3A_316 = arith.constant 0 : i32
      %dma_wait3A_317 = tpu.memref_slice %arg3[%add3A, %run_scoped3A_25, %dma_wait3A_316] : memref<32x125x80xi32, #tpu.memory_space<hbm>> -> memref<1x1x80xi32, #tpu.memory_space<hbm>>
      %dma_wait3A_318 = tpu.memref_squeeze %dma_wait3A_317 : memref<1x1x80xi32, #tpu.memory_space<hbm>> -> memref<80xi32, #tpu.memory_space<hbm>>
      tpu.wait_dma2 semaphore(%run_scoped3A_294 : memref<!tpu.dma_semaphore, #tpu.memory_space<semaphore_mem>>) src(%dma_wait3A_318 : memref<80xi32, #tpu.memory_space<hbm>>) dst(%dma_wait3A_315 : memref<80xi32, #tpu.memory_space<vmem>>)
      tpu.yield
    }) : () -> ()
    %dma_start3A_27 = arith.constant 1 : i32
    %dma_start3A_28 = arith.constant 1 : i32
    %dma_start3A_29 = arith.constant 0 : i32
    %dma_start3A_30 = arith.constant 0 : i32
    %dma_start3A_31 = tpu.memref_slice %arg11[%dma_start3A_28, %dma_start3A_29, %dma_start3A_30] : memref<2x80x128xf32, #tpu.memory_space<vmem>> -> memref<1x80x128xf32, #tpu.memory_space<vmem>>
    %dma_start3A_32 = tpu.memref_squeeze %dma_start3A_31 : memref<1x80x128xf32, #tpu.memory_space<vmem>> -> memref<80x128xf32, #tpu.memory_space<vmem>>
    %dma_start3A_33 = arith.constant 0 : i32
    %dma_start3A_34 = tpu.memref_slice %arg9[%dma_start3A_27, %dma_start3A_33] : memref<125x80xi32, #tpu.memory_space<vmem>> -> memref<1x80xi32, #tpu.memory_space<vmem>>
    %dma_start3A_35 = tpu.memref_squeeze %dma_start3A_34 : memref<1x80xi32, #tpu.memory_space<vmem>> -> memref<80xi32, #tpu.memory_space<vmem>>
    %dma_start3A_36 = arith.constant 0 : i32
    %dma_start3A_37 = arith.constant 0 : i32
    %dma_start3A_38 = tpu.memref_slice %arg4[%dma_start3A_36, %dma_start3A_37] : memref<10000x128xf32, #tpu.memory_space<hbm>> -> memref<10000x128xf32, #tpu.memory_space<hbm>>
    tpu.enqueue_indirect_dma source(%dma_start3A_38 : memref<10000x128xf32, #tpu.memory_space<hbm>>) target(%dma_start3A_32 : memref<80x128xf32, #tpu.memory_space<vmem>>) offsets(%dma_start3A_35 : memref<80xi32, #tpu.memory_space<vmem>>) semaphore(%arg17 : memref<!tpu.dma_semaphore, #tpu.memory_space<semaphore_mem>>)
    %dma_start3A_39 = arith.constant 1 : i32
    %dma_start3A_40 = arith.constant 1 : i32
    %dma_start3A_41 = arith.constant 0 : i32
    %dma_start3A_42 = arith.constant 0 : i32
    %dma_start3A_43 = tpu.memref_slice %arg12[%dma_start3A_40, %dma_start3A_41, %dma_start3A_42] : memref<2x80x128xf32, #tpu.memory_space<vmem>> -> memref<1x80x128xf32, #tpu.memory_space<vmem>>
    %dma_start3A_44 = tpu.memref_squeeze %dma_start3A_43 : memref<1x80x128xf32, #tpu.memory_space<vmem>> -> memref<80x128xf32, #tpu.memory_space<vmem>>
    %dma_start3A_45 = arith.constant 0 : i32
    %dma_start3A_46 = tpu.memref_slice %arg10[%dma_start3A_39, %dma_start3A_45] : memref<2x80xi32, #tpu.memory_space<vmem>> -> memref<1x80xi32, #tpu.memory_space<vmem>>
    %dma_start3A_47 = tpu.memref_squeeze %dma_start3A_46 : memref<1x80xi32, #tpu.memory_space<vmem>> -> memref<80xi32, #tpu.memory_space<vmem>>
    %dma_start3A_48 = arith.constant 0 : i32
    %dma_start3A_49 = arith.constant 0 : i32
    %dma_start3A_50 = tpu.memref_slice %arg5[%dma_start3A_48, %dma_start3A_49] : memref<10000x128xf32, #tpu.memory_space<hbm>> -> memref<10000x128xf32, #tpu.memory_space<hbm>>
    tpu.enqueue_indirect_dma source(%dma_start3A_50 : memref<10000x128xf32, #tpu.memory_space<hbm>>) target(%dma_start3A_44 : memref<80x128xf32, #tpu.memory_space<vmem>>) offsets(%dma_start3A_47 : memref<80xi32, #tpu.memory_space<vmem>>) semaphore(%arg17 : memref<!tpu.dma_semaphore, #tpu.memory_space<semaphore_mem>>)
    %broadcast_in_dim3A = arith.constant 0.000000e+00 : f32
    %broadcast_in_dim3A_51 = vector.broadcast %broadcast_in_dim3A : f32 to vector<16xf32>
    %scan3A = arith.constant 0 : i32
    %scan3A_52 = arith.constant 0 : i32
    %scan3A_53 = arith.constant 0 : i32
    %scan3A_54 = arith.constant 80 : i32
    %scan3A_55 = arith.addi %scan3A_53, %scan3A_54 : i32
    %scan3A_56 = arith.constant 1 : i32
    %scan3A_57 = scf.for %scan3A_294 = %scan3A_53 to %scan3A_55 step %scan3A_56 iter_args(%scan3A_295 = %scan3A_52) -> (i32)  : i32 {
      %mul3A_296 = arith.constant 16 : i32
      %mul3A_297 = arith.muli %scan3A_294, %mul3A_296 : i32
      %iota3A_298 = tpu.iota {dimensions = array<i32: 0>} : vector<16xi32>
      %add3A_299 = vector.broadcast %mul3A_297 : i32 to vector<16xi32>
      %add3A_300 = arith.addi %add3A_299, %iota3A_298 : vector<16xi32>
      %jit3A_301 = arith.constant 16 : i32
      %div3A_302 = vector.broadcast %jit3A_301 : i32 to vector<16xi32>
      %div3A_303 = arith.divsi %add3A_300, %div3A_302 : vector<16xi32>
      %sign3A_304 = arith.constant 0 : i32
      %sign3A_305 = vector.broadcast %sign3A_304 : i32 to vector<16xi32>
      %sign3A_306 = arith.cmpi sgt, %add3A_300, %sign3A_305 : vector<16xi32>
      %sign3A_307 = arith.extui %sign3A_306 : vector<16xi1> to vector<16xi32>
      %sign3A_308 = arith.constant 0 : i32
      %sign3A_309 = vector.broadcast %sign3A_308 : i32 to vector<16xi32>
      %sign3A_310 = arith.cmpi slt, %add3A_300, %sign3A_309 : vector<16xi32>
      %sign3A_311 = arith.extui %sign3A_310 : vector<16xi1> to vector<16xi32>
      %sign3A_312 = arith.subi %sign3A_307, %sign3A_311 : vector<16xi32>
      %sign3A_313 = arith.constant 0 : i32
      %sign3A_314 = arith.cmpi sgt, %jit3A_301, %sign3A_313 : i32
      %sign3A_315 = arith.extui %sign3A_314 : i1 to i32
      %sign3A_316 = arith.constant 0 : i32
      %sign3A_317 = arith.cmpi slt, %jit3A_301, %sign3A_316 : i32
      %sign3A_318 = arith.extui %sign3A_317 : i1 to i32
      %sign3A_319 = arith.subi %sign3A_315, %sign3A_318 : i32
      %ne3A_320 = vector.broadcast %sign3A_319 : i32 to vector<16xi32>
      %ne3A_321 = arith.cmpi ne, %sign3A_312, %ne3A_320 : vector<16xi32>
      %rem3A_322 = vector.broadcast %jit3A_301 : i32 to vector<16xi32>
      %rem3A_323 = arith.remsi %add3A_300, %rem3A_322 : vector<16xi32>
      %ne3A_324 = arith.constant 0 : i32
      %ne3A_325 = vector.broadcast %ne3A_324 : i32 to vector<16xi32>
      %ne3A_326 = arith.cmpi ne, %rem3A_323, %ne3A_325 : vector<16xi32>
      %and3A_327 = arith.andi %ne3A_321, %ne3A_326 : vector<16xi1>
      %sub3A_328 = arith.constant 1 : i32
      %sub3A_329 = vector.broadcast %sub3A_328 : i32 to vector<16xi32>
      %sub3A_330 = arith.subi %div3A_303, %sub3A_329 : vector<16xi32>
      %select_n3A_331 = arith.select %and3A_327, %sub3A_330, %div3A_303 : vector<16xi1>, vector<16xi32>
      %jit3A_332 = arith.constant 16 : i32
      %eq3A_333 = arith.constant 0 : i32
      %eq3A_334 = arith.cmpi eq, %jit3A_332, %eq3A_333 : i32
      %jit3A_335 = arith.constant 1 : i32
      %select_n3A_336 = arith.select %eq3A_334, %jit3A_335, %jit3A_332 : i32
      %rem3A_337 = vector.broadcast %select_n3A_336 : i32 to vector<16xi32>
      %rem3A_338 = arith.remsi %add3A_300, %rem3A_337 : vector<16xi32>
      %ne3A_339 = arith.constant 0 : i32
      %ne3A_340 = vector.broadcast %ne3A_339 : i32 to vector<16xi32>
      %ne3A_341 = arith.cmpi ne, %rem3A_338, %ne3A_340 : vector<16xi32>
      %lt3A_342 = arith.constant 0 : i32
      %lt3A_343 = vector.broadcast %lt3A_342 : i32 to vector<16xi32>
      %lt3A_344 = arith.cmpi slt, %rem3A_338, %lt3A_343 : vector<16xi32>
      %lt3A_345 = arith.constant 0 : i32
      %lt3A_346 = arith.cmpi slt, %select_n3A_336, %lt3A_345 : i32
      %ne3A_347 = vector.broadcast %lt3A_346 : i1 to vector<16xi1>
      %ne3A_348 = vector.broadcast %ne3A_347 : vector<16xi1> to vector<16xi1>
      %ne3A_349 = arith.xori %lt3A_344, %ne3A_348 : vector<16xi1>
      %and3A_350 = arith.andi %ne3A_349, %ne3A_341 : vector<16xi1>
      %add3A_351 = vector.broadcast %select_n3A_336 : i32 to vector<16xi32>
      %add3A_352 = arith.addi %rem3A_338, %add3A_351 : vector<16xi32>
      %select_n3A_353 = arith.select %and3A_350, %add3A_352, %rem3A_338 : vector<16xi1>, vector<16xi32>
      %scatter3A = arith.constant 0 : i32
      %scatter3A_354 = arith.constant 0 : i32
      %scatter3A_355 = tpu.memref_slice %arg14[%scan3A, %scatter3A, %scatter3A_354] : memref<2x80x16xf32, #tpu.memory_space<vmem>> -> memref<1x80x16xf32, #tpu.memory_space<vmem>>
      %scatter3A_356 = tpu.memref_squeeze %scatter3A_355 : memref<1x80x16xf32, #tpu.memory_space<vmem>> -> memref<80x16xf32, #tpu.memory_space<vmem>>
      tpu.vector_store_idx %scatter3A_356[%select_n3A_331, %select_n3A_353], %broadcast_in_dim3A_51 : memref<80x16xf32, #tpu.memory_space<vmem>>[vector<16xi32>, vector<16xi32>], vector<16xf32>,
      %scan3A_357 = arith.constant 0 : i32
      scf.yield %scan3A_357 : i32
    }
    %scan3A_58 = arith.constant 80 : i32
    %broadcast_in_dim3A_59 = arith.constant 0.000000e+00 : f32
    %broadcast_in_dim3A_60 = vector.broadcast %broadcast_in_dim3A_59 : f32 to vector<16xf32>
    %scan3A_61 = arith.constant 1 : i32
    %scan3A_62 = arith.constant 0 : i32
    %scan3A_63 = arith.constant 0 : i32
    %scan3A_64 = arith.constant 80 : i32
    %scan3A_65 = arith.addi %scan3A_63, %scan3A_64 : i32
    %scan3A_66 = arith.constant 1 : i32
    %scan3A_67 = scf.for %scan3A_294 = %scan3A_63 to %scan3A_65 step %scan3A_66 iter_args(%scan3A_295 = %scan3A_62) -> (i32)  : i32 {
      %mul3A_296 = arith.constant 16 : i32
      %mul3A_297 = arith.muli %scan3A_294, %mul3A_296 : i32
      %iota3A_298 = tpu.iota {dimensions = array<i32: 0>} : vector<16xi32>
      %add3A_299 = vector.broadcast %mul3A_297 : i32 to vector<16xi32>
      %add3A_300 = arith.addi %add3A_299, %iota3A_298 : vector<16xi32>
      %jit3A_301 = arith.constant 16 : i32
      %div3A_302 = vector.broadcast %jit3A_301 : i32 to vector<16xi32>
      %div3A_303 = arith.divsi %add3A_300, %div3A_302 : vector<16xi32>
      %sign3A_304 = arith.constant 0 : i32
      %sign3A_305 = vector.broadcast %sign3A_304 : i32 to vector<16xi32>
      %sign3A_306 = arith.cmpi sgt, %add3A_300, %sign3A_305 : vector<16xi32>
      %sign3A_307 = arith.extui %sign3A_306 : vector<16xi1> to vector<16xi32>
      %sign3A_308 = arith.constant 0 : i32
      %sign3A_309 = vector.broadcast %sign3A_308 : i32 to vector<16xi32>
      %sign3A_310 = arith.cmpi slt, %add3A_300, %sign3A_309 : vector<16xi32>
      %sign3A_311 = arith.extui %sign3A_310 : vector<16xi1> to vector<16xi32>
      %sign3A_312 = arith.subi %sign3A_307, %sign3A_311 : vector<16xi32>
      %sign3A_313 = arith.constant 0 : i32
      %sign3A_314 = arith.cmpi sgt, %jit3A_301, %sign3A_313 : i32
      %sign3A_315 = arith.extui %sign3A_314 : i1 to i32
      %sign3A_316 = arith.constant 0 : i32
      %sign3A_317 = arith.cmpi slt, %jit3A_301, %sign3A_316 : i32
      %sign3A_318 = arith.extui %sign3A_317 : i1 to i32
      %sign3A_319 = arith.subi %sign3A_315, %sign3A_318 : i32
      %ne3A_320 = vector.broadcast %sign3A_319 : i32 to vector<16xi32>
      %ne3A_321 = arith.cmpi ne, %sign3A_312, %ne3A_320 : vector<16xi32>
      %rem3A_322 = vector.broadcast %jit3A_301 : i32 to vector<16xi32>
      %rem3A_323 = arith.remsi %add3A_300, %rem3A_322 : vector<16xi32>
      %ne3A_324 = arith.constant 0 : i32
      %ne3A_325 = vector.broadcast %ne3A_324 : i32 to vector<16xi32>
      %ne3A_326 = arith.cmpi ne, %rem3A_323, %ne3A_325 : vector<16xi32>
      %and3A_327 = arith.andi %ne3A_321, %ne3A_326 : vector<16xi1>
      %sub3A_328 = arith.constant 1 : i32
      %sub3A_329 = vector.broadcast %sub3A_328 : i32 to vector<16xi32>
      %sub3A_330 = arith.subi %div3A_303, %sub3A_329 : vector<16xi32>
      %select_n3A_331 = arith.select %and3A_327, %sub3A_330, %div3A_303 : vector<16xi1>, vector<16xi32>
      %jit3A_332 = arith.constant 16 : i32
      %eq3A_333 = arith.constant 0 : i32
      %eq3A_334 = arith.cmpi eq, %jit3A_332, %eq3A_333 : i32
      %jit3A_335 = arith.constant 1 : i32
      %select_n3A_336 = arith.select %eq3A_334, %jit3A_335, %jit3A_332 : i32
      %rem3A_337 = vector.broadcast %select_n3A_336 : i32 to vector<16xi32>
      %rem3A_338 = arith.remsi %add3A_300, %rem3A_337 : vector<16xi32>
      %ne3A_339 = arith.constant 0 : i32
      %ne3A_340 = vector.broadcast %ne3A_339 : i32 to vector<16xi32>
      %ne3A_341 = arith.cmpi ne, %rem3A_338, %ne3A_340 : vector<16xi32>
      %lt3A_342 = arith.constant 0 : i32
      %lt3A_343 = vector.broadcast %lt3A_342 : i32 to vector<16xi32>
      %lt3A_344 = arith.cmpi slt, %rem3A_338, %lt3A_343 : vector<16xi32>
      %lt3A_345 = arith.constant 0 : i32
      %lt3A_346 = arith.cmpi slt, %select_n3A_336, %lt3A_345 : i32
      %ne3A_347 = vector.broadcast %lt3A_346 : i1 to vector<16xi1>
      %ne3A_348 = vector.broadcast %ne3A_347 : vector<16xi1> to vector<16xi1>
      %ne3A_349 = arith.xori %lt3A_344, %ne3A_348 : vector<16xi1>
      %and3A_350 = arith.andi %ne3A_349, %ne3A_341 : vector<16xi1>
      %add3A_351 = vector.broadcast %select_n3A_336 : i32 to vector<16xi32>
      %add3A_352 = arith.addi %rem3A_338, %add3A_351 : vector<16xi32>
      %select_n3A_353 = arith.select %and3A_350, %add3A_352, %rem3A_338 : vector<16xi1>, vector<16xi32>
      %scatter3A = arith.constant 0 : i32
      %scatter3A_354 = arith.constant 0 : i32
      %scatter3A_355 = tpu.memref_slice %arg14[%scan3A_61, %scatter3A, %scatter3A_354] : memref<2x80x16xf32, #tpu.memory_space<vmem>> -> memref<1x80x16xf32, #tpu.memory_space<vmem>>
      %scatter3A_356 = tpu.memref_squeeze %scatter3A_355 : memref<1x80x16xf32, #tpu.memory_space<vmem>> -> memref<80x16xf32, #tpu.memory_space<vmem>>
      tpu.vector_store_idx %scatter3A_356[%select_n3A_331, %select_n3A_353], %broadcast_in_dim3A_60 : memref<80x16xf32, #tpu.memory_space<vmem>>[vector<16xi32>, vector<16xi32>], vector<16xf32>,
      %scan3A_357 = arith.constant 0 : i32
      scf.yield %scan3A_357 : i32
    }
    %scan3A_68 = arith.constant 80 : i32
    %broadcast_in_dim3A_69 = arith.constant 0.000000e+00 : f32
    %broadcast_in_dim3A_70 = vector.broadcast %broadcast_in_dim3A_69 : f32 to vector<16xf32>
    %scan3A_71 = arith.constant 0 : i32
    %scan3A_72 = arith.constant 0 : i32
    %scan3A_73 = arith.constant 200 : i32
    %scan3A_74 = arith.addi %scan3A_72, %scan3A_73 : i32
    %scan3A_75 = arith.constant 1 : i32
    %scan3A_76 = scf.for %scan3A_294 = %scan3A_72 to %scan3A_74 step %scan3A_75 iter_args(%scan3A_295 = %scan3A_71) -> (i32)  : i32 {
      %mul3A_296 = arith.constant 16 : i32
      %mul3A_297 = arith.muli %scan3A_294, %mul3A_296 : i32
      %iota3A_298 = tpu.iota {dimensions = array<i32: 0>} : vector<16xi32>
      %add3A_299 = vector.broadcast %mul3A_297 : i32 to vector<16xi32>
      %add3A_300 = arith.addi %add3A_299, %iota3A_298 : vector<16xi32>
      %jit3A_301 = arith.constant 16 : i32
      %div3A_302 = vector.broadcast %jit3A_301 : i32 to vector<16xi32>
      %div3A_303 = arith.divsi %add3A_300, %div3A_302 : vector<16xi32>
      %sign3A_304 = arith.constant 0 : i32
      %sign3A_305 = vector.broadcast %sign3A_304 : i32 to vector<16xi32>
      %sign3A_306 = arith.cmpi sgt, %add3A_300, %sign3A_305 : vector<16xi32>
      %sign3A_307 = arith.extui %sign3A_306 : vector<16xi1> to vector<16xi32>
      %sign3A_308 = arith.constant 0 : i32
      %sign3A_309 = vector.broadcast %sign3A_308 : i32 to vector<16xi32>
      %sign3A_310 = arith.cmpi slt, %add3A_300, %sign3A_309 : vector<16xi32>
      %sign3A_311 = arith.extui %sign3A_310 : vector<16xi1> to vector<16xi32>
      %sign3A_312 = arith.subi %sign3A_307, %sign3A_311 : vector<16xi32>
      %sign3A_313 = arith.constant 0 : i32
      %sign3A_314 = arith.cmpi sgt, %jit3A_301, %sign3A_313 : i32
      %sign3A_315 = arith.extui %sign3A_314 : i1 to i32
      %sign3A_316 = arith.constant 0 : i32
      %sign3A_317 = arith.cmpi slt, %jit3A_301, %sign3A_316 : i32
      %sign3A_318 = arith.extui %sign3A_317 : i1 to i32
      %sign3A_319 = arith.subi %sign3A_315, %sign3A_318 : i32
      %ne3A_320 = vector.broadcast %sign3A_319 : i32 to vector<16xi32>
      %ne3A_321 = arith.cmpi ne, %sign3A_312, %ne3A_320 : vector<16xi32>
      %rem3A_322 = vector.broadcast %jit3A_301 : i32 to vector<16xi32>
      %rem3A_323 = arith.remsi %add3A_300, %rem3A_322 : vector<16xi32>
      %ne3A_324 = arith.constant 0 : i32
      %ne3A_325 = vector.broadcast %ne3A_324 : i32 to vector<16xi32>
      %ne3A_326 = arith.cmpi ne, %rem3A_323, %ne3A_325 : vector<16xi32>
      %and3A_327 = arith.andi %ne3A_321, %ne3A_326 : vector<16xi1>
      %sub3A_328 = arith.constant 1 : i32
      %sub3A_329 = vector.broadcast %sub3A_328 : i32 to vector<16xi32>
      %sub3A_330 = arith.subi %div3A_303, %sub3A_329 : vector<16xi32>
      %select_n3A_331 = arith.select %and3A_327, %sub3A_330, %div3A_303 : vector<16xi1>, vector<16xi32>
      %jit3A_332 = arith.constant 16 : i32
      %eq3A_333 = arith.constant 0 : i32
      %eq3A_334 = arith.cmpi eq, %jit3A_332, %eq3A_333 : i32
      %jit3A_335 = arith.constant 1 : i32
      %select_n3A_336 = arith.select %eq3A_334, %jit3A_335, %jit3A_332 : i32
      %rem3A_337 = vector.broadcast %select_n3A_336 : i32 to vector<16xi32>
      %rem3A_338 = arith.remsi %add3A_300, %rem3A_337 : vector<16xi32>
      %ne3A_339 = arith.constant 0 : i32
      %ne3A_340 = vector.broadcast %ne3A_339 : i32 to vector<16xi32>
      %ne3A_341 = arith.cmpi ne, %rem3A_338, %ne3A_340 : vector<16xi32>
      %lt3A_342 = arith.constant 0 : i32
      %lt3A_343 = vector.broadcast %lt3A_342 : i32 to vector<16xi32>
      %lt3A_344 = arith.cmpi slt, %rem3A_338, %lt3A_343 : vector<16xi32>
      %lt3A_345 = arith.constant 0 : i32
      %lt3A_346 = arith.cmpi slt, %select_n3A_336, %lt3A_345 : i32
      %ne3A_347 = vector.broadcast %lt3A_346 : i1 to vector<16xi1>
      %ne3A_348 = vector.broadcast %ne3A_347 : vector<16xi1> to vector<16xi1>
      %ne3A_349 = arith.xori %lt3A_344, %ne3A_348 : vector<16xi1>
      %and3A_350 = arith.andi %ne3A_349, %ne3A_341 : vector<16xi1>
      %add3A_351 = vector.broadcast %select_n3A_336 : i32 to vector<16xi32>
      %add3A_352 = arith.addi %rem3A_338, %add3A_351 : vector<16xi32>
      %select_n3A_353 = arith.select %and3A_350, %add3A_352, %rem3A_338 : vector<16xi1>, vector<16xi32>
      tpu.vector_store_idx %arg15[%select_n3A_331, %select_n3A_353], %broadcast_in_dim3A_70 : memref<200x16xf32, #tpu.memory_space<vmem>>[vector<16xi32>, vector<16xi32>], vector<16xf32>,
      %scan3A_354 = arith.constant 0 : i32
      scf.yield %scan3A_354 : i32
    }
    %scan3A_77 = arith.constant 200 : i32
    %lt3A = arith.constant 10 : i32
    %lt3A_78 = arith.cmpi slt, %arg1, %lt3A : i32
    %convert_element_type3A = arith.extui %lt3A_78 : i1 to i32
    %cond3A = arith.constant 0 : i32
    %cond3A_79 = arith.cmpi ne, %convert_element_type3A, %cond3A : i32
    scf.if %cond3A_79 {
      %scan3A_294 = arith.constant 0 : i32
      %scan3A_295 = arith.constant 0 : i32
      %scan3A_296 = arith.constant 5 : i32
      %scan3A_297 = arith.addi %scan3A_295, %scan3A_296 : i32
      %scan3A_298 = arith.constant 1 : i32
      %scan3A_299 = scf.for %scan3A_301 = %scan3A_295 to %scan3A_297 step %scan3A_298 iter_args(%scan3A_302 = %scan3A_294) -> (i32)  : i32 {
        %mul3A_303 = arith.constant 1000 : i32
        %mul3A_304 = arith.muli %arg1, %mul3A_303 : i32
        %mul3A_305 = arith.constant 200 : i32
        %mul3A_306 = arith.muli %scan3A_301, %mul3A_305 : i32
        %add3A_307 = arith.addi %mul3A_304, %mul3A_306 : i32
        "tpu.region"() ({
          %run_scoped3A_309 = tpu.sem_alloc : memref<!tpu.dma_semaphore, #tpu.memory_space<semaphore_mem>>
          %dma_start3A_310 = arith.constant 0 : i32
          %dma_start3A_311 = tpu.memref_slice %arg22[%add3A_307, %dma_start3A_310] : memref<10000x16xf32, #tpu.memory_space<vmem_shared>> -> memref<200x16xf32, #tpu.memory_space<vmem_shared>>
          %dma_start3A_312 = arith.constant 0 : i32
          %dma_start3A_313 = tpu.memref_slice %arg22[%add3A_307, %dma_start3A_312] : memref<10000x16xf32, #tpu.memory_space<vmem_shared>> -> memref<200x16xf32, #tpu.memory_space<vmem_shared>>
          tpu.enqueue_dma source(%arg15 : memref<200x16xf32, #tpu.memory_space<vmem>>) target(%dma_start3A_313 : memref<200x16xf32, #tpu.memory_space<vmem_shared>>) target_semaphore(%run_scoped3A_309 : memref<!tpu.dma_semaphore, #tpu.memory_space<semaphore_mem>>)
          %dma_wait3A_314 = arith.constant 0 : i32
          %dma_wait3A_315 = tpu.memref_slice %arg22[%add3A_307, %dma_wait3A_314] : memref<10000x16xf32, #tpu.memory_space<vmem_shared>> -> memref<200x16xf32, #tpu.memory_space<vmem_shared>>
          %dma_wait3A_316 = arith.constant 0 : i32
          %dma_wait3A_317 = tpu.memref_slice %arg22[%add3A_307, %dma_wait3A_316] : memref<10000x16xf32, #tpu.memory_space<vmem_shared>> -> memref<200x16xf32, #tpu.memory_space<vmem_shared>>
          tpu.wait_dma2 semaphore(%run_scoped3A_309 : memref<!tpu.dma_semaphore, #tpu.memory_space<semaphore_mem>>) src(%arg15 : memref<200x16xf32, #tpu.memory_space<vmem>>) dst(%dma_wait3A_317 : memref<200x16xf32, #tpu.memory_space<vmem_shared>>)
          tpu.yield
        }) : () -> ()
        %scan3A_308 = arith.constant 0 : i32
        scf.yield %scan3A_308 : i32
      }
      %scan3A_300 = arith.constant 5 : i32
    } else {
    }
    %barrier3A = arith.constant 0 : index
    tpu.barrier barrier_id(%barrier3A)
    %iota3A = tpu.iota {dimensions = array<i32: 0>} : vector<16xi32>
    %xor3A = arith.constant 8 : i32
    %xor3A_80 = vector.broadcast %xor3A : i32 to vector<16xi32>
    %xor3A_81 = arith.xori %iota3A, %xor3A_80 : vector<16xi32>
    %xor3A_82 = arith.constant 4 : i32
    %xor3A_83 = vector.broadcast %xor3A_82 : i32 to vector<16xi32>
    %xor3A_84 = arith.xori %iota3A, %xor3A_83 : vector<16xi32>
    %xor3A_85 = arith.constant 2 : i32
    %xor3A_86 = vector.broadcast %xor3A_85 : i32 to vector<16xi32>
    %xor3A_87 = arith.xori %iota3A, %xor3A_86 : vector<16xi32>
    %xor3A_88 = arith.constant 1 : i32
    %xor3A_89 = vector.broadcast %xor3A_88 : i32 to vector<16xi32>
    %xor3A_90 = arith.xori %iota3A, %xor3A_89 : vector<16xi32>
    %jit3A = arith.constant 4 : i32
    %div3A = vector.broadcast %jit3A : i32 to vector<16xi32>
    %div3A_91 = arith.divsi %iota3A, %div3A : vector<16xi32>
    %sign3A = arith.constant 0 : i32
    %sign3A_92 = vector.broadcast %sign3A : i32 to vector<16xi32>
    %sign3A_93 = arith.cmpi sgt, %iota3A, %sign3A_92 : vector<16xi32>
    %sign3A_94 = arith.extui %sign3A_93 : vector<16xi1> to vector<16xi32>
    %sign3A_95 = arith.constant 0 : i32
    %sign3A_96 = vector.broadcast %sign3A_95 : i32 to vector<16xi32>
    %sign3A_97 = arith.cmpi slt, %iota3A, %sign3A_96 : vector<16xi32>
    %sign3A_98 = arith.extui %sign3A_97 : vector<16xi1> to vector<16xi32>
    %sign3A_99 = arith.subi %sign3A_94, %sign3A_98 : vector<16xi32>
    %sign3A_100 = arith.constant 0 : i32
    %sign3A_101 = arith.cmpi sgt, %jit3A, %sign3A_100 : i32
    %sign3A_102 = arith.extui %sign3A_101 : i1 to i32
    %sign3A_103 = arith.constant 0 : i32
    %sign3A_104 = arith.cmpi slt, %jit3A, %sign3A_103 : i32
    %sign3A_105 = arith.extui %sign3A_104 : i1 to i32
    %sign3A_106 = arith.subi %sign3A_102, %sign3A_105 : i32
    %ne3A = vector.broadcast %sign3A_106 : i32 to vector<16xi32>
    %ne3A_107 = arith.cmpi ne, %sign3A_99, %ne3A : vector<16xi32>
    %rem3A = vector.broadcast %jit3A : i32 to vector<16xi32>
    %rem3A_108 = arith.remsi %iota3A, %rem3A : vector<16xi32>
    %ne3A_109 = arith.constant 0 : i32
    %ne3A_110 = vector.broadcast %ne3A_109 : i32 to vector<16xi32>
    %ne3A_111 = arith.cmpi ne, %rem3A_108, %ne3A_110 : vector<16xi32>
    %and3A = arith.andi %ne3A_107, %ne3A_111 : vector<16xi1>
    %sub3A = arith.constant 1 : i32
    %sub3A_112 = vector.broadcast %sub3A : i32 to vector<16xi32>
    %sub3A_113 = arith.subi %div3A_91, %sub3A_112 : vector<16xi32>
    %select_n3A = arith.select %and3A, %sub3A_113, %div3A_91 : vector<16xi1>, vector<16xi32>
    %eq3A = arith.constant 0 : i32
    %eq3A_114 = vector.broadcast %eq3A : i32 to vector<16xi32>
    %eq3A_115 = arith.cmpi eq, %select_n3A, %eq3A_114 : vector<16xi32>
    %eq3A_116 = arith.constant 1 : i32
    %eq3A_117 = vector.broadcast %eq3A_116 : i32 to vector<16xi32>
    %eq3A_118 = arith.cmpi eq, %select_n3A, %eq3A_117 : vector<16xi32>
    %eq3A_119 = arith.constant 2 : i32
    %eq3A_120 = vector.broadcast %eq3A_119 : i32 to vector<16xi32>
    %eq3A_121 = arith.cmpi eq, %select_n3A, %eq3A_120 : vector<16xi32>
    %jit3A_122 = arith.constant 4 : i32
    %eq3A_123 = arith.constant 0 : i32
    %eq3A_124 = arith.cmpi eq, %jit3A_122, %eq3A_123 : i32
    %jit3A_125 = arith.constant 1 : i32
    %select_n3A_126 = arith.select %eq3A_124, %jit3A_125, %jit3A_122 : i32
    %rem3A_127 = vector.broadcast %select_n3A_126 : i32 to vector<16xi32>
    %rem3A_128 = arith.remsi %iota3A, %rem3A_127 : vector<16xi32>
    %ne3A_129 = arith.constant 0 : i32
    %ne3A_130 = vector.broadcast %ne3A_129 : i32 to vector<16xi32>
    %ne3A_131 = arith.cmpi ne, %rem3A_128, %ne3A_130 : vector<16xi32>
    %lt3A_132 = arith.constant 0 : i32
    %lt3A_133 = vector.broadcast %lt3A_132 : i32 to vector<16xi32>
    %lt3A_134 = arith.cmpi slt, %rem3A_128, %lt3A_133 : vector<16xi32>
    %lt3A_135 = arith.constant 0 : i32
    %lt3A_136 = arith.cmpi slt, %select_n3A_126, %lt3A_135 : i32
    %ne3A_137 = vector.broadcast %lt3A_136 : i1 to vector<16xi1>
    %ne3A_138 = vector.broadcast %ne3A_137 : vector<16xi1> to vector<16xi1>
    %ne3A_139 = arith.xori %lt3A_134, %ne3A_138 : vector<16xi1>
    %and3A_140 = arith.andi %ne3A_139, %ne3A_131 : vector<16xi1>
    %add3A_141 = vector.broadcast %select_n3A_126 : i32 to vector<16xi32>
    %add3A_142 = arith.addi %rem3A_128, %add3A_141 : vector<16xi32>
    %select_n3A_143 = arith.select %and3A_140, %add3A_142, %rem3A_128 : vector<16xi1>, vector<16xi32>
    %eq3A_144 = arith.constant 0 : i32
    %eq3A_145 = vector.broadcast %eq3A_144 : i32 to vector<16xi32>
    %eq3A_146 = arith.cmpi eq, %select_n3A_143, %eq3A_145 : vector<16xi32>
    %scan3A_147 = arith.constant 0 : i32
    %scan3A_148 = arith.constant 0 : i32
    %scan3A_149 = arith.constant 62 : i32
    %scan3A_150 = arith.addi %scan3A_148, %scan3A_149 : i32
    %scan3A_151 = arith.constant 1 : i32
    %scan3A_152 = scf.for %scan3A_294 = %scan3A_148 to %scan3A_150 step %scan3A_151 iter_args(%scan3A_295 = %scan3A_147) -> (i32)  : i32 {
      %mul3A_296 = arith.constant 2 : i32
      %mul3A_297 = arith.muli %scan3A_294, %mul3A_296 : i32
      %mul3A_298 = arith.constant 10000 : i32
      %mul3A_299 = arith.muli %add3A, %mul3A_298 : i32
      %mul3A_300 = arith.constant 80 : i32
      %mul3A_301 = arith.muli %mul3A_297, %mul3A_300 : i32
      %add3A_302 = arith.addi %mul3A_299, %mul3A_301 : i32
      %dma_wait3A_303 = arith.constant 0 : i32
      %dma_wait3A_304 = arith.constant 0 : i32
      %dma_wait3A_305 = arith.constant 0 : i32
      %dma_wait3A_306 = tpu.memref_slice %arg11[%dma_wait3A_303, %dma_wait3A_304, %dma_wait3A_305] : memref<2x80x128xf32, #tpu.memory_space<vmem>> -> memref<1x80x128xf32, #tpu.memory_space<vmem>>
      %dma_wait3A_307 = tpu.memref_squeeze %dma_wait3A_306 : memref<1x80x128xf32, #tpu.memory_space<vmem>> -> memref<80x128xf32, #tpu.memory_space<vmem>>
      %dma_wait3A_308 = arith.constant 0 : i32
      %dma_wait3A_309 = tpu.memref_slice %arg9[%mul3A_297, %dma_wait3A_308] : memref<125x80xi32, #tpu.memory_space<vmem>> -> memref<1x80xi32, #tpu.memory_space<vmem>>
      %dma_wait3A_310 = tpu.memref_squeeze %dma_wait3A_309 : memref<1x80xi32, #tpu.memory_space<vmem>> -> memref<80xi32, #tpu.memory_space<vmem>>
      %dma_wait3A_311 = arith.constant 0 : i32
      %dma_wait3A_312 = arith.constant 0 : i32
      %dma_wait3A_313 = tpu.memref_slice %arg4[%dma_wait3A_311, %dma_wait3A_312] : memref<10000x128xf32, #tpu.memory_space<hbm>> -> memref<10000x128xf32, #tpu.memory_space<hbm>>
      tpu.wait_indirect_dma semaphore(%arg16 : memref<!tpu.dma_semaphore, #tpu.memory_space<semaphore_mem>>) src(%dma_wait3A_313 : memref<10000x128xf32, #tpu.memory_space<hbm>>) dst(%dma_wait3A_307 : memref<80x128xf32, #tpu.memory_space<vmem>>)
      %dma_wait3A_314 = arith.constant 0 : i32
      %dma_wait3A_315 = arith.constant 0 : i32
      %dma_wait3A_316 = arith.constant 0 : i32
      %dma_wait3A_317 = arith.constant 0 : i32
      %dma_wait3A_318 = tpu.memref_slice %arg12[%dma_wait3A_315, %dma_wait3A_316, %dma_wait3A_317] : memref<2x80x128xf32, #tpu.memory_space<vmem>> -> memref<1x80x128xf32, #tpu.memory_space<vmem>>
      %dma_wait3A_319 = tpu.memref_squeeze %dma_wait3A_318 : memref<1x80x128xf32, #tpu.memory_space<vmem>> -> memref<80x128xf32, #tpu.memory_space<vmem>>
      %dma_wait3A_320 = arith.constant 0 : i32
      %dma_wait3A_321 = tpu.memref_slice %arg10[%dma_wait3A_314, %dma_wait3A_320] : memref<2x80xi32, #tpu.memory_space<vmem>> -> memref<1x80xi32, #tpu.memory_space<vmem>>
      %dma_wait3A_322 = tpu.memref_squeeze %dma_wait3A_321 : memref<1x80xi32, #tpu.memory_space<vmem>> -> memref<80xi32, #tpu.memory_space<vmem>>
      %dma_wait3A_323 = arith.constant 0 : i32
      %dma_wait3A_324 = arith.constant 0 : i32
      %dma_wait3A_325 = tpu.memref_slice %arg5[%dma_wait3A_323, %dma_wait3A_324] : memref<10000x128xf32, #tpu.memory_space<hbm>> -> memref<10000x128xf32, #tpu.memory_space<hbm>>
      tpu.wait_indirect_dma semaphore(%arg16 : memref<!tpu.dma_semaphore, #tpu.memory_space<semaphore_mem>>) src(%dma_wait3A_325 : memref<10000x128xf32, #tpu.memory_space<hbm>>) dst(%dma_wait3A_319 : memref<80x128xf32, #tpu.memory_space<vmem>>)
      %add3A_326 = arith.constant 2 : i32
      %add3A_327 = arith.addi %mul3A_297, %add3A_326 : i32
      %lt3A_328 = arith.constant 125 : i32
      %lt3A_329 = arith.cmpi slt, %add3A_327, %lt3A_328 : i32
      %convert_element_type3A_330 = arith.extui %lt3A_329 : i1 to i32
      %cond3A_331 = arith.constant 0 : i32
      %cond3A_332 = arith.cmpi ne, %convert_element_type3A_330, %cond3A_331 : i32
      scf.if %cond3A_332 {
        %add3A_469 = arith.constant 2 : i32
        %add3A_470 = arith.addi %mul3A_297, %add3A_469 : i32
        %dma_start3A_471 = arith.constant 0 : i32
        %dma_start3A_472 = arith.constant 0 : i32
        %dma_start3A_473 = tpu.memref_slice %arg10[%dma_start3A_471, %dma_start3A_472] : memref<2x80xi32, #tpu.memory_space<vmem>> -> memref<1x80xi32, #tpu.memory_space<vmem>>
        %dma_start3A_474 = tpu.memref_squeeze %dma_start3A_473 : memref<1x80xi32, #tpu.memory_space<vmem>> -> memref<80xi32, #tpu.memory_space<vmem>>
        %dma_start3A_475 = arith.constant 0 : i32
        %dma_start3A_476 = tpu.memref_slice %arg3[%add3A, %add3A_470, %dma_start3A_475] : memref<32x125x80xi32, #tpu.memory_space<hbm>> -> memref<1x1x80xi32, #tpu.memory_space<hbm>>
        %dma_start3A_477 = tpu.memref_squeeze %dma_start3A_476 : memref<1x1x80xi32, #tpu.memory_space<hbm>> -> memref<80xi32, #tpu.memory_space<hbm>>
        %dma_start3A_478 = arith.constant 0 : i32
        %dma_start3A_479 = tpu.memref_slice %arg10[%dma_start3A_471, %dma_start3A_478] : memref<2x80xi32, #tpu.memory_space<vmem>> -> memref<1x80xi32, #tpu.memory_space<vmem>>
        %dma_start3A_480 = tpu.memref_squeeze %dma_start3A_479 : memref<1x80xi32, #tpu.memory_space<vmem>> -> memref<80xi32, #tpu.memory_space<vmem>>
        %dma_start3A_481 = arith.constant 0 : i32
        %dma_start3A_482 = tpu.memref_slice %arg3[%add3A, %add3A_470, %dma_start3A_481] : memref<32x125x80xi32, #tpu.memory_space<hbm>> -> memref<1x1x80xi32, #tpu.memory_space<hbm>>
        %dma_start3A_483 = tpu.memref_squeeze %dma_start3A_482 : memref<1x1x80xi32, #tpu.memory_space<hbm>> -> memref<80xi32, #tpu.memory_space<hbm>>
        tpu.enqueue_dma source(%dma_start3A_483 : memref<80xi32, #tpu.memory_space<hbm>>) target(%dma_start3A_480 : memref<80xi32, #tpu.memory_space<vmem>>) target_semaphore(%arg20 : memref<!tpu.dma_semaphore, #tpu.memory_space<semaphore_mem>>)
      } else {
      }
      %ge3A_333 = arith.constant 2 : i32
      %ge3A_334 = arith.cmpi sge, %mul3A_297, %ge3A_333 : i32
      %convert_element_type3A_335 = arith.extui %ge3A_334 : i1 to i32
      %cond3A_336 = arith.constant 0 : i32
      %cond3A_337 = arith.constant 0 : i32
      %cond3A_338 = arith.cmpi ne, %convert_element_type3A_335, %cond3A_337 : i32
      scf.if %cond3A_338 {
        %dma_wait3A_469 = arith.constant 0 : i32
        %dma_wait3A_470 = arith.constant 0 : i32
        %dma_wait3A_471 = tpu.memref_slice %arg13[%cond3A_336, %dma_wait3A_469, %dma_wait3A_470] : memref<2x80x4xf32, #tpu.memory_space<vmem>> -> memref<1x80x4xf32, #tpu.memory_space<vmem>>
        %dma_wait3A_472 = tpu.memref_squeeze %dma_wait3A_471 : memref<1x80x4xf32, #tpu.memory_space<vmem>> -> memref<80x4xf32, #tpu.memory_space<vmem>>
        %dma_wait3A_473 = arith.constant 0 : i32
        %dma_wait3A_474 = tpu.memref_slice %arg6[%add3A_302, %dma_wait3A_473] : memref<320000x4xf32, #tpu.memory_space<hbm>> -> memref<80x4xf32, #tpu.memory_space<hbm>>
        %dma_wait3A_475 = arith.constant 0 : i32
        %dma_wait3A_476 = tpu.memref_slice %arg6[%add3A_302, %dma_wait3A_475] : memref<320000x4xf32, #tpu.memory_space<hbm>> -> memref<80x4xf32, #tpu.memory_space<hbm>>
        %dma_wait3A_477 = arith.constant 0 : i32
        %dma_wait3A_478 = arith.constant 0 : i32
        %dma_wait3A_479 = tpu.memref_slice %arg13[%cond3A_336, %dma_wait3A_477, %dma_wait3A_478] : memref<2x80x4xf32, #tpu.memory_space<vmem>> -> memref<1x80x4xf32, #tpu.memory_space<vmem>>
        %dma_wait3A_480 = tpu.memref_squeeze %dma_wait3A_479 : memref<1x80x4xf32, #tpu.memory_space<vmem>> -> memref<80x4xf32, #tpu.memory_space<vmem>>
        tpu.wait_dma2 semaphore(%arg18 : memref<!tpu.dma_semaphore, #tpu.memory_space<semaphore_mem>>) src(%dma_wait3A_480 : memref<80x4xf32, #tpu.memory_space<vmem>>) dst(%dma_wait3A_476 : memref<80x4xf32, #tpu.memory_space<hbm>>)
      } else {
      }
      %scan3A_339 = arith.constant 0 : i32
      %scan3A_340 = arith.constant 0 : i32
      %scan3A_341 = arith.constant 0 : i32
      %scan3A_342 = arith.constant 0 : i32
      %scan3A_343 = arith.constant 0 : i32
      %scan3A_344 = arith.constant 80 : i32
      %scan3A_345 = arith.addi %scan3A_343, %scan3A_344 : i32
      %scan3A_346 = arith.constant 1 : i32
      %scan3A_347 = scf.for %scan3A_469 = %scan3A_343 to %scan3A_345 step %scan3A_346 iter_args(%scan3A_470 = %scan3A_342) -> (i32)  : i32 {
        %get3A = arith.constant 0 : i32
        %get3A_471 = arith.constant 0 : i32
        %get3A_472 = tpu.memref_slice %arg11[%scan3A_339, %get3A, %get3A_471] : memref<2x80x128xf32, #tpu.memory_space<vmem>> -> memref<1x80x128xf32, #tpu.memory_space<vmem>>
        %get3A_473 = tpu.memref_squeeze %get3A_472 : memref<1x80x128xf32, #tpu.memory_space<vmem>> -> memref<80x128xf32, #tpu.memory_space<vmem>>
        %get3A_474 = arith.index_cast %scan3A_469 : i32 to index
        %get3A_475 = arith.constant 0 : index
        %get3A_476 = tpu.vector_load %get3A_473[%get3A_474, %get3A_475] {strides = array<i32>} : memref<80x128xf32, #tpu.memory_space<vmem>>, vector<16xf32>,
        %get3A_477 = arith.constant 0 : i32
        %get3A_478 = arith.constant 0 : i32
        %get3A_479 = tpu.memref_slice %arg12[%scan3A_340, %get3A_477, %get3A_478] : memref<2x80x128xf32, #tpu.memory_space<vmem>> -> memref<1x80x128xf32, #tpu.memory_space<vmem>>
        %get3A_480 = tpu.memref_squeeze %get3A_479 : memref<1x80x128xf32, #tpu.memory_space<vmem>> -> memref<80x128xf32, #tpu.memory_space<vmem>>
        %get3A_481 = arith.index_cast %scan3A_469 : i32 to index
        %get3A_482 = arith.constant 0 : index
        %get3A_483 = tpu.vector_load %get3A_480[%get3A_481, %get3A_482] {strides = array<i32>} : memref<80x128xf32, #tpu.memory_space<vmem>>, vector<16xf32>,
        %mul3A_484 = arith.mulf %get3A_476, %get3A_483 : vector<16xf32>
        %get3A_485 = arith.constant 0 : i32
        %get3A_486 = arith.constant 0 : i32
        %get3A_487 = tpu.memref_slice %arg11[%scan3A_339, %get3A_485, %get3A_486] : memref<2x80x128xf32, #tpu.memory_space<vmem>> -> memref<1x80x128xf32, #tpu.memory_space<vmem>>
        %get3A_488 = tpu.memref_squeeze %get3A_487 : memref<1x80x128xf32, #tpu.memory_space<vmem>> -> memref<80x128xf32, #tpu.memory_space<vmem>>
        %get3A_489 = arith.index_cast %scan3A_469 : i32 to index
        %get3A_490 = arith.constant 16 : index
        %get3A_491 = tpu.vector_load %get3A_488[%get3A_489, %get3A_490] {strides = array<i32>} : memref<80x128xf32, #tpu.memory_space<vmem>>, vector<16xf32>,
        %get3A_492 = arith.constant 0 : i32
        %get3A_493 = arith.constant 0 : i32
        %get3A_494 = tpu.memref_slice %arg12[%scan3A_340, %get3A_492, %get3A_493] : memref<2x80x128xf32, #tpu.memory_space<vmem>> -> memref<1x80x128xf32, #tpu.memory_space<vmem>>
        %get3A_495 = tpu.memref_squeeze %get3A_494 : memref<1x80x128xf32, #tpu.memory_space<vmem>> -> memref<80x128xf32, #tpu.memory_space<vmem>>
        %get3A_496 = arith.index_cast %scan3A_469 : i32 to index
        %get3A_497 = arith.constant 16 : index
        %get3A_498 = tpu.vector_load %get3A_495[%get3A_496, %get3A_497] {strides = array<i32>} : memref<80x128xf32, #tpu.memory_space<vmem>>, vector<16xf32>,
        %mul3A_499 = arith.mulf %get3A_491, %get3A_498 : vector<16xf32>
        %add3A_500 = arith.addf %mul3A_484, %mul3A_499 : vector<16xf32>
        %broadcast_in_dim3A_501 = vector.shape_cast %xor3A_81 : vector<16xi32> to vector<16x1xi32>
        %gather3A = vector.shape_cast %broadcast_in_dim3A_501 : vector<16x1xi32> to vector<16xi32>
        %gather3A_502 = tpu.dynamic_gather %add3A_500[%gather3A] in [0] : vector<16xf32>, vector<16xi32> -> vector<16xf32>
        %add3A_503 = arith.addf %add3A_500, %gather3A_502 : vector<16xf32>
        %broadcast_in_dim3A_504 = vector.shape_cast %xor3A_84 : vector<16xi32> to vector<16x1xi32>
        %gather3A_505 = vector.shape_cast %broadcast_in_dim3A_504 : vector<16x1xi32> to vector<16xi32>
        %gather3A_506 = tpu.dynamic_gather %add3A_503[%gather3A_505] in [0] : vector<16xf32>, vector<16xi32> -> vector<16xf32>
        %add3A_507 = arith.addf %add3A_503, %gather3A_506 : vector<16xf32>
        %get3A_508 = arith.constant 0 : i32
        %get3A_509 = arith.constant 0 : i32
        %get3A_510 = tpu.memref_slice %arg11[%scan3A_339, %get3A_508, %get3A_509] : memref<2x80x128xf32, #tpu.memory_space<vmem>> -> memref<1x80x128xf32, #tpu.memory_space<vmem>>
        %get3A_511 = tpu.memref_squeeze %get3A_510 : memref<1x80x128xf32, #tpu.memory_space<vmem>> -> memref<80x128xf32, #tpu.memory_space<vmem>>
        %get3A_512 = arith.index_cast %scan3A_469 : i32 to index
        %get3A_513 = arith.constant 32 : index
        %get3A_514 = tpu.vector_load %get3A_511[%get3A_512, %get3A_513] {strides = array<i32>} : memref<80x128xf32, #tpu.memory_space<vmem>>, vector<16xf32>,
        %get3A_515 = arith.constant 0 : i32
        %get3A_516 = arith.constant 0 : i32
        %get3A_517 = tpu.memref_slice %arg12[%scan3A_340, %get3A_515, %get3A_516] : memref<2x80x128xf32, #tpu.memory_space<vmem>> -> memref<1x80x128xf32, #tpu.memory_space<vmem>>
        %get3A_518 = tpu.memref_squeeze %get3A_517 : memref<1x80x128xf32, #tpu.memory_space<vmem>> -> memref<80x128xf32, #tpu.memory_space<vmem>>
        %get3A_519 = arith.index_cast %scan3A_469 : i32 to index
        %get3A_520 = arith.constant 32 : index
        %get3A_521 = tpu.vector_load %get3A_518[%get3A_519, %get3A_520] {strides = array<i32>} : memref<80x128xf32, #tpu.memory_space<vmem>>, vector<16xf32>,
        %mul3A_522 = arith.mulf %get3A_514, %get3A_521 : vector<16xf32>
        %get3A_523 = arith.constant 0 : i32
        %get3A_524 = arith.constant 0 : i32
        %get3A_525 = tpu.memref_slice %arg11[%scan3A_339, %get3A_523, %get3A_524] : memref<2x80x128xf32, #tpu.memory_space<vmem>> -> memref<1x80x128xf32, #tpu.memory_space<vmem>>
        %get3A_526 = tpu.memref_squeeze %get3A_525 : memref<1x80x128xf32, #tpu.memory_space<vmem>> -> memref<80x128xf32, #tpu.memory_space<vmem>>
        %get3A_527 = arith.index_cast %scan3A_469 : i32 to index
        %get3A_528 = arith.constant 48 : index
        %get3A_529 = tpu.vector_load %get3A_526[%get3A_527, %get3A_528] {strides = array<i32>} : memref<80x128xf32, #tpu.memory_space<vmem>>, vector<16xf32>,
        %get3A_530 = arith.constant 0 : i32
        %get3A_531 = arith.constant 0 : i32
        %get3A_532 = tpu.memref_slice %arg12[%scan3A_340, %get3A_530, %get3A_531] : memref<2x80x128xf32, #tpu.memory_space<vmem>> -> memref<1x80x128xf32, #tpu.memory_space<vmem>>
        %get3A_533 = tpu.memref_squeeze %get3A_532 : memref<1x80x128xf32, #tpu.memory_space<vmem>> -> memref<80x128xf32, #tpu.memory_space<vmem>>
        %get3A_534 = arith.index_cast %scan3A_469 : i32 to index
        %get3A_535 = arith.constant 48 : index
        %get3A_536 = tpu.vector_load %get3A_533[%get3A_534, %get3A_535] {strides = array<i32>} : memref<80x128xf32, #tpu.memory_space<vmem>>, vector<16xf32>,
        %mul3A_537 = arith.mulf %get3A_529, %get3A_536 : vector<16xf32>
        %add3A_538 = arith.addf %mul3A_522, %mul3A_537 : vector<16xf32>
        %broadcast_in_dim3A_539 = vector.shape_cast %xor3A_81 : vector<16xi32> to vector<16x1xi32>
        %gather3A_540 = vector.shape_cast %broadcast_in_dim3A_539 : vector<16x1xi32> to vector<16xi32>
        %gather3A_541 = tpu.dynamic_gather %add3A_538[%gather3A_540] in [0] : vector<16xf32>, vector<16xi32> -> vector<16xf32>
        %add3A_542 = arith.addf %add3A_538, %gather3A_541 : vector<16xf32>
        %broadcast_in_dim3A_543 = vector.shape_cast %xor3A_84 : vector<16xi32> to vector<16x1xi32>
        %gather3A_544 = vector.shape_cast %broadcast_in_dim3A_543 : vector<16x1xi32> to vector<16xi32>
        %gather3A_545 = tpu.dynamic_gather %add3A_542[%gather3A_544] in [0] : vector<16xf32>, vector<16xi32> -> vector<16xf32>
        %add3A_546 = arith.addf %add3A_542, %gather3A_545 : vector<16xf32>
        %get3A_547 = arith.constant 0 : i32
        %get3A_548 = arith.constant 0 : i32
        %get3A_549 = tpu.memref_slice %arg11[%scan3A_339, %get3A_547, %get3A_548] : memref<2x80x128xf32, #tpu.memory_space<vmem>> -> memref<1x80x128xf32, #tpu.memory_space<vmem>>
        %get3A_550 = tpu.memref_squeeze %get3A_549 : memref<1x80x128xf32, #tpu.memory_space<vmem>> -> memref<80x128xf32, #tpu.memory_space<vmem>>
        %get3A_551 = arith.index_cast %scan3A_469 : i32 to index
        %get3A_552 = arith.constant 64 : index
        %get3A_553 = tpu.vector_load %get3A_550[%get3A_551, %get3A_552] {strides = array<i32>} : memref<80x128xf32, #tpu.memory_space<vmem>>, vector<16xf32>,
        %get3A_554 = arith.constant 0 : i32
        %get3A_555 = arith.constant 0 : i32
        %get3A_556 = tpu.memref_slice %arg12[%scan3A_340, %get3A_554, %get3A_555] : memref<2x80x128xf32, #tpu.memory_space<vmem>> -> memref<1x80x128xf32, #tpu.memory_space<vmem>>
        %get3A_557 = tpu.memref_squeeze %get3A_556 : memref<1x80x128xf32, #tpu.memory_space<vmem>> -> memref<80x128xf32, #tpu.memory_space<vmem>>
        %get3A_558 = arith.index_cast %scan3A_469 : i32 to index
        %get3A_559 = arith.constant 64 : index
        %get3A_560 = tpu.vector_load %get3A_557[%get3A_558, %get3A_559] {strides = array<i32>} : memref<80x128xf32, #tpu.memory_space<vmem>>, vector<16xf32>,
        %mul3A_561 = arith.mulf %get3A_553, %get3A_560 : vector<16xf32>
        %get3A_562 = arith.constant 0 : i32
        %get3A_563 = arith.constant 0 : i32
        %get3A_564 = tpu.memref_slice %arg11[%scan3A_339, %get3A_562, %get3A_563] : memref<2x80x128xf32, #tpu.memory_space<vmem>> -> memref<1x80x128xf32, #tpu.memory_space<vmem>>
        %get3A_565 = tpu.memref_squeeze %get3A_564 : memref<1x80x128xf32, #tpu.memory_space<vmem>> -> memref<80x128xf32, #tpu.memory_space<vmem>>
        %get3A_566 = arith.index_cast %scan3A_469 : i32 to index
        %get3A_567 = arith.constant 80 : index
        %get3A_568 = tpu.vector_load %get3A_565[%get3A_566, %get3A_567] {strides = array<i32>} : memref<80x128xf32, #tpu.memory_space<vmem>>, vector<16xf32>,
        %get3A_569 = arith.constant 0 : i32
        %get3A_570 = arith.constant 0 : i32
        %get3A_571 = tpu.memref_slice %arg12[%scan3A_340, %get3A_569, %get3A_570] : memref<2x80x128xf32, #tpu.memory_space<vmem>> -> memref<1x80x128xf32, #tpu.memory_space<vmem>>
        %get3A_572 = tpu.memref_squeeze %get3A_571 : memref<1x80x128xf32, #tpu.memory_space<vmem>> -> memref<80x128xf32, #tpu.memory_space<vmem>>
        %get3A_573 = arith.index_cast %scan3A_469 : i32 to index
        %get3A_574 = arith.constant 80 : index
        %get3A_575 = tpu.vector_load %get3A_572[%get3A_573, %get3A_574] {strides = array<i32>} : memref<80x128xf32, #tpu.memory_space<vmem>>, vector<16xf32>,
        %mul3A_576 = arith.mulf %get3A_568, %get3A_575 : vector<16xf32>
        %add3A_577 = arith.addf %mul3A_561, %mul3A_576 : vector<16xf32>
        %broadcast_in_dim3A_578 = vector.shape_cast %xor3A_81 : vector<16xi32> to vector<16x1xi32>
        %gather3A_579 = vector.shape_cast %broadcast_in_dim3A_578 : vector<16x1xi32> to vector<16xi32>
        %gather3A_580 = tpu.dynamic_gather %add3A_577[%gather3A_579] in [0] : vector<16xf32>, vector<16xi32> -> vector<16xf32>
        %add3A_581 = arith.addf %add3A_577, %gather3A_580 : vector<16xf32>
        %broadcast_in_dim3A_582 = vector.shape_cast %xor3A_84 : vector<16xi32> to vector<16x1xi32>
        %gather3A_583 = vector.shape_cast %broadcast_in_dim3A_582 : vector<16x1xi32> to vector<16xi32>
        %gather3A_584 = tpu.dynamic_gather %add3A_581[%gather3A_583] in [0] : vector<16xf32>, vector<16xi32> -> vector<16xf32>
        %add3A_585 = arith.addf %add3A_581, %gather3A_584 : vector<16xf32>
        %get3A_586 = arith.constant 0 : i32
        %get3A_587 = arith.constant 0 : i32
        %get3A_588 = tpu.memref_slice %arg11[%scan3A_339, %get3A_586, %get3A_587] : memref<2x80x128xf32, #tpu.memory_space<vmem>> -> memref<1x80x128xf32, #tpu.memory_space<vmem>>
        %get3A_589 = tpu.memref_squeeze %get3A_588 : memref<1x80x128xf32, #tpu.memory_space<vmem>> -> memref<80x128xf32, #tpu.memory_space<vmem>>
        %get3A_590 = arith.index_cast %scan3A_469 : i32 to index
        %get3A_591 = arith.constant 96 : index
        %get3A_592 = tpu.vector_load %get3A_589[%get3A_590, %get3A_591] {strides = array<i32>} : memref<80x128xf32, #tpu.memory_space<vmem>>, vector<16xf32>,
        %get3A_593 = arith.constant 0 : i32
        %get3A_594 = arith.constant 0 : i32
        %get3A_595 = tpu.memref_slice %arg12[%scan3A_340, %get3A_593, %get3A_594] : memref<2x80x128xf32, #tpu.memory_space<vmem>> -> memref<1x80x128xf32, #tpu.memory_space<vmem>>
        %get3A_596 = tpu.memref_squeeze %get3A_595 : memref<1x80x128xf32, #tpu.memory_space<vmem>> -> memref<80x128xf32, #tpu.memory_space<vmem>>
        %get3A_597 = arith.index_cast %scan3A_469 : i32 to index
        %get3A_598 = arith.constant 96 : index
        %get3A_599 = tpu.vector_load %get3A_596[%get3A_597, %get3A_598] {strides = array<i32>} : memref<80x128xf32, #tpu.memory_space<vmem>>, vector<16xf32>,
        %mul3A_600 = arith.mulf %get3A_592, %get3A_599 : vector<16xf32>
        %get3A_601 = arith.constant 0 : i32
        %get3A_602 = arith.constant 0 : i32
        %get3A_603 = tpu.memref_slice %arg11[%scan3A_339, %get3A_601, %get3A_602] : memref<2x80x128xf32, #tpu.memory_space<vmem>> -> memref<1x80x128xf32, #tpu.memory_space<vmem>>
        %get3A_604 = tpu.memref_squeeze %get3A_603 : memref<1x80x128xf32, #tpu.memory_space<vmem>> -> memref<80x128xf32, #tpu.memory_space<vmem>>
        %get3A_605 = arith.index_cast %scan3A_469 : i32 to index
        %get3A_606 = arith.constant 112 : index
        %get3A_607 = tpu.vector_load %get3A_604[%get3A_605, %get3A_606] {strides = array<i32>} : memref<80x128xf32, #tpu.memory_space<vmem>>, vector<16xf32>,
        %get3A_608 = arith.constant 0 : i32
        %get3A_609 = arith.constant 0 : i32
        %get3A_610 = tpu.memref_slice %arg12[%scan3A_340, %get3A_608, %get3A_609] : memref<2x80x128xf32, #tpu.memory_space<vmem>> -> memref<1x80x128xf32, #tpu.memory_space<vmem>>
        %get3A_611 = tpu.memref_squeeze %get3A_610 : memref<1x80x128xf32, #tpu.memory_space<vmem>> -> memref<80x128xf32, #tpu.memory_space<vmem>>
        %get3A_612 = arith.index_cast %scan3A_469 : i32 to index
        %get3A_613 = arith.constant 112 : index
        %get3A_614 = tpu.vector_load %get3A_611[%get3A_612, %get3A_613] {strides = array<i32>} : memref<80x128xf32, #tpu.memory_space<vmem>>, vector<16xf32>,
        %mul3A_615 = arith.mulf %get3A_607, %get3A_614 : vector<16xf32>
        %add3A_616 = arith.addf %mul3A_600, %mul3A_615 : vector<16xf32>
        %broadcast_in_dim3A_617 = vector.shape_cast %xor3A_81 : vector<16xi32> to vector<16x1xi32>
        %gather3A_618 = vector.shape_cast %broadcast_in_dim3A_617 : vector<16x1xi32> to vector<16xi32>
        %gather3A_619 = tpu.dynamic_gather %add3A_616[%gather3A_618] in [0] : vector<16xf32>, vector<16xi32> -> vector<16xf32>
        %add3A_620 = arith.addf %add3A_616, %gather3A_619 : vector<16xf32>
        %broadcast_in_dim3A_621 = vector.shape_cast %xor3A_84 : vector<16xi32> to vector<16x1xi32>
        %gather3A_622 = vector.shape_cast %broadcast_in_dim3A_621 : vector<16x1xi32> to vector<16xi32>
        %gather3A_623 = tpu.dynamic_gather %add3A_620[%gather3A_622] in [0] : vector<16xf32>, vector<16xi32> -> vector<16xf32>
        %add3A_624 = arith.addf %add3A_620, %gather3A_623 : vector<16xf32>
        %select_n3A_625 = arith.select %eq3A_121, %add3A_585, %add3A_624 : vector<16xi1>, vector<16xf32>
        %select_n3A_626 = arith.select %eq3A_118, %add3A_546, %select_n3A_625 : vector<16xi1>, vector<16xf32>
        %select_n3A_627 = arith.select %eq3A_115, %add3A_507, %select_n3A_626 : vector<16xi1>, vector<16xf32>
        %broadcast_in_dim3A_628 = vector.shape_cast %xor3A_87 : vector<16xi32> to vector<16x1xi32>
        %gather3A_629 = vector.shape_cast %broadcast_in_dim3A_628 : vector<16x1xi32> to vector<16xi32>
        %gather3A_630 = tpu.dynamic_gather %select_n3A_627[%gather3A_629] in [0] : vector<16xf32>, vector<16xi32> -> vector<16xf32>
        %add3A_631 = arith.addf %select_n3A_627, %gather3A_630 : vector<16xf32>
        %broadcast_in_dim3A_632 = vector.shape_cast %xor3A_90 : vector<16xi32> to vector<16x1xi32>
        %gather3A_633 = vector.shape_cast %broadcast_in_dim3A_632 : vector<16x1xi32> to vector<16xi32>
        %gather3A_634 = tpu.dynamic_gather %add3A_631[%gather3A_633] in [0] : vector<16xf32>, vector<16xi32> -> vector<16xf32>
        %add3A_635 = arith.addf %add3A_631, %gather3A_634 : vector<16xf32>
        %broadcast_in_dim3A_636 = vector.broadcast %scan3A_469 : i32 to vector<16xi32>
        %scatter3A = arith.constant 0 : i32
        %scatter3A_637 = arith.constant 0 : i32
        %scatter3A_638 = tpu.memref_slice %arg13[%scan3A_341, %scatter3A, %scatter3A_637] : memref<2x80x4xf32, #tpu.memory_space<vmem>> -> memref<1x80x4xf32, #tpu.memory_space<vmem>>
        %scatter3A_639 = tpu.memref_squeeze %scatter3A_638 : memref<1x80x4xf32, #tpu.memory_space<vmem>> -> memref<80x4xf32, #tpu.memory_space<vmem>>
        tpu.vector_store_idx %scatter3A_639[%broadcast_in_dim3A_636, %select_n3A], %add3A_635 masked %eq3A_146 : memref<80x4xf32, #tpu.memory_space<vmem>>[vector<16xi32>, vector<16xi32>], vector<16xf32>, vector<16xi1>
        %scan3A_640 = arith.constant 0 : i32
        scf.yield %scan3A_640 : i32
      }
      %scan3A_348 = arith.constant 80 : i32
      %scan3A_349 = arith.constant 0 : i32
      %scan3A_350 = arith.constant 0 : i32
      %scan3A_351 = arith.constant 0 : i32
      %scan3A_352 = arith.constant 0 : i32
      %scan3A_353 = arith.constant 20 : i32
      %scan3A_354 = arith.addi %scan3A_352, %scan3A_353 : i32
      %scan3A_355 = arith.constant 1 : i32
      %scan3A_356 = scf.for %scan3A_469 = %scan3A_352 to %scan3A_354 step %scan3A_355 iter_args(%scan3A_470 = %scan3A_351) -> (i32)  : i32 {
        %mul3A_471 = arith.constant 16 : i32
        %mul3A_472 = arith.muli %scan3A_469, %mul3A_471 : i32
        %iota3A_473 = tpu.iota {dimensions = array<i32: 0>} : vector<16xi32>
        %add3A_474 = vector.broadcast %mul3A_472 : i32 to vector<16xi32>
        %add3A_475 = arith.addi %add3A_474, %iota3A_473 : vector<16xi32>
        %jit3A_476 = arith.constant 4 : i32
        %div3A_477 = vector.broadcast %jit3A_476 : i32 to vector<16xi32>
        %div3A_478 = arith.divsi %add3A_475, %div3A_477 : vector<16xi32>
        %sign3A_479 = arith.constant 0 : i32
        %sign3A_480 = vector.broadcast %sign3A_479 : i32 to vector<16xi32>
        %sign3A_481 = arith.cmpi sgt, %add3A_475, %sign3A_480 : vector<16xi32>
        %sign3A_482 = arith.extui %sign3A_481 : vector<16xi1> to vector<16xi32>
        %sign3A_483 = arith.constant 0 : i32
        %sign3A_484 = vector.broadcast %sign3A_483 : i32 to vector<16xi32>
        %sign3A_485 = arith.cmpi slt, %add3A_475, %sign3A_484 : vector<16xi32>
        %sign3A_486 = arith.extui %sign3A_485 : vector<16xi1> to vector<16xi32>
        %sign3A_487 = arith.subi %sign3A_482, %sign3A_486 : vector<16xi32>
        %sign3A_488 = arith.constant 0 : i32
        %sign3A_489 = arith.cmpi sgt, %jit3A_476, %sign3A_488 : i32
        %sign3A_490 = arith.extui %sign3A_489 : i1 to i32
        %sign3A_491 = arith.constant 0 : i32
        %sign3A_492 = arith.cmpi slt, %jit3A_476, %sign3A_491 : i32
        %sign3A_493 = arith.extui %sign3A_492 : i1 to i32
        %sign3A_494 = arith.subi %sign3A_490, %sign3A_493 : i32
        %ne3A_495 = vector.broadcast %sign3A_494 : i32 to vector<16xi32>
        %ne3A_496 = arith.cmpi ne, %sign3A_487, %ne3A_495 : vector<16xi32>
        %rem3A_497 = vector.broadcast %jit3A_476 : i32 to vector<16xi32>
        %rem3A_498 = arith.remsi %add3A_475, %rem3A_497 : vector<16xi32>
        %ne3A_499 = arith.constant 0 : i32
        %ne3A_500 = vector.broadcast %ne3A_499 : i32 to vector<16xi32>
        %ne3A_501 = arith.cmpi ne, %rem3A_498, %ne3A_500 : vector<16xi32>
        %and3A_502 = arith.andi %ne3A_496, %ne3A_501 : vector<16xi1>
        %sub3A_503 = arith.constant 1 : i32
        %sub3A_504 = vector.broadcast %sub3A_503 : i32 to vector<16xi32>
        %sub3A_505 = arith.subi %div3A_478, %sub3A_504 : vector<16xi32>
        %select_n3A_506 = arith.select %and3A_502, %sub3A_505, %div3A_478 : vector<16xi1>, vector<16xi32>
        %jit3A_507 = arith.constant 4 : i32
        %eq3A_508 = arith.constant 0 : i32
        %eq3A_509 = arith.cmpi eq, %jit3A_507, %eq3A_508 : i32
        %jit3A_510 = arith.constant 1 : i32
        %select_n3A_511 = arith.select %eq3A_509, %jit3A_510, %jit3A_507 : i32
        %rem3A_512 = vector.broadcast %select_n3A_511 : i32 to vector<16xi32>
        %rem3A_513 = arith.remsi %add3A_475, %rem3A_512 : vector<16xi32>
        %ne3A_514 = arith.constant 0 : i32
        %ne3A_515 = vector.broadcast %ne3A_514 : i32 to vector<16xi32>
        %ne3A_516 = arith.cmpi ne, %rem3A_513, %ne3A_515 : vector<16xi32>
        %lt3A_517 = arith.constant 0 : i32
        %lt3A_518 = vector.broadcast %lt3A_517 : i32 to vector<16xi32>
        %lt3A_519 = arith.cmpi slt, %rem3A_513, %lt3A_518 : vector<16xi32>
        %lt3A_520 = arith.constant 0 : i32
        %lt3A_521 = arith.cmpi slt, %select_n3A_511, %lt3A_520 : i32
        %ne3A_522 = vector.broadcast %lt3A_521 : i1 to vector<16xi1>
        %ne3A_523 = vector.broadcast %ne3A_522 : vector<16xi1> to vector<16xi1>
        %ne3A_524 = arith.xori %lt3A_519, %ne3A_523 : vector<16xi1>
        %and3A_525 = arith.andi %ne3A_524, %ne3A_516 : vector<16xi1>
        %add3A_526 = vector.broadcast %select_n3A_511 : i32 to vector<16xi32>
        %add3A_527 = arith.addi %rem3A_513, %add3A_526 : vector<16xi32>
        %select_n3A_528 = arith.select %and3A_525, %add3A_527, %rem3A_513 : vector<16xi1>, vector<16xi32>
        %gather3A = arith.constant 0 : i32
        %gather3A_529 = arith.constant 0 : i32
        %gather3A_530 = tpu.memref_slice %arg13[%scan3A_349, %gather3A, %gather3A_529] : memref<2x80x4xf32, #tpu.memory_space<vmem>> -> memref<1x80x4xf32, #tpu.memory_space<vmem>>
        %gather3A_531 = tpu.memref_squeeze %gather3A_530 : memref<1x80x4xf32, #tpu.memory_space<vmem>> -> memref<80x4xf32, #tpu.memory_space<vmem>>
        %gather3A_532 = tpu.vector_load_idx %gather3A_531[%select_n3A_506, %select_n3A_528] : memref<80x4xf32, #tpu.memory_space<vmem>>[vector<16xi32>, vector<16xi32>], vector<16xf32>,
        %jit3A_533 = arith.constant -1.000000e+01 : f32
        %jit3A_534 = arith.constant 1.000000e+01 : f32
        %max3A = vector.broadcast %jit3A_533 : f32 to vector<16xf32>
        %max3A_535 = arith.maximumf %max3A, %gather3A_532 : vector<16xf32>
        %min3A = vector.broadcast %jit3A_534 : f32 to vector<16xf32>
        %min3A_536 = arith.minimumf %min3A, %max3A_535 : vector<16xf32>
        %exp3A = math.exp %min3A_536 : vector<16xf32>
        %scatter3A = arith.constant 0 : i32
        %scatter3A_537 = arith.constant 0 : i32
        %scatter3A_538 = tpu.memref_slice %arg13[%scan3A_349, %scatter3A, %scatter3A_537] : memref<2x80x4xf32, #tpu.memory_space<vmem>> -> memref<1x80x4xf32, #tpu.memory_space<vmem>>
        %scatter3A_539 = tpu.memref_squeeze %scatter3A_538 : memref<1x80x4xf32, #tpu.memory_space<vmem>> -> memref<80x4xf32, #tpu.memory_space<vmem>>
        tpu.vector_store_idx %scatter3A_539[%select_n3A_506, %select_n3A_528], %exp3A : memref<80x4xf32, #tpu.memory_space<vmem>>[vector<16xi32>, vector<16xi32>], vector<16xf32>,
        %scatter3A_540 = arith.constant 0 : i32
        %scatter3A_541 = arith.constant 0 : i32
        %scatter3A_542 = tpu.memref_slice %arg14[%scan3A_350, %scatter3A_540, %scatter3A_541] : memref<2x80x16xf32, #tpu.memory_space<vmem>> -> memref<1x80x16xf32, #tpu.memory_space<vmem>>
        %scatter3A_543 = tpu.memref_squeeze %scatter3A_542 : memref<1x80x16xf32, #tpu.memory_space<vmem>> -> memref<80x16xf32, #tpu.memory_space<vmem>>
        tpu.vector_store_idx %scatter3A_543[%select_n3A_506, %select_n3A_528], %exp3A : memref<80x16xf32, #tpu.memory_space<vmem>>[vector<16xi32>, vector<16xi32>], vector<16xf32>,
        %scan3A_544 = arith.constant 0 : i32
        scf.yield %scan3A_544 : i32
      }
      %scan3A_357 = arith.constant 20 : i32
      %dma_start3A_358 = arith.constant 0 : i32
      %dma_start3A_359 = arith.constant 0 : i32
      %dma_start3A_360 = arith.constant 0 : i32
      %dma_start3A_361 = tpu.memref_slice %arg13[%dma_start3A_358, %dma_start3A_359, %dma_start3A_360] : memref<2x80x4xf32, #tpu.memory_space<vmem>> -> memref<1x80x4xf32, #tpu.memory_space<vmem>>
      %dma_start3A_362 = tpu.memref_squeeze %dma_start3A_361 : memref<1x80x4xf32, #tpu.memory_space<vmem>> -> memref<80x4xf32, #tpu.memory_space<vmem>>
      %dma_start3A_363 = arith.constant 0 : i32
      %dma_start3A_364 = tpu.memref_slice %arg6[%add3A_302, %dma_start3A_363] : memref<320000x4xf32, #tpu.memory_space<hbm>> -> memref<80x4xf32, #tpu.memory_space<hbm>>
      %dma_start3A_365 = arith.constant 0 : i32
      %dma_start3A_366 = tpu.memref_slice %arg6[%add3A_302, %dma_start3A_365] : memref<320000x4xf32, #tpu.memory_space<hbm>> -> memref<80x4xf32, #tpu.memory_space<hbm>>
      %dma_start3A_367 = arith.constant 0 : i32
      %dma_start3A_368 = arith.constant 0 : i32
      %dma_start3A_369 = tpu.memref_slice %arg13[%dma_start3A_358, %dma_start3A_367, %dma_start3A_368] : memref<2x80x4xf32, #tpu.memory_space<vmem>> -> memref<1x80x4xf32, #tpu.memory_space<vmem>>
      %dma_start3A_370 = tpu.memref_squeeze %dma_start3A_369 : memref<1x80x4xf32, #tpu.memory_space<vmem>> -> memref<80x4xf32, #tpu.memory_space<vmem>>
      tpu.enqueue_dma source(%dma_start3A_370 : memref<80x4xf32, #tpu.memory_space<vmem>>) target(%dma_start3A_366 : memref<80x4xf32, #tpu.memory_space<hbm>>) target_semaphore(%arg18 : memref<!tpu.dma_semaphore, #tpu.memory_space<semaphore_mem>>)
      %run_scoped3A_371 = arith.constant 0 : i32
      "tpu.region"() ({
        %run_scoped3A_469 = tpu.sem_alloc : memref<!tpu.dma_semaphore, #tpu.memory_space<semaphore_mem>>
        %dma_start3A_470 = arith.constant 0 : i32
        %dma_start3A_471 = arith.constant 0 : i32
        %dma_start3A_472 = tpu.memref_slice %arg14[%run_scoped3A_371, %dma_start3A_470, %dma_start3A_471] : memref<2x80x16xf32, #tpu.memory_space<vmem>> -> memref<1x80x16xf32, #tpu.memory_space<vmem>>
        %dma_start3A_473 = tpu.memref_squeeze %dma_start3A_472 : memref<1x80x16xf32, #tpu.memory_space<vmem>> -> memref<80x16xf32, #tpu.memory_space<vmem>>
        %dma_start3A_474 = arith.constant 0 : i32
        %dma_start3A_475 = tpu.memref_slice %arg9[%mul3A_297, %dma_start3A_474] : memref<125x80xi32, #tpu.memory_space<vmem>> -> memref<1x80xi32, #tpu.memory_space<vmem>>
        %dma_start3A_476 = tpu.memref_squeeze %dma_start3A_475 : memref<1x80xi32, #tpu.memory_space<vmem>> -> memref<80xi32, #tpu.memory_space<vmem>>
        %dma_start3A_477 = arith.constant 0 : i32
        %dma_start3A_478 = arith.constant 0 : i32
        %dma_start3A_479 = tpu.memref_slice %arg22[%dma_start3A_477, %dma_start3A_478] : memref<10000x16xf32, #tpu.memory_space<vmem_shared>> -> memref<10000x16xf32, #tpu.memory_space<vmem_shared>>
        tpu.enqueue_indirect_dma source(%dma_start3A_473 : memref<80x16xf32, #tpu.memory_space<vmem>>) target(%dma_start3A_479 : memref<10000x16xf32, #tpu.memory_space<vmem_shared>>) offsets(%dma_start3A_476 : memref<80xi32, #tpu.memory_space<vmem>>) semaphore(%run_scoped3A_469 : memref<!tpu.dma_semaphore, #tpu.memory_space<semaphore_mem>>) {add = true}
        %dma_wait3A_480 = arith.constant 0 : i32
        %dma_wait3A_481 = arith.constant 0 : i32
        %dma_wait3A_482 = tpu.memref_slice %arg14[%run_scoped3A_371, %dma_wait3A_480, %dma_wait3A_481] : memref<2x80x16xf32, #tpu.memory_space<vmem>> -> memref<1x80x16xf32, #tpu.memory_space<vmem>>
        %dma_wait3A_483 = tpu.memref_squeeze %dma_wait3A_482 : memref<1x80x16xf32, #tpu.memory_space<vmem>> -> memref<80x16xf32, #tpu.memory_space<vmem>>
        %dma_wait3A_484 = arith.constant 0 : i32
        %dma_wait3A_485 = tpu.memref_slice %arg9[%mul3A_297, %dma_wait3A_484] : memref<125x80xi32, #tpu.memory_space<vmem>> -> memref<1x80xi32, #tpu.memory_space<vmem>>
        %dma_wait3A_486 = tpu.memref_squeeze %dma_wait3A_485 : memref<1x80xi32, #tpu.memory_space<vmem>> -> memref<80xi32, #tpu.memory_space<vmem>>
        %dma_wait3A_487 = arith.constant 0 : i32
        %dma_wait3A_488 = arith.constant 0 : i32
        %dma_wait3A_489 = tpu.memref_slice %arg22[%dma_wait3A_487, %dma_wait3A_488] : memref<10000x16xf32, #tpu.memory_space<vmem_shared>> -> memref<10000x16xf32, #tpu.memory_space<vmem_shared>>
        tpu.wait_indirect_dma semaphore(%run_scoped3A_469 : memref<!tpu.dma_semaphore, #tpu.memory_space<semaphore_mem>>) src(%dma_wait3A_483 : memref<80x16xf32, #tpu.memory_space<vmem>>) dst(%dma_wait3A_489 : memref<10000x16xf32, #tpu.memory_space<vmem_shared>>)
        tpu.yield
      }) : () -> ()
      %add3A_372 = arith.constant 2 : i32
      %add3A_373 = arith.addi %mul3A_297, %add3A_372 : i32
      %lt3A_374 = arith.constant 125 : i32
      %lt3A_375 = arith.cmpi slt, %add3A_373, %lt3A_374 : i32
      %convert_element_type3A_376 = arith.extui %lt3A_375 : i1 to i32
      %cond3A_377 = arith.constant 0 : i32
      %cond3A_378 = arith.constant 0 : i32
      %cond3A_379 = arith.constant 0 : i32
      %cond3A_380 = arith.cmpi ne, %convert_element_type3A_376, %cond3A_379 : i32
      scf.if %cond3A_380 {
        %add3A_469 = arith.constant 2 : i32
        %add3A_470 = arith.addi %mul3A_297, %add3A_469 : i32
        %dma_wait3A_471 = arith.constant 0 : i32
        %dma_wait3A_472 = arith.constant 0 : i32
        %dma_wait3A_473 = tpu.memref_slice %arg10[%dma_wait3A_471, %dma_wait3A_472] : memref<2x80xi32, #tpu.memory_space<vmem>> -> memref<1x80xi32, #tpu.memory_space<vmem>>
        %dma_wait3A_474 = tpu.memref_squeeze %dma_wait3A_473 : memref<1x80xi32, #tpu.memory_space<vmem>> -> memref<80xi32, #tpu.memory_space<vmem>>
        %dma_wait3A_475 = arith.constant 0 : i32
        %dma_wait3A_476 = tpu.memref_slice %arg3[%add3A, %add3A_470, %dma_wait3A_475] : memref<32x125x80xi32, #tpu.memory_space<hbm>> -> memref<1x1x80xi32, #tpu.memory_space<hbm>>
        %dma_wait3A_477 = tpu.memref_squeeze %dma_wait3A_476 : memref<1x1x80xi32, #tpu.memory_space<hbm>> -> memref<80xi32, #tpu.memory_space<hbm>>
        %dma_wait3A_478 = arith.constant 0 : i32
        %dma_wait3A_479 = tpu.memref_slice %arg10[%dma_wait3A_471, %dma_wait3A_478] : memref<2x80xi32, #tpu.memory_space<vmem>> -> memref<1x80xi32, #tpu.memory_space<vmem>>
        %dma_wait3A_480 = tpu.memref_squeeze %dma_wait3A_479 : memref<1x80xi32, #tpu.memory_space<vmem>> -> memref<80xi32, #tpu.memory_space<vmem>>
        %dma_wait3A_481 = arith.constant 0 : i32
        %dma_wait3A_482 = tpu.memref_slice %arg3[%add3A, %add3A_470, %dma_wait3A_481] : memref<32x125x80xi32, #tpu.memory_space<hbm>> -> memref<1x1x80xi32, #tpu.memory_space<hbm>>
        %dma_wait3A_483 = tpu.memref_squeeze %dma_wait3A_482 : memref<1x1x80xi32, #tpu.memory_space<hbm>> -> memref<80xi32, #tpu.memory_space<hbm>>
        tpu.wait_dma2 semaphore(%arg20 : memref<!tpu.dma_semaphore, #tpu.memory_space<semaphore_mem>>) src(%dma_wait3A_483 : memref<80xi32, #tpu.memory_space<hbm>>) dst(%dma_wait3A_480 : memref<80xi32, #tpu.memory_space<vmem>>)
        %add3A_484 = arith.constant 2 : i32
        %add3A_485 = arith.addi %mul3A_297, %add3A_484 : i32
        %dma_start3A_486 = arith.constant 0 : i32
        %dma_start3A_487 = arith.constant 0 : i32
        %dma_start3A_488 = tpu.memref_slice %arg11[%cond3A_377, %dma_start3A_486, %dma_start3A_487] : memref<2x80x128xf32, #tpu.memory_space<vmem>> -> memref<1x80x128xf32, #tpu.memory_space<vmem>>
        %dma_start3A_489 = tpu.memref_squeeze %dma_start3A_488 : memref<1x80x128xf32, #tpu.memory_space<vmem>> -> memref<80x128xf32, #tpu.memory_space<vmem>>
        %dma_start3A_490 = arith.constant 0 : i32
        %dma_start3A_491 = tpu.memref_slice %arg9[%add3A_485, %dma_start3A_490] : memref<125x80xi32, #tpu.memory_space<vmem>> -> memref<1x80xi32, #tpu.memory_space<vmem>>
        %dma_start3A_492 = tpu.memref_squeeze %dma_start3A_491 : memref<1x80xi32, #tpu.memory_space<vmem>> -> memref<80xi32, #tpu.memory_space<vmem>>
        %dma_start3A_493 = arith.constant 0 : i32
        %dma_start3A_494 = arith.constant 0 : i32
        %dma_start3A_495 = tpu.memref_slice %arg4[%dma_start3A_493, %dma_start3A_494] : memref<10000x128xf32, #tpu.memory_space<hbm>> -> memref<10000x128xf32, #tpu.memory_space<hbm>>
        tpu.enqueue_indirect_dma source(%dma_start3A_495 : memref<10000x128xf32, #tpu.memory_space<hbm>>) target(%dma_start3A_489 : memref<80x128xf32, #tpu.memory_space<vmem>>) offsets(%dma_start3A_492 : memref<80xi32, #tpu.memory_space<vmem>>) semaphore(%arg16 : memref<!tpu.dma_semaphore, #tpu.memory_space<semaphore_mem>>)
        %dma_start3A_496 = arith.constant 0 : i32
        %dma_start3A_497 = arith.constant 0 : i32
        %dma_start3A_498 = arith.constant 0 : i32
        %dma_start3A_499 = tpu.memref_slice %arg12[%cond3A_378, %dma_start3A_497, %dma_start3A_498] : memref<2x80x128xf32, #tpu.memory_space<vmem>> -> memref<1x80x128xf32, #tpu.memory_space<vmem>>
        %dma_start3A_500 = tpu.memref_squeeze %dma_start3A_499 : memref<1x80x128xf32, #tpu.memory_space<vmem>> -> memref<80x128xf32, #tpu.memory_space<vmem>>
        %dma_start3A_501 = arith.constant 0 : i32
        %dma_start3A_502 = tpu.memref_slice %arg10[%dma_start3A_496, %dma_start3A_501] : memref<2x80xi32, #tpu.memory_space<vmem>> -> memref<1x80xi32, #tpu.memory_space<vmem>>
        %dma_start3A_503 = tpu.memref_squeeze %dma_start3A_502 : memref<1x80xi32, #tpu.memory_space<vmem>> -> memref<80xi32, #tpu.memory_space<vmem>>
        %dma_start3A_504 = arith.constant 0 : i32
        %dma_start3A_505 = arith.constant 0 : i32
        %dma_start3A_506 = tpu.memref_slice %arg5[%dma_start3A_504, %dma_start3A_505] : memref<10000x128xf32, #tpu.memory_space<hbm>> -> memref<10000x128xf32, #tpu.memory_space<hbm>>
        tpu.enqueue_indirect_dma source(%dma_start3A_506 : memref<10000x128xf32, #tpu.memory_space<hbm>>) target(%dma_start3A_500 : memref<80x128xf32, #tpu.memory_space<vmem>>) offsets(%dma_start3A_503 : memref<80xi32, #tpu.memory_space<vmem>>) semaphore(%arg16 : memref<!tpu.dma_semaphore, #tpu.memory_space<semaphore_mem>>)
      } else {
      }
      %mul3A_381 = arith.constant 2 : i32
      %mul3A_382 = arith.muli %scan3A_294, %mul3A_381 : i32
      %add3A_383 = arith.constant 1 : i32
      %add3A_384 = arith.addi %mul3A_382, %add3A_383 : i32
      %mul3A_385 = arith.constant 10000 : i32
      %mul3A_386 = arith.muli %add3A, %mul3A_385 : i32
      %mul3A_387 = arith.constant 80 : i32
      %mul3A_388 = arith.muli %add3A_384, %mul3A_387 : i32
      %add3A_389 = arith.addi %mul3A_386, %mul3A_388 : i32
      %dma_wait3A_390 = arith.constant 1 : i32
      %dma_wait3A_391 = arith.constant 0 : i32
      %dma_wait3A_392 = arith.constant 0 : i32
      %dma_wait3A_393 = tpu.memref_slice %arg11[%dma_wait3A_390, %dma_wait3A_391, %dma_wait3A_392] : memref<2x80x128xf32, #tpu.memory_space<vmem>> -> memref<1x80x128xf32, #tpu.memory_space<vmem>>
      %dma_wait3A_394 = tpu.memref_squeeze %dma_wait3A_393 : memref<1x80x128xf32, #tpu.memory_space<vmem>> -> memref<80x128xf32, #tpu.memory_space<vmem>>
      %dma_wait3A_395 = arith.constant 0 : i32
      %dma_wait3A_396 = tpu.memref_slice %arg9[%add3A_384, %dma_wait3A_395] : memref<125x80xi32, #tpu.memory_space<vmem>> -> memref<1x80xi32, #tpu.memory_space<vmem>>
      %dma_wait3A_397 = tpu.memref_squeeze %dma_wait3A_396 : memref<1x80xi32, #tpu.memory_space<vmem>> -> memref<80xi32, #tpu.memory_space<vmem>>
      %dma_wait3A_398 = arith.constant 0 : i32
      %dma_wait3A_399 = arith.constant 0 : i32
      %dma_wait3A_400 = tpu.memref_slice %arg4[%dma_wait3A_398, %dma_wait3A_399] : memref<10000x128xf32, #tpu.memory_space<hbm>> -> memref<10000x128xf32, #tpu.memory_space<hbm>>
      tpu.wait_indirect_dma semaphore(%arg17 : memref<!tpu.dma_semaphore, #tpu.memory_space<semaphore_mem>>) src(%dma_wait3A_400 : memref<10000x128xf32, #tpu.memory_space<hbm>>) dst(%dma_wait3A_394 : memref<80x128xf32, #tpu.memory_space<vmem>>)
      %dma_wait3A_401 = arith.constant 1 : i32
      %dma_wait3A_402 = arith.constant 1 : i32
      %dma_wait3A_403 = arith.constant 0 : i32
      %dma_wait3A_404 = arith.constant 0 : i32
      %dma_wait3A_405 = tpu.memref_slice %arg12[%dma_wait3A_402, %dma_wait3A_403, %dma_wait3A_404] : memref<2x80x128xf32, #tpu.memory_space<vmem>> -> memref<1x80x128xf32, #tpu.memory_space<vmem>>
      %dma_wait3A_406 = tpu.memref_squeeze %dma_wait3A_405 : memref<1x80x128xf32, #tpu.memory_space<vmem>> -> memref<80x128xf32, #tpu.memory_space<vmem>>
      %dma_wait3A_407 = arith.constant 0 : i32
      %dma_wait3A_408 = tpu.memref_slice %arg10[%dma_wait3A_401, %dma_wait3A_407] : memref<2x80xi32, #tpu.memory_space<vmem>> -> memref<1x80xi32, #tpu.memory_space<vmem>>
      %dma_wait3A_409 = tpu.memref_squeeze %dma_wait3A_408 : memref<1x80xi32, #tpu.memory_space<vmem>> -> memref<80xi32, #tpu.memory_space<vmem>>
      %dma_wait3A_410 = arith.constant 0 : i32
      %dma_wait3A_411 = arith.constant 0 : i32
      %dma_wait3A_412 = tpu.memref_slice %arg5[%dma_wait3A_410, %dma_wait3A_411] : memref<10000x128xf32, #tpu.memory_space<hbm>> -> memref<10000x128xf32, #tpu.memory_space<hbm>>
      tpu.wait_indirect_dma semaphore(%arg17 : memref<!tpu.dma_semaphore, #tpu.memory_space<semaphore_mem>>) src(%dma_wait3A_412 : memref<10000x128xf32, #tpu.memory_space<hbm>>) dst(%dma_wait3A_406 : memref<80x128xf32, #tpu.memory_space<vmem>>)
      %add3A_413 = arith.constant 2 : i32
      %add3A_414 = arith.addi %add3A_384, %add3A_413 : i32
      %lt3A_415 = arith.constant 125 : i32
      %lt3A_416 = arith.cmpi slt, %add3A_414, %lt3A_415 : i32
      %convert_element_type3A_417 = arith.extui %lt3A_416 : i1 to i32
      %cond3A_418 = arith.constant 0 : i32
      %cond3A_419 = arith.cmpi ne, %convert_element_type3A_417, %cond3A_418 : i32
      scf.if %cond3A_419 {
        %add3A_469 = arith.constant 2 : i32
        %add3A_470 = arith.addi %add3A_384, %add3A_469 : i32
        %dma_start3A_471 = arith.constant 1 : i32
        %dma_start3A_472 = arith.constant 0 : i32
        %dma_start3A_473 = tpu.memref_slice %arg10[%dma_start3A_471, %dma_start3A_472] : memref<2x80xi32, #tpu.memory_space<vmem>> -> memref<1x80xi32, #tpu.memory_space<vmem>>
        %dma_start3A_474 = tpu.memref_squeeze %dma_start3A_473 : memref<1x80xi32, #tpu.memory_space<vmem>> -> memref<80xi32, #tpu.memory_space<vmem>>
        %dma_start3A_475 = arith.constant 0 : i32
        %dma_start3A_476 = tpu.memref_slice %arg3[%add3A, %add3A_470, %dma_start3A_475] : memref<32x125x80xi32, #tpu.memory_space<hbm>> -> memref<1x1x80xi32, #tpu.memory_space<hbm>>
        %dma_start3A_477 = tpu.memref_squeeze %dma_start3A_476 : memref<1x1x80xi32, #tpu.memory_space<hbm>> -> memref<80xi32, #tpu.memory_space<hbm>>
        %dma_start3A_478 = arith.constant 0 : i32
        %dma_start3A_479 = tpu.memref_slice %arg10[%dma_start3A_471, %dma_start3A_478] : memref<2x80xi32, #tpu.memory_space<vmem>> -> memref<1x80xi32, #tpu.memory_space<vmem>>
        %dma_start3A_480 = tpu.memref_squeeze %dma_start3A_479 : memref<1x80xi32, #tpu.memory_space<vmem>> -> memref<80xi32, #tpu.memory_space<vmem>>
        %dma_start3A_481 = arith.constant 0 : i32
        %dma_start3A_482 = tpu.memref_slice %arg3[%add3A, %add3A_470, %dma_start3A_481] : memref<32x125x80xi32, #tpu.memory_space<hbm>> -> memref<1x1x80xi32, #tpu.memory_space<hbm>>
        %dma_start3A_483 = tpu.memref_squeeze %dma_start3A_482 : memref<1x1x80xi32, #tpu.memory_space<hbm>> -> memref<80xi32, #tpu.memory_space<hbm>>
        tpu.enqueue_dma source(%dma_start3A_483 : memref<80xi32, #tpu.memory_space<hbm>>) target(%dma_start3A_480 : memref<80xi32, #tpu.memory_space<vmem>>) target_semaphore(%arg21 : memref<!tpu.dma_semaphore, #tpu.memory_space<semaphore_mem>>)
      } else {
      }
      %ge3A_420 = arith.constant 2 : i32
      %ge3A_421 = arith.cmpi sge, %add3A_384, %ge3A_420 : i32
      %convert_element_type3A_422 = arith.extui %ge3A_421 : i1 to i32
      %cond3A_423 = arith.constant 1 : i32
      %cond3A_424 = arith.constant 0 : i32
      %cond3A_425 = arith.cmpi ne, %convert_element_type3A_422, %cond3A_424 : i32
      scf.if %cond3A_425 {
        %dma_wait3A_469 = arith.constant 0 : i32
        %dma_wait3A_470 = arith.constant 0 : i32
        %dma_wait3A_471 = tpu.memref_slice %arg13[%cond3A_423, %dma_wait3A_469, %dma_wait3A_470] : memref<2x80x4xf32, #tpu.memory_space<vmem>> -> memref<1x80x4xf32, #tpu.memory_space<vmem>>
        %dma_wait3A_472 = tpu.memref_squeeze %dma_wait3A_471 : memref<1x80x4xf32, #tpu.memory_space<vmem>> -> memref<80x4xf32, #tpu.memory_space<vmem>>
        %dma_wait3A_473 = arith.constant 0 : i32
        %dma_wait3A_474 = tpu.memref_slice %arg6[%add3A_389, %dma_wait3A_473] : memref<320000x4xf32, #tpu.memory_space<hbm>> -> memref<80x4xf32, #tpu.memory_space<hbm>>
        %dma_wait3A_475 = arith.constant 0 : i32
        %dma_wait3A_476 = tpu.memref_slice %arg6[%add3A_389, %dma_wait3A_475] : memref<320000x4xf32, #tpu.memory_space<hbm>> -> memref<80x4xf32, #tpu.memory_space<hbm>>
        %dma_wait3A_477 = arith.constant 0 : i32
        %dma_wait3A_478 = arith.constant 0 : i32
        %dma_wait3A_479 = tpu.memref_slice %arg13[%cond3A_423, %dma_wait3A_477, %dma_wait3A_478] : memref<2x80x4xf32, #tpu.memory_space<vmem>> -> memref<1x80x4xf32, #tpu.memory_space<vmem>>
        %dma_wait3A_480 = tpu.memref_squeeze %dma_wait3A_479 : memref<1x80x4xf32, #tpu.memory_space<vmem>> -> memref<80x4xf32, #tpu.memory_space<vmem>>
        tpu.wait_dma2 semaphore(%arg19 : memref<!tpu.dma_semaphore, #tpu.memory_space<semaphore_mem>>) src(%dma_wait3A_480 : memref<80x4xf32, #tpu.memory_space<vmem>>) dst(%dma_wait3A_476 : memref<80x4xf32, #tpu.memory_space<hbm>>)
      } else {
      }
      %scan3A_426 = arith.constant 1 : i32
      %scan3A_427 = arith.constant 1 : i32
      %scan3A_428 = arith.constant 1 : i32
      %scan3A_429 = arith.constant 0 : i32
      %scan3A_430 = arith.constant 0 : i32
      %scan3A_431 = arith.constant 80 : i32
      %scan3A_432 = arith.addi %scan3A_430, %scan3A_431 : i32
      %scan3A_433 = arith.constant 1 : i32
      %scan3A_434 = scf.for %scan3A_469 = %scan3A_430 to %scan3A_432 step %scan3A_433 iter_args(%scan3A_470 = %scan3A_429) -> (i32)  : i32 {
        %get3A = arith.constant 0 : i32
        %get3A_471 = arith.constant 0 : i32
        %get3A_472 = tpu.memref_slice %arg11[%scan3A_426, %get3A, %get3A_471] : memref<2x80x128xf32, #tpu.memory_space<vmem>> -> memref<1x80x128xf32, #tpu.memory_space<vmem>>
        %get3A_473 = tpu.memref_squeeze %get3A_472 : memref<1x80x128xf32, #tpu.memory_space<vmem>> -> memref<80x128xf32, #tpu.memory_space<vmem>>
        %get3A_474 = arith.index_cast %scan3A_469 : i32 to index
        %get3A_475 = arith.constant 0 : index
        %get3A_476 = tpu.vector_load %get3A_473[%get3A_474, %get3A_475] {strides = array<i32>} : memref<80x128xf32, #tpu.memory_space<vmem>>, vector<16xf32>,
        %get3A_477 = arith.constant 0 : i32
        %get3A_478 = arith.constant 0 : i32
        %get3A_479 = tpu.memref_slice %arg12[%scan3A_427, %get3A_477, %get3A_478] : memref<2x80x128xf32, #tpu.memory_space<vmem>> -> memref<1x80x128xf32, #tpu.memory_space<vmem>>
        %get3A_480 = tpu.memref_squeeze %get3A_479 : memref<1x80x128xf32, #tpu.memory_space<vmem>> -> memref<80x128xf32, #tpu.memory_space<vmem>>
        %get3A_481 = arith.index_cast %scan3A_469 : i32 to index
        %get3A_482 = arith.constant 0 : index
        %get3A_483 = tpu.vector_load %get3A_480[%get3A_481, %get3A_482] {strides = array<i32>} : memref<80x128xf32, #tpu.memory_space<vmem>>, vector<16xf32>,
        %mul3A_484 = arith.mulf %get3A_476, %get3A_483 : vector<16xf32>
        %get3A_485 = arith.constant 0 : i32
        %get3A_486 = arith.constant 0 : i32
        %get3A_487 = tpu.memref_slice %arg11[%scan3A_426, %get3A_485, %get3A_486] : memref<2x80x128xf32, #tpu.memory_space<vmem>> -> memref<1x80x128xf32, #tpu.memory_space<vmem>>
        %get3A_488 = tpu.memref_squeeze %get3A_487 : memref<1x80x128xf32, #tpu.memory_space<vmem>> -> memref<80x128xf32, #tpu.memory_space<vmem>>
        %get3A_489 = arith.index_cast %scan3A_469 : i32 to index
        %get3A_490 = arith.constant 16 : index
        %get3A_491 = tpu.vector_load %get3A_488[%get3A_489, %get3A_490] {strides = array<i32>} : memref<80x128xf32, #tpu.memory_space<vmem>>, vector<16xf32>,
        %get3A_492 = arith.constant 0 : i32
        %get3A_493 = arith.constant 0 : i32
        %get3A_494 = tpu.memref_slice %arg12[%scan3A_427, %get3A_492, %get3A_493] : memref<2x80x128xf32, #tpu.memory_space<vmem>> -> memref<1x80x128xf32, #tpu.memory_space<vmem>>
        %get3A_495 = tpu.memref_squeeze %get3A_494 : memref<1x80x128xf32, #tpu.memory_space<vmem>> -> memref<80x128xf32, #tpu.memory_space<vmem>>
        %get3A_496 = arith.index_cast %scan3A_469 : i32 to index
        %get3A_497 = arith.constant 16 : index
        %get3A_498 = tpu.vector_load %get3A_495[%get3A_496, %get3A_497] {strides = array<i32>} : memref<80x128xf32, #tpu.memory_space<vmem>>, vector<16xf32>,
        %mul3A_499 = arith.mulf %get3A_491, %get3A_498 : vector<16xf32>
        %add3A_500 = arith.addf %mul3A_484, %mul3A_499 : vector<16xf32>
        %broadcast_in_dim3A_501 = vector.shape_cast %xor3A_81 : vector<16xi32> to vector<16x1xi32>
        %gather3A = vector.shape_cast %broadcast_in_dim3A_501 : vector<16x1xi32> to vector<16xi32>
        %gather3A_502 = tpu.dynamic_gather %add3A_500[%gather3A] in [0] : vector<16xf32>, vector<16xi32> -> vector<16xf32>
        %add3A_503 = arith.addf %add3A_500, %gather3A_502 : vector<16xf32>
        %broadcast_in_dim3A_504 = vector.shape_cast %xor3A_84 : vector<16xi32> to vector<16x1xi32>
        %gather3A_505 = vector.shape_cast %broadcast_in_dim3A_504 : vector<16x1xi32> to vector<16xi32>
        %gather3A_506 = tpu.dynamic_gather %add3A_503[%gather3A_505] in [0] : vector<16xf32>, vector<16xi32> -> vector<16xf32>
        %add3A_507 = arith.addf %add3A_503, %gather3A_506 : vector<16xf32>
        %get3A_508 = arith.constant 0 : i32
        %get3A_509 = arith.constant 0 : i32
        %get3A_510 = tpu.memref_slice %arg11[%scan3A_426, %get3A_508, %get3A_509] : memref<2x80x128xf32, #tpu.memory_space<vmem>> -> memref<1x80x128xf32, #tpu.memory_space<vmem>>
        %get3A_511 = tpu.memref_squeeze %get3A_510 : memref<1x80x128xf32, #tpu.memory_space<vmem>> -> memref<80x128xf32, #tpu.memory_space<vmem>>
        %get3A_512 = arith.index_cast %scan3A_469 : i32 to index
        %get3A_513 = arith.constant 32 : index
        %get3A_514 = tpu.vector_load %get3A_511[%get3A_512, %get3A_513] {strides = array<i32>} : memref<80x128xf32, #tpu.memory_space<vmem>>, vector<16xf32>,
        %get3A_515 = arith.constant 0 : i32
        %get3A_516 = arith.constant 0 : i32
        %get3A_517 = tpu.memref_slice %arg12[%scan3A_427, %get3A_515, %get3A_516] : memref<2x80x128xf32, #tpu.memory_space<vmem>> -> memref<1x80x128xf32, #tpu.memory_space<vmem>>
        %get3A_518 = tpu.memref_squeeze %get3A_517 : memref<1x80x128xf32, #tpu.memory_space<vmem>> -> memref<80x128xf32, #tpu.memory_space<vmem>>
        %get3A_519 = arith.index_cast %scan3A_469 : i32 to index
        %get3A_520 = arith.constant 32 : index
        %get3A_521 = tpu.vector_load %get3A_518[%get3A_519, %get3A_520] {strides = array<i32>} : memref<80x128xf32, #tpu.memory_space<vmem>>, vector<16xf32>,
        %mul3A_522 = arith.mulf %get3A_514, %get3A_521 : vector<16xf32>
        %get3A_523 = arith.constant 0 : i32
        %get3A_524 = arith.constant 0 : i32
        %get3A_525 = tpu.memref_slice %arg11[%scan3A_426, %get3A_523, %get3A_524] : memref<2x80x128xf32, #tpu.memory_space<vmem>> -> memref<1x80x128xf32, #tpu.memory_space<vmem>>
        %get3A_526 = tpu.memref_squeeze %get3A_525 : memref<1x80x128xf32, #tpu.memory_space<vmem>> -> memref<80x128xf32, #tpu.memory_space<vmem>>
        %get3A_527 = arith.index_cast %scan3A_469 : i32 to index
        %get3A_528 = arith.constant 48 : index
        %get3A_529 = tpu.vector_load %get3A_526[%get3A_527, %get3A_528] {strides = array<i32>} : memref<80x128xf32, #tpu.memory_space<vmem>>, vector<16xf32>,
        %get3A_530 = arith.constant 0 : i32
        %get3A_531 = arith.constant 0 : i32
        %get3A_532 = tpu.memref_slice %arg12[%scan3A_427, %get3A_530, %get3A_531] : memref<2x80x128xf32, #tpu.memory_space<vmem>> -> memref<1x80x128xf32, #tpu.memory_space<vmem>>
        %get3A_533 = tpu.memref_squeeze %get3A_532 : memref<1x80x128xf32, #tpu.memory_space<vmem>> -> memref<80x128xf32, #tpu.memory_space<vmem>>
        %get3A_534 = arith.index_cast %scan3A_469 : i32 to index
        %get3A_535 = arith.constant 48 : index
        %get3A_536 = tpu.vector_load %get3A_533[%get3A_534, %get3A_535] {strides = array<i32>} : memref<80x128xf32, #tpu.memory_space<vmem>>, vector<16xf32>,
        %mul3A_537 = arith.mulf %get3A_529, %get3A_536 : vector<16xf32>
        %add3A_538 = arith.addf %mul3A_522, %mul3A_537 : vector<16xf32>
        %broadcast_in_dim3A_539 = vector.shape_cast %xor3A_81 : vector<16xi32> to vector<16x1xi32>
        %gather3A_540 = vector.shape_cast %broadcast_in_dim3A_539 : vector<16x1xi32> to vector<16xi32>
        %gather3A_541 = tpu.dynamic_gather %add3A_538[%gather3A_540] in [0] : vector<16xf32>, vector<16xi32> -> vector<16xf32>
        %add3A_542 = arith.addf %add3A_538, %gather3A_541 : vector<16xf32>
        %broadcast_in_dim3A_543 = vector.shape_cast %xor3A_84 : vector<16xi32> to vector<16x1xi32>
        %gather3A_544 = vector.shape_cast %broadcast_in_dim3A_543 : vector<16x1xi32> to vector<16xi32>
        %gather3A_545 = tpu.dynamic_gather %add3A_542[%gather3A_544] in [0] : vector<16xf32>, vector<16xi32> -> vector<16xf32>
        %add3A_546 = arith.addf %add3A_542, %gather3A_545 : vector<16xf32>
        %get3A_547 = arith.constant 0 : i32
        %get3A_548 = arith.constant 0 : i32
        %get3A_549 = tpu.memref_slice %arg11[%scan3A_426, %get3A_547, %get3A_548] : memref<2x80x128xf32, #tpu.memory_space<vmem>> -> memref<1x80x128xf32, #tpu.memory_space<vmem>>
        %get3A_550 = tpu.memref_squeeze %get3A_549 : memref<1x80x128xf32, #tpu.memory_space<vmem>> -> memref<80x128xf32, #tpu.memory_space<vmem>>
        %get3A_551 = arith.index_cast %scan3A_469 : i32 to index
        %get3A_552 = arith.constant 64 : index
        %get3A_553 = tpu.vector_load %get3A_550[%get3A_551, %get3A_552] {strides = array<i32>} : memref<80x128xf32, #tpu.memory_space<vmem>>, vector<16xf32>,
        %get3A_554 = arith.constant 0 : i32
        %get3A_555 = arith.constant 0 : i32
        %get3A_556 = tpu.memref_slice %arg12[%scan3A_427, %get3A_554, %get3A_555] : memref<2x80x128xf32, #tpu.memory_space<vmem>> -> memref<1x80x128xf32, #tpu.memory_space<vmem>>
        %get3A_557 = tpu.memref_squeeze %get3A_556 : memref<1x80x128xf32, #tpu.memory_space<vmem>> -> memref<80x128xf32, #tpu.memory_space<vmem>>
        %get3A_558 = arith.index_cast %scan3A_469 : i32 to index
        %get3A_559 = arith.constant 64 : index
        %get3A_560 = tpu.vector_load %get3A_557[%get3A_558, %get3A_559] {strides = array<i32>} : memref<80x128xf32, #tpu.memory_space<vmem>>, vector<16xf32>,
        %mul3A_561 = arith.mulf %get3A_553, %get3A_560 : vector<16xf32>
        %get3A_562 = arith.constant 0 : i32
        %get3A_563 = arith.constant 0 : i32
        %get3A_564 = tpu.memref_slice %arg11[%scan3A_426, %get3A_562, %get3A_563] : memref<2x80x128xf32, #tpu.memory_space<vmem>> -> memref<1x80x128xf32, #tpu.memory_space<vmem>>
        %get3A_565 = tpu.memref_squeeze %get3A_564 : memref<1x80x128xf32, #tpu.memory_space<vmem>> -> memref<80x128xf32, #tpu.memory_space<vmem>>
        %get3A_566 = arith.index_cast %scan3A_469 : i32 to index
        %get3A_567 = arith.constant 80 : index
        %get3A_568 = tpu.vector_load %get3A_565[%get3A_566, %get3A_567] {strides = array<i32>} : memref<80x128xf32, #tpu.memory_space<vmem>>, vector<16xf32>,
        %get3A_569 = arith.constant 0 : i32
        %get3A_570 = arith.constant 0 : i32
        %get3A_571 = tpu.memref_slice %arg12[%scan3A_427, %get3A_569, %get3A_570] : memref<2x80x128xf32, #tpu.memory_space<vmem>> -> memref<1x80x128xf32, #tpu.memory_space<vmem>>
        %get3A_572 = tpu.memref_squeeze %get3A_571 : memref<1x80x128xf32, #tpu.memory_space<vmem>> -> memref<80x128xf32, #tpu.memory_space<vmem>>
        %get3A_573 = arith.index_cast %scan3A_469 : i32 to index
        %get3A_574 = arith.constant 80 : index
        %get3A_575 = tpu.vector_load %get3A_572[%get3A_573, %get3A_574] {strides = array<i32>} : memref<80x128xf32, #tpu.memory_space<vmem>>, vector<16xf32>,
        %mul3A_576 = arith.mulf %get3A_568, %get3A_575 : vector<16xf32>
        %add3A_577 = arith.addf %mul3A_561, %mul3A_576 : vector<16xf32>
        %broadcast_in_dim3A_578 = vector.shape_cast %xor3A_81 : vector<16xi32> to vector<16x1xi32>
        %gather3A_579 = vector.shape_cast %broadcast_in_dim3A_578 : vector<16x1xi32> to vector<16xi32>
        %gather3A_580 = tpu.dynamic_gather %add3A_577[%gather3A_579] in [0] : vector<16xf32>, vector<16xi32> -> vector<16xf32>
        %add3A_581 = arith.addf %add3A_577, %gather3A_580 : vector<16xf32>
        %broadcast_in_dim3A_582 = vector.shape_cast %xor3A_84 : vector<16xi32> to vector<16x1xi32>
        %gather3A_583 = vector.shape_cast %broadcast_in_dim3A_582 : vector<16x1xi32> to vector<16xi32>
        %gather3A_584 = tpu.dynamic_gather %add3A_581[%gather3A_583] in [0] : vector<16xf32>, vector<16xi32> -> vector<16xf32>
        %add3A_585 = arith.addf %add3A_581, %gather3A_584 : vector<16xf32>
        %get3A_586 = arith.constant 0 : i32
        %get3A_587 = arith.constant 0 : i32
        %get3A_588 = tpu.memref_slice %arg11[%scan3A_426, %get3A_586, %get3A_587] : memref<2x80x128xf32, #tpu.memory_space<vmem>> -> memref<1x80x128xf32, #tpu.memory_space<vmem>>
        %get3A_589 = tpu.memref_squeeze %get3A_588 : memref<1x80x128xf32, #tpu.memory_space<vmem>> -> memref<80x128xf32, #tpu.memory_space<vmem>>
        %get3A_590 = arith.index_cast %scan3A_469 : i32 to index
        %get3A_591 = arith.constant 96 : index
        %get3A_592 = tpu.vector_load %get3A_589[%get3A_590, %get3A_591] {strides = array<i32>} : memref<80x128xf32, #tpu.memory_space<vmem>>, vector<16xf32>,
        %get3A_593 = arith.constant 0 : i32
        %get3A_594 = arith.constant 0 : i32
        %get3A_595 = tpu.memref_slice %arg12[%scan3A_427, %get3A_593, %get3A_594] : memref<2x80x128xf32, #tpu.memory_space<vmem>> -> memref<1x80x128xf32, #tpu.memory_space<vmem>>
        %get3A_596 = tpu.memref_squeeze %get3A_595 : memref<1x80x128xf32, #tpu.memory_space<vmem>> -> memref<80x128xf32, #tpu.memory_space<vmem>>
        %get3A_597 = arith.index_cast %scan3A_469 : i32 to index
        %get3A_598 = arith.constant 96 : index
        %get3A_599 = tpu.vector_load %get3A_596[%get3A_597, %get3A_598] {strides = array<i32>} : memref<80x128xf32, #tpu.memory_space<vmem>>, vector<16xf32>,
        %mul3A_600 = arith.mulf %get3A_592, %get3A_599 : vector<16xf32>
        %get3A_601 = arith.constant 0 : i32
        %get3A_602 = arith.constant 0 : i32
        %get3A_603 = tpu.memref_slice %arg11[%scan3A_426, %get3A_601, %get3A_602] : memref<2x80x128xf32, #tpu.memory_space<vmem>> -> memref<1x80x128xf32, #tpu.memory_space<vmem>>
        %get3A_604 = tpu.memref_squeeze %get3A_603 : memref<1x80x128xf32, #tpu.memory_space<vmem>> -> memref<80x128xf32, #tpu.memory_space<vmem>>
        %get3A_605 = arith.index_cast %scan3A_469 : i32 to index
        %get3A_606 = arith.constant 112 : index
        %get3A_607 = tpu.vector_load %get3A_604[%get3A_605, %get3A_606] {strides = array<i32>} : memref<80x128xf32, #tpu.memory_space<vmem>>, vector<16xf32>,
        %get3A_608 = arith.constant 0 : i32
        %get3A_609 = arith.constant 0 : i32
        %get3A_610 = tpu.memref_slice %arg12[%scan3A_427, %get3A_608, %get3A_609] : memref<2x80x128xf32, #tpu.memory_space<vmem>> -> memref<1x80x128xf32, #tpu.memory_space<vmem>>
        %get3A_611 = tpu.memref_squeeze %get3A_610 : memref<1x80x128xf32, #tpu.memory_space<vmem>> -> memref<80x128xf32, #tpu.memory_space<vmem>>
        %get3A_612 = arith.index_cast %scan3A_469 : i32 to index
        %get3A_613 = arith.constant 112 : index
        %get3A_614 = tpu.vector_load %get3A_611[%get3A_612, %get3A_613] {strides = array<i32>} : memref<80x128xf32, #tpu.memory_space<vmem>>, vector<16xf32>,
        %mul3A_615 = arith.mulf %get3A_607, %get3A_614 : vector<16xf32>
        %add3A_616 = arith.addf %mul3A_600, %mul3A_615 : vector<16xf32>
        %broadcast_in_dim3A_617 = vector.shape_cast %xor3A_81 : vector<16xi32> to vector<16x1xi32>
        %gather3A_618 = vector.shape_cast %broadcast_in_dim3A_617 : vector<16x1xi32> to vector<16xi32>
        %gather3A_619 = tpu.dynamic_gather %add3A_616[%gather3A_618] in [0] : vector<16xf32>, vector<16xi32> -> vector<16xf32>
        %add3A_620 = arith.addf %add3A_616, %gather3A_619 : vector<16xf32>
        %broadcast_in_dim3A_621 = vector.shape_cast %xor3A_84 : vector<16xi32> to vector<16x1xi32>
        %gather3A_622 = vector.shape_cast %broadcast_in_dim3A_621 : vector<16x1xi32> to vector<16xi32>
        %gather3A_623 = tpu.dynamic_gather %add3A_620[%gather3A_622] in [0] : vector<16xf32>, vector<16xi32> -> vector<16xf32>
        %add3A_624 = arith.addf %add3A_620, %gather3A_623 : vector<16xf32>
        %select_n3A_625 = arith.select %eq3A_121, %add3A_585, %add3A_624 : vector<16xi1>, vector<16xf32>
        %select_n3A_626 = arith.select %eq3A_118, %add3A_546, %select_n3A_625 : vector<16xi1>, vector<16xf32>
        %select_n3A_627 = arith.select %eq3A_115, %add3A_507, %select_n3A_626 : vector<16xi1>, vector<16xf32>
        %broadcast_in_dim3A_628 = vector.shape_cast %xor3A_87 : vector<16xi32> to vector<16x1xi32>
        %gather3A_629 = vector.shape_cast %broadcast_in_dim3A_628 : vector<16x1xi32> to vector<16xi32>
        %gather3A_630 = tpu.dynamic_gather %select_n3A_627[%gather3A_629] in [0] : vector<16xf32>, vector<16xi32> -> vector<16xf32>
        %add3A_631 = arith.addf %select_n3A_627, %gather3A_630 : vector<16xf32>
        %broadcast_in_dim3A_632 = vector.shape_cast %xor3A_90 : vector<16xi32> to vector<16x1xi32>
        %gather3A_633 = vector.shape_cast %broadcast_in_dim3A_632 : vector<16x1xi32> to vector<16xi32>
        %gather3A_634 = tpu.dynamic_gather %add3A_631[%gather3A_633] in [0] : vector<16xf32>, vector<16xi32> -> vector<16xf32>
        %add3A_635 = arith.addf %add3A_631, %gather3A_634 : vector<16xf32>
        %broadcast_in_dim3A_636 = vector.broadcast %scan3A_469 : i32 to vector<16xi32>
        %scatter3A = arith.constant 0 : i32
        %scatter3A_637 = arith.constant 0 : i32
        %scatter3A_638 = tpu.memref_slice %arg13[%scan3A_428, %scatter3A, %scatter3A_637] : memref<2x80x4xf32, #tpu.memory_space<vmem>> -> memref<1x80x4xf32, #tpu.memory_space<vmem>>
        %scatter3A_639 = tpu.memref_squeeze %scatter3A_638 : memref<1x80x4xf32, #tpu.memory_space<vmem>> -> memref<80x4xf32, #tpu.memory_space<vmem>>
        tpu.vector_store_idx %scatter3A_639[%broadcast_in_dim3A_636, %select_n3A], %add3A_635 masked %eq3A_146 : memref<80x4xf32, #tpu.memory_space<vmem>>[vector<16xi32>, vector<16xi32>], vector<16xf32>, vector<16xi1>
        %scan3A_640 = arith.constant 0 : i32
        scf.yield %scan3A_640 : i32
      }
      %scan3A_435 = arith.constant 80 : i32
      %scan3A_436 = arith.constant 1 : i32
      %scan3A_437 = arith.constant 1 : i32
      %scan3A_438 = arith.constant 0 : i32
      %scan3A_439 = arith.constant 0 : i32
      %scan3A_440 = arith.constant 20 : i32
      %scan3A_441 = arith.addi %scan3A_439, %scan3A_440 : i32
      %scan3A_442 = arith.constant 1 : i32
      %scan3A_443 = scf.for %scan3A_469 = %scan3A_439 to %scan3A_441 step %scan3A_442 iter_args(%scan3A_470 = %scan3A_438) -> (i32)  : i32 {
        %mul3A_471 = arith.constant 16 : i32
        %mul3A_472 = arith.muli %scan3A_469, %mul3A_471 : i32
        %iota3A_473 = tpu.iota {dimensions = array<i32: 0>} : vector<16xi32>
        %add3A_474 = vector.broadcast %mul3A_472 : i32 to vector<16xi32>
        %add3A_475 = arith.addi %add3A_474, %iota3A_473 : vector<16xi32>
        %jit3A_476 = arith.constant 4 : i32
        %div3A_477 = vector.broadcast %jit3A_476 : i32 to vector<16xi32>
        %div3A_478 = arith.divsi %add3A_475, %div3A_477 : vector<16xi32>
        %sign3A_479 = arith.constant 0 : i32
        %sign3A_480 = vector.broadcast %sign3A_479 : i32 to vector<16xi32>
        %sign3A_481 = arith.cmpi sgt, %add3A_475, %sign3A_480 : vector<16xi32>
        %sign3A_482 = arith.extui %sign3A_481 : vector<16xi1> to vector<16xi32>
        %sign3A_483 = arith.constant 0 : i32
        %sign3A_484 = vector.broadcast %sign3A_483 : i32 to vector<16xi32>
        %sign3A_485 = arith.cmpi slt, %add3A_475, %sign3A_484 : vector<16xi32>
        %sign3A_486 = arith.extui %sign3A_485 : vector<16xi1> to vector<16xi32>
        %sign3A_487 = arith.subi %sign3A_482, %sign3A_486 : vector<16xi32>
        %sign3A_488 = arith.constant 0 : i32
        %sign3A_489 = arith.cmpi sgt, %jit3A_476, %sign3A_488 : i32
        %sign3A_490 = arith.extui %sign3A_489 : i1 to i32
        %sign3A_491 = arith.constant 0 : i32
        %sign3A_492 = arith.cmpi slt, %jit3A_476, %sign3A_491 : i32
        %sign3A_493 = arith.extui %sign3A_492 : i1 to i32
        %sign3A_494 = arith.subi %sign3A_490, %sign3A_493 : i32
        %ne3A_495 = vector.broadcast %sign3A_494 : i32 to vector<16xi32>
        %ne3A_496 = arith.cmpi ne, %sign3A_487, %ne3A_495 : vector<16xi32>
        %rem3A_497 = vector.broadcast %jit3A_476 : i32 to vector<16xi32>
        %rem3A_498 = arith.remsi %add3A_475, %rem3A_497 : vector<16xi32>
        %ne3A_499 = arith.constant 0 : i32
        %ne3A_500 = vector.broadcast %ne3A_499 : i32 to vector<16xi32>
        %ne3A_501 = arith.cmpi ne, %rem3A_498, %ne3A_500 : vector<16xi32>
        %and3A_502 = arith.andi %ne3A_496, %ne3A_501 : vector<16xi1>
        %sub3A_503 = arith.constant 1 : i32
        %sub3A_504 = vector.broadcast %sub3A_503 : i32 to vector<16xi32>
        %sub3A_505 = arith.subi %div3A_478, %sub3A_504 : vector<16xi32>
        %select_n3A_506 = arith.select %and3A_502, %sub3A_505, %div3A_478 : vector<16xi1>, vector<16xi32>
        %jit3A_507 = arith.constant 4 : i32
        %eq3A_508 = arith.constant 0 : i32
        %eq3A_509 = arith.cmpi eq, %jit3A_507, %eq3A_508 : i32
        %jit3A_510 = arith.constant 1 : i32
        %select_n3A_511 = arith.select %eq3A_509, %jit3A_510, %jit3A_507 : i32
        %rem3A_512 = vector.broadcast %select_n3A_511 : i32 to vector<16xi32>
        %rem3A_513 = arith.remsi %add3A_475, %rem3A_512 : vector<16xi32>
        %ne3A_514 = arith.constant 0 : i32
        %ne3A_515 = vector.broadcast %ne3A_514 : i32 to vector<16xi32>
        %ne3A_516 = arith.cmpi ne, %rem3A_513, %ne3A_515 : vector<16xi32>
        %lt3A_517 = arith.constant 0 : i32
        %lt3A_518 = vector.broadcast %lt3A_517 : i32 to vector<16xi32>
        %lt3A_519 = arith.cmpi slt, %rem3A_513, %lt3A_518 : vector<16xi32>
        %lt3A_520 = arith.constant 0 : i32
        %lt3A_521 = arith.cmpi slt, %select_n3A_511, %lt3A_520 : i32
        %ne3A_522 = vector.broadcast %lt3A_521 : i1 to vector<16xi1>
        %ne3A_523 = vector.broadcast %ne3A_522 : vector<16xi1> to vector<16xi1>
        %ne3A_524 = arith.xori %lt3A_519, %ne3A_523 : vector<16xi1>
        %and3A_525 = arith.andi %ne3A_524, %ne3A_516 : vector<16xi1>
        %add3A_526 = vector.broadcast %select_n3A_511 : i32 to vector<16xi32>
        %add3A_527 = arith.addi %rem3A_513, %add3A_526 : vector<16xi32>
        %select_n3A_528 = arith.select %and3A_525, %add3A_527, %rem3A_513 : vector<16xi1>, vector<16xi32>
        %gather3A = arith.constant 0 : i32
        %gather3A_529 = arith.constant 0 : i32
        %gather3A_530 = tpu.memref_slice %arg13[%scan3A_436, %gather3A, %gather3A_529] : memref<2x80x4xf32, #tpu.memory_space<vmem>> -> memref<1x80x4xf32, #tpu.memory_space<vmem>>
        %gather3A_531 = tpu.memref_squeeze %gather3A_530 : memref<1x80x4xf32, #tpu.memory_space<vmem>> -> memref<80x4xf32, #tpu.memory_space<vmem>>
        %gather3A_532 = tpu.vector_load_idx %gather3A_531[%select_n3A_506, %select_n3A_528] : memref<80x4xf32, #tpu.memory_space<vmem>>[vector<16xi32>, vector<16xi32>], vector<16xf32>,
        %jit3A_533 = arith.constant -1.000000e+01 : f32
        %jit3A_534 = arith.constant 1.000000e+01 : f32
        %max3A = vector.broadcast %jit3A_533 : f32 to vector<16xf32>
        %max3A_535 = arith.maximumf %max3A, %gather3A_532 : vector<16xf32>
        %min3A = vector.broadcast %jit3A_534 : f32 to vector<16xf32>
        %min3A_536 = arith.minimumf %min3A, %max3A_535 : vector<16xf32>
        %exp3A = math.exp %min3A_536 : vector<16xf32>
        %scatter3A = arith.constant 0 : i32
        %scatter3A_537 = arith.constant 0 : i32
        %scatter3A_538 = tpu.memref_slice %arg13[%scan3A_436, %scatter3A, %scatter3A_537] : memref<2x80x4xf32, #tpu.memory_space<vmem>> -> memref<1x80x4xf32, #tpu.memory_space<vmem>>
        %scatter3A_539 = tpu.memref_squeeze %scatter3A_538 : memref<1x80x4xf32, #tpu.memory_space<vmem>> -> memref<80x4xf32, #tpu.memory_space<vmem>>
        tpu.vector_store_idx %scatter3A_539[%select_n3A_506, %select_n3A_528], %exp3A : memref<80x4xf32, #tpu.memory_space<vmem>>[vector<16xi32>, vector<16xi32>], vector<16xf32>,
        %scatter3A_540 = arith.constant 0 : i32
        %scatter3A_541 = arith.constant 0 : i32
        %scatter3A_542 = tpu.memref_slice %arg14[%scan3A_437, %scatter3A_540, %scatter3A_541] : memref<2x80x16xf32, #tpu.memory_space<vmem>> -> memref<1x80x16xf32, #tpu.memory_space<vmem>>
        %scatter3A_543 = tpu.memref_squeeze %scatter3A_542 : memref<1x80x16xf32, #tpu.memory_space<vmem>> -> memref<80x16xf32, #tpu.memory_space<vmem>>
        tpu.vector_store_idx %scatter3A_543[%select_n3A_506, %select_n3A_528], %exp3A : memref<80x16xf32, #tpu.memory_space<vmem>>[vector<16xi32>, vector<16xi32>], vector<16xf32>,
        %scan3A_544 = arith.constant 0 : i32
        scf.yield %scan3A_544 : i32
      }
      %scan3A_444 = arith.constant 20 : i32
      %dma_start3A_445 = arith.constant 1 : i32
      %dma_start3A_446 = arith.constant 0 : i32
      %dma_start3A_447 = arith.constant 0 : i32
      %dma_start3A_448 = tpu.memref_slice %arg13[%dma_start3A_445, %dma_start3A_446, %dma_start3A_447] : memref<2x80x4xf32, #tpu.memory_space<vmem>> -> memref<1x80x4xf32, #tpu.memory_space<vmem>>
      %dma_start3A_449 = tpu.memref_squeeze %dma_start3A_448 : memref<1x80x4xf32, #tpu.memory_space<vmem>> -> memref<80x4xf32, #tpu.memory_space<vmem>>
      %dma_start3A_450 = arith.constant 0 : i32
      %dma_start3A_451 = tpu.memref_slice %arg6[%add3A_389, %dma_start3A_450] : memref<320000x4xf32, #tpu.memory_space<hbm>> -> memref<80x4xf32, #tpu.memory_space<hbm>>
      %dma_start3A_452 = arith.constant 0 : i32
      %dma_start3A_453 = tpu.memref_slice %arg6[%add3A_389, %dma_start3A_452] : memref<320000x4xf32, #tpu.memory_space<hbm>> -> memref<80x4xf32, #tpu.memory_space<hbm>>
      %dma_start3A_454 = arith.constant 0 : i32
      %dma_start3A_455 = arith.constant 0 : i32
      %dma_start3A_456 = tpu.memref_slice %arg13[%dma_start3A_445, %dma_start3A_454, %dma_start3A_455] : memref<2x80x4xf32, #tpu.memory_space<vmem>> -> memref<1x80x4xf32, #tpu.memory_space<vmem>>
      %dma_start3A_457 = tpu.memref_squeeze %dma_start3A_456 : memref<1x80x4xf32, #tpu.memory_space<vmem>> -> memref<80x4xf32, #tpu.memory_space<vmem>>
      tpu.enqueue_dma source(%dma_start3A_457 : memref<80x4xf32, #tpu.memory_space<vmem>>) target(%dma_start3A_453 : memref<80x4xf32, #tpu.memory_space<hbm>>) target_semaphore(%arg19 : memref<!tpu.dma_semaphore, #tpu.memory_space<semaphore_mem>>)
      %run_scoped3A_458 = arith.constant 1 : i32
      "tpu.region"() ({
        %run_scoped3A_469 = tpu.sem_alloc : memref<!tpu.dma_semaphore, #tpu.memory_space<semaphore_mem>>
        %dma_start3A_470 = arith.constant 0 : i32
        %dma_start3A_471 = arith.constant 0 : i32
        %dma_start3A_472 = tpu.memref_slice %arg14[%run_scoped3A_458, %dma_start3A_470, %dma_start3A_471] : memref<2x80x16xf32, #tpu.memory_space<vmem>> -> memref<1x80x16xf32, #tpu.memory_space<vmem>>
        %dma_start3A_473 = tpu.memref_squeeze %dma_start3A_472 : memref<1x80x16xf32, #tpu.memory_space<vmem>> -> memref<80x16xf32, #tpu.memory_space<vmem>>
        %dma_start3A_474 = arith.constant 0 : i32
        %dma_start3A_475 = tpu.memref_slice %arg9[%add3A_384, %dma_start3A_474] : memref<125x80xi32, #tpu.memory_space<vmem>> -> memref<1x80xi32, #tpu.memory_space<vmem>>
        %dma_start3A_476 = tpu.memref_squeeze %dma_start3A_475 : memref<1x80xi32, #tpu.memory_space<vmem>> -> memref<80xi32, #tpu.memory_space<vmem>>
        %dma_start3A_477 = arith.constant 0 : i32
        %dma_start3A_478 = arith.constant 0 : i32
        %dma_start3A_479 = tpu.memref_slice %arg22[%dma_start3A_477, %dma_start3A_478] : memref<10000x16xf32, #tpu.memory_space<vmem_shared>> -> memref<10000x16xf32, #tpu.memory_space<vmem_shared>>
        tpu.enqueue_indirect_dma source(%dma_start3A_473 : memref<80x16xf32, #tpu.memory_space<vmem>>) target(%dma_start3A_479 : memref<10000x16xf32, #tpu.memory_space<vmem_shared>>) offsets(%dma_start3A_476 : memref<80xi32, #tpu.memory_space<vmem>>) semaphore(%run_scoped3A_469 : memref<!tpu.dma_semaphore, #tpu.memory_space<semaphore_mem>>) {add = true}
        %dma_wait3A_480 = arith.constant 0 : i32
        %dma_wait3A_481 = arith.constant 0 : i32
        %dma_wait3A_482 = tpu.memref_slice %arg14[%run_scoped3A_458, %dma_wait3A_480, %dma_wait3A_481] : memref<2x80x16xf32, #tpu.memory_space<vmem>> -> memref<1x80x16xf32, #tpu.memory_space<vmem>>
        %dma_wait3A_483 = tpu.memref_squeeze %dma_wait3A_482 : memref<1x80x16xf32, #tpu.memory_space<vmem>> -> memref<80x16xf32, #tpu.memory_space<vmem>>
        %dma_wait3A_484 = arith.constant 0 : i32
        %dma_wait3A_485 = tpu.memref_slice %arg9[%add3A_384, %dma_wait3A_484] : memref<125x80xi32, #tpu.memory_space<vmem>> -> memref<1x80xi32, #tpu.memory_space<vmem>>
        %dma_wait3A_486 = tpu.memref_squeeze %dma_wait3A_485 : memref<1x80xi32, #tpu.memory_space<vmem>> -> memref<80xi32, #tpu.memory_space<vmem>>
        %dma_wait3A_487 = arith.constant 0 : i32
        %dma_wait3A_488 = arith.constant 0 : i32
        %dma_wait3A_489 = tpu.memref_slice %arg22[%dma_wait3A_487, %dma_wait3A_488] : memref<10000x16xf32, #tpu.memory_space<vmem_shared>> -> memref<10000x16xf32, #tpu.memory_space<vmem_shared>>
        tpu.wait_indirect_dma semaphore(%run_scoped3A_469 : memref<!tpu.dma_semaphore, #tpu.memory_space<semaphore_mem>>) src(%dma_wait3A_483 : memref<80x16xf32, #tpu.memory_space<vmem>>) dst(%dma_wait3A_489 : memref<10000x16xf32, #tpu.memory_space<vmem_shared>>)
        tpu.yield
      }) : () -> ()
      %add3A_459 = arith.constant 2 : i32
      %add3A_460 = arith.addi %add3A_384, %add3A_459 : i32
      %lt3A_461 = arith.constant 125 : i32
      %lt3A_462 = arith.cmpi slt, %add3A_460, %lt3A_461 : i32
      %convert_element_type3A_463 = arith.extui %lt3A_462 : i1 to i32
      %cond3A_464 = arith.constant 1 : i32
      %cond3A_465 = arith.constant 1 : i32
      %cond3A_466 = arith.constant 0 : i32
      %cond3A_467 = arith.cmpi ne, %convert_element_type3A_463, %cond3A_466 : i32
      scf.if %cond3A_467 {
        %add3A_469 = arith.constant 2 : i32
        %add3A_470 = arith.addi %add3A_384, %add3A_469 : i32
        %dma_wait3A_471 = arith.constant 1 : i32
        %dma_wait3A_472 = arith.constant 0 : i32
        %dma_wait3A_473 = tpu.memref_slice %arg10[%dma_wait3A_471, %dma_wait3A_472] : memref<2x80xi32, #tpu.memory_space<vmem>> -> memref<1x80xi32, #tpu.memory_space<vmem>>
        %dma_wait3A_474 = tpu.memref_squeeze %dma_wait3A_473 : memref<1x80xi32, #tpu.memory_space<vmem>> -> memref<80xi32, #tpu.memory_space<vmem>>
        %dma_wait3A_475 = arith.constant 0 : i32
        %dma_wait3A_476 = tpu.memref_slice %arg3[%add3A, %add3A_470, %dma_wait3A_475] : memref<32x125x80xi32, #tpu.memory_space<hbm>> -> memref<1x1x80xi32, #tpu.memory_space<hbm>>
        %dma_wait3A_477 = tpu.memref_squeeze %dma_wait3A_476 : memref<1x1x80xi32, #tpu.memory_space<hbm>> -> memref<80xi32, #tpu.memory_space<hbm>>
        %dma_wait3A_478 = arith.constant 0 : i32
        %dma_wait3A_479 = tpu.memref_slice %arg10[%dma_wait3A_471, %dma_wait3A_478] : memref<2x80xi32, #tpu.memory_space<vmem>> -> memref<1x80xi32, #tpu.memory_space<vmem>>
        %dma_wait3A_480 = tpu.memref_squeeze %dma_wait3A_479 : memref<1x80xi32, #tpu.memory_space<vmem>> -> memref<80xi32, #tpu.memory_space<vmem>>
        %dma_wait3A_481 = arith.constant 0 : i32
        %dma_wait3A_482 = tpu.memref_slice %arg3[%add3A, %add3A_470, %dma_wait3A_481] : memref<32x125x80xi32, #tpu.memory_space<hbm>> -> memref<1x1x80xi32, #tpu.memory_space<hbm>>
        %dma_wait3A_483 = tpu.memref_squeeze %dma_wait3A_482 : memref<1x1x80xi32, #tpu.memory_space<hbm>> -> memref<80xi32, #tpu.memory_space<hbm>>
        tpu.wait_dma2 semaphore(%arg21 : memref<!tpu.dma_semaphore, #tpu.memory_space<semaphore_mem>>) src(%dma_wait3A_483 : memref<80xi32, #tpu.memory_space<hbm>>) dst(%dma_wait3A_480 : memref<80xi32, #tpu.memory_space<vmem>>)
        %add3A_484 = arith.constant 2 : i32
        %add3A_485 = arith.addi %add3A_384, %add3A_484 : i32
        %dma_start3A_486 = arith.constant 0 : i32
        %dma_start3A_487 = arith.constant 0 : i32
        %dma_start3A_488 = tpu.memref_slice %arg11[%cond3A_464, %dma_start3A_486, %dma_start3A_487] : memref<2x80x128xf32, #tpu.memory_space<vmem>> -> memref<1x80x128xf32, #tpu.memory_space<vmem>>
        %dma_start3A_489 = tpu.memref_squeeze %dma_start3A_488 : memref<1x80x128xf32, #tpu.memory_space<vmem>> -> memref<80x128xf32, #tpu.memory_space<vmem>>
        %dma_start3A_490 = arith.constant 0 : i32
        %dma_start3A_491 = tpu.memref_slice %arg9[%add3A_485, %dma_start3A_490] : memref<125x80xi32, #tpu.memory_space<vmem>> -> memref<1x80xi32, #tpu.memory_space<vmem>>
        %dma_start3A_492 = tpu.memref_squeeze %dma_start3A_491 : memref<1x80xi32, #tpu.memory_space<vmem>> -> memref<80xi32, #tpu.memory_space<vmem>>
        %dma_start3A_493 = arith.constant 0 : i32
        %dma_start3A_494 = arith.constant 0 : i32
        %dma_start3A_495 = tpu.memref_slice %arg4[%dma_start3A_493, %dma_start3A_494] : memref<10000x128xf32, #tpu.memory_space<hbm>> -> memref<10000x128xf32, #tpu.memory_space<hbm>>
        tpu.enqueue_indirect_dma source(%dma_start3A_495 : memref<10000x128xf32, #tpu.memory_space<hbm>>) target(%dma_start3A_489 : memref<80x128xf32, #tpu.memory_space<vmem>>) offsets(%dma_start3A_492 : memref<80xi32, #tpu.memory_space<vmem>>) semaphore(%arg17 : memref<!tpu.dma_semaphore, #tpu.memory_space<semaphore_mem>>)
        %dma_start3A_496 = arith.constant 1 : i32
        %dma_start3A_497 = arith.constant 0 : i32
        %dma_start3A_498 = arith.constant 0 : i32
        %dma_start3A_499 = tpu.memref_slice %arg12[%cond3A_465, %dma_start3A_497, %dma_start3A_498] : memref<2x80x128xf32, #tpu.memory_space<vmem>> -> memref<1x80x128xf32, #tpu.memory_space<vmem>>
        %dma_start3A_500 = tpu.memref_squeeze %dma_start3A_499 : memref<1x80x128xf32, #tpu.memory_space<vmem>> -> memref<80x128xf32, #tpu.memory_space<vmem>>
        %dma_start3A_501 = arith.constant 0 : i32
        %dma_start3A_502 = tpu.memref_slice %arg10[%dma_start3A_496, %dma_start3A_501] : memref<2x80xi32, #tpu.memory_space<vmem>> -> memref<1x80xi32, #tpu.memory_space<vmem>>
        %dma_start3A_503 = tpu.memref_squeeze %dma_start3A_502 : memref<1x80xi32, #tpu.memory_space<vmem>> -> memref<80xi32, #tpu.memory_space<vmem>>
        %dma_start3A_504 = arith.constant 0 : i32
        %dma_start3A_505 = arith.constant 0 : i32
        %dma_start3A_506 = tpu.memref_slice %arg5[%dma_start3A_504, %dma_start3A_505] : memref<10000x128xf32, #tpu.memory_space<hbm>> -> memref<10000x128xf32, #tpu.memory_space<hbm>>
        tpu.enqueue_indirect_dma source(%dma_start3A_506 : memref<10000x128xf32, #tpu.memory_space<hbm>>) target(%dma_start3A_500 : memref<80x128xf32, #tpu.memory_space<vmem>>) offsets(%dma_start3A_503 : memref<80xi32, #tpu.memory_space<vmem>>) semaphore(%arg17 : memref<!tpu.dma_semaphore, #tpu.memory_space<semaphore_mem>>)
      } else {
      }
      %scan3A_468 = arith.constant 0 : i32
      scf.yield %scan3A_468 : i32
    }
    %scan3A_153 = arith.constant 62 : i32
    %mul3A_154 = arith.constant 10000 : i32
    %mul3A_155 = arith.muli %add3A, %mul3A_154 : i32
    %mul3A_156 = arith.constant 124 : i32
    %mul3A_157 = arith.constant 80 : i32
    %mul3A_158 = arith.muli %mul3A_156, %mul3A_157 : i32
    %add3A_159 = arith.addi %mul3A_155, %mul3A_158 : i32
    %dma_wait3A = arith.constant 124 : i32
    %dma_wait3A_160 = arith.constant 0 : i32
    %dma_wait3A_161 = arith.constant 0 : i32
    %dma_wait3A_162 = arith.constant 0 : i32
    %dma_wait3A_163 = tpu.memref_slice %arg11[%dma_wait3A_160, %dma_wait3A_161, %dma_wait3A_162] : memref<2x80x128xf32, #tpu.memory_space<vmem>> -> memref<1x80x128xf32, #tpu.memory_space<vmem>>
    %dma_wait3A_164 = tpu.memref_squeeze %dma_wait3A_163 : memref<1x80x128xf32, #tpu.memory_space<vmem>> -> memref<80x128xf32, #tpu.memory_space<vmem>>
    %dma_wait3A_165 = arith.constant 0 : i32
    %dma_wait3A_166 = tpu.memref_slice %arg9[%dma_wait3A, %dma_wait3A_165] : memref<125x80xi32, #tpu.memory_space<vmem>> -> memref<1x80xi32, #tpu.memory_space<vmem>>
    %dma_wait3A_167 = tpu.memref_squeeze %dma_wait3A_166 : memref<1x80xi32, #tpu.memory_space<vmem>> -> memref<80xi32, #tpu.memory_space<vmem>>
    %dma_wait3A_168 = arith.constant 0 : i32
    %dma_wait3A_169 = arith.constant 0 : i32
    %dma_wait3A_170 = tpu.memref_slice %arg4[%dma_wait3A_168, %dma_wait3A_169] : memref<10000x128xf32, #tpu.memory_space<hbm>> -> memref<10000x128xf32, #tpu.memory_space<hbm>>
    tpu.wait_indirect_dma semaphore(%arg16 : memref<!tpu.dma_semaphore, #tpu.memory_space<semaphore_mem>>) src(%dma_wait3A_170 : memref<10000x128xf32, #tpu.memory_space<hbm>>) dst(%dma_wait3A_164 : memref<80x128xf32, #tpu.memory_space<vmem>>)
    %dma_wait3A_171 = arith.constant 0 : i32
    %dma_wait3A_172 = arith.constant 0 : i32
    %dma_wait3A_173 = arith.constant 0 : i32
    %dma_wait3A_174 = arith.constant 0 : i32
    %dma_wait3A_175 = tpu.memref_slice %arg12[%dma_wait3A_172, %dma_wait3A_173, %dma_wait3A_174] : memref<2x80x128xf32, #tpu.memory_space<vmem>> -> memref<1x80x128xf32, #tpu.memory_space<vmem>>
    %dma_wait3A_176 = tpu.memref_squeeze %dma_wait3A_175 : memref<1x80x128xf32, #tpu.memory_space<vmem>> -> memref<80x128xf32, #tpu.memory_space<vmem>>
    %dma_wait3A_177 = arith.constant 0 : i32
    %dma_wait3A_178 = tpu.memref_slice %arg10[%dma_wait3A_171, %dma_wait3A_177] : memref<2x80xi32, #tpu.memory_space<vmem>> -> memref<1x80xi32, #tpu.memory_space<vmem>>
    %dma_wait3A_179 = tpu.memref_squeeze %dma_wait3A_178 : memref<1x80xi32, #tpu.memory_space<vmem>> -> memref<80xi32, #tpu.memory_space<vmem>>
    %dma_wait3A_180 = arith.constant 0 : i32
    %dma_wait3A_181 = arith.constant 0 : i32
    %dma_wait3A_182 = tpu.memref_slice %arg5[%dma_wait3A_180, %dma_wait3A_181] : memref<10000x128xf32, #tpu.memory_space<hbm>> -> memref<10000x128xf32, #tpu.memory_space<hbm>>
    tpu.wait_indirect_dma semaphore(%arg16 : memref<!tpu.dma_semaphore, #tpu.memory_space<semaphore_mem>>) src(%dma_wait3A_182 : memref<10000x128xf32, #tpu.memory_space<hbm>>) dst(%dma_wait3A_176 : memref<80x128xf32, #tpu.memory_space<vmem>>)
    %add3A_183 = arith.constant 124 : i32
    %add3A_184 = arith.constant 2 : i32
    %add3A_185 = arith.addi %add3A_183, %add3A_184 : i32
    %lt3A_186 = arith.constant 125 : i32
    %lt3A_187 = arith.cmpi slt, %add3A_185, %lt3A_186 : i32
    %convert_element_type3A_188 = arith.extui %lt3A_187 : i1 to i32
    %cond3A_189 = arith.constant 124 : i32
    %cond3A_190 = arith.constant 0 : i32
    %cond3A_191 = arith.cmpi ne, %convert_element_type3A_188, %cond3A_190 : i32
    scf.if %cond3A_191 {
      %add3A_294 = arith.constant 2 : i32
      %add3A_295 = arith.addi %cond3A_189, %add3A_294 : i32
      %dma_start3A_296 = arith.constant 0 : i32
      %dma_start3A_297 = arith.constant 0 : i32
      %dma_start3A_298 = tpu.memref_slice %arg10[%dma_start3A_296, %dma_start3A_297] : memref<2x80xi32, #tpu.memory_space<vmem>> -> memref<1x80xi32, #tpu.memory_space<vmem>>
      %dma_start3A_299 = tpu.memref_squeeze %dma_start3A_298 : memref<1x80xi32, #tpu.memory_space<vmem>> -> memref<80xi32, #tpu.memory_space<vmem>>
      %dma_start3A_300 = arith.constant 0 : i32
      %dma_start3A_301 = tpu.memref_slice %arg3[%add3A, %add3A_295, %dma_start3A_300] : memref<32x125x80xi32, #tpu.memory_space<hbm>> -> memref<1x1x80xi32, #tpu.memory_space<hbm>>
      %dma_start3A_302 = tpu.memref_squeeze %dma_start3A_301 : memref<1x1x80xi32, #tpu.memory_space<hbm>> -> memref<80xi32, #tpu.memory_space<hbm>>
      %dma_start3A_303 = arith.constant 0 : i32
      %dma_start3A_304 = tpu.memref_slice %arg10[%dma_start3A_296, %dma_start3A_303] : memref<2x80xi32, #tpu.memory_space<vmem>> -> memref<1x80xi32, #tpu.memory_space<vmem>>
      %dma_start3A_305 = tpu.memref_squeeze %dma_start3A_304 : memref<1x80xi32, #tpu.memory_space<vmem>> -> memref<80xi32, #tpu.memory_space<vmem>>
      %dma_start3A_306 = arith.constant 0 : i32
      %dma_start3A_307 = tpu.memref_slice %arg3[%add3A, %add3A_295, %dma_start3A_306] : memref<32x125x80xi32, #tpu.memory_space<hbm>> -> memref<1x1x80xi32, #tpu.memory_space<hbm>>
      %dma_start3A_308 = tpu.memref_squeeze %dma_start3A_307 : memref<1x1x80xi32, #tpu.memory_space<hbm>> -> memref<80xi32, #tpu.memory_space<hbm>>
      tpu.enqueue_dma source(%dma_start3A_308 : memref<80xi32, #tpu.memory_space<hbm>>) target(%dma_start3A_305 : memref<80xi32, #tpu.memory_space<vmem>>) target_semaphore(%arg20 : memref<!tpu.dma_semaphore, #tpu.memory_space<semaphore_mem>>)
    } else {
    }
    %ge3A = arith.constant 124 : i32
    %ge3A_192 = arith.constant 2 : i32
    %ge3A_193 = arith.cmpi sge, %ge3A, %ge3A_192 : i32
    %convert_element_type3A_194 = arith.extui %ge3A_193 : i1 to i32
    %cond3A_195 = arith.constant 0 : i32
    %cond3A_196 = arith.constant 0 : i32
    %cond3A_197 = arith.cmpi ne, %convert_element_type3A_194, %cond3A_196 : i32
    scf.if %cond3A_197 {
      %dma_wait3A_294 = arith.constant 0 : i32
      %dma_wait3A_295 = arith.constant 0 : i32
      %dma_wait3A_296 = tpu.memref_slice %arg13[%cond3A_195, %dma_wait3A_294, %dma_wait3A_295] : memref<2x80x4xf32, #tpu.memory_space<vmem>> -> memref<1x80x4xf32, #tpu.memory_space<vmem>>
      %dma_wait3A_297 = tpu.memref_squeeze %dma_wait3A_296 : memref<1x80x4xf32, #tpu.memory_space<vmem>> -> memref<80x4xf32, #tpu.memory_space<vmem>>
      %dma_wait3A_298 = arith.constant 0 : i32
      %dma_wait3A_299 = tpu.memref_slice %arg6[%add3A_159, %dma_wait3A_298] : memref<320000x4xf32, #tpu.memory_space<hbm>> -> memref<80x4xf32, #tpu.memory_space<hbm>>
      %dma_wait3A_300 = arith.constant 0 : i32
      %dma_wait3A_301 = tpu.memref_slice %arg6[%add3A_159, %dma_wait3A_300] : memref<320000x4xf32, #tpu.memory_space<hbm>> -> memref<80x4xf32, #tpu.memory_space<hbm>>
      %dma_wait3A_302 = arith.constant 0 : i32
      %dma_wait3A_303 = arith.constant 0 : i32
      %dma_wait3A_304 = tpu.memref_slice %arg13[%cond3A_195, %dma_wait3A_302, %dma_wait3A_303] : memref<2x80x4xf32, #tpu.memory_space<vmem>> -> memref<1x80x4xf32, #tpu.memory_space<vmem>>
      %dma_wait3A_305 = tpu.memref_squeeze %dma_wait3A_304 : memref<1x80x4xf32, #tpu.memory_space<vmem>> -> memref<80x4xf32, #tpu.memory_space<vmem>>
      tpu.wait_dma2 semaphore(%arg18 : memref<!tpu.dma_semaphore, #tpu.memory_space<semaphore_mem>>) src(%dma_wait3A_305 : memref<80x4xf32, #tpu.memory_space<vmem>>) dst(%dma_wait3A_301 : memref<80x4xf32, #tpu.memory_space<hbm>>)
    } else {
    }
    %scan3A_198 = arith.constant 0 : i32
    %scan3A_199 = arith.constant 0 : i32
    %scan3A_200 = arith.constant 0 : i32
    %scan3A_201 = arith.constant 0 : i32
    %scan3A_202 = arith.constant 0 : i32
    %scan3A_203 = arith.constant 80 : i32
    %scan3A_204 = arith.addi %scan3A_202, %scan3A_203 : i32
    %scan3A_205 = arith.constant 1 : i32
    %scan3A_206 = scf.for %scan3A_294 = %scan3A_202 to %scan3A_204 step %scan3A_205 iter_args(%scan3A_295 = %scan3A_201) -> (i32)  : i32 {
      %get3A = arith.constant 0 : i32
      %get3A_296 = arith.constant 0 : i32
      %get3A_297 = tpu.memref_slice %arg11[%scan3A_198, %get3A, %get3A_296] : memref<2x80x128xf32, #tpu.memory_space<vmem>> -> memref<1x80x128xf32, #tpu.memory_space<vmem>>
      %get3A_298 = tpu.memref_squeeze %get3A_297 : memref<1x80x128xf32, #tpu.memory_space<vmem>> -> memref<80x128xf32, #tpu.memory_space<vmem>>
      %get3A_299 = arith.index_cast %scan3A_294 : i32 to index
      %get3A_300 = arith.constant 0 : index
      %get3A_301 = tpu.vector_load %get3A_298[%get3A_299, %get3A_300] {strides = array<i32>} : memref<80x128xf32, #tpu.memory_space<vmem>>, vector<16xf32>,
      %get3A_302 = arith.constant 0 : i32
      %get3A_303 = arith.constant 0 : i32
      %get3A_304 = tpu.memref_slice %arg12[%scan3A_199, %get3A_302, %get3A_303] : memref<2x80x128xf32, #tpu.memory_space<vmem>> -> memref<1x80x128xf32, #tpu.memory_space<vmem>>
      %get3A_305 = tpu.memref_squeeze %get3A_304 : memref<1x80x128xf32, #tpu.memory_space<vmem>> -> memref<80x128xf32, #tpu.memory_space<vmem>>
      %get3A_306 = arith.index_cast %scan3A_294 : i32 to index
      %get3A_307 = arith.constant 0 : index
      %get3A_308 = tpu.vector_load %get3A_305[%get3A_306, %get3A_307] {strides = array<i32>} : memref<80x128xf32, #tpu.memory_space<vmem>>, vector<16xf32>,
      %mul3A_309 = arith.mulf %get3A_301, %get3A_308 : vector<16xf32>
      %get3A_310 = arith.constant 0 : i32
      %get3A_311 = arith.constant 0 : i32
      %get3A_312 = tpu.memref_slice %arg11[%scan3A_198, %get3A_310, %get3A_311] : memref<2x80x128xf32, #tpu.memory_space<vmem>> -> memref<1x80x128xf32, #tpu.memory_space<vmem>>
      %get3A_313 = tpu.memref_squeeze %get3A_312 : memref<1x80x128xf32, #tpu.memory_space<vmem>> -> memref<80x128xf32, #tpu.memory_space<vmem>>
      %get3A_314 = arith.index_cast %scan3A_294 : i32 to index
      %get3A_315 = arith.constant 16 : index
      %get3A_316 = tpu.vector_load %get3A_313[%get3A_314, %get3A_315] {strides = array<i32>} : memref<80x128xf32, #tpu.memory_space<vmem>>, vector<16xf32>,
      %get3A_317 = arith.constant 0 : i32
      %get3A_318 = arith.constant 0 : i32
      %get3A_319 = tpu.memref_slice %arg12[%scan3A_199, %get3A_317, %get3A_318] : memref<2x80x128xf32, #tpu.memory_space<vmem>> -> memref<1x80x128xf32, #tpu.memory_space<vmem>>
      %get3A_320 = tpu.memref_squeeze %get3A_319 : memref<1x80x128xf32, #tpu.memory_space<vmem>> -> memref<80x128xf32, #tpu.memory_space<vmem>>
      %get3A_321 = arith.index_cast %scan3A_294 : i32 to index
      %get3A_322 = arith.constant 16 : index
      %get3A_323 = tpu.vector_load %get3A_320[%get3A_321, %get3A_322] {strides = array<i32>} : memref<80x128xf32, #tpu.memory_space<vmem>>, vector<16xf32>,
      %mul3A_324 = arith.mulf %get3A_316, %get3A_323 : vector<16xf32>
      %add3A_325 = arith.addf %mul3A_309, %mul3A_324 : vector<16xf32>
      %broadcast_in_dim3A_326 = vector.shape_cast %xor3A_81 : vector<16xi32> to vector<16x1xi32>
      %gather3A = vector.shape_cast %broadcast_in_dim3A_326 : vector<16x1xi32> to vector<16xi32>
      %gather3A_327 = tpu.dynamic_gather %add3A_325[%gather3A] in [0] : vector<16xf32>, vector<16xi32> -> vector<16xf32>
      %add3A_328 = arith.addf %add3A_325, %gather3A_327 : vector<16xf32>
      %broadcast_in_dim3A_329 = vector.shape_cast %xor3A_84 : vector<16xi32> to vector<16x1xi32>
      %gather3A_330 = vector.shape_cast %broadcast_in_dim3A_329 : vector<16x1xi32> to vector<16xi32>
      %gather3A_331 = tpu.dynamic_gather %add3A_328[%gather3A_330] in [0] : vector<16xf32>, vector<16xi32> -> vector<16xf32>
      %add3A_332 = arith.addf %add3A_328, %gather3A_331 : vector<16xf32>
      %get3A_333 = arith.constant 0 : i32
      %get3A_334 = arith.constant 0 : i32
      %get3A_335 = tpu.memref_slice %arg11[%scan3A_198, %get3A_333, %get3A_334] : memref<2x80x128xf32, #tpu.memory_space<vmem>> -> memref<1x80x128xf32, #tpu.memory_space<vmem>>
      %get3A_336 = tpu.memref_squeeze %get3A_335 : memref<1x80x128xf32, #tpu.memory_space<vmem>> -> memref<80x128xf32, #tpu.memory_space<vmem>>
      %get3A_337 = arith.index_cast %scan3A_294 : i32 to index
      %get3A_338 = arith.constant 32 : index
      %get3A_339 = tpu.vector_load %get3A_336[%get3A_337, %get3A_338] {strides = array<i32>} : memref<80x128xf32, #tpu.memory_space<vmem>>, vector<16xf32>,
      %get3A_340 = arith.constant 0 : i32
      %get3A_341 = arith.constant 0 : i32
      %get3A_342 = tpu.memref_slice %arg12[%scan3A_199, %get3A_340, %get3A_341] : memref<2x80x128xf32, #tpu.memory_space<vmem>> -> memref<1x80x128xf32, #tpu.memory_space<vmem>>
      %get3A_343 = tpu.memref_squeeze %get3A_342 : memref<1x80x128xf32, #tpu.memory_space<vmem>> -> memref<80x128xf32, #tpu.memory_space<vmem>>
      %get3A_344 = arith.index_cast %scan3A_294 : i32 to index
      %get3A_345 = arith.constant 32 : index
      %get3A_346 = tpu.vector_load %get3A_343[%get3A_344, %get3A_345] {strides = array<i32>} : memref<80x128xf32, #tpu.memory_space<vmem>>, vector<16xf32>,
      %mul3A_347 = arith.mulf %get3A_339, %get3A_346 : vector<16xf32>
      %get3A_348 = arith.constant 0 : i32
      %get3A_349 = arith.constant 0 : i32
      %get3A_350 = tpu.memref_slice %arg11[%scan3A_198, %get3A_348, %get3A_349] : memref<2x80x128xf32, #tpu.memory_space<vmem>> -> memref<1x80x128xf32, #tpu.memory_space<vmem>>
      %get3A_351 = tpu.memref_squeeze %get3A_350 : memref<1x80x128xf32, #tpu.memory_space<vmem>> -> memref<80x128xf32, #tpu.memory_space<vmem>>
      %get3A_352 = arith.index_cast %scan3A_294 : i32 to index
      %get3A_353 = arith.constant 48 : index
      %get3A_354 = tpu.vector_load %get3A_351[%get3A_352, %get3A_353] {strides = array<i32>} : memref<80x128xf32, #tpu.memory_space<vmem>>, vector<16xf32>,
      %get3A_355 = arith.constant 0 : i32
      %get3A_356 = arith.constant 0 : i32
      %get3A_357 = tpu.memref_slice %arg12[%scan3A_199, %get3A_355, %get3A_356] : memref<2x80x128xf32, #tpu.memory_space<vmem>> -> memref<1x80x128xf32, #tpu.memory_space<vmem>>
      %get3A_358 = tpu.memref_squeeze %get3A_357 : memref<1x80x128xf32, #tpu.memory_space<vmem>> -> memref<80x128xf32, #tpu.memory_space<vmem>>
      %get3A_359 = arith.index_cast %scan3A_294 : i32 to index
      %get3A_360 = arith.constant 48 : index
      %get3A_361 = tpu.vector_load %get3A_358[%get3A_359, %get3A_360] {strides = array<i32>} : memref<80x128xf32, #tpu.memory_space<vmem>>, vector<16xf32>,
      %mul3A_362 = arith.mulf %get3A_354, %get3A_361 : vector<16xf32>
      %add3A_363 = arith.addf %mul3A_347, %mul3A_362 : vector<16xf32>
      %broadcast_in_dim3A_364 = vector.shape_cast %xor3A_81 : vector<16xi32> to vector<16x1xi32>
      %gather3A_365 = vector.shape_cast %broadcast_in_dim3A_364 : vector<16x1xi32> to vector<16xi32>
      %gather3A_366 = tpu.dynamic_gather %add3A_363[%gather3A_365] in [0] : vector<16xf32>, vector<16xi32> -> vector<16xf32>
      %add3A_367 = arith.addf %add3A_363, %gather3A_366 : vector<16xf32>
      %broadcast_in_dim3A_368 = vector.shape_cast %xor3A_84 : vector<16xi32> to vector<16x1xi32>
      %gather3A_369 = vector.shape_cast %broadcast_in_dim3A_368 : vector<16x1xi32> to vector<16xi32>
      %gather3A_370 = tpu.dynamic_gather %add3A_367[%gather3A_369] in [0] : vector<16xf32>, vector<16xi32> -> vector<16xf32>
      %add3A_371 = arith.addf %add3A_367, %gather3A_370 : vector<16xf32>
      %get3A_372 = arith.constant 0 : i32
      %get3A_373 = arith.constant 0 : i32
      %get3A_374 = tpu.memref_slice %arg11[%scan3A_198, %get3A_372, %get3A_373] : memref<2x80x128xf32, #tpu.memory_space<vmem>> -> memref<1x80x128xf32, #tpu.memory_space<vmem>>
      %get3A_375 = tpu.memref_squeeze %get3A_374 : memref<1x80x128xf32, #tpu.memory_space<vmem>> -> memref<80x128xf32, #tpu.memory_space<vmem>>
      %get3A_376 = arith.index_cast %scan3A_294 : i32 to index
      %get3A_377 = arith.constant 64 : index
      %get3A_378 = tpu.vector_load %get3A_375[%get3A_376, %get3A_377] {strides = array<i32>} : memref<80x128xf32, #tpu.memory_space<vmem>>, vector<16xf32>,
      %get3A_379 = arith.constant 0 : i32
      %get3A_380 = arith.constant 0 : i32
      %get3A_381 = tpu.memref_slice %arg12[%scan3A_199, %get3A_379, %get3A_380] : memref<2x80x128xf32, #tpu.memory_space<vmem>> -> memref<1x80x128xf32, #tpu.memory_space<vmem>>
      %get3A_382 = tpu.memref_squeeze %get3A_381 : memref<1x80x128xf32, #tpu.memory_space<vmem>> -> memref<80x128xf32, #tpu.memory_space<vmem>>
      %get3A_383 = arith.index_cast %scan3A_294 : i32 to index
      %get3A_384 = arith.constant 64 : index
      %get3A_385 = tpu.vector_load %get3A_382[%get3A_383, %get3A_384] {strides = array<i32>} : memref<80x128xf32, #tpu.memory_space<vmem>>, vector<16xf32>,
      %mul3A_386 = arith.mulf %get3A_378, %get3A_385 : vector<16xf32>
      %get3A_387 = arith.constant 0 : i32
      %get3A_388 = arith.constant 0 : i32
      %get3A_389 = tpu.memref_slice %arg11[%scan3A_198, %get3A_387, %get3A_388] : memref<2x80x128xf32, #tpu.memory_space<vmem>> -> memref<1x80x128xf32, #tpu.memory_space<vmem>>
      %get3A_390 = tpu.memref_squeeze %get3A_389 : memref<1x80x128xf32, #tpu.memory_space<vmem>> -> memref<80x128xf32, #tpu.memory_space<vmem>>
      %get3A_391 = arith.index_cast %scan3A_294 : i32 to index
      %get3A_392 = arith.constant 80 : index
      %get3A_393 = tpu.vector_load %get3A_390[%get3A_391, %get3A_392] {strides = array<i32>} : memref<80x128xf32, #tpu.memory_space<vmem>>, vector<16xf32>,
      %get3A_394 = arith.constant 0 : i32
      %get3A_395 = arith.constant 0 : i32
      %get3A_396 = tpu.memref_slice %arg12[%scan3A_199, %get3A_394, %get3A_395] : memref<2x80x128xf32, #tpu.memory_space<vmem>> -> memref<1x80x128xf32, #tpu.memory_space<vmem>>
      %get3A_397 = tpu.memref_squeeze %get3A_396 : memref<1x80x128xf32, #tpu.memory_space<vmem>> -> memref<80x128xf32, #tpu.memory_space<vmem>>
      %get3A_398 = arith.index_cast %scan3A_294 : i32 to index
      %get3A_399 = arith.constant 80 : index
      %get3A_400 = tpu.vector_load %get3A_397[%get3A_398, %get3A_399] {strides = array<i32>} : memref<80x128xf32, #tpu.memory_space<vmem>>, vector<16xf32>,
      %mul3A_401 = arith.mulf %get3A_393, %get3A_400 : vector<16xf32>
      %add3A_402 = arith.addf %mul3A_386, %mul3A_401 : vector<16xf32>
      %broadcast_in_dim3A_403 = vector.shape_cast %xor3A_81 : vector<16xi32> to vector<16x1xi32>
      %gather3A_404 = vector.shape_cast %broadcast_in_dim3A_403 : vector<16x1xi32> to vector<16xi32>
      %gather3A_405 = tpu.dynamic_gather %add3A_402[%gather3A_404] in [0] : vector<16xf32>, vector<16xi32> -> vector<16xf32>
      %add3A_406 = arith.addf %add3A_402, %gather3A_405 : vector<16xf32>
      %broadcast_in_dim3A_407 = vector.shape_cast %xor3A_84 : vector<16xi32> to vector<16x1xi32>
      %gather3A_408 = vector.shape_cast %broadcast_in_dim3A_407 : vector<16x1xi32> to vector<16xi32>
      %gather3A_409 = tpu.dynamic_gather %add3A_406[%gather3A_408] in [0] : vector<16xf32>, vector<16xi32> -> vector<16xf32>
      %add3A_410 = arith.addf %add3A_406, %gather3A_409 : vector<16xf32>
      %get3A_411 = arith.constant 0 : i32
      %get3A_412 = arith.constant 0 : i32
      %get3A_413 = tpu.memref_slice %arg11[%scan3A_198, %get3A_411, %get3A_412] : memref<2x80x128xf32, #tpu.memory_space<vmem>> -> memref<1x80x128xf32, #tpu.memory_space<vmem>>
      %get3A_414 = tpu.memref_squeeze %get3A_413 : memref<1x80x128xf32, #tpu.memory_space<vmem>> -> memref<80x128xf32, #tpu.memory_space<vmem>>
      %get3A_415 = arith.index_cast %scan3A_294 : i32 to index
      %get3A_416 = arith.constant 96 : index
      %get3A_417 = tpu.vector_load %get3A_414[%get3A_415, %get3A_416] {strides = array<i32>} : memref<80x128xf32, #tpu.memory_space<vmem>>, vector<16xf32>,
      %get3A_418 = arith.constant 0 : i32
      %get3A_419 = arith.constant 0 : i32
      %get3A_420 = tpu.memref_slice %arg12[%scan3A_199, %get3A_418, %get3A_419] : memref<2x80x128xf32, #tpu.memory_space<vmem>> -> memref<1x80x128xf32, #tpu.memory_space<vmem>>
      %get3A_421 = tpu.memref_squeeze %get3A_420 : memref<1x80x128xf32, #tpu.memory_space<vmem>> -> memref<80x128xf32, #tpu.memory_space<vmem>>
      %get3A_422 = arith.index_cast %scan3A_294 : i32 to index
      %get3A_423 = arith.constant 96 : index
      %get3A_424 = tpu.vector_load %get3A_421[%get3A_422, %get3A_423] {strides = array<i32>} : memref<80x128xf32, #tpu.memory_space<vmem>>, vector<16xf32>,
      %mul3A_425 = arith.mulf %get3A_417, %get3A_424 : vector<16xf32>
      %get3A_426 = arith.constant 0 : i32
      %get3A_427 = arith.constant 0 : i32
      %get3A_428 = tpu.memref_slice %arg11[%scan3A_198, %get3A_426, %get3A_427] : memref<2x80x128xf32, #tpu.memory_space<vmem>> -> memref<1x80x128xf32, #tpu.memory_space<vmem>>
      %get3A_429 = tpu.memref_squeeze %get3A_428 : memref<1x80x128xf32, #tpu.memory_space<vmem>> -> memref<80x128xf32, #tpu.memory_space<vmem>>
      %get3A_430 = arith.index_cast %scan3A_294 : i32 to index
      %get3A_431 = arith.constant 112 : index
      %get3A_432 = tpu.vector_load %get3A_429[%get3A_430, %get3A_431] {strides = array<i32>} : memref<80x128xf32, #tpu.memory_space<vmem>>, vector<16xf32>,
      %get3A_433 = arith.constant 0 : i32
      %get3A_434 = arith.constant 0 : i32
      %get3A_435 = tpu.memref_slice %arg12[%scan3A_199, %get3A_433, %get3A_434] : memref<2x80x128xf32, #tpu.memory_space<vmem>> -> memref<1x80x128xf32, #tpu.memory_space<vmem>>
      %get3A_436 = tpu.memref_squeeze %get3A_435 : memref<1x80x128xf32, #tpu.memory_space<vmem>> -> memref<80x128xf32, #tpu.memory_space<vmem>>
      %get3A_437 = arith.index_cast %scan3A_294 : i32 to index
      %get3A_438 = arith.constant 112 : index
      %get3A_439 = tpu.vector_load %get3A_436[%get3A_437, %get3A_438] {strides = array<i32>} : memref<80x128xf32, #tpu.memory_space<vmem>>, vector<16xf32>,
      %mul3A_440 = arith.mulf %get3A_432, %get3A_439 : vector<16xf32>
      %add3A_441 = arith.addf %mul3A_425, %mul3A_440 : vector<16xf32>
      %broadcast_in_dim3A_442 = vector.shape_cast %xor3A_81 : vector<16xi32> to vector<16x1xi32>
      %gather3A_443 = vector.shape_cast %broadcast_in_dim3A_442 : vector<16x1xi32> to vector<16xi32>
      %gather3A_444 = tpu.dynamic_gather %add3A_441[%gather3A_443] in [0] : vector<16xf32>, vector<16xi32> -> vector<16xf32>
      %add3A_445 = arith.addf %add3A_441, %gather3A_444 : vector<16xf32>
      %broadcast_in_dim3A_446 = vector.shape_cast %xor3A_84 : vector<16xi32> to vector<16x1xi32>
      %gather3A_447 = vector.shape_cast %broadcast_in_dim3A_446 : vector<16x1xi32> to vector<16xi32>
      %gather3A_448 = tpu.dynamic_gather %add3A_445[%gather3A_447] in [0] : vector<16xf32>, vector<16xi32> -> vector<16xf32>
      %add3A_449 = arith.addf %add3A_445, %gather3A_448 : vector<16xf32>
      %select_n3A_450 = arith.select %eq3A_121, %add3A_410, %add3A_449 : vector<16xi1>, vector<16xf32>
      %select_n3A_451 = arith.select %eq3A_118, %add3A_371, %select_n3A_450 : vector<16xi1>, vector<16xf32>
      %select_n3A_452 = arith.select %eq3A_115, %add3A_332, %select_n3A_451 : vector<16xi1>, vector<16xf32>
      %broadcast_in_dim3A_453 = vector.shape_cast %xor3A_87 : vector<16xi32> to vector<16x1xi32>
      %gather3A_454 = vector.shape_cast %broadcast_in_dim3A_453 : vector<16x1xi32> to vector<16xi32>
      %gather3A_455 = tpu.dynamic_gather %select_n3A_452[%gather3A_454] in [0] : vector<16xf32>, vector<16xi32> -> vector<16xf32>
      %add3A_456 = arith.addf %select_n3A_452, %gather3A_455 : vector<16xf32>
      %broadcast_in_dim3A_457 = vector.shape_cast %xor3A_90 : vector<16xi32> to vector<16x1xi32>
      %gather3A_458 = vector.shape_cast %broadcast_in_dim3A_457 : vector<16x1xi32> to vector<16xi32>
      %gather3A_459 = tpu.dynamic_gather %add3A_456[%gather3A_458] in [0] : vector<16xf32>, vector<16xi32> -> vector<16xf32>
      %add3A_460 = arith.addf %add3A_456, %gather3A_459 : vector<16xf32>
      %broadcast_in_dim3A_461 = vector.broadcast %scan3A_294 : i32 to vector<16xi32>
      %scatter3A = arith.constant 0 : i32
      %scatter3A_462 = arith.constant 0 : i32
      %scatter3A_463 = tpu.memref_slice %arg13[%scan3A_200, %scatter3A, %scatter3A_462] : memref<2x80x4xf32, #tpu.memory_space<vmem>> -> memref<1x80x4xf32, #tpu.memory_space<vmem>>
      %scatter3A_464 = tpu.memref_squeeze %scatter3A_463 : memref<1x80x4xf32, #tpu.memory_space<vmem>> -> memref<80x4xf32, #tpu.memory_space<vmem>>
      tpu.vector_store_idx %scatter3A_464[%broadcast_in_dim3A_461, %select_n3A], %add3A_460 masked %eq3A_146 : memref<80x4xf32, #tpu.memory_space<vmem>>[vector<16xi32>, vector<16xi32>], vector<16xf32>, vector<16xi1>
      %scan3A_465 = arith.constant 0 : i32
      scf.yield %scan3A_465 : i32
    }
    %scan3A_207 = arith.constant 80 : i32
    %scan3A_208 = arith.constant 0 : i32
    %scan3A_209 = arith.constant 0 : i32
    %scan3A_210 = arith.constant 0 : i32
    %scan3A_211 = arith.constant 0 : i32
    %scan3A_212 = arith.constant 20 : i32
    %scan3A_213 = arith.addi %scan3A_211, %scan3A_212 : i32
    %scan3A_214 = arith.constant 1 : i32
    %scan3A_215 = scf.for %scan3A_294 = %scan3A_211 to %scan3A_213 step %scan3A_214 iter_args(%scan3A_295 = %scan3A_210) -> (i32)  : i32 {
      %mul3A_296 = arith.constant 16 : i32
      %mul3A_297 = arith.muli %scan3A_294, %mul3A_296 : i32
      %iota3A_298 = tpu.iota {dimensions = array<i32: 0>} : vector<16xi32>
      %add3A_299 = vector.broadcast %mul3A_297 : i32 to vector<16xi32>
      %add3A_300 = arith.addi %add3A_299, %iota3A_298 : vector<16xi32>
      %jit3A_301 = arith.constant 4 : i32
      %div3A_302 = vector.broadcast %jit3A_301 : i32 to vector<16xi32>
      %div3A_303 = arith.divsi %add3A_300, %div3A_302 : vector<16xi32>
      %sign3A_304 = arith.constant 0 : i32
      %sign3A_305 = vector.broadcast %sign3A_304 : i32 to vector<16xi32>
      %sign3A_306 = arith.cmpi sgt, %add3A_300, %sign3A_305 : vector<16xi32>
      %sign3A_307 = arith.extui %sign3A_306 : vector<16xi1> to vector<16xi32>
      %sign3A_308 = arith.constant 0 : i32
      %sign3A_309 = vector.broadcast %sign3A_308 : i32 to vector<16xi32>
      %sign3A_310 = arith.cmpi slt, %add3A_300, %sign3A_309 : vector<16xi32>
      %sign3A_311 = arith.extui %sign3A_310 : vector<16xi1> to vector<16xi32>
      %sign3A_312 = arith.subi %sign3A_307, %sign3A_311 : vector<16xi32>
      %sign3A_313 = arith.constant 0 : i32
      %sign3A_314 = arith.cmpi sgt, %jit3A_301, %sign3A_313 : i32
      %sign3A_315 = arith.extui %sign3A_314 : i1 to i32
      %sign3A_316 = arith.constant 0 : i32
      %sign3A_317 = arith.cmpi slt, %jit3A_301, %sign3A_316 : i32
      %sign3A_318 = arith.extui %sign3A_317 : i1 to i32
      %sign3A_319 = arith.subi %sign3A_315, %sign3A_318 : i32
      %ne3A_320 = vector.broadcast %sign3A_319 : i32 to vector<16xi32>
      %ne3A_321 = arith.cmpi ne, %sign3A_312, %ne3A_320 : vector<16xi32>
      %rem3A_322 = vector.broadcast %jit3A_301 : i32 to vector<16xi32>
      %rem3A_323 = arith.remsi %add3A_300, %rem3A_322 : vector<16xi32>
      %ne3A_324 = arith.constant 0 : i32
      %ne3A_325 = vector.broadcast %ne3A_324 : i32 to vector<16xi32>
      %ne3A_326 = arith.cmpi ne, %rem3A_323, %ne3A_325 : vector<16xi32>
      %and3A_327 = arith.andi %ne3A_321, %ne3A_326 : vector<16xi1>
      %sub3A_328 = arith.constant 1 : i32
      %sub3A_329 = vector.broadcast %sub3A_328 : i32 to vector<16xi32>
      %sub3A_330 = arith.subi %div3A_303, %sub3A_329 : vector<16xi32>
      %select_n3A_331 = arith.select %and3A_327, %sub3A_330, %div3A_303 : vector<16xi1>, vector<16xi32>
      %jit3A_332 = arith.constant 4 : i32
      %eq3A_333 = arith.constant 0 : i32
      %eq3A_334 = arith.cmpi eq, %jit3A_332, %eq3A_333 : i32
      %jit3A_335 = arith.constant 1 : i32
      %select_n3A_336 = arith.select %eq3A_334, %jit3A_335, %jit3A_332 : i32
      %rem3A_337 = vector.broadcast %select_n3A_336 : i32 to vector<16xi32>
      %rem3A_338 = arith.remsi %add3A_300, %rem3A_337 : vector<16xi32>
      %ne3A_339 = arith.constant 0 : i32
      %ne3A_340 = vector.broadcast %ne3A_339 : i32 to vector<16xi32>
      %ne3A_341 = arith.cmpi ne, %rem3A_338, %ne3A_340 : vector<16xi32>
      %lt3A_342 = arith.constant 0 : i32
      %lt3A_343 = vector.broadcast %lt3A_342 : i32 to vector<16xi32>
      %lt3A_344 = arith.cmpi slt, %rem3A_338, %lt3A_343 : vector<16xi32>
      %lt3A_345 = arith.constant 0 : i32
      %lt3A_346 = arith.cmpi slt, %select_n3A_336, %lt3A_345 : i32
      %ne3A_347 = vector.broadcast %lt3A_346 : i1 to vector<16xi1>
      %ne3A_348 = vector.broadcast %ne3A_347 : vector<16xi1> to vector<16xi1>
      %ne3A_349 = arith.xori %lt3A_344, %ne3A_348 : vector<16xi1>
      %and3A_350 = arith.andi %ne3A_349, %ne3A_341 : vector<16xi1>
      %add3A_351 = vector.broadcast %select_n3A_336 : i32 to vector<16xi32>
      %add3A_352 = arith.addi %rem3A_338, %add3A_351 : vector<16xi32>
      %select_n3A_353 = arith.select %and3A_350, %add3A_352, %rem3A_338 : vector<16xi1>, vector<16xi32>
      %gather3A = arith.constant 0 : i32
      %gather3A_354 = arith.constant 0 : i32
      %gather3A_355 = tpu.memref_slice %arg13[%scan3A_208, %gather3A, %gather3A_354] : memref<2x80x4xf32, #tpu.memory_space<vmem>> -> memref<1x80x4xf32, #tpu.memory_space<vmem>>
      %gather3A_356 = tpu.memref_squeeze %gather3A_355 : memref<1x80x4xf32, #tpu.memory_space<vmem>> -> memref<80x4xf32, #tpu.memory_space<vmem>>
      %gather3A_357 = tpu.vector_load_idx %gather3A_356[%select_n3A_331, %select_n3A_353] : memref<80x4xf32, #tpu.memory_space<vmem>>[vector<16xi32>, vector<16xi32>], vector<16xf32>,
      %jit3A_358 = arith.constant -1.000000e+01 : f32
      %jit3A_359 = arith.constant 1.000000e+01 : f32
      %max3A = vector.broadcast %jit3A_358 : f32 to vector<16xf32>
      %max3A_360 = arith.maximumf %max3A, %gather3A_357 : vector<16xf32>
      %min3A = vector.broadcast %jit3A_359 : f32 to vector<16xf32>
      %min3A_361 = arith.minimumf %min3A, %max3A_360 : vector<16xf32>
      %exp3A = math.exp %min3A_361 : vector<16xf32>
      %scatter3A = arith.constant 0 : i32
      %scatter3A_362 = arith.constant 0 : i32
      %scatter3A_363 = tpu.memref_slice %arg13[%scan3A_208, %scatter3A, %scatter3A_362] : memref<2x80x4xf32, #tpu.memory_space<vmem>> -> memref<1x80x4xf32, #tpu.memory_space<vmem>>
      %scatter3A_364 = tpu.memref_squeeze %scatter3A_363 : memref<1x80x4xf32, #tpu.memory_space<vmem>> -> memref<80x4xf32, #tpu.memory_space<vmem>>
      tpu.vector_store_idx %scatter3A_364[%select_n3A_331, %select_n3A_353], %exp3A : memref<80x4xf32, #tpu.memory_space<vmem>>[vector<16xi32>, vector<16xi32>], vector<16xf32>,
      %scatter3A_365 = arith.constant 0 : i32
      %scatter3A_366 = arith.constant 0 : i32
      %scatter3A_367 = tpu.memref_slice %arg14[%scan3A_209, %scatter3A_365, %scatter3A_366] : memref<2x80x16xf32, #tpu.memory_space<vmem>> -> memref<1x80x16xf32, #tpu.memory_space<vmem>>
      %scatter3A_368 = tpu.memref_squeeze %scatter3A_367 : memref<1x80x16xf32, #tpu.memory_space<vmem>> -> memref<80x16xf32, #tpu.memory_space<vmem>>
      tpu.vector_store_idx %scatter3A_368[%select_n3A_331, %select_n3A_353], %exp3A : memref<80x16xf32, #tpu.memory_space<vmem>>[vector<16xi32>, vector<16xi32>], vector<16xf32>,
      %scan3A_369 = arith.constant 0 : i32
      scf.yield %scan3A_369 : i32
    }
    %scan3A_216 = arith.constant 20 : i32
    %dma_start3A_217 = arith.constant 0 : i32
    %dma_start3A_218 = arith.constant 0 : i32
    %dma_start3A_219 = arith.constant 0 : i32
    %dma_start3A_220 = tpu.memref_slice %arg13[%dma_start3A_217, %dma_start3A_218, %dma_start3A_219] : memref<2x80x4xf32, #tpu.memory_space<vmem>> -> memref<1x80x4xf32, #tpu.memory_space<vmem>>
    %dma_start3A_221 = tpu.memref_squeeze %dma_start3A_220 : memref<1x80x4xf32, #tpu.memory_space<vmem>> -> memref<80x4xf32, #tpu.memory_space<vmem>>
    %dma_start3A_222 = arith.constant 0 : i32
    %dma_start3A_223 = tpu.memref_slice %arg6[%add3A_159, %dma_start3A_222] : memref<320000x4xf32, #tpu.memory_space<hbm>> -> memref<80x4xf32, #tpu.memory_space<hbm>>
    %dma_start3A_224 = arith.constant 0 : i32
    %dma_start3A_225 = tpu.memref_slice %arg6[%add3A_159, %dma_start3A_224] : memref<320000x4xf32, #tpu.memory_space<hbm>> -> memref<80x4xf32, #tpu.memory_space<hbm>>
    %dma_start3A_226 = arith.constant 0 : i32
    %dma_start3A_227 = arith.constant 0 : i32
    %dma_start3A_228 = tpu.memref_slice %arg13[%dma_start3A_217, %dma_start3A_226, %dma_start3A_227] : memref<2x80x4xf32, #tpu.memory_space<vmem>> -> memref<1x80x4xf32, #tpu.memory_space<vmem>>
    %dma_start3A_229 = tpu.memref_squeeze %dma_start3A_228 : memref<1x80x4xf32, #tpu.memory_space<vmem>> -> memref<80x4xf32, #tpu.memory_space<vmem>>
    tpu.enqueue_dma source(%dma_start3A_229 : memref<80x4xf32, #tpu.memory_space<vmem>>) target(%dma_start3A_225 : memref<80x4xf32, #tpu.memory_space<hbm>>) target_semaphore(%arg18 : memref<!tpu.dma_semaphore, #tpu.memory_space<semaphore_mem>>)
    %run_scoped3A_230 = arith.constant 0 : i32
    %run_scoped3A_231 = arith.constant 124 : i32
    "tpu.region"() ({
      %run_scoped3A_294 = tpu.sem_alloc : memref<!tpu.dma_semaphore, #tpu.memory_space<semaphore_mem>>
      %dma_start3A_295 = arith.constant 0 : i32
      %dma_start3A_296 = arith.constant 0 : i32
      %dma_start3A_297 = tpu.memref_slice %arg14[%run_scoped3A_230, %dma_start3A_295, %dma_start3A_296] : memref<2x80x16xf32, #tpu.memory_space<vmem>> -> memref<1x80x16xf32, #tpu.memory_space<vmem>>
      %dma_start3A_298 = tpu.memref_squeeze %dma_start3A_297 : memref<1x80x16xf32, #tpu.memory_space<vmem>> -> memref<80x16xf32, #tpu.memory_space<vmem>>
      %dma_start3A_299 = arith.constant 0 : i32
      %dma_start3A_300 = tpu.memref_slice %arg9[%run_scoped3A_231, %dma_start3A_299] : memref<125x80xi32, #tpu.memory_space<vmem>> -> memref<1x80xi32, #tpu.memory_space<vmem>>
      %dma_start3A_301 = tpu.memref_squeeze %dma_start3A_300 : memref<1x80xi32, #tpu.memory_space<vmem>> -> memref<80xi32, #tpu.memory_space<vmem>>
      %dma_start3A_302 = arith.constant 0 : i32
      %dma_start3A_303 = arith.constant 0 : i32
      %dma_start3A_304 = tpu.memref_slice %arg22[%dma_start3A_302, %dma_start3A_303] : memref<10000x16xf32, #tpu.memory_space<vmem_shared>> -> memref<10000x16xf32, #tpu.memory_space<vmem_shared>>
      tpu.enqueue_indirect_dma source(%dma_start3A_298 : memref<80x16xf32, #tpu.memory_space<vmem>>) target(%dma_start3A_304 : memref<10000x16xf32, #tpu.memory_space<vmem_shared>>) offsets(%dma_start3A_301 : memref<80xi32, #tpu.memory_space<vmem>>) semaphore(%run_scoped3A_294 : memref<!tpu.dma_semaphore, #tpu.memory_space<semaphore_mem>>) {add = true}
      %dma_wait3A_305 = arith.constant 0 : i32
      %dma_wait3A_306 = arith.constant 0 : i32
      %dma_wait3A_307 = tpu.memref_slice %arg14[%run_scoped3A_230, %dma_wait3A_305, %dma_wait3A_306] : memref<2x80x16xf32, #tpu.memory_space<vmem>> -> memref<1x80x16xf32, #tpu.memory_space<vmem>>
      %dma_wait3A_308 = tpu.memref_squeeze %dma_wait3A_307 : memref<1x80x16xf32, #tpu.memory_space<vmem>> -> memref<80x16xf32, #tpu.memory_space<vmem>>
      %dma_wait3A_309 = arith.constant 0 : i32
      %dma_wait3A_310 = tpu.memref_slice %arg9[%run_scoped3A_231, %dma_wait3A_309] : memref<125x80xi32, #tpu.memory_space<vmem>> -> memref<1x80xi32, #tpu.memory_space<vmem>>
      %dma_wait3A_311 = tpu.memref_squeeze %dma_wait3A_310 : memref<1x80xi32, #tpu.memory_space<vmem>> -> memref<80xi32, #tpu.memory_space<vmem>>
      %dma_wait3A_312 = arith.constant 0 : i32
      %dma_wait3A_313 = arith.constant 0 : i32
      %dma_wait3A_314 = tpu.memref_slice %arg22[%dma_wait3A_312, %dma_wait3A_313] : memref<10000x16xf32, #tpu.memory_space<vmem_shared>> -> memref<10000x16xf32, #tpu.memory_space<vmem_shared>>
      tpu.wait_indirect_dma semaphore(%run_scoped3A_294 : memref<!tpu.dma_semaphore, #tpu.memory_space<semaphore_mem>>) src(%dma_wait3A_308 : memref<80x16xf32, #tpu.memory_space<vmem>>) dst(%dma_wait3A_314 : memref<10000x16xf32, #tpu.memory_space<vmem_shared>>)
      tpu.yield
    }) : () -> ()
    %add3A_232 = arith.constant 124 : i32
    %add3A_233 = arith.constant 2 : i32
    %add3A_234 = arith.addi %add3A_232, %add3A_233 : i32
    %lt3A_235 = arith.constant 125 : i32
    %lt3A_236 = arith.cmpi slt, %add3A_234, %lt3A_235 : i32
    %convert_element_type3A_237 = arith.extui %lt3A_236 : i1 to i32
    %cond3A_238 = arith.constant 124 : i32
    %cond3A_239 = arith.constant 0 : i32
    %cond3A_240 = arith.constant 0 : i32
    %cond3A_241 = arith.constant 0 : i32
    %cond3A_242 = arith.cmpi ne, %convert_element_type3A_237, %cond3A_241 : i32
    scf.if %cond3A_242 {
      %add3A_294 = arith.constant 2 : i32
      %add3A_295 = arith.addi %cond3A_238, %add3A_294 : i32
      %dma_wait3A_296 = arith.constant 0 : i32
      %dma_wait3A_297 = arith.constant 0 : i32
      %dma_wait3A_298 = tpu.memref_slice %arg10[%dma_wait3A_296, %dma_wait3A_297] : memref<2x80xi32, #tpu.memory_space<vmem>> -> memref<1x80xi32, #tpu.memory_space<vmem>>
      %dma_wait3A_299 = tpu.memref_squeeze %dma_wait3A_298 : memref<1x80xi32, #tpu.memory_space<vmem>> -> memref<80xi32, #tpu.memory_space<vmem>>
      %dma_wait3A_300 = arith.constant 0 : i32
      %dma_wait3A_301 = tpu.memref_slice %arg3[%add3A, %add3A_295, %dma_wait3A_300] : memref<32x125x80xi32, #tpu.memory_space<hbm>> -> memref<1x1x80xi32, #tpu.memory_space<hbm>>
      %dma_wait3A_302 = tpu.memref_squeeze %dma_wait3A_301 : memref<1x1x80xi32, #tpu.memory_space<hbm>> -> memref<80xi32, #tpu.memory_space<hbm>>
      %dma_wait3A_303 = arith.constant 0 : i32
      %dma_wait3A_304 = tpu.memref_slice %arg10[%dma_wait3A_296, %dma_wait3A_303] : memref<2x80xi32, #tpu.memory_space<vmem>> -> memref<1x80xi32, #tpu.memory_space<vmem>>
      %dma_wait3A_305 = tpu.memref_squeeze %dma_wait3A_304 : memref<1x80xi32, #tpu.memory_space<vmem>> -> memref<80xi32, #tpu.memory_space<vmem>>
      %dma_wait3A_306 = arith.constant 0 : i32
      %dma_wait3A_307 = tpu.memref_slice %arg3[%add3A, %add3A_295, %dma_wait3A_306] : memref<32x125x80xi32, #tpu.memory_space<hbm>> -> memref<1x1x80xi32, #tpu.memory_space<hbm>>
      %dma_wait3A_308 = tpu.memref_squeeze %dma_wait3A_307 : memref<1x1x80xi32, #tpu.memory_space<hbm>> -> memref<80xi32, #tpu.memory_space<hbm>>
      tpu.wait_dma2 semaphore(%arg20 : memref<!tpu.dma_semaphore, #tpu.memory_space<semaphore_mem>>) src(%dma_wait3A_308 : memref<80xi32, #tpu.memory_space<hbm>>) dst(%dma_wait3A_305 : memref<80xi32, #tpu.memory_space<vmem>>)
      %add3A_309 = arith.constant 2 : i32
      %add3A_310 = arith.addi %cond3A_238, %add3A_309 : i32
      %dma_start3A_311 = arith.constant 0 : i32
      %dma_start3A_312 = arith.constant 0 : i32
      %dma_start3A_313 = tpu.memref_slice %arg11[%cond3A_239, %dma_start3A_311, %dma_start3A_312] : memref<2x80x128xf32, #tpu.memory_space<vmem>> -> memref<1x80x128xf32, #tpu.memory_space<vmem>>
      %dma_start3A_314 = tpu.memref_squeeze %dma_start3A_313 : memref<1x80x128xf32, #tpu.memory_space<vmem>> -> memref<80x128xf32, #tpu.memory_space<vmem>>
      %dma_start3A_315 = arith.constant 0 : i32
      %dma_start3A_316 = tpu.memref_slice %arg9[%add3A_310, %dma_start3A_315] : memref<125x80xi32, #tpu.memory_space<vmem>> -> memref<1x80xi32, #tpu.memory_space<vmem>>
      %dma_start3A_317 = tpu.memref_squeeze %dma_start3A_316 : memref<1x80xi32, #tpu.memory_space<vmem>> -> memref<80xi32, #tpu.memory_space<vmem>>
      %dma_start3A_318 = arith.constant 0 : i32
      %dma_start3A_319 = arith.constant 0 : i32
      %dma_start3A_320 = tpu.memref_slice %arg4[%dma_start3A_318, %dma_start3A_319] : memref<10000x128xf32, #tpu.memory_space<hbm>> -> memref<10000x128xf32, #tpu.memory_space<hbm>>
      tpu.enqueue_indirect_dma source(%dma_start3A_320 : memref<10000x128xf32, #tpu.memory_space<hbm>>) target(%dma_start3A_314 : memref<80x128xf32, #tpu.memory_space<vmem>>) offsets(%dma_start3A_317 : memref<80xi32, #tpu.memory_space<vmem>>) semaphore(%arg16 : memref<!tpu.dma_semaphore, #tpu.memory_space<semaphore_mem>>)
      %dma_start3A_321 = arith.constant 0 : i32
      %dma_start3A_322 = arith.constant 0 : i32
      %dma_start3A_323 = arith.constant 0 : i32
      %dma_start3A_324 = tpu.memref_slice %arg12[%cond3A_240, %dma_start3A_322, %dma_start3A_323] : memref<2x80x128xf32, #tpu.memory_space<vmem>> -> memref<1x80x128xf32, #tpu.memory_space<vmem>>
      %dma_start3A_325 = tpu.memref_squeeze %dma_start3A_324 : memref<1x80x128xf32, #tpu.memory_space<vmem>> -> memref<80x128xf32, #tpu.memory_space<vmem>>
      %dma_start3A_326 = arith.constant 0 : i32
      %dma_start3A_327 = tpu.memref_slice %arg10[%dma_start3A_321, %dma_start3A_326] : memref<2x80xi32, #tpu.memory_space<vmem>> -> memref<1x80xi32, #tpu.memory_space<vmem>>
      %dma_start3A_328 = tpu.memref_squeeze %dma_start3A_327 : memref<1x80xi32, #tpu.memory_space<vmem>> -> memref<80xi32, #tpu.memory_space<vmem>>
      %dma_start3A_329 = arith.constant 0 : i32
      %dma_start3A_330 = arith.constant 0 : i32
      %dma_start3A_331 = tpu.memref_slice %arg5[%dma_start3A_329, %dma_start3A_330] : memref<10000x128xf32, #tpu.memory_space<hbm>> -> memref<10000x128xf32, #tpu.memory_space<hbm>>
      tpu.enqueue_indirect_dma source(%dma_start3A_331 : memref<10000x128xf32, #tpu.memory_space<hbm>>) target(%dma_start3A_325 : memref<80x128xf32, #tpu.memory_space<vmem>>) offsets(%dma_start3A_328 : memref<80xi32, #tpu.memory_space<vmem>>) semaphore(%arg16 : memref<!tpu.dma_semaphore, #tpu.memory_space<semaphore_mem>>)
    } else {
    }
    %mul3A_243 = arith.constant 10000 : i32
    %mul3A_244 = arith.muli %add3A, %mul3A_243 : i32
    %add3A_245 = arith.constant 9840 : i32
    %add3A_246 = arith.addi %mul3A_244, %add3A_245 : i32
    %dma_wait3A_247 = arith.constant 0 : i32
    %dma_wait3A_248 = arith.constant 0 : i32
    %dma_wait3A_249 = arith.constant 0 : i32
    %dma_wait3A_250 = tpu.memref_slice %arg13[%dma_wait3A_247, %dma_wait3A_248, %dma_wait3A_249] : memref<2x80x4xf32, #tpu.memory_space<vmem>> -> memref<1x80x4xf32, #tpu.memory_space<vmem>>
    %dma_wait3A_251 = tpu.memref_squeeze %dma_wait3A_250 : memref<1x80x4xf32, #tpu.memory_space<vmem>> -> memref<80x4xf32, #tpu.memory_space<vmem>>
    %dma_wait3A_252 = arith.constant 0 : i32
    %dma_wait3A_253 = tpu.memref_slice %arg6[%add3A_246, %dma_wait3A_252] : memref<320000x4xf32, #tpu.memory_space<hbm>> -> memref<80x4xf32, #tpu.memory_space<hbm>>
    %dma_wait3A_254 = arith.constant 0 : i32
    %dma_wait3A_255 = tpu.memref_slice %arg6[%add3A_246, %dma_wait3A_254] : memref<320000x4xf32, #tpu.memory_space<hbm>> -> memref<80x4xf32, #tpu.memory_space<hbm>>
    %dma_wait3A_256 = arith.constant 0 : i32
    %dma_wait3A_257 = arith.constant 0 : i32
    %dma_wait3A_258 = tpu.memref_slice %arg13[%dma_wait3A_247, %dma_wait3A_256, %dma_wait3A_257] : memref<2x80x4xf32, #tpu.memory_space<vmem>> -> memref<1x80x4xf32, #tpu.memory_space<vmem>>
    %dma_wait3A_259 = tpu.memref_squeeze %dma_wait3A_258 : memref<1x80x4xf32, #tpu.memory_space<vmem>> -> memref<80x4xf32, #tpu.memory_space<vmem>>
    tpu.wait_dma2 semaphore(%arg18 : memref<!tpu.dma_semaphore, #tpu.memory_space<semaphore_mem>>) src(%dma_wait3A_259 : memref<80x4xf32, #tpu.memory_space<vmem>>) dst(%dma_wait3A_255 : memref<80x4xf32, #tpu.memory_space<hbm>>)
    %mul3A_260 = arith.constant 10000 : i32
    %mul3A_261 = arith.muli %add3A, %mul3A_260 : i32
    %add3A_262 = arith.constant 9920 : i32
    %add3A_263 = arith.addi %mul3A_261, %add3A_262 : i32
    %dma_wait3A_264 = arith.constant 1 : i32
    %dma_wait3A_265 = arith.constant 0 : i32
    %dma_wait3A_266 = arith.constant 0 : i32
    %dma_wait3A_267 = tpu.memref_slice %arg13[%dma_wait3A_264, %dma_wait3A_265, %dma_wait3A_266] : memref<2x80x4xf32, #tpu.memory_space<vmem>> -> memref<1x80x4xf32, #tpu.memory_space<vmem>>
    %dma_wait3A_268 = tpu.memref_squeeze %dma_wait3A_267 : memref<1x80x4xf32, #tpu.memory_space<vmem>> -> memref<80x4xf32, #tpu.memory_space<vmem>>
    %dma_wait3A_269 = arith.constant 0 : i32
    %dma_wait3A_270 = tpu.memref_slice %arg6[%add3A_263, %dma_wait3A_269] : memref<320000x4xf32, #tpu.memory_space<hbm>> -> memref<80x4xf32, #tpu.memory_space<hbm>>
    %dma_wait3A_271 = arith.constant 0 : i32
    %dma_wait3A_272 = tpu.memref_slice %arg6[%add3A_263, %dma_wait3A_271] : memref<320000x4xf32, #tpu.memory_space<hbm>> -> memref<80x4xf32, #tpu.memory_space<hbm>>
    %dma_wait3A_273 = arith.constant 0 : i32
    %dma_wait3A_274 = arith.constant 0 : i32
    %dma_wait3A_275 = tpu.memref_slice %arg13[%dma_wait3A_264, %dma_wait3A_273, %dma_wait3A_274] : memref<2x80x4xf32, #tpu.memory_space<vmem>> -> memref<1x80x4xf32, #tpu.memory_space<vmem>>
    %dma_wait3A_276 = tpu.memref_squeeze %dma_wait3A_275 : memref<1x80x4xf32, #tpu.memory_space<vmem>> -> memref<80x4xf32, #tpu.memory_space<vmem>>
    tpu.wait_dma2 semaphore(%arg19 : memref<!tpu.dma_semaphore, #tpu.memory_space<semaphore_mem>>) src(%dma_wait3A_276 : memref<80x4xf32, #tpu.memory_space<vmem>>) dst(%dma_wait3A_272 : memref<80x4xf32, #tpu.memory_space<hbm>>)
    %barrier3A_277 = arith.constant 0 : index
    tpu.barrier barrier_id(%barrier3A_277)
    %lt3A_278 = arith.constant 10 : i32
    %lt3A_279 = arith.cmpi slt, %arg1, %lt3A_278 : i32
    %eq3A_280 = arith.constant 0 : i32
    %eq3A_281 = arith.cmpi eq, %arg0, %eq3A_280 : i32
    %and3A_282 = arith.andi %lt3A_279, %eq3A_281 : i1
    %convert_element_type3A_283 = arith.extui %and3A_282 : i1 to i32
    %cond3A_284 = arith.constant 0 : i32
    %cond3A_285 = arith.cmpi ne, %convert_element_type3A_283, %cond3A_284 : i32
    scf.if %cond3A_285 {
      %mul3A_294 = arith.constant 1000 : i32
      %mul3A_295 = arith.muli %arg1, %mul3A_294 : i32
      %mul3A_296 = arith.constant 1000 : i32
      %mul3A_297 = arith.muli %arg1, %mul3A_296 : i32
      "tpu.region"() ({
        %run_scoped3A_298 = tpu.sem_alloc : memref<!tpu.dma_semaphore, #tpu.memory_space<semaphore_mem>>
        %dma_start3A_299 = arith.constant 0 : i32
        %dma_start3A_300 = tpu.memref_slice %arg7[%mul3A_297, %dma_start3A_299] : memref<10000x16xf32, #tpu.memory_space<hbm>> -> memref<1000x16xf32, #tpu.memory_space<hbm>>
        %dma_start3A_301 = arith.constant 0 : i32
        %dma_start3A_302 = tpu.memref_slice %arg22[%mul3A_295, %dma_start3A_301] : memref<10000x16xf32, #tpu.memory_space<vmem_shared>> -> memref<1000x16xf32, #tpu.memory_space<vmem_shared>>
        tpu.enqueue_dma source(%dma_start3A_302 : memref<1000x16xf32, #tpu.memory_space<vmem_shared>>) target(%dma_start3A_300 : memref<1000x16xf32, #tpu.memory_space<hbm>>) target_semaphore(%run_scoped3A_298 : memref<!tpu.dma_semaphore, #tpu.memory_space<semaphore_mem>>)
        %dma_wait3A_303 = arith.constant 0 : i32
        %dma_wait3A_304 = tpu.memref_slice %arg7[%mul3A_297, %dma_wait3A_303] : memref<10000x16xf32, #tpu.memory_space<hbm>> -> memref<1000x16xf32, #tpu.memory_space<hbm>>
        %dma_wait3A_305 = arith.constant 0 : i32
        %dma_wait3A_306 = tpu.memref_slice %arg22[%mul3A_295, %dma_wait3A_305] : memref<10000x16xf32, #tpu.memory_space<vmem_shared>> -> memref<1000x16xf32, #tpu.memory_space<vmem_shared>>
        tpu.wait_dma2 semaphore(%run_scoped3A_298 : memref<!tpu.dma_semaphore, #tpu.memory_space<semaphore_mem>>) src(%dma_wait3A_306 : memref<1000x16xf32, #tpu.memory_space<vmem_shared>>) dst(%dma_wait3A_304 : memref<1000x16xf32, #tpu.memory_space<hbm>>)
        tpu.yield
      }) : () -> ()
    } else {
    }
    %lt3A_286 = arith.constant 10 : i32
    %lt3A_287 = arith.cmpi slt, %arg1, %lt3A_286 : i32
    %eq3A_288 = arith.constant 1 : i32
    %eq3A_289 = arith.cmpi eq, %arg0, %eq3A_288 : i32
    %and3A_290 = arith.andi %lt3A_287, %eq3A_289 : i1
    %convert_element_type3A_291 = arith.extui %and3A_290 : i1 to i32
    %cond3A_292 = arith.constant 0 : i32
    %cond3A_293 = arith.cmpi ne, %convert_element_type3A_291, %cond3A_292 : i32
    scf.if %cond3A_293 {
      %mul3A_294 = arith.constant 1000 : i32
      %mul3A_295 = arith.muli %arg1, %mul3A_294 : i32
      %mul3A_296 = arith.constant 1000 : i32
      %mul3A_297 = arith.muli %arg1, %mul3A_296 : i32
      "tpu.region"() ({
        %run_scoped3A_298 = tpu.sem_alloc : memref<!tpu.dma_semaphore, #tpu.memory_space<semaphore_mem>>
        %dma_start3A_299 = arith.constant 0 : i32
        %dma_start3A_300 = tpu.memref_slice %arg8[%mul3A_297, %dma_start3A_299] : memref<10000x16xf32, #tpu.memory_space<hbm>> -> memref<1000x16xf32, #tpu.memory_space<hbm>>
        %dma_start3A_301 = arith.constant 0 : i32
        %dma_start3A_302 = tpu.memref_slice %arg22[%mul3A_295, %dma_start3A_301] : memref<10000x16xf32, #tpu.memory_space<vmem_shared>> -> memref<1000x16xf32, #tpu.memory_space<vmem_shared>>
        tpu.enqueue_dma source(%dma_start3A_302 : memref<1000x16xf32, #tpu.memory_space<vmem_shared>>) target(%dma_start3A_300 : memref<1000x16xf32, #tpu.memory_space<hbm>>) target_semaphore(%run_scoped3A_298 : memref<!tpu.dma_semaphore, #tpu.memory_space<semaphore_mem>>)
        %dma_wait3A_303 = arith.constant 0 : i32
        %dma_wait3A_304 = tpu.memref_slice %arg8[%mul3A_297, %dma_wait3A_303] : memref<10000x16xf32, #tpu.memory_space<hbm>> -> memref<1000x16xf32, #tpu.memory_space<hbm>>
        %dma_wait3A_305 = arith.constant 0 : i32
        %dma_wait3A_306 = tpu.memref_slice %arg22[%mul3A_295, %dma_wait3A_305] : memref<10000x16xf32, #tpu.memory_space<vmem_shared>> -> memref<1000x16xf32, #tpu.memory_space<vmem_shared>>
        tpu.wait_dma2 semaphore(%run_scoped3A_298 : memref<!tpu.dma_semaphore, #tpu.memory_space<semaphore_mem>>) src(%dma_wait3A_306 : memref<1000x16xf32, #tpu.memory_space<vmem_shared>>) dst(%dma_wait3A_304 : memref<1000x16xf32, #tpu.memory_space<hbm>>)
        tpu.yield
      }) : () -> ()
    } else {
    }
    return
  }
}

module attributes {stable_mosaic.version = 14 : i64} {
  func.func @body(%arg0: i32, %arg1: memref<1000x128xf32, #tpu.memory_space<vmem>>, %arg2: memref<128x128xf32, #tpu.memory_space<vmem>>, %arg3: memref<1000x128xf32, #tpu.memory_space<vmem>>) attributes {dimension_semantics = [#tpu.dimension_semantics<arbitrary>], iteration_bounds = array<i64: 10>, scalar_prefetch = 0 : i64, scratch_operands = 0 : i64, tpu.core_type = #tpu.core_type<tc>, window_params = [{transform_indices = @transform_0, window_bounds = array<i64: 1000, 128>}, {pipeline_mode = #tpu.pipeline_mode<synchronous>, transform_indices = @transform_1, window_bounds = array<i64: 128, 128>}, {transform_indices = @transform_2, window_bounds = array<i64: 1000, 128>}]} {
    %get3A = arith.constant 0 : index
    %get3A_0 = arith.constant 0 : index
    %get3A_1 = vector.load %arg1[%get3A, %get3A_0] : memref<1000x128xf32, #tpu.memory_space<vmem>>, vector<1000x128xf32>
    %get3A_2 = arith.constant 0 : index
    %get3A_3 = arith.constant 0 : index
    %get3A_4 = vector.load %arg2[%get3A_2, %get3A_3] : memref<128x128xf32, #tpu.memory_space<vmem>>, vector<128x128xf32>
    %dot_general3A = arith.constant dense<0.000000e+00> : vector<1000x128xf32>
    %dot_general3A_5 = tpu.matmul %get3A_1, %get3A_4, %dot_general3A {dimension_numbers = #tpu.dot_dimension_numbers<[1], [0], [0], [1], [0, 0, 1, 1], [], []>, transpose_lhs_hint = false} : vector<1000x128xf32>, vector<128x128xf32>, vector<1000x128xf32> -> vector<1000x128xf32>
    %swap3A = arith.constant 0 : index
    %swap3A_6 = arith.constant 0 : index
    %swap3A_7 = vector.load %arg3[%swap3A, %swap3A_6] : memref<1000x128xf32, #tpu.memory_space<vmem>>, vector<1000x128xf32>
    tpu.vector_store %arg3[%swap3A, %swap3A_6], %dot_general3A_5 {strides = array<i32>} : memref<1000x128xf32, #tpu.memory_space<vmem>>, vector<1000x128xf32>,
    return
  }
  func.func @transform_0(%arg0: i32) -> (i32, i32) {
    %c0_i32 = arith.constant 0 : i32
    %c0_i32_0 = arith.constant 0 : i32
    return %arg0, %c0_i32 : i32, i32
  }
  func.func @transform_1(%arg0: i32) -> (i32, i32) {
    %c0_i32 = arith.constant 0 : i32
    %c0_i32_0 = arith.constant 0 : i32
    %c0_i32_1 = arith.constant 0 : i32
    return %c0_i32, %c0_i32_0 : i32, i32
  }
  func.func @transform_2(%arg0: i32) -> (i32, i32) {
    %c0_i32 = arith.constant 0 : i32
    %c0_i32_0 = arith.constant 0 : i32
    return %arg0, %c0_i32 : i32, i32
  }
}

module attributes {stable_mosaic.version = 14 : i64} {
  func.func @body(%arg0: i32, %arg1: memref<1000x128xf32, #tpu.memory_space<vmem>>, %arg2: memref<128x128xf32, #tpu.memory_space<vmem>>, %arg3: memref<128x128xf32, #tpu.memory_space<vmem>>, %arg4: memref<1000x128xf32, #tpu.memory_space<vmem>>, %arg5: memref<1000x128xf32, #tpu.memory_space<vmem>>) attributes {dimension_semantics = [#tpu.dimension_semantics<arbitrary>], iteration_bounds = array<i64: 10>, scalar_prefetch = 0 : i64, scratch_operands = 0 : i64, tpu.core_type = #tpu.core_type<tc>, window_params = [{transform_indices = @transform_0, window_bounds = array<i64: 1000, 128>}, {pipeline_mode = #tpu.pipeline_mode<synchronous>, transform_indices = @transform_1, window_bounds = array<i64: 128, 128>}, {pipeline_mode = #tpu.pipeline_mode<synchronous>, transform_indices = @transform_2, window_bounds = array<i64: 128, 128>}, {transform_indices = @transform_3, window_bounds = array<i64: 1000, 128>}, {transform_indices = @transform_4, window_bounds = array<i64: 1000, 128>}]} {
    %get3A = arith.constant 0 : index
    %get3A_0 = arith.constant 0 : index
    %get3A_1 = vector.load %arg1[%get3A, %get3A_0] : memref<1000x128xf32, #tpu.memory_space<vmem>>, vector<1000x128xf32>
    %get3A_2 = arith.constant 0 : index
    %get3A_3 = arith.constant 0 : index
    %get3A_4 = vector.load %arg2[%get3A_2, %get3A_3] : memref<128x128xf32, #tpu.memory_space<vmem>>, vector<128x128xf32>
    %dot_general3A = arith.constant dense<0.000000e+00> : vector<1000x128xf32>
    %dot_general3A_5 = tpu.matmul %get3A_1, %get3A_4, %dot_general3A {dimension_numbers = #tpu.dot_dimension_numbers<[1], [0], [0], [1], [0, 0, 1, 1], [], []>, transpose_lhs_hint = false} : vector<1000x128xf32>, vector<128x128xf32>, vector<1000x128xf32> -> vector<1000x128xf32>
    %swap3A = arith.constant 0 : index
    %swap3A_6 = arith.constant 0 : index
    %swap3A_7 = vector.load %arg4[%swap3A, %swap3A_6] : memref<1000x128xf32, #tpu.memory_space<vmem>>, vector<1000x128xf32>
    tpu.vector_store %arg4[%swap3A, %swap3A_6], %dot_general3A_5 {strides = array<i32>} : memref<1000x128xf32, #tpu.memory_space<vmem>>, vector<1000x128xf32>,
    %get3A_8 = arith.constant 0 : index
    %get3A_9 = arith.constant 0 : index
    %get3A_10 = vector.load %arg3[%get3A_8, %get3A_9] : memref<128x128xf32, #tpu.memory_space<vmem>>, vector<128x128xf32>
    %dot_general3A_11 = arith.constant dense<0.000000e+00> : vector<1000x128xf32>
    %dot_general3A_12 = tpu.matmul %get3A_1, %get3A_10, %dot_general3A_11 {dimension_numbers = #tpu.dot_dimension_numbers<[1], [0], [0], [1], [0, 0, 1, 1], [], []>, transpose_lhs_hint = false} : vector<1000x128xf32>, vector<128x128xf32>, vector<1000x128xf32> -> vector<1000x128xf32>
    %swap3A_13 = arith.constant 0 : index
    %swap3A_14 = arith.constant 0 : index
    %swap3A_15 = vector.load %arg5[%swap3A_13, %swap3A_14] : memref<1000x128xf32, #tpu.memory_space<vmem>>, vector<1000x128xf32>
    tpu.vector_store %arg5[%swap3A_13, %swap3A_14], %dot_general3A_12 {strides = array<i32>} : memref<1000x128xf32, #tpu.memory_space<vmem>>, vector<1000x128xf32>,
    return
  }
  func.func @transform_0(%arg0: i32) -> (i32, i32) {
    %c0_i32 = arith.constant 0 : i32
    %c0_i32_0 = arith.constant 0 : i32
    return %arg0, %c0_i32 : i32, i32
  }
  func.func @transform_1(%arg0: i32) -> (i32, i32) {
    %c0_i32 = arith.constant 0 : i32
    %c0_i32_0 = arith.constant 0 : i32
    %c0_i32_1 = arith.constant 0 : i32
    return %c0_i32, %c0_i32_0 : i32, i32
  }
  func.func @transform_2(%arg0: i32) -> (i32, i32) {
    %c0_i32 = arith.constant 0 : i32
    %c0_i32_0 = arith.constant 0 : i32
    %c0_i32_1 = arith.constant 0 : i32
    return %c0_i32, %c0_i32_0 : i32, i32
  }
  func.func @transform_3(%arg0: i32) -> (i32, i32) {
    %c0_i32 = arith.constant 0 : i32
    %c0_i32_0 = arith.constant 0 : i32
    return %arg0, %c0_i32 : i32, i32
  }
  func.func @transform_4(%arg0: i32) -> (i32, i32) {
    %c0_i32 = arith.constant 0 : i32
    %c0_i32_0 = arith.constant 0 : i32
    return %arg0, %c0_i32 : i32, i32
  }
}

module attributes {stable_mosaic.version = 14 : i64} {
  func.func @body(%arg0: i32, %arg1: memref<1000x128xf32, #tpu.memory_space<vmem>>, %arg2: memref<1000x128xf32, #tpu.memory_space<vmem>>, %arg3: memref<1000x128xf32, #tpu.memory_space<vmem>>) attributes {dimension_semantics = [#tpu.dimension_semantics<arbitrary>], iteration_bounds = array<i64: 10>, scalar_prefetch = 0 : i64, scratch_operands = 0 : i64, tpu.core_type = #tpu.core_type<tc>, window_params = [{transform_indices = @transform_0, window_bounds = array<i64: 1000, 128>}, {transform_indices = @transform_1, window_bounds = array<i64: 1000, 128>}, {transform_indices = @transform_2, window_bounds = array<i64: 1000, 128>}]} {
    %get3A = arith.constant 0 : index
    %get3A_0 = arith.constant 0 : index
    %get3A_1 = vector.load %arg1[%get3A, %get3A_0] : memref<1000x128xf32, #tpu.memory_space<vmem>>, vector<1000x128xf32>
    %get3A_2 = arith.constant 0 : index
    %get3A_3 = arith.constant 0 : index
    %get3A_4 = vector.load %arg2[%get3A_2, %get3A_3] : memref<1000x128xf32, #tpu.memory_space<vmem>>, vector<1000x128xf32>
    %add3A = arith.addf %get3A_1, %get3A_4 : vector<1000x128xf32>
    %swap3A = arith.constant 0 : index
    %swap3A_5 = arith.constant 0 : index
    %swap3A_6 = vector.load %arg3[%swap3A, %swap3A_5] : memref<1000x128xf32, #tpu.memory_space<vmem>>, vector<1000x128xf32>
    tpu.vector_store %arg3[%swap3A, %swap3A_5], %add3A {strides = array<i32>} : memref<1000x128xf32, #tpu.memory_space<vmem>>, vector<1000x128xf32>,
    return
  }
  func.func @transform_0(%arg0: i32) -> (i32, i32) {
    %c0_i32 = arith.constant 0 : i32
    %c0_i32_0 = arith.constant 0 : i32
    return %arg0, %c0_i32 : i32, i32
  }
  func.func @transform_1(%arg0: i32) -> (i32, i32) {
    %c0_i32 = arith.constant 0 : i32
    %c0_i32_0 = arith.constant 0 : i32
    return %arg0, %c0_i32 : i32, i32
  }
  func.func @transform_2(%arg0: i32) -> (i32, i32) {
    %c0_i32 = arith.constant 0 : i32
    %c0_i32_0 = arith.constant 0 : i32
    return %arg0, %c0_i32 : i32, i32
  }
}

</mosaic_0001>

<sc_bundles>
// kernel: kernel.10.cloned.1.call-start
scs
__scs_entry_jumppad:
0x0: {  	(pc) =	sbr.rel $0x88, $3  }
0x1: {  	(tag) =	ssettag $0x0;
	lr =	simm.s32 $0x1  }
0x2: {  	[smem:$0x3F9C] =	sst lr;
	_ =	strace $0xD0000000  }
0x3: {  	_ = 	snop  }
0x4: {  	_ = 	snop  }
0x5: {  	_ = 	snop  }
0x6: {  	_ = 	snop  }
0x7: {  	_ = 	snop  }
__scs_overlays_trampoline_lowered:
0x8: {  	[smem:$0x3FAB] =	sst s0  }
0x9: {  	[smem:$0x3FAC] =	sst s1  }
0xa: {  	[smem:$0x3FAD] =	sst s2  }
0xb: {  	[smem:$0x3FAE] =	sst s3  }
0xc: {  	[smem:$0x3FAF] =	sst s4  }
0xd: {  	[smem:$0x3FB0] =	sst s5  }
0xe: {  	[smem:$0x3FB1] =	sst s6  }
0xf: {  	[smem:$0x3FB2] =	sst s7  }
0x10: {  	[smem:$0x3FB3] =	sst s8  }
0x11: {  	[smem:$0x3FB4] =	sst s9;
	s0 =	simm.s32 @!p0 $0x0  }
0x12: {  	s1 =	sld [smem:$0x3F9A];
	s0 =	simm.s32 @p0 $0x1  }
0x13: {  	[smem:$0x3FB5] =	sst s0;
	s0 =	simm.s32 @!p1 $0x0  }
0x14: {  	s2 =	sld [smem:$0x3F99];
	s0 =	simm.s32 @p1 $0x1  }
0x15: {  	[smem:$0x3FB6] =	sst s0;
	s0 =	simm.s32 @!p2 $0x0  }
0x16: {  	s3 =	sld [smem:$0x3FDB];
	s0 =	simm.s32 @p2 $0x1  }
0x17: {  	s4 =	simm.s32 $0x1BF5;
	[smem:$0x3FB8] =	sst s0  }
0x18: {  	s0 =	sld [smem:$0x3F9B];
	_ =	swait.ge [sflag:s4], $0x0  }
0x19: {  	s7 =	sld [smem:$0x3F9C]  }
0x1a: {  	s8 =	sadd.s32 $0xFFFFE003, lr  }
0x1b: {  	s9 =	sadd.s32 $0xFFFFFEF7, lr;
	s5 =	simm.s32 $0xFFFFFFFF;
	p2 =	slt.u32 s8, $0xFFFFF086  }
0x1c: {  	p1 =	slt.u32 s9, $0xF7A;
	s5 =	simm.s32 @!p2 $0x0  }
0x1d: {  	s5 =	simm.s32 @p1 $0x1;
	p0 =	seq.s32 s7, s2  }
0x1e: {  	s7 =	smul.u32 @!p0 $0xF7A, s2;
	p2 =	seq.s32 @!p0 s5, $0x0  }
0x1f: {  	s9 =	smul.u32 $0xF7A, s1;
	s8 =	simm.s32 @!p0 $0x1BF5;
	p2 =	por !p2, p0  }
0x20: {  	[sflag:s8] =	ssyncset.s32 @!p0 $0xFFFFF086;
	s6 =	sadd.s32 @!p0 s3, s7;
	s7 =	simm.s32 @!p0 $0x108  }
0x21: {  	s3 =	sadd.s32 s3, s9;
	s6 =	sadd.s32 @!p0 $0x88, s6;
	s7 =	simm.s32 @p2 $0x1082  }
0x22: {  	[simem:s7], [sflag:s8] =	dma.local @!p0 [hbm:s6], $0xF7A  }
0x23: {  	s9 =	sor.u32 $0xD0000000, s2;
	s6 =	simm.s32 $0x108;
	_ =	swait.ge @!p0 [sflag:s8], $0x0  }
0x24: {  	s3 =	sadd.s32 $0x88, s3;
	s6 =	simm.s32 @!p1 $0x1082;
	[sflag:s4] =	ssyncset.s32 $0xFFFFF086  }
0x25: {  	[simem:s6], [sflag:s4] =	dma.local [hbm:s3], $0xF7A  }
0x26: {  	[smem:$0x3F9C] =	sst s1;
	(tag) =	ssettag s2;
	_ =	strace s9  }
0x27: {  	s1 =	sld [smem:$0x3FAC]  }
0x28: {  	s2 =	sld [smem:$0x3FAD]  }
0x29: {  	s4 =	sld [smem:$0x3FAF]  }
0x2a: {  	p0 =	seq.s32 s5, $0x0;
	s5 =	sld [smem:$0x3FB0]  }
0x2b: {  	s6 =	sld [smem:$0x3FB1]  }
0x2c: {  	s7 =	sld [smem:$0x3FB2]  }
0x2d: {  	s3 =	simm.s32 $0x108;
	s8 =	sld [smem:$0x3FB3]  }
0x2e: {  	s3 =	simm.s32 @!p0 $0x1082;
	s9 =	sld [smem:$0x3FB4]  }
0x2f: {  	lr =	sadd.s32 s0, s3;
	s0 =	sld [smem:$0x3FAB]  }
0x30: {  	s3 =	sld [smem:$0x3FAE]  }
0x31: {  	[smem:$0x3FB7] =	sst s10  }
0x32: {  	s10 =	sld [smem:$0x3FB5];
	_ =	sdelay $0x3  }
0x33: {  	p0 =	seq.s32 s10, $0x1;
	s10 =	sld [smem:$0x3FB7];
	_ =	sdelay $0x3  }
0x34: {  	[smem:$0x3FB7] =	sst s10  }
0x35: {  	s10 =	sld [smem:$0x3FB6];
	_ =	sdelay $0x3  }
0x36: {  	p1 =	seq.s32 s10, $0x1;
	s10 =	sld [smem:$0x3FB7];
	_ =	sdelay $0x3  }
0x37: {  	[smem:$0x3FB7] =	sst s10  }
0x38: {  	s10 =	sld [smem:$0x3FB8]  }
0x39: {  	_ = 	snop;
	(pc) =	sbr.ind lr, $3  }
0x3a: {  	_ = 	snop  }
0x3b: {  	_ = 	snop  }
0x3c: {  	p2 =	seq.s32 s10, $0x1;
	s10 =	sld [smem:$0x3FB7]  }
0x3d: {  	_ =	shalt  }
0x3e: {  	_ =	shalt  }
0x3f: {  	_ =	shalt  }
0x40: {  	_ =	shalt  }
0x41: {  	_ =	shalt  }
0x42: {  	_ =	shalt  }
0x43: {  	_ =	shalt  }
0x44: {  	_ =	shalt  }
0x45: {  	_ =	shalt  }
0x46: {  	_ =	shalt  }
0x47: {  	_ =	shalt  }
0x48: {  	_ =	shalt  }
0x49: {  	_ =	shalt  }
0x4a: {  	_ =	shalt  }
0x4b: {  	_ =	shalt  }
0x4c: {  	_ =	shalt  }
0x4d: {  	_ =	shalt  }
0x4e: {  	_ =	shalt  }
0x4f: {  	_ =	shalt  }
0x50: {  	_ =	shalt  }
0x51: {  	_ =	shalt  }
0x52: {  	_ =	shalt  }
0x53: {  	_ =	shalt  }
0x54: {  	_ =	shalt  }
0x55: {  	_ =	shalt  }
0x56: {  	_ =	shalt  }
0x57: {  	_ =	shalt  }
0x58: {  	_ =	shalt  }
0x59: {  	_ =	shalt  }
0x5a: {  	_ =	shalt  }
0x5b: {  	_ =	shalt  }
0x5c: {  	_ =	shalt  }
0x5d: {  	_ =	shalt  }
0x5e: {  	_ =	shalt  }
0x5f: {  	_ =	shalt  }
0x60: {  	_ =	shalt  }
0x61: {  	_ =	shalt  }
0x62: {  	_ =	shalt  }
0x63: {  	_ =	shalt  }
0x64: {  	_ =	shalt  }
0x65: {  	_ =	shalt  }
0x66: {  	_ =	shalt  }
0x67: {  	_ =	shalt  }
0x68: {  	_ =	shalt  }
0x69: {  	_ =	shalt  }
0x6a: {  	_ =	shalt  }
0x6b: {  	_ =	shalt  }
0x6c: {  	_ =	shalt  }
0x6d: {  	_ =	shalt  }
0x6e: {  	_ =	shalt  }
0x6f: {  	_ =	shalt  }
0x70: {  	_ =	shalt  }
0x71: {  	_ =	shalt  }
0x72: {  	_ =	shalt  }
0x73: {  	_ =	shalt  }
0x74: {  	_ =	shalt  }
0x75: {  	_ =	shalt  }
0x76: {  	_ =	shalt  }
0x77: {  	_ =	shalt  }
0x78: {  	_ =	shalt  }
0x79: {  	_ =	shalt  }
0x7a: {  	_ =	shalt  }
0x7b: {  	_ =	shalt  }
0x7c: {  	_ =	shalt  }
0x7d: {  	_ =	shalt  }
0x7e: {  	_ =	shalt  }
0x7f: {  	_ =	shalt  }
0x80: {  	_ =	shalt  }
0x81: {  	_ =	shalt  }
0x82: {  	_ =	shalt  }
0x83: {  	_ =	shalt  }
0x84: {  	_ =	shalt  }
0x85: {  	_ =	shalt  }
0x86: {  	_ =	shalt  }
0x87: {  	_ =	shalt  }
.Lfunc_end0:
.L_simem_size_0:
called_computation.1_lowered:
.L_overlay_start_0:
0x88: {  	s2 =	sld [smem:$0x3FD9]  }
0x89: {  	s3 =	sld [smem:$0x3FFE];
	_ =	sdelay $0x1  }
0x8a: {  	s1 =	srdreg.scid  }
0x8b: {  	s0 =	sand.u32 $0x1, s1  }
0x8c: {  	s14 =	sshll.u32 s0, $0xA;
	s2 =	sadd.s32 s3, s2  }
0x8d: {  	s2 =	sadd.s32 s2, s14  }
0x8e: {  	[smem:$0x3FC3] =	sst s2  }
0x8f: {  	_ = 	snop  }
0x90: {  	s2 =	sld [smem:$0x3FD0];
	_ =	sdelay $0x2  }
0x91: {  	s15 =	simm.s32 $0xA;
	s4 =	simm.s32 $0x10  }
0x92: {  	[smem:s4], [sflag:s15] =	dma.local [hbm:s2], $0x1  }
0x93: {  	_ =	swait.eq [sflag:s15], $0x1  }
0x94: {  	[sflag:s15] =	ssyncset.done $0x0  }
0x95: {  	[sflag:s15] =	ssyncadd.s32 $0xFFFFFFFF  }
0x96: {  	s16 =	sld [smem:$0x11];
	(tm) =	ssettm $0x1  }
0x97: {  	s17 =	sld [smem:$0x3FFB];
	_ =	sdelay $0x3  }
0x98: {  	_ =	strace s17  }
0x99: {  	s3 =	sld [smem:$0x3FFC];
	_ =	sdelay $0x3  }
0x9a: {  	_ =	strace s3  }
0x9b: {  	s3 =	sld [smem:$0x3FFD];
	_ =	sdelay $0x3  }
0x9c: {  	_ =	strace s3  }
0x9d: {  	_ =	strace $0x8FFFFFFF  }
0x9e: {  	s18 =	sld [smem:$0x3FDB];
	_ =	sdelay $0x1  }
0x9f: {  	s19 =	simm.s32 $_scs_section_size  }
0xa0: {  	s5 =	simm.s32 $_size__tile_overlayer_lowered;
	s6 =	simm.s32 $_tile_overlayer_lowered  }
0xa1: {  	s22 =	simm.s32 $0x1BFF;
	s21 =	sshll.u32 s6, $0x1;
	s3 =	sadd.s32 s19, s18  }
0xa2: {  	s7 =	simm.s32 $0x0;
	s20 =	sshll.u32 s5, $0x1;
	s5 =	sadd.s32 s21, s3  }
0xa3: {  	[timem:s7], [sflag:s22] =	dma.local [hbm:s5], s20  }
0xa4: {  	_ =	swait.ge [sflag:s22], s20  }
0xa5: {  	s4 =	ssub.s32 $0x0, s20;
	[sflag:s22] =	ssyncset.done $0x0  }
0xa6: {  	[sflag:s22] =	ssyncadd.s32 s4;
	_ =	sdelay $0x1  }
0xa7: {  	s23 =	simm.s32 $0x1B8B  }
0xa8: {  	_ =	swait.ge [sflag:s23], $0x1  }
0xa9: {  	[sflag:s23] =	ssyncset.done $0x0  }
0xaa: {  	s25 =	simm.s32 $0x1B8E;
	s24 =	sld [smem:$0x3FFE];
	[sflag:s23] =	ssyncadd.s32 $0xFFFFFFFF  }
0xab: {  	s26 =	simm.s32 $execute0_lowered;
	[smem:$0x3FD2] =	sst s25  }
0xac: {  	s5 =	sshll.u32 s26, $0x1;
	_ =	strace $0x80000049;
	[dreg:$0x1] =	wrdreg $0xFFFFFFFF  }
0xad: {  	s28 =	simm.s32 $_size_execute0_lowered;
	s3 =	sadd.s32 s3, s5;
	[dreg:$0x0] =	wrdreg $0x0  }
0xae: {  	s5 =	sshll.u32 s28, $0x1;
	[dreg:$0x2] =	wrdreg s3  }
0xaf: {  	[dreg:$0x3] =	wrdreg s5  }
0xb0: {  	[dreg:$0x4] =	wrdreg $0xC0  }
0xb1: {  	_ =	task [dreg:s7], $0x5FFFF  }
0xb2: {  	[dreg:$0x1] =	wrdreg $0xFFFFFFFF  }
0xb3: {  	[dreg:$0x0] =	wrdreg $0x60  }
0xb4: {  	[dreg:$0x2] =	wrdreg s24  }
0xb5: {  	[dreg:$0x3] =	wrdreg s16  }
0xb6: {  	[dreg:$0x4] =	wrdreg $0x5F000  }
0xb7: {  	[dreg:$0x5] =	wrdreg $0x9  }
0xb8: {  	_ =	task.clear_ibuf [dreg:s7], $0x6FFFF;
	_ =	strace $0x90000049  }
0xb9: {  	s29 =	simm.s32 $0x9;
	_ =	strace $0x8000004B  }
0xba: {  	_ =	swait.ge [sflag:s29], $0x1  }
0xbb: {  	[sflag:s29] =	ssyncadd.s32 $0xFFFFFFFF  }
0xbc: {  	_ =	strace $0x9000004B  }
0xbd: {  	_ =	sfence  }
0xbe: {  	s30 =	sld [smem:$0x0];
	_ =	sdelay $0x2  }
0xbf: {  	s31 =	sshll.u32 s1, $0xD;
	s1 =	sshrl.u32 s1, $0x2  }
0xc0: {  	s3 =	sand.u32 $0x4000, s31;
	s1 =	sadd.s32 s1, s30  }
0xc1: {  	s0 =	sor.u32 s3, s0;
	s1 =	sshll.u32 s1, $0x11  }
0xc2: {  	s0 =	sor.u32 s1, s0  }
0xc3: {  	s0 =	sadd.s32 $0x8F2B, s0  }
0xc4: {  	[sflag:s0] =	ssyncadd.remote.s32 $0x1  }
0xc5: {  	_ =	sfence.sel $0xFFFF  }
0xc6: {  	[dreg:$0x0] =	wrdreg $0xFFFFFFFF;
	(pc) =	sbr.abs _section_cstart, $3  }
0xc7: {  	[dreg:$0x1] =	wrdreg $0xFFFFFFFF  }
0xc8: {  	_ =	task.clear_ibuf [dreg:s7], $0x2FFFF;
	_ =	strace $0x9FFFFFFF  }
0xc9: {  	(tm) =	ssettm $0x7FFFFFFF  }
tec
execute0_lowered:
.L_overlay_start_1:
0x0: {  	(tag) =	ssettag $0x1  }
0x1: {  	s0 =	srdreg.scid;
	s1 =	rddreg [dreg:$0x0]  }
0x2: {  	s28 =	rddreg [dreg:$0x1];
	s15 =	stileid.u32  }
0x3: {  	s16 =	rddreg [dreg:$0x2];
	s4 =	simm.s32 $0x0;
	s18 =	simm.s32 $0x7  }
0x4: {  	s19 =	simm.s32 $0x2760;
	s29 =	simm.s32 $0x5780;
	s30 =	simm.s32 $0x5C80  }
0x5: {  	s31 =	simm.s32 $0x50A0;
	s0 =	sand.u32 $0x1, s0;
	[smem:$0x7FF] =	sst s4  }
0x6: {  	s9 =	smul.u32 $0x1F400, s15;
	s6 =	sadd.s32 $0x1C00, s1;
	s12 =	sadd.s32 $0x3CA00, s1  }
0x7: {  	s7 =	sadd.s32 $0x8AC00, s1;
	s8 =	sadd.s32 $0x8FC00, s1;
	s25 =	smul.u32 $0x7D000, s15  }
0x8: {  	p0 =	sgt.u32 s15, $0x9;
	s2 =	sshll.u32 s0, $0x4;
	s20 =	smul.u32 $0x138800, s0  }
0x9: {  	_ =	strace $0x8000004A;
	s0 =	ssub.s32 $0x2, s0;
	s2 =	sor.u32 s15, s2  }
0xa: {  	s11 =	sshrl.u32 s0, $0x1;
	s26 =	sshrl.u32 s25, $0x2;
	s5 =	smul.u32 $0x2710, s2  }
0xb: {  	s2 =	sadd.s32 s9, s20;
	s0 =	ssub.s32 s0, s11;
	s17 =	sadd.s32 s26, s16  }
0xc: {  	s20 =	simm.s32 $0x5320;
	s2 =	sshrl.u32 s2, $0x3;
	s0 =	smax.u32 s0, $0x1  }
0xd: {  	s3 =	sshrl.u32 s5, $0x3;
	s13 =	sadd.s32 s5, s1;
	s23 =	sadd.s32 $0x28, s5  }
0xe: {  	s11 =	sadd.s32 s12, s5;
	[dreg:$0x9] =	wrdreg s0;
	s10 =	sadd.s32 s3, s1  }
0xf: {  	s1 =	sadd.s32 s2, s1;
	s22 =	sadd.s32 s6, s3;
	s24 =	sshrl.u32 s23, $0x3  }
0x10: {  	s2 =	sadd.s32 s12, s23;
	s14 =	sadd.s32 $0xE2E00, s13;
	s23 =	simm.s32 $0x5A00  }
0x11: {  	s12 =	simm.s32 $0x3B60;
	s13 =	simm.s32 $0x4;
	[dreg:$0x5] =	wrdreg s22  }
0x12: {  	s21 =	sadd.s32 $0xBA00, s10;
	s3 =	sadd.s32 s6, s24;
	[dreg:$0x7] =	wrdreg s2  }
.Ltmp0:
0x13: {  	s1 =	sadd.s32 $0x94C00, s1;
	[dreg:$0x4] =	wrdreg s21;
	(pc) =	sbr.rel .LBB2_1-.Ltmp0, $4  }
0x14: {  	vm0 =	vcmask $0x1F14;
	vm1 =	vcmask $0xF04;
	s22 =	simm.s32 $0x5500;
	s24 =	simm.s32 $0x4F60;
	[dreg:$0x6] =	wrdreg s3  }
0x15: {  	v0 =	vlaneseq.u32;
	vm0 =	vmor vm1, vm0;
	vm1 =	vcmask $0x2F24;
	s10 =	simm.s32 $0x0;
	[dreg:$0x8] =	wrdreg s1;
	s1 =	sadd.s32 s9, s16  }
0x16: {  	v1 =	vimm.s32 $0x0;
	vm0 =	vmor vm0, vm1;
	vm1 =	vcmask $0x3F34;
	s21 =	simm.s32 $0x28;
	s9 =	simm.s32 $0x2;
	s0 =	sshrl.u32 @!p0 s1, $0x3  }
0x17: {  	v2 =	vimm.f32 $0.0e+00;
	v3 =	vand.u32 $0x3, v0;
	vm0 =	vmor vm0, vm1;
	s1 =	simm.s32 $0x1;
	[dreg:$0xa] =	wrdreg s0;
	s0 =	simm.s32 $0x51E0  }
.LBB2_18:
0x18: {  	s2 =	simm.s32 $0x5  }
0x19: {  	_ =	swait.ge [sflag:s2], $0x140  }
0x1a: {  	[sflag:s2] =	ssyncset.done $0x0  }
0x1b: {  	s16 =	simm.s32 $0x6;
	[sflag:s2] =	ssyncadd.s32 $0xFFFFFEC0  }
0x1c: {  	_ =	swait.ge [sflag:s16], $0x140  }
0x1d: {  	[sflag:s16] =	ssyncset.done $0x0  }
0x1e: {  	[sflag:s16] =	ssyncadd.s32 $0xFFFFFEC0  }
0x1f: {  	s2 =	stileid.u32;
	[bflag:$0x0] =	sbarrier.arrive $0xFFFF  }
0x20: {  	s2 =	sshll.u32 @!p0 s2, $0x6;
	s3 =	rddreg [dreg:$0x8]  }
0x21: {  	s2 =	sor.u32 @!p0 $0x1C07, s2;
	s10 =	rddreg [dreg:$0xa]  }
0x22: {  	[hbm:s3], [sflag:s2] =	dma.local @!p0 [spmem:s10], $0x3E80  }
0x23: {  	s2 =	simm.s32 @!p0 $0x7  }
0x24: {  	_ =	swait.ge @!p0 [sflag:s2], $0x3E80  }
0x25: {  	s25 =	rddreg [dreg:$0xb]  }
0x26: {  	s26 =	rddreg [dreg:$0x9];
	s10 =	sadd.s32 $0x1, s25  }
0x27: {  	p1 =	sne.s32 s10, s26  }
.Ltmp1:
0x28: {  	_ = 	snop;
	(pc) =	sbr.rel @!p1 .LBB2_19-.Ltmp1, $3  }
0x29: {  	_ =	sdelay $0x1  }
0x2a: {  	[sflag:s2] =	ssyncset.done @!p0 $0x0  }
0x2b: {  	[sflag:s2] =	ssyncadd.s32 @!p0 $0xFFFFC180  }
.LBB2_1:
0x2c: {  	v4 =	vor.u32 s4, v0  }
0x2d: {  	v5 =	vmov s4;
	v6 =	vand.u32 $0x7F, v4  }
0x2e: {  	vm1 =	veq.s32 v5, v0;
	vm2 =	vne.s32 v6, $0x0  }
0x2f: {  	vm1 =	vmand vm1, vm2  }
0x30: {  	v5 =	vsel vm1, $0xFFFFFFFF, v1  }
0x31: {  	s2 =	simm.s32 $0x10;
	v5 =	vshll.u32 v5, $0x7  }
0x32: {  	v4 =	vor.u32 s2, v0;
	v5 =	vadd.s32 s4, v5  }
0x33: {  	s3 =	rddreg [dreg:$0x4];
	v7 =	vmov s2;
	v4 =	vand.u32 $0x7F, v4;
	v5 =	vand.u32 $0xFFFFFF80, v5  }
0x34: {  	[tilespmem:s4], [sflag:$0x7] =	stream.linear.gather [hbm4b:s3+s4], $0x2710, $0x38;
	vm2 =	vne.s32 v4, $0x0;
	vm1 =	veq.s32 v7, v0;
	v5 =	vor.u32 v6, v5;
	[tilespmem:$0x19780] =	vst v63  }
0x35: {  	_ =	swait.ge [sflag:s18], $0x2710;
	vm1 =	vmand vm1, vm2  }
0x36: {  	[sflag:s18] =	ssyncset.done $0x0;
	v7 =	vsel vm1, $0xFFFFFFFF, v1  }
0x37: {  	s3 =	simm.s32 $0x20;
	[sflag:s18] =	ssyncadd.s32 $0xFFFFD8F0;
	v6 =	vshll.u32 v7, $0x7  }
.LBB2_2:
0x38: {  	v7 =	vor.u32 s3, v0;
	p1 =	sne.s32 s3, $0x13F0;
	v6 =	vadd.s32 s2, v6;
	s2 =	smov.u32 s3;
	s3 =	sadd.s32 $0x10, s3  }
.Ltmp2:
0x39: {  	v8 =	vmov s2;
	v7 =	vand.u32 $0x7F, v7;
	v6 =	vand.u32 $0xFFFFFF80, v6;
	[tilespmem:v5+s19+$0x0] =	vst.idx.msk $0xffff, v2;
	(pc) =	sbr.rel @p1 .LBB2_2-.Ltmp2, $4  }
0x3a: {  	vm1 =	veq.s32 v8, v0;
	vm2 =	vne.s32 v7, $0x0;
	v5 =	vor.u32 v4, v6;
	v4 =	vmovc v7  }
0x3b: {  	vm1 =	vmand vm1, vm2  }
0x3c: {  	v6 =	vsel vm1, $0xFFFFFFFF, v1  }
0x3d: {  	v6 =	vshll.u32 v6, $0x7  }
0x3e: {  	v6 =	vadd.s32 s2, v6  }
0x3f: {  	v6 =	vand.u32 $0xFFFFFF80, v6  }
0x40: {  	v4 =	vor.u32 v4, v6  }
.Ltmp3:
0x41: {  	_ = 	snop;
	(pc) =	sbr.rel @p0 .LBB2_7-.Ltmp3, $3  }
0x42: {  	_ =	sdelay $0x1  }
0x43: {  	[tilespmem:v5+s19+$0x0] =	vst.idx.msk $0xffff, v2  }
0x44: {  	s2 =	simm.s32 $0x0;
	[tilespmem:v4+s19+$0x0] =	vst.idx.msk $0xffff, v2  }
0x45: {  	s3 =	sshra.s32 s2, $0x2  }
0x46: {  	s3 =	sadd.s32 s3, s17  }
0x47: {  	[spmem:s3] =	stream.linear.scatter [tilespmem:s19], [sflag:$0x7], $0x1400, $0x38;
	[tilespmem:$0x19780] =	vst v63  }
0x48: {  	s2 =	sadd.s32 $0x5000, s2;
	_ =	swait.ge [sflag:s18], $0x1400  }
.LBB2_5:
0x49: {  	s3 =	sshra.s32 s2, $0x2;
	[sflag:s18] =	ssyncset.done $0x0;
	p1 =	sne.s32 s2, $0x78000  }
.Ltmp4:
0x4a: {  	s3 =	sadd.s32 s3, s17;
	[sflag:s18] =	ssyncadd.s32 $0xFFFFEC00;
	(pc) =	sbr.rel @p1 .LBB2_5-.Ltmp4, $3  }
0x4b: {  	[spmem:s3] =	stream.linear.scatter [tilespmem:s19], [sflag:$0x7], $0x1400, $0x38;
	[tilespmem:$0x19780] =	vst v63  }
0x4c: {  	s2 =	sadd.s32 $0x5000, s2;
	_ =	sdelay $0x1  }
0x4d: {  	_ =	swait.ge [sflag:s18], $0x1400  }
0x4e: {  	[sflag:s18] =	ssyncset.done $0x0  }
0x4f: {  	[sflag:s18] =	ssyncadd.s32 $0xFFFFEC00  }
.LBB2_7:
0x50: {  	[dreg:$0xb] =	wrdreg s10  }
0x51: {  	[bflag:$0x0] =	sbarrier.arrive $0xFFFF  }
0x52: {  	s15 =	simm.s32 $0x0;
	s3 =	simm.s32 $0x2710;
	s2 =	rddreg [dreg:$0x5]  }
0x53: {  	[tilespmem:s3], [sflag:$0x7] =	stream.linear.gather [hbm4b:s2+s15], $0x28, $0x38;
	[tilespmem:$0x19780] =	vst v63  }
0x54: {  	_ =	swait.ge [sflag:s18], $0x28  }
0x55: {  	[sflag:s18] =	ssyncset.done $0x0  }
0x56: {  	[sflag:s18] =	ssyncadd.s32 $0xFFFFFFD8  }
0x57: {  	[tilespmem:s19], [sflag:$0x1] =	stream.indirect.gather [hbm4b:s28+s21], $0x80, s3, s21, $0xb8;
	[tilespmem:$0x19780] =	vst v63  }
0x58: {  	_ = 	snop  }
0x59: {  	[tilespmem:s22], [sflag:$0x1] =	stream.indirect.gather [hbm4b:s7+s21], $0x10, s15, s21, $0xb8;
	[tilespmem:$0x19780] =	vst v63  }
0x5a: {  	_ = 	snop  }
0x5b: {  	[tilespmem:s23], [sflag:$0x1] =	stream.indirect.gather [hbm4b:s8+s21], $0x10, s15, s21, $0xb8;
	[tilespmem:$0x19780] =	vst v63  }
0x5c: {  	_ = 	snop  }
0x5d: {  	[tilespmem:s24], [sflag:$0x1] =	stream.linear.gather [hbm4b:s11+s15], $0x140, $0x38;
	[tilespmem:$0x19780] =	vst v63  }
0x5e: {  	s25 =	simm.s32 $0x2738;
	s16 =	rddreg [dreg:$0x6]  }
0x5f: {  	[tilespmem:s25], [sflag:$0x7] =	stream.linear.gather [hbm4b:s16+s15], $0x28, $0x38;
	[tilespmem:$0x19780] =	vst v63  }
0x60: {  	_ =	swait.ge [sflag:s18], $0x28  }
0x61: {  	[sflag:s18] =	ssyncset.done $0x0  }
0x62: {  	[sflag:s18] =	ssyncadd.s32 $0xFFFFFFD8  }
0x63: {  	[tilespmem:s12], [sflag:$0x2] =	stream.indirect.gather [hbm4b:s28+s21], $0x80, s25, s21, $0xb8;
	[tilespmem:$0x19780] =	vst v63  }
0x64: {  	_ = 	snop  }
0x65: {  	[tilespmem:s29], [sflag:$0x2] =	stream.indirect.gather [hbm4b:s7+s21], $0x10, s21, s21, $0xb8;
	[tilespmem:$0x19780] =	vst v63  }
0x66: {  	_ = 	snop  }
0x67: {  	[tilespmem:s30], [sflag:$0x2] =	stream.indirect.gather [hbm4b:s8+s21], $0x10, s21, s21, $0xb8;
	[tilespmem:$0x19780] =	vst v63  }
0x68: {  	s26 =	rddreg [dreg:$0x7];
	s25 =	simm.s32 $0x0  }
0x69: {  	[tilespmem:s31], [sflag:$0x2] =	stream.linear.gather [hbm4b:s26+s15], $0x140, $0x38;
	[tilespmem:$0x19780] =	vst v63  }
.LBB2_8:
0x6a: {  	s10 =	sshll.u32 s25, $0x1  }
0x6b: {  	p1 =	seq.s32 s25, $0x7C;
	s2 =	sadd.s32 $0x2, s10  }
0x6c: {  	s15 =	smul.u32 @!p1 $0x28, s2;
	_ =	sdelay $0x1  }
0x6d: {  	_ =	swait.ge [sflag:s1], $0x1400;
	s2 =	sadd.s32 @!p1 s5, s15  }
0x6e: {  	[sflag:s1] =	ssyncset.done $0x0;
	s3 =	simm.s32 @!p1 $0x0;
	s2 =	sshrl.u32 @!p1 s2, $0x3  }
0x6f: {  	s12 =	simm.s32 @!p1 $0x2710;
	[sflag:s1] =	ssyncadd.s32 $0xFFFFEC00;
	s2 =	sadd.s32 @!p1 s6, s2  }
0x70: {  	[tilespmem:s12], [sflag:$0x3] =	stream.linear.gather @!p1 [hbm4b:s2+s3], $0x28, $0x38;
	[tilespmem:$0x19780] =	vst v63  }
0x71: {  	s12 =	simm.s32 $0x0;
	_ =	swait.ge [sflag:s1], $0x280  }
0x72: {  	v4 =	vmov s12;
	[sflag:s1] =	ssyncset.done $0x0  }
0x73: {  	vm1 =	veq.s32 v4, v0;
	[sflag:s1] =	ssyncadd.s32 $0xFFFFFD80  }
0x74: {  	v4 =	vor.u32 s12, v0;
	vm1 =	vmand vm1, vm0;
	_ =	swait.ge [sflag:s1], $0x280  }
0x75: {  	v4 =	vshrl.u32 v4, $0x2;
	v5 =	vsel vm1, $0xFFFFFFFF, v1;
	[sflag:s1] =	ssyncset.done $0x0  }
0x76: {  	v4 =	vadd.s32 v5, v4;
	[sflag:s1] =	ssyncadd.s32 $0xFFFFFD80  }
0x77: {  	v5 =	vshll.u32 v4, $0x4;
	_ =	swait.ge [sflag:s1], $0x140  }
0x78: {  	p2 =	seq.s32 s25, $0x0;
	v5 =	vor.u32 v3, v5;
	[sflag:s1] =	ssyncset.done $0x0  }
0x79: {  	s2 =	simm.s32 @!p2 $0x5;
	[sflag:s1] =	ssyncadd.s32 $0xFFFFFEC0  }
0x7a: {  	_ =	swait.ge @!p2 [sflag:s2], $0x140  }
0x7b: {  	[sflag:s2] =	ssyncset.done @!p2 $0x0  }
0x7c: {  	[sflag:s2] =	ssyncadd.s32 @!p2 $0xFFFFFEC0  }
0x7d: {  	v6 =	vld.idx.msk [tilespmem:v5+s22+$0x0], $0xffff  }
0x7e: {  	v5 =	vld.idx.msk [tilespmem:v5+s23+$0x0], $0xffff;
	_ =	sdelay $0x4  }
0x7f: {  	v5 =	vadd.f32 v5, v6;
	_ =	sdelay $0x1  }
0x80: {  	v5 =	vadd.f32 $9.999999930e-09, v5  }
0x81: {  	v4 =	vshll.u32 v4, $0x3  }
0x82: {  	v4 =	vor.u32 v3, v4;
	(erf) = vrcp.f32 v5;
	_ =	sdelay $0x1  }
0x83: {  	s26 =	simm.s32 $0x10  }
0x84: {  	v5 =	vmov s26  }
0x85: {  	vm1 =	veq.s32 v5, v0  }
0x86: {  	v6 =	vor.u32 s26, v0;
	v5 =	vld.idx.msk [tilespmem:v4+s24+$0x0], $0xffff;
	vm1 =	vmand vm1, vm0  }
0x87: {  	v6 =	vshrl.u32 v6, $0x2;
	v7 =	vsel vm1, $0xFFFFFFFF, v1  }
0x88: {  	v6 =	vadd.s32 v7, v6  }
0x89: {  	v7 =	vshll.u32 v6, $0x4  }
0x8a: {  	v7 =	vor.u32 v3, v7;
	v8 =	vpop (erf)  }
0x8b: {  	v5 =	vmul.f32 v8, v5;
	_ =	sdelay $0x1  }
0x8c: {  	s2 =	simm.s32 $0x5460;
	[tilespmem:v4+s0+$0x0] =	vst.idx.msk $0xffff, v5  }
0x8d: {  	[tilespmem:s2+$0x0] =	vst v5  }
0x8e: {  	v5 =	vld.idx.msk [tilespmem:v7+s22+$0x0], $0xffff  }
0x8f: {  	v7 =	vld.idx.msk [tilespmem:v7+s23+$0x0], $0xffff;
	_ =	sdelay $0x4  }
0x90: {  	v5 =	vadd.f32 v7, v5;
	_ =	sdelay $0x1  }
0x91: {  	v5 =	vadd.f32 $9.999999930e-09, v5  }
0x92: {  	v4 =	vshll.u32 v6, $0x3  }
0x93: {  	v4 =	vor.u32 v3, v4;
	(erf) = vrcp.f32 v5;
	_ =	sdelay $0x1  }
0x94: {  	s16 =	smov.u32 s28;
	s28 =	simm.s32 $0x20  }
0x95: {  	v6 =	vmov s28  }
0x96: {  	vm1 =	veq.s32 v6, v0  }
0x97: {  	s3 =	simm.s32 $0x30;
	s12 =	smul.u32 $0x50, s25;
	v6 =	vor.u32 s28, v0;
	vm1 =	vmand vm1, vm0;
	v5 =	vld.idx.msk [tilespmem:v4+s24+$0x0], $0xffff  }
.LBB2_9:
0x98: {  	p3 =	sne.s32 s3, $0x90;
	v6 =	vshrl.u32 v6, $0x2;
	v7 =	vsel vm1, $0xFFFFFFFF, v1  }
0x99: {  	v6 =	vadd.s32 v7, v6  }
0x9a: {  	v7 =	vshll.u32 v6, $0x4  }
0x9b: {  	v7 =	vor.u32 v3, v7;
	v8 =	vpop (erf)  }
0x9c: {  	v5 =	vmul.f32 v8, v5;
	_ =	sdelay $0x1  }
0x9d: {  	s2 =	sadd.s32 $0x10, s2;
	[tilespmem:v4+s0+$0x0] =	vst.idx.msk $0xffff, v5  }
0x9e: {  	[tilespmem:s2+$0x0] =	vst v5  }
0x9f: {  	v4 =	vld.idx.msk [tilespmem:v7+s22+$0x0], $0xffff  }
0xa0: {  	v5 =	vld.idx.msk [tilespmem:v7+s23+$0x0], $0xffff;
	_ =	sdelay $0x5  }
0xa1: {  	v4 =	vadd.f32 v5, v4;
	_ =	sdelay $0x1  }
0xa2: {  	v5 =	vshll.u32 v6, $0x3;
	v6 =	vadd.f32 $9.999999930e-09, v4  }
0xa3: {  	v4 =	vor.u32 v3, v5  }
0xa4: {  	(erf) = vrcp.f32 v6  }
.Ltmp5:
0xa5: {  	(pc) =	sbr.rel @p3 .LBB2_9-.Ltmp5, $4  }
0xa6: {  	_ = 	snop  }
0xa7: {  	v5 =	vmov s3  }
0xa8: {  	vm1 =	veq.s32 v5, v0;
	v5 =	vld.idx.msk [tilespmem:v4+s24+$0x0], $0xffff  }
0xa9: {  	vm1 =	vmand vm1, vm0;
	v6 =	vor.u32 s3, v0;
	s3 =	sadd.s32 $0x10, s3  }
0xaa: {  	v6 =	vshrl.u32 v6, $0x2;
	v7 =	vsel vm1, $0xFFFFFFFF, v1  }
0xab: {  	v6 =	vadd.s32 v7, v6  }
0xac: {  	v7 =	vshll.u32 v6, $0x4  }
0xad: {  	v7 =	vor.u32 v3, v7;
	v8 =	vpop (erf)  }
0xae: {  	v5 =	vmul.f32 v8, v5;
	_ =	sdelay $0x1  }
0xaf: {  	s2 =	sadd.s32 $0x10, s2;
	[tilespmem:v4+s0+$0x0] =	vst.idx.msk $0xffff, v5  }
0xb0: {  	[tilespmem:s2+$0x0] =	vst v5  }
0xb1: {  	v4 =	vld.idx.msk [tilespmem:v7+s22+$0x0], $0xffff  }
0xb2: {  	v5 =	vld.idx.msk [tilespmem:v7+s23+$0x0], $0xffff;
	_ =	sdelay $0x4  }
0xb3: {  	v4 =	vadd.f32 v5, v4;
	_ =	sdelay $0x1  }
0xb4: {  	v4 =	vadd.f32 $9.999999930e-09, v4  }
0xb5: {  	v5 =	vshll.u32 v6, $0x3  }
0xb6: {  	v5 =	vor.u32 v3, v5;
	(erf) = vrcp.f32 v4;
	_ =	sdelay $0x4  }
0xb7: {  	v4 =	vld.idx.msk [tilespmem:v5+s24+$0x0], $0xffff;
	_ =	sdelay $0x3  }
0xb8: {  	v6 =	vpop (erf)  }
0xb9: {  	v4 =	vmul.f32 v6, v4;
	_ =	sdelay $0x1  }
0xba: {  	s2 =	sadd.s32 $0x10, s2;
	[tilespmem:v5+s0+$0x0] =	vst.idx.msk $0xffff, v4  }
0xbb: {  	s26 =	simm.s32 $0x2860;
	[tilespmem:s2+$0x0] =	vst v4  }
0xbc: {  	v9 =	vld [tilespmem:s26+$0xFFFFFFA0]  }
0xbd: {  	v7 =	vld [tilespmem:s26+$0xFFFFFFF0]  }
0xbe: {  	v4 =	vld [tilespmem:s26+$0xFFFFFF60]  }
0xbf: {  	v10 =	vld [tilespmem:s26+$0xFFFFFFD0]  }
0xc0: {  	v11 =	vld [tilespmem:s26+$0x80]  }
0xc1: {  	v14 =	vld [tilespmem:s26+$0xFFFFFF10]  }
0xc2: {  	v18 =	vld [tilespmem:s26+$0xE0]  }
0xc3: {  	v13 =	vld [tilespmem:s26+$0xFFFFFF40]  }
0xc4: {  	s28 =	simm.s32 $0x0;
	v5 =	vld [tilespmem:s26+$0xFFFFFF90]  }
0xc5: {  	v6 =	vld [tilespmem:s28+$0x5460]  }
0xc6: {  	v12 =	vld [tilespmem:s26+$0xFFFFFFC0]  }
0xc7: {  	v15 =	vld [tilespmem:s26+$0xFFFFFF00]  }
0xc8: {  	v16 =	vld [tilespmem:s26+$0xD0]  }
0xc9: {  	v25 =	vld [tilespmem:s26+$0xC0]  }
0xca: {  	v23 =	vld [tilespmem:s26+$0x90];
	v21 =	vbroadcast v6, $0x0;
	v8 =	vbroadcast v6, $0xF  }
0xcb: {  	v24 =	vld [tilespmem:s26+$0xFFFFFF50];
	v22 =	vbroadcast v6, $0x2;
	v20 =	vbroadcast v6, $0xE  }
0xcc: {  	v19 =	vld [tilespmem:s26+$0xB0];
	v17 =	vbroadcast v6, $0xC;
	v27 =	vmul.f32 v21, v15  }
0xcd: {  	s3 =	simm.s32 $0x40;
	s2 =	simm.s32 $0x2860;
	v15 =	vbroadcast v6, $0xD;
	v26 =	vmul.f32 v13, v22;
	v13 =	vld [tilespmem:s26+$0x60]  }
.LBB2_11:
0xce: {  	p3 =	sne.s32 s3, $0x240  }
0xcf: {  	[tilespmem:s26+$0xFFFFFF00] =	vst v27;
	v27 =	vld [tilespmem:s26+$0xFFFFFFB0];
	v25 =	vmul.f32 v25, v20;
	v18 =	vmul.f32 v18, v8;
	s2 =	sadd.s32 $0x200, s2;
	s28 =	smov.u32 s3;
	s3 =	sadd.s32 $0x40, s3  }
0xd0: {  	[tilespmem:s26+$0xFFFFFF40] =	vst v26;
	v26 =	vbroadcast v6, $0xA;
	v23 =	vmul.f32 v23, v17;
	v28 =	vld [tilespmem:s26+$0xA0]  }
0xd1: {  	v14 =	vmul.f32 v14, v21;
	v21 =	vmul.f32 v24, v22;
	v22 =	vld [tilespmem:s26+$0x70];
	[tilespmem:s26+$0xE0] =	vst v18  }
0xd2: {  	v18 =	vbroadcast v6, $0x5;
	v24 =	vld [tilespmem:s26+$0xFFFFFFE0];
	v19 =	vmul.f32 v19, v15;
	[tilespmem:s26+$0xC0] =	vst v25  }
0xd3: {  	v16 =	vmul.f32 v16, v20;
	[tilespmem:s26+$0xFFFFFF10] =	vst v14;
	v14 =	vbroadcast v6, $0x6;
	v25 =	vld [tilespmem:s26+$0x40]  }
0xd4: {  	v29 =	vbroadcast v6, $0xB;
	v9 =	vmul.f32 v9, v18;
	v20 =	vld [tilespmem:s26+$0xFFFFFF20];
	[tilespmem:s26+$0x90] =	vst v23  }
0xd5: {  	v23 =	vbroadcast v6, $0x9;
	[tilespmem:s26+$0xFFFFFF50] =	vst v21;
	v21 =	vld [tilespmem:s26+$0x20];
	v15 =	vmul.f32 v28, v15  }
0xd6: {  	v18 =	vmul.f32 v27, v18;
	v27 =	vld [tilespmem:s26+$0x50];
	v22 =	vmul.f32 v22, v29;
	[tilespmem:s26+$0xD0] =	vst v16  }
0xd7: {  	v11 =	vmul.f32 v11, v17;
	v16 =	vbroadcast v6, $0x7;
	v28 =	vld [tilespmem:s26+$0x30];
	[tilespmem:s26+$0xA0] =	vst v15  }
0xd8: {  	v12 =	vmul.f32 v12, v14;
	v15 =	vbroadcast v6, $0x3;
	v17 =	vld [tilespmem:s26+$0x0];
	[tilespmem:s26+$0x70] =	vst v22  }
0xd9: {  	v13 =	vmul.f32 v13, v29;
	v10 =	vmul.f32 v10, v14;
	v14 =	vld [tilespmem:s26+$0x10];
	[tilespmem:s26+$0x80] =	vst v11  }
0xda: {  	v22 =	vbroadcast v6, $0x8;
	v25 =	vmul.f32 v25, v26;
	v11 =	vld [tilespmem:s26+$0xFFFFFF30];
	[tilespmem:s26+$0xB0] =	vst v19  }
0xdb: {  	v19 =	vbroadcast v6, $0x1;
	v29 =	vld [tilespmem:s26+$0xFFFFFF70];
	[tilespmem:s26+$0xFFFFFFD0] =	vst v10;
	v26 =	vmul.f32 v27, v26  }
0xdc: {  	v7 =	vmul.f32 v7, v16;
	v10 =	vmul.f32 v24, v16;
	[tilespmem:s26+$0xFFFFFFC0] =	vst v12;
	v12 =	vld [tilespmem:s26+$0xF0]  }
0xdd: {  	v24 =	vmul.f32 v28, v23;
	v16 =	vld [tilespmem:s26+$0xFFFFFF80];
	[tilespmem:s26+$0xFFFFFFA0] =	vst v9;
	v17 =	vmul.f32 v17, v22  }
0xde: {  	v9 =	vld [tilespmem:s2+$0xFFFFFFA0];
	[tilespmem:s26+$0xFFFFFFF0] =	vst v7;
	v22 =	vmul.f32 v14, v22;
	v14 =	vmul.f32 v21, v23  }
0xdf: {  	v7 =	vmul.f32 v20, v19;
	v19 =	vmul.f32 v11, v19;
	[tilespmem:s26+$0x60] =	vst v13  }
0xe0: {  	v4 =	vmul.f32 v4, v15;
	v11 =	vmul.f32 v29, v15;
	[tilespmem:s26+$0xFFFFFFB0] =	vst v18  }
0xe1: {  	v6 =	vbroadcast v6, $0x4;
	[tilespmem:s26+$0xFFFFFF20] =	vst v7;
	v7 =	vmul.f32 v12, v8  }
0xe2: {  	[tilespmem:s26+$0xFFFFFF60] =	vst v4  }
0xe3: {  	v8 =	vmul.f32 v16, v6;
	v4 =	vmul.f32 v5, v6;
	[tilespmem:s26+$0x40] =	vst v25  }
0xe4: {  	[tilespmem:s26+$0xFFFFFFE0] =	vst v10  }
0xe5: {  	[tilespmem:s26+$0xF0] =	vst v7  }
0xe6: {  	[tilespmem:s26+$0xFFFFFF90] =	vst v4  }
0xe7: {  	v7 =	vld [tilespmem:s2+$0xFFFFFFF0];
	[tilespmem:s26+$0xFFFFFF70] =	vst v11  }
0xe8: {  	v4 =	vld [tilespmem:s2+$0xFFFFFF60];
	[tilespmem:s26+$0x20] =	vst v14  }
0xe9: {  	v10 =	vld [tilespmem:s2+$0xFFFFFFD0];
	[tilespmem:s26+$0x30] =	vst v24  }
0xea: {  	v11 =	vld [tilespmem:s2+$0x80];
	[tilespmem:s26+$0xFFFFFF80] =	vst v8  }
0xeb: {  	v14 =	vld [tilespmem:s2+$0xFFFFFF10];
	[tilespmem:s26+$0x50] =	vst v26  }
0xec: {  	v18 =	vld [tilespmem:s2+$0xE0];
	[tilespmem:s26+$0x0] =	vst v17  }
0xed: {  	v13 =	vld [tilespmem:s2+$0xFFFFFF40];
	[tilespmem:s26+$0xFFFFFF30] =	vst v19  }
0xee: {  	s28 =	sshra.s32 s28, $0x2;
	v5 =	vld [tilespmem:s2+$0xFFFFFF90];
	[tilespmem:s26+$0x10] =	vst v22;
	s26 =	smov.u32 s2  }
0xef: {  	v6 =	vld [tilespmem:s28+$0x5460]  }
0xf0: {  	v12 =	vld [tilespmem:s2+$0xFFFFFFC0]  }
0xf1: {  	v15 =	vld [tilespmem:s2+$0xFFFFFF00]  }
0xf2: {  	v16 =	vld [tilespmem:s2+$0xD0]  }
.Ltmp6:
0xf3: {  	v25 =	vld [tilespmem:s2+$0xC0];
	(pc) =	sbr.rel @p3 .LBB2_11-.Ltmp6, $4  }
0xf4: {  	v21 =	vbroadcast v6, $0x0;
	v23 =	vld [tilespmem:s2+$0x90];
	v8 =	vbroadcast v6, $0xF  }
0xf5: {  	v22 =	vbroadcast v6, $0x2;
	v20 =	vbroadcast v6, $0xE;
	v24 =	vld [tilespmem:s2+$0xFFFFFF50]  }
0xf6: {  	v27 =	vmul.f32 v21, v15;
	v15 =	vbroadcast v6, $0xD;
	v19 =	vld [tilespmem:s2+$0xB0]  }
0xf7: {  	v17 =	vbroadcast v6, $0xC;
	v26 =	vmul.f32 v13, v22;
	v13 =	vld [tilespmem:s2+$0x60]  }
0xf8: {  	[tilespmem:s26+$0xFFFFFF00] =	vst v27;
	v18 =	vmul.f32 v18, v8  }
0xf9: {  	v25 =	vmul.f32 v25, v20;
	[tilespmem:s26+$0xFFFFFF40] =	vst v26  }
0xfa: {  	v14 =	vmul.f32 v14, v21;
	[tilespmem:s26+$0xE0] =	vst v18  }
0xfb: {  	v39 =	vmul.f32 v16, v20;
	[tilespmem:s26+$0xC0] =	vst v25  }
0xfc: {  	v37 =	vmul.f32 v23, v17;
	[tilespmem:s26+$0xFFFFFF10] =	vst v14  }
0xfd: {  	v45 =	vbroadcast v6, $0x6;
	v11 =	vmul.f32 v11, v17;
	[tilespmem:s26+$0xD0] =	vst v39  }
0xfe: {  	v22 =	vmul.f32 v24, v22;
	[tilespmem:s26+$0x90] =	vst v37  }
0xff: {  	v49 =	vbroadcast v6, $0x5;
	v10 =	vmul.f32 v10, v45;
	[tilespmem:s26+$0x80] =	vst v11  }
0x100: {  	v51 =	vbroadcast v6, $0x7;
	v12 =	vmul.f32 v12, v45;
	[tilespmem:s26+$0xFFFFFF50] =	vst v22  }
0x101: {  	v58 =	vbroadcast v6, $0x3;
	v9 =	vmul.f32 v9, v49;
	[tilespmem:s26+$0xFFFFFFD0] =	vst v10  }
0x102: {  	v35 =	vld [tilespmem:s26+$0xA0];
	v62 =	vbroadcast v6, $0x4;
	v7 =	vmul.f32 v7, v51;
	[tilespmem:s26+$0xFFFFFFC0] =	vst v12  }
0x103: {  	v36 =	vld [tilespmem:s26+$0x70];
	v4 =	vmul.f32 v4, v58;
	[tilespmem:s26+$0xFFFFFFA0] =	vst v9  }
0x104: {  	v38 =	vld [tilespmem:s26+$0xFFFFFFB0];
	v41 =	vbroadcast v6, $0xB;
	v5 =	vmul.f32 v5, v62;
	[tilespmem:s26+$0xFFFFFFF0] =	vst v7  }
0x105: {  	v40 =	vld [tilespmem:s26+$0xFFFFFF20];
	v47 =	vmul.f32 v19, v15;
	[tilespmem:s26+$0xFFFFFF60] =	vst v4  }
0x106: {  	v42 =	vld [tilespmem:s26+$0xFFFFFFE0];
	v13 =	vmul.f32 v13, v41;
	[tilespmem:s26+$0xFFFFFF90] =	vst v5  }
0x107: {  	v59 =	vld [tilespmem:s26+$0xF0];
	v43 =	vmul.f32 v35, v15;
	[tilespmem:s26+$0xB0] =	vst v47  }
0x108: {  	v53 =	vld [tilespmem:s26+$0xFFFFFF70];
	v56 =	vbroadcast v6, $0x1;
	v21 =	vmul.f32 v36, v41;
	[tilespmem:s26+$0x60] =	vst v13  }
0x109: {  	v44 =	vld [tilespmem:s26+$0x40];
	v57 =	vmul.f32 v38, v49;
	[tilespmem:s26+$0xA0] =	vst v43  }
0x10a: {  	v48 =	vld [tilespmem:s26+$0x20];
	v16 =	vmul.f32 v40, v56;
	[tilespmem:s26+$0x70] =	vst v21  }
0x10b: {  	v50 =	vld [tilespmem:s26+$0x30];
	v11 =	vmul.f32 v42, v51;
	[tilespmem:s26+$0xFFFFFFB0] =	vst v57  }
0x10c: {  	v54 =	vld [tilespmem:s26+$0xFFFFFF80];
	v7 =	vbroadcast v6, $0xA;
	v4 =	vmul.f32 v59, v8;
	[tilespmem:s26+$0xFFFFFF20] =	vst v16  }
0x10d: {  	v46 =	vld [tilespmem:s26+$0x50];
	v8 =	vbroadcast v6, $0x9;
	v63 =	vmul.f32 v53, v58;
	[tilespmem:s26+$0xFFFFFFE0] =	vst v11  }
0x10e: {  	v52 =	vld [tilespmem:s26+$0x0];
	v61 =	vmul.f32 v44, v7;
	[tilespmem:s26+$0xF0] =	vst v4  }
0x10f: {  	v60 =	vld [tilespmem:s26+$0xFFFFFF30];
	v4 =	vmul.f32 v48, v8;
	[tilespmem:s26+$0xFFFFFF70] =	vst v63  }
0x110: {  	v55 =	vld [tilespmem:s26+$0x10];
	v5 =	vmul.f32 v50, v8;
	[tilespmem:s26+$0x40] =	vst v61  }
0x111: {  	v6 =	vbroadcast v6, $0x8;
	v8 =	vmul.f32 v54, v62;
	[tilespmem:s26+$0x20] =	vst v4  }
0x112: {  	v4 =	vmul.f32 v46, v7;
	[tilespmem:s26+$0x30] =	vst v5  }
0x113: {  	v5 =	vmul.f32 v52, v6;
	[tilespmem:s26+$0xFFFFFF80] =	vst v8  }
0x114: {  	v7 =	vmul.f32 v60, v56;
	[tilespmem:s26+$0x50] =	vst v4  }
0x115: {  	v4 =	vmul.f32 v55, v6;
	[tilespmem:s26+$0x0] =	vst v5  }
0x116: {  	[tilespmem:s26+$0xFFFFFF30] =	vst v7  }
0x117: {  	s2 =	sadd.s32 s12, s14;
	s3 =	smul.u32 $0x140, s25;
	[tilespmem:s26+$0x10] =	vst v4  }
0x118: {  	[hbm4b:s2+s4] =	stream.linear.scatter [tilespmem:s0], [sflag:$0x5], $0x140, $0x38;
	[tilespmem:$0x19780] =	vst v63  }
0x119: {  	s3 =	sshra.s32 s3, $0x2;
	s26 =	rddreg [dreg:$0x2]  }
0x11a: {  	[spmem:s26] =	stream.indirect.scatter.add.f32 [tilespmem:s19], [sflag:$0x7], $0x80, s3, s21, $0xb8;
	[tilespmem:$0x19780] =	vst v63  }
0x11b: {  	_ =	swait.ge [sflag:s18], $0x1400  }
0x11c: {  	[sflag:s18] =	ssyncset.done $0x0  }
0x11d: {  	s2 =	simm.s32 @!p1 $0x3;
	[sflag:s18] =	ssyncadd.s32 $0xFFFFEC00  }
0x11e: {  	_ =	swait.ge @!p1 [sflag:s2], $0x28  }
0x11f: {  	s3 =	simm.s32 @!p1 $0x2710;
	[sflag:s2] =	ssyncset.done @!p1 $0x0  }
0x120: {  	s26 =	simm.s32 @!p1 $0x2760;
	[sflag:s2] =	ssyncadd.s32 @!p1 $0xFFFFFFD8;
	s2 =	simm.s32 @!p1 $0x28  }
0x121: {  	[tilespmem:s26], [sflag:$0x1] =	stream.indirect.gather @!p1 [hbm4b:s16+s2], $0x80, s3, s2, $0xb8;
	[tilespmem:$0x19780] =	vst v63  }
0x122: {  	s10 =	sadd.s32 $0x3, s10;
	s3 =	simm.s32 @!p1 $0x5500  }
0x123: {  	[tilespmem:s3], [sflag:$0x1] =	stream.indirect.gather @!p1 [hbm4b:s7+s2], $0x10, s15, s2, $0xb8;
	[tilespmem:$0x19780] =	vst v63  }
0x124: {  	s26 =	smul.u32 @!p1 $0x28, s10;
	s3 =	simm.s32 @!p1 $0x5A00  }
0x125: {  	[tilespmem:s3], [sflag:$0x1] =	stream.indirect.gather @!p1 [hbm4b:s8+s2], $0x10, s15, s2, $0xb8;
	[tilespmem:$0x19780] =	vst v63  }
0x126: {  	s2 =	sadd.s32 @!p1 s15, s11;
	s3 =	simm.s32 @!p1 $0x0;
	s15 =	simm.s32 @!p1 $0x4F60  }
0x127: {  	[tilespmem:s15], [sflag:$0x1] =	stream.linear.gather @!p1 [hbm4b:s2+s3], $0x140, $0x38;
	[tilespmem:$0x19780] =	vst v63  }
0x128: {  	s2 =	sadd.s32 @!p1 s5, s26;
	_ =	swait.ge [sflag:s9], $0x1400  }
0x129: {  	s2 =	sshrl.u32 @!p1 s2, $0x3;
	[sflag:s9] =	ssyncset.done $0x0  }
0x12a: {  	s15 =	simm.s32 @!p1 $0x2738;
	s2 =	sadd.s32 @!p1 s6, s2;
	[sflag:s9] =	ssyncadd.s32 $0xFFFFEC00  }
0x12b: {  	[tilespmem:s15], [sflag:$0x4] =	stream.linear.gather @!p1 [hbm4b:s2+s3], $0x28, $0x38;
	[tilespmem:$0x19780] =	vst v63  }
0x12c: {  	s15 =	simm.s32 $0x0;
	_ =	swait.ge [sflag:s9], $0x280  }
0x12d: {  	v4 =	vmov s15;
	[sflag:s9] =	ssyncset.done $0x0  }
0x12e: {  	vm1 =	veq.s32 v4, v0;
	[sflag:s9] =	ssyncadd.s32 $0xFFFFFD80  }
0x12f: {  	v4 =	vor.u32 s15, v0;
	vm1 =	vmand vm1, vm0;
	_ =	swait.ge [sflag:s9], $0x280  }
0x130: {  	v4 =	vshrl.u32 v4, $0x2;
	v5 =	vsel vm1, $0xFFFFFFFF, v1;
	[sflag:s9] =	ssyncset.done $0x0  }
0x131: {  	v4 =	vadd.s32 v5, v4;
	[sflag:s9] =	ssyncadd.s32 $0xFFFFFD80  }
0x132: {  	v5 =	vshll.u32 v4, $0x4;
	_ =	swait.ge [sflag:s9], $0x140  }
0x133: {  	v5 =	vor.u32 v3, v5;
	[sflag:s9] =	ssyncset.done $0x0  }
0x134: {  	s2 =	simm.s32 @!p2 $0x6;
	[sflag:s9] =	ssyncadd.s32 $0xFFFFFEC0  }
0x135: {  	_ =	swait.ge @!p2 [sflag:s2], $0x140  }
0x136: {  	[sflag:s2] =	ssyncset.done @!p2 $0x0  }
0x137: {  	[sflag:s2] =	ssyncadd.s32 @!p2 $0xFFFFFEC0  }
0x138: {  	v6 =	vld.idx.msk [tilespmem:v5+s29+$0x0], $0xffff  }
0x139: {  	v5 =	vld.idx.msk [tilespmem:v5+s30+$0x0], $0xffff;
	_ =	sdelay $0x4  }
0x13a: {  	v5 =	vadd.f32 v5, v6;
	_ =	sdelay $0x1  }
0x13b: {  	v5 =	vadd.f32 $9.999999930e-09, v5  }
0x13c: {  	v4 =	vshll.u32 v4, $0x3  }
0x13d: {  	v4 =	vor.u32 v3, v4;
	(erf) = vrcp.f32 v5;
	_ =	sdelay $0x1  }
0x13e: {  	s28 =	smov.u32 s16;
	s16 =	simm.s32 $0x10  }
0x13f: {  	v5 =	vmov s16  }
0x140: {  	vm1 =	veq.s32 v5, v0  }
0x141: {  	v6 =	vor.u32 s16, v0;
	v5 =	vld.idx.msk [tilespmem:v4+s31+$0x0], $0xffff;
	vm1 =	vmand vm1, vm0  }
0x142: {  	v6 =	vshrl.u32 v6, $0x2;
	v7 =	vsel vm1, $0xFFFFFFFF, v1  }
0x143: {  	v6 =	vadd.s32 v7, v6  }
0x144: {  	v7 =	vshll.u32 v6, $0x4  }
0x145: {  	v7 =	vor.u32 v3, v7;
	v8 =	vpop (erf)  }
0x146: {  	v5 =	vmul.f32 v8, v5;
	_ =	sdelay $0x1  }
0x147: {  	s2 =	simm.s32 $0x5460;
	[tilespmem:v4+s20+$0x0] =	vst.idx.msk $0xffff, v5  }
0x148: {  	[tilespmem:s2+$0x0] =	vst v5  }
0x149: {  	v5 =	vld.idx.msk [tilespmem:v7+s29+$0x0], $0xffff  }
0x14a: {  	v7 =	vld.idx.msk [tilespmem:v7+s30+$0x0], $0xffff;
	_ =	sdelay $0x4  }
0x14b: {  	v5 =	vadd.f32 v7, v5;
	_ =	sdelay $0x1  }
0x14c: {  	v5 =	vadd.f32 $9.999999930e-09, v5  }
0x14d: {  	v4 =	vshll.u32 v6, $0x3  }
0x14e: {  	v4 =	vor.u32 v3, v4;
	(erf) = vrcp.f32 v5;
	_ =	sdelay $0x1  }
0x14f: {  	s26 =	simm.s32 $0x20  }
0x150: {  	v6 =	vmov s26  }
0x151: {  	vm1 =	veq.s32 v6, v0  }
0x152: {  	s12 =	sadd.s32 $0x28, s12;
	s3 =	simm.s32 $0x30;
	v6 =	vor.u32 s26, v0;
	vm1 =	vmand vm1, vm0;
	v5 =	vld.idx.msk [tilespmem:v4+s31+$0x0], $0xffff  }
.LBB2_13:
0x153: {  	p2 =	sne.s32 s3, $0x90;
	v6 =	vshrl.u32 v6, $0x2;
	v7 =	vsel vm1, $0xFFFFFFFF, v1  }
0x154: {  	v6 =	vadd.s32 v7, v6  }
0x155: {  	v7 =	vshll.u32 v6, $0x4  }
0x156: {  	v7 =	vor.u32 v3, v7;
	v8 =	vpop (erf)  }
0x157: {  	v5 =	vmul.f32 v8, v5;
	_ =	sdelay $0x1  }
0x158: {  	s2 =	sadd.s32 $0x10, s2;
	[tilespmem:v4+s20+$0x0] =	vst.idx.msk $0xffff, v5  }
0x159: {  	[tilespmem:s2+$0x0] =	vst v5  }
0x15a: {  	v4 =	vld.idx.msk [tilespmem:v7+s29+$0x0], $0xffff  }
0x15b: {  	v5 =	vld.idx.msk [tilespmem:v7+s30+$0x0], $0xffff;
	_ =	sdelay $0x5  }
0x15c: {  	v4 =	vadd.f32 v5, v4;
	_ =	sdelay $0x1  }
0x15d: {  	v5 =	vshll.u32 v6, $0x3;
	v6 =	vadd.f32 $9.999999930e-09, v4  }
0x15e: {  	v4 =	vor.u32 v3, v5  }
0x15f: {  	(erf) = vrcp.f32 v6  }
.Ltmp7:
0x160: {  	(pc) =	sbr.rel @p2 .LBB2_13-.Ltmp7, $4  }
0x161: {  	_ = 	snop  }
0x162: {  	v5 =	vmov s3  }
0x163: {  	vm1 =	veq.s32 v5, v0;
	v5 =	vld.idx.msk [tilespmem:v4+s31+$0x0], $0xffff  }
0x164: {  	vm1 =	vmand vm1, vm0;
	v6 =	vor.u32 s3, v0;
	s3 =	sadd.s32 $0x10, s3  }
0x165: {  	v6 =	vshrl.u32 v6, $0x2;
	v7 =	vsel vm1, $0xFFFFFFFF, v1  }
0x166: {  	v6 =	vadd.s32 v7, v6  }
0x167: {  	v7 =	vshll.u32 v6, $0x4  }
0x168: {  	v7 =	vor.u32 v3, v7;
	v8 =	vpop (erf)  }
0x169: {  	v5 =	vmul.f32 v8, v5;
	_ =	sdelay $0x1  }
0x16a: {  	s2 =	sadd.s32 $0x10, s2;
	[tilespmem:v4+s20+$0x0] =	vst.idx.msk $0xffff, v5  }
0x16b: {  	[tilespmem:s2+$0x0] =	vst v5  }
0x16c: {  	v4 =	vld.idx.msk [tilespmem:v7+s29+$0x0], $0xffff  }
0x16d: {  	v5 =	vld.idx.msk [tilespmem:v7+s30+$0x0], $0xffff;
	_ =	sdelay $0x4  }
0x16e: {  	v4 =	vadd.f32 v5, v4;
	_ =	sdelay $0x1  }
0x16f: {  	v4 =	vadd.f32 $9.999999930e-09, v4  }
0x170: {  	v5 =	vshll.u32 v6, $0x3  }
0x171: {  	v5 =	vor.u32 v3, v5;
	(erf) = vrcp.f32 v4;
	_ =	sdelay $0x4  }
0x172: {  	v4 =	vld.idx.msk [tilespmem:v5+s31+$0x0], $0xffff;
	_ =	sdelay $0x3  }
0x173: {  	v6 =	vpop (erf)  }
0x174: {  	v4 =	vmul.f32 v6, v4;
	_ =	sdelay $0x1  }
0x175: {  	s2 =	sadd.s32 $0x10, s2;
	[tilespmem:v5+s20+$0x0] =	vst.idx.msk $0xffff, v4  }
0x176: {  	s15 =	simm.s32 $0x3D50;
	[tilespmem:s2+$0x0] =	vst v4  }
0x177: {  	v9 =	vld [tilespmem:s15+$0xFFFFFEB0]  }
0x178: {  	v14 =	vld [tilespmem:s15+$0xFFFFFFF0]  }
0x179: {  	v4 =	vld [tilespmem:s15+$0xFFFFFE70]  }
0x17a: {  	v7 =	vld [tilespmem:s15+$0xFFFFFF00]  }
0x17b: {  	v10 =	vld [tilespmem:s15+$0xFFFFFEE0]  }
0x17c: {  	v11 =	vld [tilespmem:s15+$0xFFFFFF90]  }
0x17d: {  	v15 =	vld [tilespmem:s15+$0xFFFFFE20]  }
0x17e: {  	v13 =	vld [tilespmem:s15+$0xFFFFFE50]  }
0x17f: {  	s26 =	simm.s32 $0x0;
	v5 =	vld [tilespmem:s15+$0xFFFFFEA0]  }
0x180: {  	v6 =	vld [tilespmem:s26+$0x5460]  }
0x181: {  	v12 =	vld [tilespmem:s15+$0xFFFFFED0]  }
0x182: {  	v16 =	vld [tilespmem:s15+$0xFFFFFE10]  }
0x183: {  	v17 =	vld [tilespmem:s15+$0xFFFFFFE0]  }
0x184: {  	v25 =	vld [tilespmem:s15+$0xFFFFFFD0]  }
0x185: {  	v23 =	vld [tilespmem:s15+$0xFFFFFFA0];
	v21 =	vbroadcast v6, $0x0;
	v8 =	vbroadcast v6, $0xF  }
0x186: {  	v24 =	vld [tilespmem:s15+$0xFFFFFE60];
	v22 =	vbroadcast v6, $0x2;
	v20 =	vbroadcast v6, $0xE  }
0x187: {  	v19 =	vld [tilespmem:s15+$0xFFFFFFC0];
	v18 =	vbroadcast v6, $0xC;
	v27 =	vmul.f32 v21, v16  }
0x188: {  	s3 =	simm.s32 $0x40;
	s2 =	simm.s32 $0x3D50;
	v16 =	vbroadcast v6, $0xD;
	v26 =	vmul.f32 v13, v22;
	v13 =	vld [tilespmem:s15+$0xFFFFFF70]  }
.LBB2_15:
0x189: {  	p2 =	sne.s32 s3, $0x240  }
0x18a: {  	[tilespmem:s15+$0xFFFFFE10] =	vst v27;
	v27 =	vld [tilespmem:s15+$0xFFFFFEC0];
	v25 =	vmul.f32 v25, v20;
	v14 =	vmul.f32 v14, v8;
	s2 =	sadd.s32 $0x200, s2;
	s26 =	smov.u32 s3;
	s3 =	sadd.s32 $0x40, s3  }
0x18b: {  	[tilespmem:s15+$0xFFFFFE50] =	vst v26;
	v26 =	vbroadcast v6, $0xA;
	v23 =	vmul.f32 v23, v18;
	v28 =	vld [tilespmem:s15+$0xFFFFFFB0]  }
0x18c: {  	v15 =	vmul.f32 v15, v21;
	v21 =	vmul.f32 v24, v22;
	v22 =	vld [tilespmem:s15+$0xFFFFFF80];
	[tilespmem:s15+$0xFFFFFFF0] =	vst v14  }
0x18d: {  	v14 =	vbroadcast v6, $0x5;
	v24 =	vld [tilespmem:s15+$0xFFFFFEF0];
	v19 =	vmul.f32 v19, v16;
	[tilespmem:s15+$0xFFFFFFD0] =	vst v25  }
0x18e: {  	v17 =	vmul.f32 v17, v20;
	[tilespmem:s15+$0xFFFFFE20] =	vst v15;
	v15 =	vbroadcast v6, $0x6;
	v25 =	vld [tilespmem:s15+$0xFFFFFF50]  }
0x18f: {  	v29 =	vbroadcast v6, $0xB;
	v9 =	vmul.f32 v9, v14;
	v20 =	vld [tilespmem:s15+$0xFFFFFE30];
	[tilespmem:s15+$0xFFFFFFA0] =	vst v23  }
0x190: {  	v23 =	vbroadcast v6, $0x9;
	[tilespmem:s15+$0xFFFFFE60] =	vst v21;
	v21 =	vld [tilespmem:s15+$0xFFFFFF30];
	v16 =	vmul.f32 v28, v16  }
0x191: {  	v14 =	vmul.f32 v27, v14;
	v27 =	vld [tilespmem:s15+$0xFFFFFF60];
	v22 =	vmul.f32 v22, v29;
	[tilespmem:s15+$0xFFFFFFE0] =	vst v17  }
0x192: {  	v11 =	vmul.f32 v11, v18;
	v17 =	vbroadcast v6, $0x7;
	v28 =	vld [tilespmem:s15+$0xFFFFFF40];
	[tilespmem:s15+$0xFFFFFFB0] =	vst v16  }
0x193: {  	v12 =	vmul.f32 v12, v15;
	v16 =	vbroadcast v6, $0x3;
	v18 =	vld [tilespmem:s15+$0xFFFFFF10];
	[tilespmem:s15+$0xFFFFFF80] =	vst v22  }
0x194: {  	v13 =	vmul.f32 v13, v29;
	v10 =	vmul.f32 v10, v15;
	v15 =	vld [tilespmem:s15+$0xFFFFFF20];
	[tilespmem:s15+$0xFFFFFF90] =	vst v11  }
0x195: {  	v22 =	vbroadcast v6, $0x8;
	v25 =	vmul.f32 v25, v26;
	v11 =	vld [tilespmem:s15+$0xFFFFFE40];
	[tilespmem:s15+$0xFFFFFFC0] =	vst v19  }
0x196: {  	v19 =	vbroadcast v6, $0x1;
	v29 =	vld [tilespmem:s15+$0xFFFFFE80];
	[tilespmem:s15+$0xFFFFFEE0] =	vst v10;
	v26 =	vmul.f32 v27, v26  }
0x197: {  	v7 =	vmul.f32 v7, v17;
	v10 =	vmul.f32 v24, v17;
	[tilespmem:s15+$0xFFFFFED0] =	vst v12;
	v12 =	vld [tilespmem:s15+$0x0]  }
0x198: {  	v24 =	vmul.f32 v28, v23;
	v17 =	vld [tilespmem:s15+$0xFFFFFE90];
	[tilespmem:s15+$0xFFFFFEB0] =	vst v9;
	v18 =	vmul.f32 v18, v22  }
0x199: {  	v9 =	vld [tilespmem:s2+$0xFFFFFEB0];
	[tilespmem:s15+$0xFFFFFF00] =	vst v7;
	v22 =	vmul.f32 v15, v22;
	v7 =	vmul.f32 v21, v23  }
0x19a: {  	v15 =	vmul.f32 v20, v19;
	v19 =	vmul.f32 v11, v19;
	[tilespmem:s15+$0xFFFFFF70] =	vst v13  }
0x19b: {  	v4 =	vmul.f32 v4, v16;
	v11 =	vmul.f32 v29, v16;
	[tilespmem:s15+$0xFFFFFEC0] =	vst v14  }
0x19c: {  	v6 =	vbroadcast v6, $0x4;
	[tilespmem:s15+$0xFFFFFE30] =	vst v15;
	v8 =	vmul.f32 v12, v8  }
0x19d: {  	[tilespmem:s15+$0xFFFFFE70] =	vst v4  }
0x19e: {  	v12 =	vmul.f32 v17, v6;
	v4 =	vmul.f32 v5, v6;
	[tilespmem:s15+$0xFFFFFF50] =	vst v25  }
0x19f: {  	[tilespmem:s15+$0xFFFFFEF0] =	vst v10  }
0x1a0: {  	[tilespmem:s15+$0x0] =	vst v8  }
0x1a1: {  	[tilespmem:s15+$0xFFFFFEA0] =	vst v4  }
0x1a2: {  	v14 =	vld [tilespmem:s2+$0xFFFFFFF0];
	[tilespmem:s15+$0xFFFFFE80] =	vst v11  }
0x1a3: {  	v4 =	vld [tilespmem:s2+$0xFFFFFE70];
	[tilespmem:s15+$0xFFFFFF30] =	vst v7  }
0x1a4: {  	v7 =	vld [tilespmem:s2+$0xFFFFFF00];
	[tilespmem:s15+$0xFFFFFF40] =	vst v24  }
0x1a5: {  	v10 =	vld [tilespmem:s2+$0xFFFFFEE0];
	[tilespmem:s15+$0xFFFFFE90] =	vst v12  }
0x1a6: {  	v11 =	vld [tilespmem:s2+$0xFFFFFF90];
	[tilespmem:s15+$0xFFFFFF60] =	vst v26  }
0x1a7: {  	v15 =	vld [tilespmem:s2+$0xFFFFFE20];
	[tilespmem:s15+$0xFFFFFF10] =	vst v18  }
0x1a8: {  	v13 =	vld [tilespmem:s2+$0xFFFFFE50];
	[tilespmem:s15+$0xFFFFFE40] =	vst v19  }
0x1a9: {  	s26 =	sshra.s32 s26, $0x2;
	v5 =	vld [tilespmem:s2+$0xFFFFFEA0];
	[tilespmem:s15+$0xFFFFFF20] =	vst v22;
	s15 =	smov.u32 s2  }
0x1aa: {  	v6 =	vld [tilespmem:s26+$0x5460]  }
0x1ab: {  	v12 =	vld [tilespmem:s2+$0xFFFFFED0]  }
0x1ac: {  	v16 =	vld [tilespmem:s2+$0xFFFFFE10]  }
0x1ad: {  	v17 =	vld [tilespmem:s2+$0xFFFFFFE0]  }
.Ltmp8:
0x1ae: {  	v25 =	vld [tilespmem:s2+$0xFFFFFFD0];
	(pc) =	sbr.rel @p2 .LBB2_15-.Ltmp8, $4  }
0x1af: {  	v21 =	vbroadcast v6, $0x0;
	v23 =	vld [tilespmem:s2+$0xFFFFFFA0];
	v8 =	vbroadcast v6, $0xF  }
0x1b0: {  	v22 =	vbroadcast v6, $0x2;
	v20 =	vbroadcast v6, $0xE;
	v24 =	vld [tilespmem:s2+$0xFFFFFE60]  }
0x1b1: {  	v27 =	vmul.f32 v21, v16;
	v16 =	vbroadcast v6, $0xD;
	v19 =	vld [tilespmem:s2+$0xFFFFFFC0]  }
0x1b2: {  	v18 =	vbroadcast v6, $0xC;
	v26 =	vmul.f32 v13, v22;
	v13 =	vld [tilespmem:s2+$0xFFFFFF70]  }
0x1b3: {  	[tilespmem:s15+$0xFFFFFE10] =	vst v27;
	v14 =	vmul.f32 v14, v8  }
0x1b4: {  	v25 =	vmul.f32 v25, v20;
	[tilespmem:s15+$0xFFFFFE50] =	vst v26  }
0x1b5: {  	v15 =	vmul.f32 v15, v21;
	[tilespmem:s15+$0xFFFFFFF0] =	vst v14  }
0x1b6: {  	v34 =	vmul.f32 v17, v20;
	[tilespmem:s15+$0xFFFFFFD0] =	vst v25  }
0x1b7: {  	v32 =	vmul.f32 v23, v18;
	[tilespmem:s15+$0xFFFFFE20] =	vst v15  }
0x1b8: {  	v40 =	vbroadcast v6, $0x6;
	v11 =	vmul.f32 v11, v18;
	[tilespmem:s15+$0xFFFFFFE0] =	vst v34  }
0x1b9: {  	v22 =	vmul.f32 v24, v22;
	[tilespmem:s15+$0xFFFFFFA0] =	vst v32  }
0x1ba: {  	v44 =	vbroadcast v6, $0x5;
	v10 =	vmul.f32 v10, v40;
	[tilespmem:s15+$0xFFFFFF90] =	vst v11  }
0x1bb: {  	v46 =	vbroadcast v6, $0x7;
	v12 =	vmul.f32 v12, v40;
	[tilespmem:s15+$0xFFFFFE60] =	vst v22  }
0x1bc: {  	v53 =	vbroadcast v6, $0x3;
	v9 =	vmul.f32 v9, v44;
	[tilespmem:s15+$0xFFFFFEE0] =	vst v10  }
0x1bd: {  	v30 =	vld [tilespmem:s15+$0xFFFFFFB0];
	v58 =	vbroadcast v6, $0x4;
	v7 =	vmul.f32 v7, v46;
	[tilespmem:s15+$0xFFFFFED0] =	vst v12  }
0x1be: {  	v31 =	vld [tilespmem:s15+$0xFFFFFF80];
	v4 =	vmul.f32 v4, v53;
	[tilespmem:s15+$0xFFFFFEB0] =	vst v9  }
0x1bf: {  	v33 =	vld [tilespmem:s15+$0xFFFFFEC0];
	v36 =	vbroadcast v6, $0xB;
	v5 =	vmul.f32 v5, v58;
	[tilespmem:s15+$0xFFFFFF00] =	vst v7  }
0x1c0: {  	v35 =	vld [tilespmem:s15+$0xFFFFFE30];
	v42 =	vmul.f32 v19, v16;
	[tilespmem:s15+$0xFFFFFE70] =	vst v4  }
0x1c1: {  	v39 =	vld [tilespmem:s15+$0xFFFFFF50];
	v13 =	vmul.f32 v13, v36;
	[tilespmem:s15+$0xFFFFFEA0] =	vst v5  }
0x1c2: {  	v37 =	vld [tilespmem:s15+$0xFFFFFEF0];
	v38 =	vmul.f32 v30, v16;
	[tilespmem:s15+$0xFFFFFFC0] =	vst v42  }
0x1c3: {  	v51 =	vbroadcast v6, $0x1;
	v54 =	vld [tilespmem:s15+$0x0];
	v21 =	vmul.f32 v31, v36;
	[tilespmem:s15+$0xFFFFFF70] =	vst v13  }
0x1c4: {  	v48 =	vld [tilespmem:s15+$0xFFFFFE80];
	v55 =	vbroadcast v6, $0xA;
	v52 =	vmul.f32 v33, v44;
	[tilespmem:s15+$0xFFFFFFB0] =	vst v38  }
0x1c5: {  	v45 =	vld [tilespmem:s15+$0xFFFFFF40];
	v17 =	vmul.f32 v35, v51;
	[tilespmem:s15+$0xFFFFFF80] =	vst v21  }
0x1c6: {  	v49 =	vld [tilespmem:s15+$0xFFFFFE90];
	v57 =	vmul.f32 v39, v55;
	[tilespmem:s15+$0xFFFFFEC0] =	vst v52  }
0x1c7: {  	v43 =	vld [tilespmem:s15+$0xFFFFFF30];
	v11 =	vmul.f32 v37, v46;
	[tilespmem:s15+$0xFFFFFE30] =	vst v17  }
0x1c8: {  	v56 =	vld [tilespmem:s15+$0xFFFFFE40];
	v59 =	vbroadcast v6, $0x9;
	v4 =	vmul.f32 v54, v8;
	[tilespmem:s15+$0xFFFFFF50] =	vst v57  }
0x1c9: {  	v41 =	vld [tilespmem:s15+$0xFFFFFF60];
	v60 =	vmul.f32 v48, v53;
	[tilespmem:s15+$0xFFFFFEF0] =	vst v11  }
0x1ca: {  	v47 =	vld [tilespmem:s15+$0xFFFFFF10];
	v5 =	vmul.f32 v45, v59;
	[tilespmem:s15+$0x0] =	vst v4  }
0x1cb: {  	v50 =	vld [tilespmem:s15+$0xFFFFFF20];
	v62 =	vmul.f32 v49, v58;
	[tilespmem:s15+$0xFFFFFE80] =	vst v60  }
0x1cc: {  	v4 =	vmul.f32 v43, v59;
	[tilespmem:s15+$0xFFFFFF40] =	vst v5  }
0x1cd: {  	v61 =	vbroadcast v6, $0x8;
	v63 =	vmul.f32 v56, v51;
	[tilespmem:s15+$0xFFFFFE90] =	vst v62  }
0x1ce: {  	[tilespmem:s15+$0xFFFFFF30] =	vst v4;
	v4 =	vmul.f32 v41, v55  }
0x1cf: {  	v5 =	vmul.f32 v47, v61;
	[tilespmem:s15+$0xFFFFFE40] =	vst v63  }
0x1d0: {  	[tilespmem:s15+$0xFFFFFF60] =	vst v4;
	v4 =	vmul.f32 v50, v61  }
0x1d1: {  	[tilespmem:s15+$0xFFFFFF10] =	vst v5  }
0x1d2: {  	s2 =	sadd.s32 s12, s14;
	[tilespmem:s15+$0xFFFFFF20] =	vst v4  }
0x1d3: {  	[hbm4b:s2+s4] =	stream.linear.scatter [tilespmem:s20], [sflag:$0x6], $0x140, $0x38;
	[tilespmem:$0x19780] =	vst v63  }
.Ltmp9:
0x1d4: {  	s26 =	rddreg [dreg:$0x2];
	s3 =	simm.s32 $0x3B60;
	(pc) =	sbr.rel @p1 .LBB2_18-.Ltmp9, $4  }
0x1d5: {  	[spmem:s26] =	stream.indirect.scatter.add.f32 [tilespmem:s3], [sflag:$0x7], $0x80, s12, s21, $0xb8;
	[tilespmem:$0x19780] =	vst v63  }
0x1d6: {  	_ =	swait.ge [sflag:s18], $0x1400  }
0x1d7: {  	[sflag:s18] =	ssyncset.done $0x0  }
0x1d8: {  	s12 =	simm.s32 $0x3B60;
	[sflag:s18] =	ssyncadd.s32 $0xFFFFEC00  }
0x1d9: {  	_ =	swait.ge [sflag:s13], $0x28  }
0x1da: {  	[sflag:s13] =	ssyncset.done $0x0  }
0x1db: {  	s2 =	smul.u32 $0x28, s10;
	s3 =	simm.s32 $0x2738;
	[sflag:s13] =	ssyncadd.s32 $0xFFFFFFD8  }
0x1dc: {  	[tilespmem:s12], [sflag:$0x2] =	stream.indirect.gather [hbm4b:s28+s21], $0x80, s3, s21, $0xb8;
	[tilespmem:$0x19780] =	vst v63  }
0x1dd: {  	_ = 	snop  }
0x1de: {  	[tilespmem:s29], [sflag:$0x2] =	stream.indirect.gather [hbm4b:s7+s21], $0x10, s2, s21, $0xb8;
	[tilespmem:$0x19780] =	vst v63  }
.Ltmp10:
0x1df: {  	_ = 	snop;
	(pc) =	sbr.rel .LBB2_8-.Ltmp10, $4  }
0x1e0: {  	_ = 	snop  }
0x1e1: {  	[tilespmem:s30], [sflag:$0x2] =	stream.indirect.gather [hbm4b:s8+s21], $0x10, s2, s21, $0xb8;
	[tilespmem:$0x19780] =	vst v63  }
0x1e2: {  	s25 =	sadd.s32 $0x1, s25;
	s2 =	sadd.s32 s2, s11  }
0x1e3: {  	[tilespmem:s31], [sflag:$0x2] =	stream.linear.gather [hbm4b:s2+s4], $0x140, $0x38;
	[tilespmem:$0x19780] =	vst v63  }
.LBB2_19:
0x1e4: {  	_ =	sfence.sel $0x180000  }
0x1e5: {  	[bflag:$0x0] =	sbarrier.arrive $0xFFFF  }
0x1e6: {  	_ =	strace $0x9000004A  }
0x1e7: {  	s0 =	stileid.u32;
	[bflag:$0x2] =	sbarrier.arrive $0xFFFF  }
0x1e8: {  	p0 =	sne.s32 s0, $0x0;
	s0 =	rddreg [dreg:$0x3]  }
0x1e9: {  	s0 =	sadd.s32 @!p0 $0x100000, s0  }
0x1ea: {  	[sflag:s0] =	ssyncadd.tile.s32 @!p0 $0x1;
	_ =	shalt  }
.Lfunc_end2:
_tile_overlayer_lowered:
.L_overlay_start_2:
0x1eb: {  	(tag) =	ssettag $0x2  }
0x1ec: {  	s0 =	rddreg [dreg:$0x0];
	s2 =	stileid.u32  }
0x1ed: {  	s1 =	rddreg [dreg:$0x1];
	p0 =	sne.s32 s2, $0x0  }
0x1ee: {  	s3 =	rddreg [dreg:$0x2];
	[bflag:$0x3] =	sbarrier.arrive $0xFFFF;
	s2 =	simm.s32 @!p0 $0x1C07  }
0x1ef: {  	[timem:s3], [sflag:s2] =	dma.local @!p0 [hbm:s0], s1  }
0x1f0: {  	s0 =	simm.s32 @!p0 $0x7  }
0x1f1: {  	_ =	swait.ge @!p0 [sflag:s0], s1  }
0x1f2: {  	s1 =	ssub.s32 @!p0 $0x0, s1;
	[sflag:s0] =	ssyncset.done @!p0 $0x0  }
0x1f3: {  	[sflag:s0] =	ssyncadd.s32 @!p0 s1  }
0x1f4: {  	[bflag:$0x3] =	sbarrier.arrive $0xFFFF  }
0x1f5: {  	_ =	shalt  }

// kernel: kernel.7.cloned.1.call-start
scs
__scs_entry_jumppad:
0x0: {  	(pc) =	sbr.rel $0x88, $3  }
0x1: {  	(tag) =	ssettag $0x0;
	lr =	simm.s32 $0x1  }
0x2: {  	[smem:$0x3F9C] =	sst lr;
	_ =	strace $0xD0000000  }
0x3: {  	_ = 	snop  }
0x4: {  	_ = 	snop  }
0x5: {  	_ = 	snop  }
0x6: {  	_ = 	snop  }
0x7: {  	_ = 	snop  }
__scs_overlays_trampoline_lowered:
0x8: {  	[smem:$0x3FAB] =	sst s0  }
0x9: {  	[smem:$0x3FAC] =	sst s1  }
0xa: {  	[smem:$0x3FAD] =	sst s2  }
0xb: {  	[smem:$0x3FAE] =	sst s3  }
0xc: {  	[smem:$0x3FAF] =	sst s4  }
0xd: {  	[smem:$0x3FB0] =	sst s5  }
0xe: {  	[smem:$0x3FB1] =	sst s6  }
0xf: {  	[smem:$0x3FB2] =	sst s7  }
0x10: {  	[smem:$0x3FB3] =	sst s8  }
0x11: {  	[smem:$0x3FB4] =	sst s9;
	s0 =	simm.s32 @!p0 $0x0  }
0x12: {  	s1 =	sld [smem:$0x3F9A];
	s0 =	simm.s32 @p0 $0x1  }
0x13: {  	[smem:$0x3FB5] =	sst s0;
	s0 =	simm.s32 @!p1 $0x0  }
0x14: {  	s2 =	sld [smem:$0x3F99];
	s0 =	simm.s32 @p1 $0x1  }
0x15: {  	[smem:$0x3FB6] =	sst s0;
	s0 =	simm.s32 @!p2 $0x0  }
0x16: {  	s3 =	sld [smem:$0x3FDB];
	s0 =	simm.s32 @p2 $0x1  }
0x17: {  	s4 =	simm.s32 $0x1BF5;
	[smem:$0x3FB8] =	sst s0  }
0x18: {  	s0 =	sld [smem:$0x3F9B];
	_ =	swait.ge [sflag:s4], $0x0  }
0x19: {  	s7 =	sld [smem:$0x3F9C]  }
0x1a: {  	s8 =	sadd.s32 $0xFFFFE003, lr  }
0x1b: {  	s9 =	sadd.s32 $0xFFFFFEF7, lr;
	s5 =	simm.s32 $0xFFFFFFFF;
	p2 =	slt.u32 s8, $0xFFFFF086  }
0x1c: {  	p1 =	slt.u32 s9, $0xF7A;
	s5 =	simm.s32 @!p2 $0x0  }
0x1d: {  	s5 =	simm.s32 @p1 $0x1;
	p0 =	seq.s32 s7, s2  }
0x1e: {  	s7 =	smul.u32 @!p0 $0xF7A, s2;
	p2 =	seq.s32 @!p0 s5, $0x0  }
0x1f: {  	s9 =	smul.u32 $0xF7A, s1;
	s8 =	simm.s32 @!p0 $0x1BF5;
	p2 =	por !p2, p0  }
0x20: {  	[sflag:s8] =	ssyncset.s32 @!p0 $0xFFFFF086;
	s6 =	sadd.s32 @!p0 s3, s7;
	s7 =	simm.s32 @!p0 $0x108  }
0x21: {  	s3 =	sadd.s32 s3, s9;
	s6 =	sadd.s32 @!p0 $0x88, s6;
	s7 =	simm.s32 @p2 $0x1082  }
0x22: {  	[simem:s7], [sflag:s8] =	dma.local @!p0 [hbm:s6], $0xF7A  }
0x23: {  	s9 =	sor.u32 $0xD0000000, s2;
	s6 =	simm.s32 $0x108;
	_ =	swait.ge @!p0 [sflag:s8], $0x0  }
0x24: {  	s3 =	sadd.s32 $0x88, s3;
	s6 =	simm.s32 @!p1 $0x1082;
	[sflag:s4] =	ssyncset.s32 $0xFFFFF086  }
0x25: {  	[simem:s6], [sflag:s4] =	dma.local [hbm:s3], $0xF7A  }
0x26: {  	[smem:$0x3F9C] =	sst s1;
	(tag) =	ssettag s2;
	_ =	strace s9  }
0x27: {  	s1 =	sld [smem:$0x3FAC]  }
0x28: {  	s2 =	sld [smem:$0x3FAD]  }
0x29: {  	s4 =	sld [smem:$0x3FAF]  }
0x2a: {  	p0 =	seq.s32 s5, $0x0;
	s5 =	sld [smem:$0x3FB0]  }
0x2b: {  	s6 =	sld [smem:$0x3FB1]  }
0x2c: {  	s7 =	sld [smem:$0x3FB2]  }
0x2d: {  	s3 =	simm.s32 $0x108;
	s8 =	sld [smem:$0x3FB3]  }
0x2e: {  	s3 =	simm.s32 @!p0 $0x1082;
	s9 =	sld [smem:$0x3FB4]  }
0x2f: {  	lr =	sadd.s32 s0, s3;
	s0 =	sld [smem:$0x3FAB]  }
0x30: {  	s3 =	sld [smem:$0x3FAE]  }
0x31: {  	[smem:$0x3FB7] =	sst s10  }
0x32: {  	s10 =	sld [smem:$0x3FB5];
	_ =	sdelay $0x3  }
0x33: {  	p0 =	seq.s32 s10, $0x1;
	s10 =	sld [smem:$0x3FB7];
	_ =	sdelay $0x3  }
0x34: {  	[smem:$0x3FB7] =	sst s10  }
0x35: {  	s10 =	sld [smem:$0x3FB6];
	_ =	sdelay $0x3  }
0x36: {  	p1 =	seq.s32 s10, $0x1;
	s10 =	sld [smem:$0x3FB7];
	_ =	sdelay $0x3  }
0x37: {  	[smem:$0x3FB7] =	sst s10  }
0x38: {  	s10 =	sld [smem:$0x3FB8]  }
0x39: {  	_ = 	snop;
	(pc) =	sbr.ind lr, $3  }
0x3a: {  	_ = 	snop  }
0x3b: {  	_ = 	snop  }
0x3c: {  	p2 =	seq.s32 s10, $0x1;
	s10 =	sld [smem:$0x3FB7]  }
0x3d: {  	_ =	shalt  }
0x3e: {  	_ =	shalt  }
0x3f: {  	_ =	shalt  }
0x40: {  	_ =	shalt  }
0x41: {  	_ =	shalt  }
0x42: {  	_ =	shalt  }
0x43: {  	_ =	shalt  }
0x44: {  	_ =	shalt  }
0x45: {  	_ =	shalt  }
0x46: {  	_ =	shalt  }
0x47: {  	_ =	shalt  }
0x48: {  	_ =	shalt  }
0x49: {  	_ =	shalt  }
0x4a: {  	_ =	shalt  }
0x4b: {  	_ =	shalt  }
0x4c: {  	_ =	shalt  }
0x4d: {  	_ =	shalt  }
0x4e: {  	_ =	shalt  }
0x4f: {  	_ =	shalt  }
0x50: {  	_ =	shalt  }
0x51: {  	_ =	shalt  }
0x52: {  	_ =	shalt  }
0x53: {  	_ =	shalt  }
0x54: {  	_ =	shalt  }
0x55: {  	_ =	shalt  }
0x56: {  	_ =	shalt  }
0x57: {  	_ =	shalt  }
0x58: {  	_ =	shalt  }
0x59: {  	_ =	shalt  }
0x5a: {  	_ =	shalt  }
0x5b: {  	_ =	shalt  }
0x5c: {  	_ =	shalt  }
0x5d: {  	_ =	shalt  }
0x5e: {  	_ =	shalt  }
0x5f: {  	_ =	shalt  }
0x60: {  	_ =	shalt  }
0x61: {  	_ =	shalt  }
0x62: {  	_ =	shalt  }
0x63: {  	_ =	shalt  }
0x64: {  	_ =	shalt  }
0x65: {  	_ =	shalt  }
0x66: {  	_ =	shalt  }
0x67: {  	_ =	shalt  }
0x68: {  	_ =	shalt  }
0x69: {  	_ =	shalt  }
0x6a: {  	_ =	shalt  }
0x6b: {  	_ =	shalt  }
0x6c: {  	_ =	shalt  }
0x6d: {  	_ =	shalt  }
0x6e: {  	_ =	shalt  }
0x6f: {  	_ =	shalt  }
0x70: {  	_ =	shalt  }
0x71: {  	_ =	shalt  }
0x72: {  	_ =	shalt  }
0x73: {  	_ =	shalt  }
0x74: {  	_ =	shalt  }
0x75: {  	_ =	shalt  }
0x76: {  	_ =	shalt  }
0x77: {  	_ =	shalt  }
0x78: {  	_ =	shalt  }
0x79: {  	_ =	shalt  }
0x7a: {  	_ =	shalt  }
0x7b: {  	_ =	shalt  }
0x7c: {  	_ =	shalt  }
0x7d: {  	_ =	shalt  }
0x7e: {  	_ =	shalt  }
0x7f: {  	_ =	shalt  }
0x80: {  	_ =	shalt  }
0x81: {  	_ =	shalt  }
0x82: {  	_ =	shalt  }
0x83: {  	_ =	shalt  }
0x84: {  	_ =	shalt  }
0x85: {  	_ =	shalt  }
0x86: {  	_ =	shalt  }
0x87: {  	_ =	shalt  }
.Lfunc_end0:
.L_simem_size_0:
called_computation_lowered:
.L_overlay_start_0:
0x88: {  	s2 =	sld [smem:$0x3FD9]  }
0x89: {  	s3 =	sld [smem:$0x3FFE];
	_ =	sdelay $0x1  }
0x8a: {  	s1 =	srdreg.scid  }
0x8b: {  	s0 =	sand.u32 $0x1, s1  }
0x8c: {  	s14 =	sshll.u32 s0, $0xA;
	s2 =	sadd.s32 s3, s2  }
0x8d: {  	s2 =	sadd.s32 s2, s14  }
0x8e: {  	[smem:$0x3FC3] =	sst s2  }
0x8f: {  	_ = 	snop  }
0x90: {  	s2 =	sld [smem:$0x3FD0];
	_ =	sdelay $0x2  }
0x91: {  	s15 =	simm.s32 $0xA;
	s4 =	simm.s32 $0x10  }
0x92: {  	[smem:s4], [sflag:s15] =	dma.local [hbm:s2], $0x1  }
0x93: {  	_ =	swait.eq [sflag:s15], $0x1  }
0x94: {  	[sflag:s15] =	ssyncset.done $0x0  }
0x95: {  	[sflag:s15] =	ssyncadd.s32 $0xFFFFFFFF  }
0x96: {  	s16 =	sld [smem:$0x10];
	(tm) =	ssettm $0x1  }
0x97: {  	s17 =	sld [smem:$0x3FFB];
	_ =	sdelay $0x3  }
0x98: {  	_ =	strace s17  }
0x99: {  	s3 =	sld [smem:$0x3FFC];
	_ =	sdelay $0x3  }
0x9a: {  	_ =	strace s3  }
0x9b: {  	s3 =	sld [smem:$0x3FFD];
	_ =	sdelay $0x3  }
0x9c: {  	_ =	strace s3  }
0x9d: {  	_ =	strace $0x8FFFFFFF  }
0x9e: {  	s18 =	sld [smem:$0x3FDB];
	_ =	sdelay $0x1  }
0x9f: {  	s19 =	simm.s32 $_scs_section_size  }
0xa0: {  	s5 =	simm.s32 $_size__tile_overlayer_lowered;
	s6 =	simm.s32 $_tile_overlayer_lowered  }
0xa1: {  	s22 =	simm.s32 $0x1BFF;
	s21 =	sshll.u32 s6, $0x1;
	s3 =	sadd.s32 s19, s18  }
0xa2: {  	s7 =	simm.s32 $0x0;
	s20 =	sshll.u32 s5, $0x1;
	s5 =	sadd.s32 s21, s3  }
0xa3: {  	[timem:s7], [sflag:s22] =	dma.local [hbm:s5], s20  }
0xa4: {  	_ =	swait.ge [sflag:s22], s20  }
0xa5: {  	s4 =	ssub.s32 $0x0, s20;
	[sflag:s22] =	ssyncset.done $0x0  }
0xa6: {  	[sflag:s22] =	ssyncadd.s32 s4;
	_ =	sdelay $0x1  }
0xa7: {  	s23 =	simm.s32 $0x1B8B  }
0xa8: {  	_ =	swait.ge [sflag:s23], $0x1  }
0xa9: {  	[sflag:s23] =	ssyncset.done $0x0  }
0xaa: {  	s25 =	simm.s32 $0x1B8E;
	s24 =	sld [smem:$0x3FFE];
	[sflag:s23] =	ssyncadd.s32 $0xFFFFFFFF  }
0xab: {  	s26 =	simm.s32 $execute0_lowered;
	[smem:$0x3FD2] =	sst s25  }
0xac: {  	s5 =	sshll.u32 s26, $0x1;
	_ =	strace $0x80000046;
	[dreg:$0x1] =	wrdreg $0xFFFFFFFF  }
0xad: {  	s28 =	simm.s32 $_size_execute0_lowered;
	s3 =	sadd.s32 s3, s5;
	[dreg:$0x0] =	wrdreg $0x0  }
0xae: {  	s5 =	sshll.u32 s28, $0x1;
	[dreg:$0x2] =	wrdreg s3  }
0xaf: {  	[dreg:$0x3] =	wrdreg s5  }
0xb0: {  	[dreg:$0x4] =	wrdreg $0xC0  }
0xb1: {  	_ =	task [dreg:s7], $0x5FFFF  }
0xb2: {  	[dreg:$0x1] =	wrdreg $0xFFFFFFFF  }
0xb3: {  	[dreg:$0x0] =	wrdreg $0x60  }
0xb4: {  	[dreg:$0x2] =	wrdreg s24  }
0xb5: {  	[dreg:$0x3] =	wrdreg s16  }
0xb6: {  	[dreg:$0x4] =	wrdreg $0xE3300  }
0xb7: {  	[dreg:$0x5] =	wrdreg $0x9  }
0xb8: {  	_ =	task.clear_ibuf [dreg:s7], $0x6FFFF;
	_ =	strace $0x90000046  }
0xb9: {  	s29 =	simm.s32 $0x9;
	_ =	strace $0x80000048  }
0xba: {  	_ =	swait.ge [sflag:s29], $0x1  }
0xbb: {  	[sflag:s29] =	ssyncadd.s32 $0xFFFFFFFF  }
0xbc: {  	_ =	strace $0x90000048  }
0xbd: {  	_ =	sfence  }
0xbe: {  	s30 =	sld [smem:$0x0];
	_ =	sdelay $0x2  }
0xbf: {  	s31 =	sshll.u32 s1, $0xD;
	s1 =	sshrl.u32 s1, $0x2  }
0xc0: {  	s3 =	sand.u32 $0x4000, s31;
	s1 =	sadd.s32 s1, s30  }
0xc1: {  	s0 =	sor.u32 s3, s0;
	s1 =	sshll.u32 s1, $0x11  }
0xc2: {  	s0 =	sor.u32 s1, s0  }
0xc3: {  	s0 =	sadd.s32 $0x8F2B, s0  }
0xc4: {  	[sflag:s0] =	ssyncadd.remote.s32 $0x1  }
0xc5: {  	_ =	sfence.sel $0xFFFF  }
0xc6: {  	[dreg:$0x0] =	wrdreg $0xFFFFFFFF;
	(pc) =	sbr.abs _section_cstart, $3  }
0xc7: {  	[dreg:$0x1] =	wrdreg $0xFFFFFFFF  }
0xc8: {  	_ =	task.clear_ibuf [dreg:s7], $0x2FFFF;
	_ =	strace $0x9FFFFFFF  }
0xc9: {  	(tm) =	ssettm $0x7FFFFFFF  }
tec
execute0_lowered:
.L_overlay_start_1:
0x0: {  	(tag) =	ssettag $0x1  }
0x1: {  	s0 =	srdreg.scid;
	s1 =	rddreg [dreg:$0x0]  }
0x2: {  	s2 =	rddreg [dreg:$0x1];
	s15 =	stileid.u32  }
0x3: {  	s3 =	rddreg [dreg:$0x2];
	s28 =	simm.s32 $0x2760;
	s31 =	simm.s32 $0xCCB0  }
0x4: {  	s18 =	simm.s32 $0x4;
	s19 =	simm.s32 $0x6;
	s17 =	simm.s32 $0x0  }
0x5: {  	s0 =	sand.u32 $0x1, s0;
	s10 =	smul.u32 $0x3E80, s15;
	s6 =	sadd.s32 $0x1C00, s1  }
0x6: {  	s7 =	sadd.s32 $0x15800, s1;
	s14 =	sadd.s32 $0x3CA00, s1;
	p1 =	slt.u32 s15, $0xA  }
0x7: {  	s21 =	smul.u32 $0xFA00, s15;
	s4 =	sshll.u32 s0, $0x4;
	s13 =	ssub.s32 $0x2, s0  }
0x8: {  	p0 =	seq.s32 s0, $0x0;
	p2 =	seq.s32 s0, $0x1;
	s8 =	sor.u32 s15, s4  }
0x9: {  	s4 =	simm.s32 $0x0;
	s12 =	sshrl.u32 s10, $0x3;
	s20 =	sshrl.u32 s13, $0x1  }
0xa: {  	v0 =	vimm.s32 $0x76543210;
	v1 =	vimm.s32 $0xFEDCBA98;
	v2 =	vimm.s32 $0xBA98FEDC;
	p0 =	por !p1, !p0;
	s23 =	sadd.s32 s10, s3;
	p1 =	por !p1, !p2  }
0xb: {  	v3 =	vimm.s32 $0x32107654;
	v6 =	vimm.s32 $0x54761032;
	s24 =	sshrl.u32 s21, $0x2;
	p2 =	sgt.u32 s15, $0x9;
	s10 =	simm.s32 $0x1  }
0xc: {  	vm0 =	vcmask $0x3F04;
	vm1 =	vcmask $0x3F30;
	vm2 =	vcmask $0x3F20;
	s15 =	simm.s32 $0xCA30;
	s5 =	smul.u32 $0x2710, s8;
	[smem:$0x7FF] =	sst s4  }
0xd: {  	vm3 =	vcmask $0x1310;
	vm4 =	vcmask $0x300;
	v1 =	vunpack.c.l.s4.s8 v1;
	s8 =	smul.u32 $0x13880, s8;
	s13 =	ssub.s32 s13, s20;
	p0 =	por !p0, !p0  }
0xe: {  	vm5 =	vcmask $0x1F14;
	vm6 =	vcmask $0xF04;
	v2 =	vunpack.c.l.s4.s8 v2;
	s0 =	sadd.s32 s24, s3;
	_ =	strace $0x80000047;
	[dreg:$0x9] =	wrdreg s23  }
0xf: {  	v4 =	vunpack.c.l.s4.s8 v0;
	v3 =	vunpack.c.l.s4.s8 v3;
	v1 =	vunpack.c.0.s8.s32 v1;
	p1 =	por !p1, !p1;
	s25 =	smax.u32 s13, $0x1;
	[dreg:$0xb] =	wrdreg s0  }
0x10: {  	v0 =	vlaneseq.u32;
	v6 =	vunpack.c.l.s4.s8 v6;
	v2 =	vunpack.c.0.s8.s32 v2;
	s24 =	simm.s32 $0x50;
	s26 =	sadd.s32 $0xC80, s0;
	[dreg:$0xc] =	wrdreg s25  }
0x11: {  	v3 =	vunpack.c.0.s8.s32 v3;
	v5 =	vand.u32 $0xF, v1;
	v1 =	vimm.s32 $0xDCFE98BA;
	s29 =	sadd.s32 $0x1900, s0;
	s30 =	sadd.s32 $0x2580, s0;
	[dreg:$0xd] =	wrdreg s26  }
0x12: {  	vm3 =	vmor vm4, vm3;
	v4 =	vunpack.c.0.s8.s32 v4;
	s0 =	sadd.s32 $0x3200, s0;
	s23 =	simm.s32 $0x2710;
	v8 =	vunpack.c.l.s4.s8 v1;
	[dreg:$0xe] =	wrdreg s29  }
0x13: {  	vm4 =	vcmask $0x2320;
	vm5 =	vmor vm6, vm5;
	v7 =	vcombine.low v3, v2;
	s13 =	simm.s32 $0x5;
	s9 =	sshrl.u32 s5, $0x3;
	[dreg:$0xf] =	wrdreg s30  }
0x14: {  	v6 =	vunpack.c.0.s8.s32 v6;
	v3 =	vcombine.low v5, v4;
	[dreg:$0x10] =	wrdreg s0;
	s11 =	sadd.s32 s9, s1;
	s9 =	sadd.s32 s6, s9;
	v5 =	vunpack.c.0.s8.s32 v8  }
0x15: {  	vm6 =	vcmask $0x2F24;
	s8 =	sshrl.u32 s8, $0x3;
	v4 =	vand.u32 $0xF, v7;
	v7 =	vimm.s32 $0xEFCDAB89;
	s11 =	sadd.s32 $0xBA00, s11;
	[dreg:$0x4] =	wrdreg s9  }
0x16: {  	s8 =	sadd.s32 s14, s8;
	s9 =	sadd.s32 $0xA, s9;
	[dreg:$0x5] =	wrdreg s11;
	v5 =	vcombine.low v6, v5;
	v6 =	vunpack.c.l.s4.s8 v7;
	v7 =	vimm.s32 $0x67452301  }
0x17: {  	vm3 =	vmor vm3, vm4;
	vm4 =	vcmask $0x3330;
	s1 =	sadd.s32 s12, s1;
	s8 =	sadd.s32 $0x26C0, s8;
	[dreg:$0x6] =	wrdreg s9;
	v7 =	vunpack.c.l.s4.s8 v7  }
0x18: {  	vm5 =	vmor vm5, vm6;
	vm6 =	vcmask $0x3F34;
	vm3 =	vmor vm3, vm4;
	s26 =	simm.s32 $0x77B0;
	s22 =	sadd.s32 $0x8AC00, s1;
	[dreg:$0x7] =	wrdreg s8  }
0x19: {  	vm4 =	vmmov $0xf;
	s12 =	sadd.s32 s14, s5;
	s1 =	sadd.s32 $0x8FC00, s1;
	[dreg:$0x8] =	wrdreg s22;
	v6 =	vunpack.c.0.s8.s32 v6;
	v7 =	vunpack.c.0.s8.s32 v7  }
0x1a: {  	vm5 =	vmor vm5, vm6;
	v2 =	vimm.f32 $0.0e+00;
	v1 =	vimm.s32 $0x0;
	[dreg:$0xa] =	wrdreg s1;
	s22 =	simm.s32 $0x7;
	s1 =	simm.s32 $0xD1B0  }
0x1b: {  	v8 =	vand.u32 $0x3, v0;
	s9 =	simm.s32 $0xD6B0;
	s11 =	simm.s32 $0xC7B0;
	s8 =	simm.s32 $0x2;
	v6 =	vcombine.low v7, v6;
	v7 =	vshrl.u32 v0, $0x2  }
.LBB2_1:
0x1c: {  	s0 =	rddreg [dreg:$0x5]  }
0x1d: {  	[tilespmem:s4], [sflag:$0x7] =	stream.linear.gather [hbm4b:s0+s4], $0x2710, $0x38;
	[tilespmem:$0x10A40] =	vst v63  }
0x1e: {  	_ =	swait.ge [sflag:s22], $0x2710  }
0x1f: {  	[sflag:s22] =	ssyncset.done $0x0  }
0x20: {  	s20 =	rddreg [dreg:$0x4];
	[sflag:s22] =	ssyncadd.s32 $0xFFFFD8F0  }
0x21: {  	[tilespmem:s23], [sflag:$0x7] =	stream.linear.gather [hbm4b:s20+s4], $0x50, $0x38;
	[tilespmem:$0x10A40] =	vst v63  }
0x22: {  	_ =	swait.ge [sflag:s22], $0x50  }
0x23: {  	[sflag:s22] =	ssyncset.done $0x0  }
0x24: {  	s21 =	simm.s32 $0x27B0;
	[sflag:s22] =	ssyncadd.s32 $0xFFFFFFB0  }
0x25: {  	[tilespmem:s21], [sflag:$0x1] =	stream.indirect.gather [hbm4b:s2+s24], $0x80, s4, s24, $0xb8;
	[tilespmem:$0x10A40] =	vst v63  }
0x26: {  	_ = 	snop  }
0x27: {  	[tilespmem:s26], [sflag:$0x1] =	stream.indirect.gather [hbm4b:s7+s24], $0x80, s23, s24, $0xb8;
	[tilespmem:$0x10A40] =	vst v63  }
0x28: {  	s25 =	rddreg [dreg:$0x6]  }
0x29: {  	[tilespmem:s28], [sflag:$0x7] =	stream.linear.gather [hbm4b:s25+s4], $0x50, $0x38;
	[tilespmem:$0x10A40] =	vst v63  }
0x2a: {  	v9 =	vmov s4;
	_ =	swait.ge [sflag:s22], $0x50  }
0x2b: {  	vm6 =	veq.s32 v9, v0;
	[sflag:s22] =	ssyncset.done $0x0  }
0x2c: {  	s29 =	simm.s32 $0x4FB0;
	vm6 =	vmand vm6, vm0;
	[sflag:s22] =	ssyncadd.s32 $0xFFFFFFB0  }
0x2d: {  	v9 =	vsel vm6, $0xFFFFFFFF, v1;
	[tilespmem:s29], [sflag:$0x2] =	stream.indirect.gather [hbm4b:s2+s24], $0x80, s24, s24, $0xb8;
	[tilespmem:$0x10A40] =	vst v63  }
0x2e: {  	s30 =	simm.s32 $0x9FB0;
	s0 =	simm.s32 $0x10;
	v9 =	vshll.u32 v9, $0x4  }
0x2f: {  	v9 =	vadd.s32 s4, v9;
	[tilespmem:s30], [sflag:$0x2] =	stream.indirect.gather [hbm4b:s7+s24], $0x80, s28, s24, $0xb8;
	[tilespmem:$0x10A40] =	vst v63  }
.LBB2_2:
0x30: {  	v10 =	vmov s0;
	p3 =	sne.s32 s0, $0x4F0;
	v11 =	vor.u32 v0, v9;
	s14 =	smov.u32 s0;
	s0 =	sadd.s32 $0x10, s0  }
.Ltmp0:
0x31: {  	vm6 =	veq.s32 v10, v0;
	(pc) =	sbr.rel @p3 .LBB2_2-.Ltmp0, $4  }
0x32: {  	vm6 =	vmand vm6, vm0  }
0x33: {  	v9 =	vsel vm6, $0xFFFFFFFF, v1  }
0x34: {  	v9 =	vshll.u32 v9, $0x4  }
0x35: {  	v9 =	vadd.s32 s14, v9;
	[tilespmem:v11+s31+$0x0] =	vst.idx.msk $0xffff, v2  }
0x36: {  	s0 =	simm.s32 $0x0  }
0x37: {  	v10 =	vor.u32 v0, v9;
	v9 =	vmov s0  }
0x38: {  	vm6 =	veq.s32 v9, v0  }
0x39: {  	vm6 =	vmand vm6, vm0  }
0x3a: {  	v9 =	vsel vm6, $0xFFFFFFFF, v1  }
0x3b: {  	v9 =	vshll.u32 v9, $0x4  }
0x3c: {  	s14 =	simm.s32 $0x10;
	[tilespmem:v10+s31+$0x0] =	vst.idx.msk $0xffff, v2;
	v10 =	vadd.s32 s0, v9  }
.LBB2_4:
0x3d: {  	v11 =	vmov s14;
	p3 =	sne.s32 s14, $0x4F0;
	v12 =	vor.u32 v0, v10;
	s16 =	smov.u32 s14;
	s14 =	sadd.s32 $0x10, s14  }
.Ltmp1:
0x3e: {  	vm6 =	veq.s32 v11, v0;
	(pc) =	sbr.rel @p3 .LBB2_4-.Ltmp1, $4  }
0x3f: {  	vm6 =	vmand vm6, vm0  }
0x40: {  	v10 =	vsel vm6, $0xFFFFFFFF, v1  }
0x41: {  	v10 =	vshll.u32 v10, $0x4  }
0x42: {  	v10 =	vadd.s32 s16, v10;
	[tilespmem:v12+s1+$0x0] =	vst.idx.msk $0xffff, v2  }
0x43: {  	v10 =	vor.u32 v0, v10;
	_ =	sdelay $0x4  }
0x44: {  	s14 =	simm.s32 $0x10;
	v9 =	vadd.s32 s0, v9;
	[tilespmem:v10+s1+$0x0] =	vst.idx.msk $0xffff, v2  }
.LBB2_6:
0x45: {  	v10 =	vmov s14;
	p3 =	sne.s32 s14, $0xC70;
	v11 =	vor.u32 v0, v9;
	s0 =	smov.u32 s14;
	s14 =	sadd.s32 $0x10, s14  }
.Ltmp2:
0x46: {  	vm6 =	veq.s32 v10, v0;
	(pc) =	sbr.rel @p3 .LBB2_6-.Ltmp2, $4  }
0x47: {  	vm6 =	vmand vm6, vm0  }
0x48: {  	v9 =	vsel vm6, $0xFFFFFFFF, v1  }
0x49: {  	v9 =	vshll.u32 v9, $0x4  }
0x4a: {  	v9 =	vadd.s32 s0, v9;
	[tilespmem:v11+s9+$0x0] =	vst.idx.msk $0xffff, v2  }
0x4b: {  	v9 =	vor.u32 v0, v9;
	_ =	sdelay $0x4  }
0x4c: {  	s0 =	simm.s32 @!p2 $0xD6B0;
	s14 =	rddreg [dreg:$0xb];
	[tilespmem:v9+s9+$0x0] =	vst.idx.msk $0xffff, v2  }
0x4d: {  	[spmem:s14] =	stream.linear.scatter @!p2 [tilespmem:s0], [sflag:$0x7], $0xC80, $0x38;
	[tilespmem:$0x10A40] =	vst v63  }
0x4e: {  	[dreg:$0x11] =	wrdreg s17;
	s14 =	simm.s32 @!p2 $0x7  }
0x4f: {  	_ =	swait.ge @!p2 [sflag:s14], $0xC80  }
0x50: {  	[sflag:s14] =	ssyncset.done @!p2 $0x0  }
0x51: {  	s16 =	rddreg [dreg:$0xd];
	[sflag:s14] =	ssyncadd.s32 @!p2 $0xFFFFF380  }
0x52: {  	[spmem:s16] =	stream.linear.scatter @!p2 [tilespmem:s0], [sflag:$0x7], $0xC80, $0x38;
	[tilespmem:$0x10A40] =	vst v63  }
0x53: {  	_ =	swait.ge @!p2 [sflag:s14], $0xC80  }
0x54: {  	[sflag:s14] =	ssyncset.done @!p2 $0x0  }
0x55: {  	s16 =	rddreg [dreg:$0xe];
	[sflag:s14] =	ssyncadd.s32 @!p2 $0xFFFFF380  }
0x56: {  	[spmem:s16] =	stream.linear.scatter @!p2 [tilespmem:s0], [sflag:$0x7], $0xC80, $0x38;
	[tilespmem:$0x10A40] =	vst v63  }
0x57: {  	_ =	swait.ge @!p2 [sflag:s14], $0xC80  }
0x58: {  	[sflag:s14] =	ssyncset.done @!p2 $0x0  }
0x59: {  	s16 =	rddreg [dreg:$0xf];
	[sflag:s14] =	ssyncadd.s32 @!p2 $0xFFFFF380  }
0x5a: {  	[spmem:s16] =	stream.linear.scatter @!p2 [tilespmem:s0], [sflag:$0x7], $0xC80, $0x38;
	[tilespmem:$0x10A40] =	vst v63  }
0x5b: {  	_ =	swait.ge @!p2 [sflag:s14], $0xC80  }
0x5c: {  	[sflag:s14] =	ssyncset.done @!p2 $0x0  }
0x5d: {  	s16 =	rddreg [dreg:$0x10];
	[sflag:s14] =	ssyncadd.s32 @!p2 $0xFFFFF380  }
0x5e: {  	[spmem:s16] =	stream.linear.scatter @!p2 [tilespmem:s0], [sflag:$0x7], $0xC80, $0x38;
	[tilespmem:$0x10A40] =	vst v63  }
0x5f: {  	_ =	swait.ge @!p2 [sflag:s14], $0xC80  }
0x60: {  	[sflag:s14] =	ssyncset.done @!p2 $0x0  }
0x61: {  	[sflag:s14] =	ssyncadd.s32 @!p2 $0xFFFFF380  }
0x62: {  	s21 =	simm.s32 $0x0;
	[bflag:$0x0] =	sbarrier.arrive $0xFFFF  }
.LBB2_8:
0x63: {  	s16 =	sshll.u32 s21, $0x1  }
0x64: {  	_ =	swait.ge [sflag:s10], $0x2800;
	s14 =	sadd.s32 $0x2, s16  }
0x65: {  	[sflag:s10] =	ssyncset.done $0x0;
	s0 =	smul.u32 $0x50, s14  }
0x66: {  	[sflag:s10] =	ssyncadd.s32 $0xFFFFD800  }
0x67: {  	_ =	swait.ge [sflag:s10], $0x2800;
	s0 =	sadd.s32 s5, s0  }
0x68: {  	[sflag:s10] =	ssyncset.done $0x0;
	s0 =	sshrl.u32 s0, $0x3  }
0x69: {  	p3 =	seq.s32 s21, $0x0;
	[sflag:s10] =	ssyncadd.s32 $0xFFFFD800;
	s0 =	sadd.s32 s6, s0  }
0x6a: {  	[tilespmem:s23], [sflag:$0x5] =	stream.linear.gather [hbm4b:s0+s4], $0x50, $0x38;
	[tilespmem:$0x10A40] =	vst v63  }
0x6b: {  	s0 =	simm.s32 @!p3 $0x3  }
0x6c: {  	_ =	swait.ge @!p3 [sflag:s0], $0x280  }
0x6d: {  	[sflag:s0] =	ssyncset.done @!p3 $0x0  }
0x6e: {  	s20 =	simm.s32 $0x77F0;
	[sflag:s0] =	ssyncadd.s32 @!p3 $0xFFFFFD80  }
0x6f: {  	s29 =	simm.s32 $0x27F0;
	v11 =	vld [tilespmem:s20+$0xFFFFFFC0]  }
0x70: {  	v14 =	vld [tilespmem:s29+$0xFFFFFFC0]  }
0x71: {  	v9 =	vld [tilespmem:s29+$0xFFFFFFD0]  }
0x72: {  	v10 =	vld [tilespmem:s29+$0xFFFFFFE0]  }
0x73: {  	v12 =	vld [tilespmem:s20+$0xFFFFFFE0]  }
0x74: {  	v13 =	vld [tilespmem:s29+$0xFFFFFFF0]  }
0x75: {  	v15 =	vld [tilespmem:s29+$0x0]  }
0x76: {  	v16 =	vld [tilespmem:s20+$0x0]  }
0x77: {  	v17 =	vld [tilespmem:s29+$0x10]  }
0x78: {  	v18 =	vld [tilespmem:s20+$0x10]  }
0x79: {  	v19 =	vld [tilespmem:s29+$0x20]  }
0x7a: {  	v20 =	vld [tilespmem:s20+$0x20]  }
0x7b: {  	v21 =	vld [tilespmem:s29+$0x30]  }
0x7c: {  	s30 =	simm.s32 $0x1;
	s17 =	simm.s32 $0x0;
	s0 =	smul.u32 $0xA0, s21;
	v22 =	vld [tilespmem:s20+$0x30]  }
.LBB2_9:
0x7d: {  	p3 =	sne.s32 s30, $0x4F;
	v23 =	vld [tilespmem:s20+$0xFFFFFFF0]  }
0x7e: {  	v24 =	vld [tilespmem:s20+$0xFFFFFFD0]  }
0x7f: {  	v11 =	vmul.f32 v11, v14  }
0x80: {  	v14 =	vmul.f32 v16, v15;
	v15 =	vmul.f32 v18, v17  }
0x81: {  	v16 =	vmul.f32 v20, v19;
	v17 =	vmul.f32 v22, v21  }
0x82: {  	v10 =	vmul.f32 v12, v10;
	v12 =	vmul.f32 v23, v13  }
0x83: {  	v13 =	vadd.f32 v15, v14;
	v9 =	vmul.f32 v24, v9;
	v14 =	vadd.f32 v17, v16  }
0x84: {  	v10 =	vadd.f32 v12, v10  }
0x85: {  	v9 =	vadd.f32 v9, v11;
	v11 =	vperm.xlane v13, v3;
	v12 =	vperm.xlane v14, v3  }
0x86: {  	v15 =	vperm.xlane v10, v3  }
0x87: {  	v16 =	vperm.xlane v9, v3;
	v11 =	vadd.f32 v13, v11;
	v12 =	vadd.f32 v14, v12  }
0x88: {  	v10 =	vadd.f32 v10, v15  }
0x89: {  	v9 =	vadd.f32 v9, v16;
	v13 =	vperm.xlane v11, v4;
	v14 =	vperm.xlane v12, v4  }
0x8a: {  	v15 =	vperm.xlane v10, v4  }
0x8b: {  	v16 =	vperm.xlane v9, v4;
	v11 =	vadd.f32 v11, v13;
	v12 =	vadd.f32 v12, v14  }
0x8c: {  	v10 =	vadd.f32 v10, v15  }
0x8d: {  	v9 =	vadd.f32 v9, v16;
	v11 =	vsel vm1, v12, v11  }
0x8e: {  	v10 =	vsel vm2, v11, v10  }
0x8f: {  	v9 =	vsel vm4, v9, v10  }
0x90: {  	v10 =	vperm.xlane v9, v5;
	_ =	sdelay $0x1  }
0x91: {  	s25 =	sshll.u32 s17, $0x3;
	s17 =	smov.u32 s30;
	v9 =	vadd.f32 v9, v10  }
0x92: {  	v10 =	vor.u32 s25, v7  }
0x93: {  	v11 =	vperm.xlane v9, v6;
	_ =	sdelay $0x1  }
0x94: {  	v9 =	vadd.f32 v9, v11;
	_ =	sdelay $0x1  }
0x95: {  	s20 =	sadd.s32 $0x80, s20;
	[tilespmem:v10+s11+$0x0] =	vst.idx.msk vm3, v9  }
0x96: {  	s29 =	sadd.s32 $0x80, s29;
	v11 =	vld [tilespmem:s20+$0xFFFFFFC0]  }
0x97: {  	v14 =	vld [tilespmem:s29+$0xFFFFFFC0]  }
0x98: {  	v9 =	vld [tilespmem:s29+$0xFFFFFFD0]  }
0x99: {  	v10 =	vld [tilespmem:s29+$0xFFFFFFE0]  }
0x9a: {  	v12 =	vld [tilespmem:s20+$0xFFFFFFE0]  }
0x9b: {  	v13 =	vld [tilespmem:s29+$0xFFFFFFF0]  }
0x9c: {  	v15 =	vld [tilespmem:s29+$0x0]  }
0x9d: {  	v16 =	vld [tilespmem:s20+$0x0]  }
0x9e: {  	v17 =	vld [tilespmem:s29+$0x10]  }
.Ltmp3:
0x9f: {  	v18 =	vld [tilespmem:s20+$0x10];
	(pc) =	sbr.rel @p3 .LBB2_9-.Ltmp3, $4  }
0xa0: {  	v19 =	vld [tilespmem:s29+$0x20]  }
0xa1: {  	v20 =	vld [tilespmem:s20+$0x20]  }
0xa2: {  	v21 =	vld [tilespmem:s29+$0x30]  }
0xa3: {  	s30 =	sadd.s32 $0x1, s30;
	v22 =	vld [tilespmem:s20+$0x30]  }
0xa4: {  	v23 =	vld [tilespmem:s20+$0xFFFFFFF0]  }
0xa5: {  	v24 =	vld [tilespmem:s20+$0xFFFFFFD0]  }
0xa6: {  	v11 =	vmul.f32 v11, v14  }
0xa7: {  	v50 =	vmul.f32 v16, v15;
	v51 =	vmul.f32 v18, v17  }
0xa8: {  	v52 =	vmul.f32 v20, v19;
	v53 =	vmul.f32 v22, v21  }
0xa9: {  	v10 =	vmul.f32 v12, v10;
	v54 =	vmul.f32 v23, v13  }
0xaa: {  	v55 =	vadd.f32 v51, v50;
	v9 =	vmul.f32 v24, v9;
	v56 =	vadd.f32 v53, v52  }
0xab: {  	v10 =	vadd.f32 v54, v10  }
0xac: {  	v9 =	vadd.f32 v9, v11;
	v11 =	vperm.xlane v55, v3;
	v57 =	vperm.xlane v56, v3  }
0xad: {  	v58 =	vperm.xlane v10, v3  }
0xae: {  	v59 =	vperm.xlane v9, v3;
	v11 =	vadd.f32 v55, v11;
	v12 =	vadd.f32 v56, v57  }
0xaf: {  	v10 =	vadd.f32 v10, v58  }
0xb0: {  	v9 =	vadd.f32 v9, v59;
	v13 =	vperm.xlane v11, v4;
	v14 =	vperm.xlane v12, v4  }
0xb1: {  	v15 =	vperm.xlane v10, v4  }
0xb2: {  	v16 =	vperm.xlane v9, v4;
	v11 =	vadd.f32 v11, v13;
	v12 =	vadd.f32 v12, v14  }
0xb3: {  	v10 =	vadd.f32 v10, v15  }
0xb4: {  	s30 =	simm.s32 $0x0;
	v9 =	vadd.f32 v9, v16;
	v11 =	vsel vm1, v12, v11  }
0xb5: {  	v10 =	vsel vm2, v11, v10;
	v11 =	vmov s30  }
0xb6: {  	v9 =	vsel vm4, v9, v10;
	vm6 =	veq.s32 v11, v0  }
0xb7: {  	v11 =	vor.u32 s30, v0;
	v10 =	vperm.xlane v9, v5;
	vm6 =	vmand vm6, vm5  }
0xb8: {  	v11 =	vshrl.u32 v11, $0x2;
	v60 =	vsel vm6, $0xFFFFFFFF, v1  }
0xb9: {  	s17 =	sshll.u32 s17, $0x3;
	v61 =	vadd.f32 v9, v10;
	v10 =	vadd.s32 v60, v11  }
0xba: {  	v11 =	vor.u32 s17, v7;
	v9 =	vshll.u32 v10, $0x3  }
0xbb: {  	v62 =	vperm.xlane v61, v6;
	v9 =	vor.u32 v8, v9;
	_ =	sdelay $0x1  }
0xbc: {  	v12 =	vadd.f32 v61, v62;
	_ =	sdelay $0x1  }
0xbd: {  	[tilespmem:v11+s11+$0x0] =	vst.idx.msk vm3, v12  }
0xbe: {  	v11 =	vld.idx.msk [tilespmem:v9+s11+$0x0], $0xffff;
	_ =	sdelay $0x4  }
0xbf: {  	v11 =	vmax.f32 v11, $-1.000000000e+01  }
0xc0: {  	v11 =	vmin.f32 v11, $1.000000000e+01  }
0xc1: {  	v11 =	vmul.f32 $1.442695020e+00, v11;
	_ =	sdelay $0x1  }
0xc2: {  	s17 =	simm.s32 $0x10;
	(erf) = vpow2.f32 v11  }
0xc3: {  	v63 =	vmov s17  }
0xc4: {  	s20 =	simm.s32 $0x20;
	vm6 =	veq.s32 v63, v0  }
.LBB2_11:
0xc5: {  	p3 =	sne.s32 s20, $0x130;
	v11 =	vor.u32 s17, v0;
	vm6 =	vmand vm6, vm5;
	s17 =	smov.u32 s20  }
0xc6: {  	v11 =	vshrl.u32 v11, $0x2;
	v12 =	vsel vm6, $0xFFFFFFFF, v1  }
0xc7: {  	v13 =	vshll.u32 v10, $0x4;
	v10 =	vadd.s32 v12, v11  }
0xc8: {  	v12 =	vor.u32 v8, v13;
	v11 =	vshll.u32 v10, $0x3  }
0xc9: {  	v11 =	vor.u32 v8, v11;
	_ =	sdelay $0x1  }
0xca: {  	v13 =	vpop (erf)  }
0xcb: {  	[tilespmem:v9+s11+$0x0] =	vst.idx.msk $0xffff, v13;
	v9 =	vmov v11  }
0xcc: {  	[tilespmem:v12+s31+$0x0] =	vst.idx.msk $0xffff, v13  }
0xcd: {  	v11 =	vld.idx.msk [tilespmem:v11+s11+$0x0], $0xffff;
	_ =	sdelay $0x5  }
0xce: {  	v11 =	vmax.f32 v11, $-1.000000000e+01  }
0xcf: {  	v11 =	vmin.f32 v11, $1.000000000e+01  }
.Ltmp4:
0xd0: {  	v11 =	vmul.f32 $1.442695020e+00, v11;
	(pc) =	sbr.rel @p3 .LBB2_11-.Ltmp4, $4  }
0xd1: {  	_ = 	snop  }
0xd2: {  	(erf) = vpow2.f32 v11  }
0xd3: {  	v11 =	vmov s20  }
0xd4: {  	s20 =	sadd.s32 $0x10, s20;
	vm6 =	veq.s32 v11, v0  }
0xd5: {  	v11 =	vor.u32 s17, v0;
	vm6 =	vmand vm6, vm5  }
0xd6: {  	v11 =	vshrl.u32 v11, $0x2;
	v12 =	vsel vm6, $0xFFFFFFFF, v1  }
0xd7: {  	v10 =	vshll.u32 v10, $0x4;
	v11 =	vadd.s32 v12, v11  }
0xd8: {  	v10 =	vor.u32 v8, v10;
	v12 =	vshll.u32 v11, $0x3  }
0xd9: {  	v12 =	vor.u32 v8, v12;
	_ =	sdelay $0x1  }
0xda: {  	v13 =	vpop (erf)  }
0xdb: {  	[tilespmem:v9+s11+$0x0] =	vst.idx.msk $0xffff, v13  }
0xdc: {  	[tilespmem:v10+s31+$0x0] =	vst.idx.msk $0xffff, v13  }
0xdd: {  	v9 =	vld.idx.msk [tilespmem:v12+s11+$0x0], $0xffff;
	_ =	sdelay $0x4  }
0xde: {  	v9 =	vmax.f32 v9, $-1.000000000e+01  }
0xdf: {  	v9 =	vmin.f32 v9, $1.000000000e+01  }
0xe0: {  	v9 =	vmul.f32 $1.442695020e+00, v9;
	_ =	sdelay $0x1  }
0xe1: {  	(erf) = vpow2.f32 v9;
	_ =	sdelay $0x4  }
0xe2: {  	v9 =	vshll.u32 v11, $0x4  }
0xe3: {  	v9 =	vor.u32 v8, v9;
	_ =	sdelay $0x2  }
0xe4: {  	v10 =	vpop (erf)  }
0xe5: {  	[tilespmem:v12+s11+$0x0] =	vst.idx.msk $0xffff, v10  }
0xe6: {  	s25 =	sadd.s32 s0, s12;
	s20 =	smul.u32 $0x280, s21;
	[tilespmem:v9+s31+$0x0] =	vst.idx.msk $0xffff, v10  }
0xe7: {  	[hbm4b:s25+s4] =	stream.linear.scatter [tilespmem:s11], [sflag:$0x3], $0x280, $0x38;
	[tilespmem:$0x10A40] =	vst v63  }
0xe8: {  	s20 =	sshra.s32 s20, $0x2  }
0xe9: {  	[spmem:s3] =	stream.indirect.scatter.add.f32 [tilespmem:s31], [sflag:$0x7], $0x10, s20, s24, $0xb8;
	[tilespmem:$0x10A40] =	vst v63  }
0xea: {  	_ =	swait.ge [sflag:s22], $0x500  }
0xeb: {  	[sflag:s22] =	ssyncset.done $0x0  }
0xec: {  	[sflag:s22] =	ssyncadd.s32 $0xFFFFFB00  }
0xed: {  	s14 =	smul.u32 $0x140, s14;
	_ =	swait.ge [sflag:s13], $0x50  }
0xee: {  	[sflag:s13] =	ssyncset.done $0x0  }
0xef: {  	s14 =	sshra.s32 s14, $0x2;
	s25 =	simm.s32 $0x27B0;
	[sflag:s13] =	ssyncadd.s32 $0xFFFFFFB0  }
0xf0: {  	[tilespmem:s25], [sflag:$0x1] =	stream.indirect.gather [hbm4b:s2+s24], $0x80, s14, s24, $0xb8;
	[tilespmem:$0x10A40] =	vst v63  }
0xf1: {  	_ = 	snop  }
0xf2: {  	[tilespmem:s26], [sflag:$0x1] =	stream.indirect.gather [hbm4b:s7+s24], $0x80, s23, s24, $0xb8;
	[tilespmem:$0x10A40] =	vst v63  }
0xf3: {  	s16 =	sadd.s32 $0x3, s16;
	p3 =	seq.s32 s21, $0x3D;
	_ =	swait.ge [sflag:s8], $0x2800  }
0xf4: {  	s14 =	smul.u32 @!p3 $0x50, s16;
	[sflag:s8] =	ssyncset.done $0x0  }
0xf5: {  	p4 =	seq.s32 @!p3 s21, $0x0;
	[sflag:s8] =	ssyncadd.s32 $0xFFFFD800  }
0xf6: {  	s17 =	simm.s32 @!p3 $0x0;
	s14 =	sadd.s32 @!p3 s5, s14;
	_ =	swait.ge [sflag:s8], $0x2800  }
0xf7: {  	p4 =	por p3, !p4;
	s14 =	sshrl.u32 @!p3 s14, $0x3;
	[sflag:s8] =	ssyncset.done $0x0  }
0xf8: {  	s20 =	simm.s32 @!p3 $0x2760;
	s14 =	sadd.s32 @!p3 s6, s14;
	[sflag:s8] =	ssyncadd.s32 $0xFFFFD800  }
0xf9: {  	[tilespmem:s20], [sflag:$0x6] =	stream.linear.gather @!p3 [hbm4b:s14+s17], $0x50, $0x38;
	[tilespmem:$0x10A40] =	vst v63  }
0xfa: {  	_ =	swait.ge @p4 [sflag:s18], $0x280  }
0xfb: {  	[sflag:s18] =	ssyncset.done @p4 $0x0  }
0xfc: {  	s20 =	simm.s32 $0xA020;
	[sflag:s18] =	ssyncadd.s32 @p4 $0xFFFFFD80  }
0xfd: {  	s29 =	simm.s32 $0x5020;
	v11 =	vld [tilespmem:s20+$0xFFFFFF90]  }
0xfe: {  	v14 =	vld [tilespmem:s29+$0xFFFFFF90]  }
0xff: {  	v9 =	vld [tilespmem:s29+$0xFFFFFFA0]  }
0x100: {  	v10 =	vld [tilespmem:s29+$0xFFFFFFB0]  }
0x101: {  	v12 =	vld [tilespmem:s20+$0xFFFFFFB0]  }
0x102: {  	v13 =	vld [tilespmem:s29+$0xFFFFFFC0]  }
0x103: {  	v15 =	vld [tilespmem:s29+$0xFFFFFFD0]  }
0x104: {  	v16 =	vld [tilespmem:s20+$0xFFFFFFD0]  }
0x105: {  	v17 =	vld [tilespmem:s29+$0xFFFFFFE0]  }
0x106: {  	v18 =	vld [tilespmem:s20+$0xFFFFFFE0]  }
0x107: {  	v19 =	vld [tilespmem:s29+$0xFFFFFFF0]  }
0x108: {  	v20 =	vld [tilespmem:s20+$0xFFFFFFF0]  }
0x109: {  	s0 =	sadd.s32 $0x50, s0;
	v21 =	vld [tilespmem:s29+$0x0]  }
0x10a: {  	s30 =	simm.s32 $0x1;
	s17 =	simm.s32 $0x0;
	s14 =	simm.s32 $0x0;
	v22 =	vld [tilespmem:s20+$0x0]  }
.LBB2_13:
0x10b: {  	p4 =	sne.s32 s30, $0x4F;
	v23 =	vld [tilespmem:s20+$0xFFFFFFC0]  }
0x10c: {  	v24 =	vld [tilespmem:s20+$0xFFFFFFA0]  }
0x10d: {  	v11 =	vmul.f32 v11, v14  }
0x10e: {  	v14 =	vmul.f32 v16, v15;
	v15 =	vmul.f32 v18, v17  }
0x10f: {  	v16 =	vmul.f32 v20, v19;
	v17 =	vmul.f32 v22, v21  }
0x110: {  	v10 =	vmul.f32 v12, v10;
	v12 =	vmul.f32 v23, v13  }
0x111: {  	v13 =	vadd.f32 v15, v14;
	v9 =	vmul.f32 v24, v9;
	v14 =	vadd.f32 v17, v16  }
0x112: {  	v10 =	vadd.f32 v12, v10  }
0x113: {  	v9 =	vadd.f32 v9, v11;
	v11 =	vperm.xlane v13, v3;
	v12 =	vperm.xlane v14, v3  }
0x114: {  	v15 =	vperm.xlane v10, v3  }
0x115: {  	v16 =	vperm.xlane v9, v3;
	v11 =	vadd.f32 v13, v11;
	v12 =	vadd.f32 v14, v12  }
0x116: {  	v10 =	vadd.f32 v10, v15  }
0x117: {  	v9 =	vadd.f32 v9, v16;
	v13 =	vperm.xlane v11, v4;
	v14 =	vperm.xlane v12, v4  }
0x118: {  	v15 =	vperm.xlane v10, v4  }
0x119: {  	v16 =	vperm.xlane v9, v4;
	v11 =	vadd.f32 v11, v13;
	v12 =	vadd.f32 v12, v14  }
0x11a: {  	v10 =	vadd.f32 v10, v15  }
0x11b: {  	v9 =	vadd.f32 v9, v16;
	v11 =	vsel vm1, v12, v11  }
0x11c: {  	v10 =	vsel vm2, v11, v10  }
0x11d: {  	v9 =	vsel vm4, v9, v10  }
0x11e: {  	v10 =	vperm.xlane v9, v5;
	_ =	sdelay $0x1  }
0x11f: {  	s25 =	sshll.u32 s14, $0x3;
	s14 =	smov.u32 s30;
	v9 =	vadd.f32 v9, v10  }
0x120: {  	v10 =	vor.u32 s25, v7  }
0x121: {  	v11 =	vperm.xlane v9, v6;
	_ =	sdelay $0x1  }
0x122: {  	v9 =	vadd.f32 v9, v11;
	_ =	sdelay $0x1  }
0x123: {  	s20 =	sadd.s32 $0x80, s20;
	[tilespmem:v10+s15+$0x0] =	vst.idx.msk vm3, v9  }
0x124: {  	s29 =	sadd.s32 $0x80, s29;
	v11 =	vld [tilespmem:s20+$0xFFFFFF90]  }
0x125: {  	v14 =	vld [tilespmem:s29+$0xFFFFFF90]  }
0x126: {  	v9 =	vld [tilespmem:s29+$0xFFFFFFA0]  }
0x127: {  	v10 =	vld [tilespmem:s29+$0xFFFFFFB0]  }
0x128: {  	v12 =	vld [tilespmem:s20+$0xFFFFFFB0]  }
0x129: {  	v13 =	vld [tilespmem:s29+$0xFFFFFFC0]  }
0x12a: {  	v15 =	vld [tilespmem:s29+$0xFFFFFFD0]  }
0x12b: {  	v16 =	vld [tilespmem:s20+$0xFFFFFFD0]  }
0x12c: {  	v17 =	vld [tilespmem:s29+$0xFFFFFFE0]  }
.Ltmp5:
0x12d: {  	v18 =	vld [tilespmem:s20+$0xFFFFFFE0];
	(pc) =	sbr.rel @p4 .LBB2_13-.Ltmp5, $4  }
0x12e: {  	v19 =	vld [tilespmem:s29+$0xFFFFFFF0]  }
0x12f: {  	v20 =	vld [tilespmem:s20+$0xFFFFFFF0]  }
0x130: {  	v21 =	vld [tilespmem:s29+$0x0]  }
0x131: {  	s30 =	sadd.s32 $0x1, s30;
	v22 =	vld [tilespmem:s20+$0x0]  }
0x132: {  	v23 =	vld [tilespmem:s20+$0xFFFFFFC0]  }
0x133: {  	v24 =	vld [tilespmem:s20+$0xFFFFFFA0]  }
0x134: {  	v11 =	vmul.f32 v11, v14  }
0x135: {  	v50 =	vmul.f32 v16, v15;
	v51 =	vmul.f32 v18, v17  }
0x136: {  	v52 =	vmul.f32 v20, v19;
	v53 =	vmul.f32 v22, v21  }
0x137: {  	v10 =	vmul.f32 v12, v10;
	v54 =	vmul.f32 v23, v13  }
0x138: {  	v55 =	vadd.f32 v51, v50;
	v9 =	vmul.f32 v24, v9;
	v56 =	vadd.f32 v53, v52  }
0x139: {  	v10 =	vadd.f32 v54, v10  }
0x13a: {  	v9 =	vadd.f32 v9, v11;
	v11 =	vperm.xlane v55, v3;
	v57 =	vperm.xlane v56, v3  }
0x13b: {  	v58 =	vperm.xlane v10, v3  }
0x13c: {  	v59 =	vperm.xlane v9, v3;
	v11 =	vadd.f32 v55, v11;
	v12 =	vadd.f32 v56, v57  }
0x13d: {  	v10 =	vadd.f32 v10, v58  }
0x13e: {  	v9 =	vadd.f32 v9, v59;
	v13 =	vperm.xlane v11, v4;
	v14 =	vperm.xlane v12, v4  }
0x13f: {  	v15 =	vperm.xlane v10, v4  }
0x140: {  	v16 =	vperm.xlane v9, v4;
	v11 =	vadd.f32 v11, v13;
	v12 =	vadd.f32 v12, v14  }
0x141: {  	v10 =	vadd.f32 v10, v15  }
0x142: {  	v9 =	vadd.f32 v9, v16;
	v11 =	vsel vm1, v12, v11  }
0x143: {  	v10 =	vsel vm2, v11, v10;
	v11 =	vmov s17  }
0x144: {  	v9 =	vsel vm4, v9, v10;
	vm6 =	veq.s32 v11, v0  }
0x145: {  	v11 =	vor.u32 s17, v0;
	v10 =	vperm.xlane v9, v5;
	vm6 =	vmand vm6, vm5  }
0x146: {  	v11 =	vshrl.u32 v11, $0x2;
	v60 =	vsel vm6, $0xFFFFFFFF, v1  }
0x147: {  	s14 =	sshll.u32 s14, $0x3;
	v61 =	vadd.f32 v9, v10;
	v10 =	vadd.s32 v60, v11  }
0x148: {  	v11 =	vor.u32 s14, v7;
	v9 =	vshll.u32 v10, $0x3  }
0x149: {  	v62 =	vperm.xlane v61, v6;
	v9 =	vor.u32 v8, v9;
	_ =	sdelay $0x1  }
0x14a: {  	v12 =	vadd.f32 v61, v62;
	_ =	sdelay $0x1  }
0x14b: {  	[tilespmem:v11+s15+$0x0] =	vst.idx.msk vm3, v12  }
0x14c: {  	v11 =	vld.idx.msk [tilespmem:v9+s15+$0x0], $0xffff;
	_ =	sdelay $0x4  }
0x14d: {  	v11 =	vmax.f32 v11, $-1.000000000e+01  }
0x14e: {  	v11 =	vmin.f32 v11, $1.000000000e+01  }
0x14f: {  	v11 =	vmul.f32 $1.442695020e+00, v11;
	_ =	sdelay $0x1  }
0x150: {  	s14 =	simm.s32 $0x10;
	(erf) = vpow2.f32 v11  }
0x151: {  	v63 =	vmov s14  }
0x152: {  	s17 =	simm.s32 $0x20;
	vm6 =	veq.s32 v63, v0  }
.LBB2_15:
0x153: {  	p4 =	sne.s32 s17, $0x130;
	v11 =	vor.u32 s14, v0;
	vm6 =	vmand vm6, vm5;
	s14 =	smov.u32 s17  }
0x154: {  	v11 =	vshrl.u32 v11, $0x2;
	v12 =	vsel vm6, $0xFFFFFFFF, v1  }
0x155: {  	v13 =	vshll.u32 v10, $0x4;
	v10 =	vadd.s32 v12, v11  }
0x156: {  	v12 =	vor.u32 v8, v13;
	v11 =	vshll.u32 v10, $0x3  }
0x157: {  	v11 =	vor.u32 v8, v11;
	_ =	sdelay $0x1  }
0x158: {  	v13 =	vpop (erf)  }
0x159: {  	[tilespmem:v9+s15+$0x0] =	vst.idx.msk $0xffff, v13;
	v9 =	vmov v11  }
0x15a: {  	[tilespmem:v12+s1+$0x0] =	vst.idx.msk $0xffff, v13  }
0x15b: {  	v11 =	vld.idx.msk [tilespmem:v11+s15+$0x0], $0xffff;
	_ =	sdelay $0x5  }
0x15c: {  	v11 =	vmax.f32 v11, $-1.000000000e+01  }
0x15d: {  	v11 =	vmin.f32 v11, $1.000000000e+01  }
.Ltmp6:
0x15e: {  	v11 =	vmul.f32 $1.442695020e+00, v11;
	(pc) =	sbr.rel @p4 .LBB2_15-.Ltmp6, $4  }
0x15f: {  	_ = 	snop  }
0x160: {  	(erf) = vpow2.f32 v11  }
0x161: {  	v11 =	vmov s17  }
0x162: {  	s17 =	sadd.s32 $0x10, s17;
	vm6 =	veq.s32 v11, v0  }
0x163: {  	v11 =	vor.u32 s14, v0;
	vm6 =	vmand vm6, vm5  }
0x164: {  	v11 =	vshrl.u32 v11, $0x2;
	v12 =	vsel vm6, $0xFFFFFFFF, v1  }
0x165: {  	v10 =	vshll.u32 v10, $0x4;
	v11 =	vadd.s32 v12, v11  }
0x166: {  	v10 =	vor.u32 v8, v10;
	v12 =	vshll.u32 v11, $0x3  }
0x167: {  	v12 =	vor.u32 v8, v12;
	_ =	sdelay $0x1  }
0x168: {  	v13 =	vpop (erf)  }
0x169: {  	[tilespmem:v9+s15+$0x0] =	vst.idx.msk $0xffff, v13  }
0x16a: {  	[tilespmem:v10+s1+$0x0] =	vst.idx.msk $0xffff, v13  }
0x16b: {  	v9 =	vld.idx.msk [tilespmem:v12+s15+$0x0], $0xffff;
	_ =	sdelay $0x4  }
0x16c: {  	v9 =	vmax.f32 v9, $-1.000000000e+01  }
0x16d: {  	v9 =	vmin.f32 v9, $1.000000000e+01  }
0x16e: {  	v9 =	vmul.f32 $1.442695020e+00, v9;
	_ =	sdelay $0x1  }
0x16f: {  	(erf) = vpow2.f32 v9;
	_ =	sdelay $0x4  }
0x170: {  	v9 =	vshll.u32 v11, $0x4  }
0x171: {  	v9 =	vor.u32 v8, v9;
	_ =	sdelay $0x2  }
0x172: {  	v10 =	vpop (erf)  }
0x173: {  	[tilespmem:v12+s15+$0x0] =	vst.idx.msk $0xffff, v10  }
0x174: {  	s30 =	sadd.s32 s0, s12;
	[tilespmem:v9+s1+$0x0] =	vst.idx.msk $0xffff, v10  }
0x175: {  	[hbm4b:s30+s4] =	stream.linear.scatter [tilespmem:s15], [sflag:$0x4], $0x280, $0x38;
	[tilespmem:$0x10A40] =	vst v63  }
.Ltmp7:
0x176: {  	_ = 	snop;
	(pc) =	sbr.rel @p3 .LBB2_18-.Ltmp7, $4  }
0x177: {  	[spmem:s3] =	stream.indirect.scatter.add.f32 [tilespmem:s1], [sflag:$0x7], $0x10, s0, s24, $0xb8;
	[tilespmem:$0x10A40] =	vst v63  }
0x178: {  	_ =	swait.ge [sflag:s22], $0x500  }
0x179: {  	[sflag:s22] =	ssyncset.done $0x0  }
0x17a: {  	[sflag:s22] =	ssyncadd.s32 $0xFFFFFB00  }
0x17b: {  	_ =	swait.ge [sflag:s19], $0x50;
	s0 =	smul.u32 $0x140, s16  }
.Ltmp8:
0x17c: {  	[sflag:s19] =	ssyncset.done $0x0;
	(pc) =	sbr.rel .LBB2_8-.Ltmp8, $4  }
0x17d: {  	s14 =	simm.s32 $0x4FB0;
	[sflag:s19] =	ssyncadd.s32 $0xFFFFFFB0;
	s0 =	sshra.s32 s0, $0x2  }
0x17e: {  	[tilespmem:s14], [sflag:$0x2] =	stream.indirect.gather [hbm4b:s2+s24], $0x80, s0, s24, $0xb8;
	[tilespmem:$0x10A40] =	vst v63  }
0x17f: {  	s30 =	simm.s32 $0x9FB0;
	s21 =	sadd.s32 $0x1, s21  }
0x180: {  	[tilespmem:s30], [sflag:$0x2] =	stream.indirect.gather [hbm4b:s7+s24], $0x80, s28, s24, $0xb8;
	[tilespmem:$0x10A40] =	vst v63  }
.LBB2_18:
0x181: {  	_ =	swait.ge [sflag:s10], $0x2800  }
0x182: {  	[sflag:s10] =	ssyncset.done $0x0  }
0x183: {  	[sflag:s10] =	ssyncadd.s32 $0xFFFFD800  }
0x184: {  	_ =	swait.ge [sflag:s10], $0x2800  }
0x185: {  	[sflag:s10] =	ssyncset.done $0x0  }
0x186: {  	s0 =	simm.s32 $0x3;
	[sflag:s10] =	ssyncadd.s32 $0xFFFFD800  }
0x187: {  	_ =	swait.ge [sflag:s0], $0x280  }
0x188: {  	[sflag:s0] =	ssyncset.done $0x0  }
0x189: {  	s16 =	simm.s32 $0x77F0;
	[sflag:s0] =	ssyncadd.s32 $0xFFFFFD80  }
0x18a: {  	s17 =	simm.s32 $0x27F0;
	v11 =	vld [tilespmem:s16+$0xFFFFFFC0]  }
0x18b: {  	v14 =	vld [tilespmem:s17+$0xFFFFFFC0]  }
0x18c: {  	v9 =	vld [tilespmem:s17+$0xFFFFFFD0]  }
0x18d: {  	v10 =	vld [tilespmem:s17+$0xFFFFFFE0]  }
0x18e: {  	v12 =	vld [tilespmem:s16+$0xFFFFFFE0]  }
0x18f: {  	v13 =	vld [tilespmem:s17+$0xFFFFFFF0]  }
0x190: {  	v15 =	vld [tilespmem:s17+$0x0]  }
0x191: {  	v16 =	vld [tilespmem:s16+$0x0]  }
0x192: {  	v17 =	vld [tilespmem:s17+$0x10]  }
0x193: {  	v18 =	vld [tilespmem:s16+$0x10]  }
0x194: {  	v19 =	vld [tilespmem:s17+$0x20]  }
0x195: {  	v20 =	vld [tilespmem:s16+$0x20]  }
0x196: {  	v21 =	vld [tilespmem:s17+$0x30]  }
0x197: {  	s14 =	simm.s32 $0x0;
	s20 =	simm.s32 $0x1;
	s0 =	simm.s32 $0x0;
	v22 =	vld [tilespmem:s16+$0x30]  }
.LBB2_19:
0x198: {  	p3 =	sne.s32 s20, $0x4F;
	v23 =	vld [tilespmem:s16+$0xFFFFFFF0]  }
0x199: {  	v24 =	vld [tilespmem:s16+$0xFFFFFFD0]  }
0x19a: {  	v11 =	vmul.f32 v11, v14  }
0x19b: {  	v14 =	vmul.f32 v16, v15;
	v15 =	vmul.f32 v18, v17  }
0x19c: {  	v16 =	vmul.f32 v20, v19;
	v17 =	vmul.f32 v22, v21  }
0x19d: {  	v10 =	vmul.f32 v12, v10;
	v12 =	vmul.f32 v23, v13  }
0x19e: {  	v13 =	vadd.f32 v15, v14;
	v9 =	vmul.f32 v24, v9;
	v14 =	vadd.f32 v17, v16  }
0x19f: {  	v10 =	vadd.f32 v12, v10  }
0x1a0: {  	v9 =	vadd.f32 v9, v11;
	v11 =	vperm.xlane v13, v3;
	v12 =	vperm.xlane v14, v3  }
0x1a1: {  	v15 =	vperm.xlane v10, v3  }
0x1a2: {  	v16 =	vperm.xlane v9, v3;
	v11 =	vadd.f32 v13, v11;
	v12 =	vadd.f32 v14, v12  }
0x1a3: {  	v10 =	vadd.f32 v10, v15  }
0x1a4: {  	v9 =	vadd.f32 v9, v16;
	v13 =	vperm.xlane v11, v4;
	v14 =	vperm.xlane v12, v4  }
0x1a5: {  	v15 =	vperm.xlane v10, v4  }
0x1a6: {  	v16 =	vperm.xlane v9, v4;
	v11 =	vadd.f32 v11, v13;
	v12 =	vadd.f32 v12, v14  }
0x1a7: {  	v10 =	vadd.f32 v10, v15  }
0x1a8: {  	v9 =	vadd.f32 v9, v16;
	v11 =	vsel vm1, v12, v11  }
0x1a9: {  	v10 =	vsel vm2, v11, v10  }
0x1aa: {  	v9 =	vsel vm4, v9, v10  }
0x1ab: {  	v10 =	vperm.xlane v9, v5;
	_ =	sdelay $0x1  }
0x1ac: {  	s21 =	sshll.u32 s0, $0x3;
	s0 =	smov.u32 s20;
	v9 =	vadd.f32 v9, v10  }
0x1ad: {  	v10 =	vor.u32 s21, v7  }
0x1ae: {  	v11 =	vperm.xlane v9, v6;
	_ =	sdelay $0x1  }
0x1af: {  	v9 =	vadd.f32 v9, v11;
	_ =	sdelay $0x1  }
0x1b0: {  	s16 =	sadd.s32 $0x80, s16;
	[tilespmem:v10+s11+$0x0] =	vst.idx.msk vm3, v9  }
0x1b1: {  	s17 =	sadd.s32 $0x80, s17;
	v11 =	vld [tilespmem:s16+$0xFFFFFFC0]  }
0x1b2: {  	v14 =	vld [tilespmem:s17+$0xFFFFFFC0]  }
0x1b3: {  	v9 =	vld [tilespmem:s17+$0xFFFFFFD0]  }
0x1b4: {  	v10 =	vld [tilespmem:s17+$0xFFFFFFE0]  }
0x1b5: {  	v12 =	vld [tilespmem:s16+$0xFFFFFFE0]  }
0x1b6: {  	v13 =	vld [tilespmem:s17+$0xFFFFFFF0]  }
0x1b7: {  	v15 =	vld [tilespmem:s17+$0x0]  }
0x1b8: {  	v16 =	vld [tilespmem:s16+$0x0]  }
0x1b9: {  	v17 =	vld [tilespmem:s17+$0x10]  }
.Ltmp9:
0x1ba: {  	v18 =	vld [tilespmem:s16+$0x10];
	(pc) =	sbr.rel @p3 .LBB2_19-.Ltmp9, $4  }
0x1bb: {  	v19 =	vld [tilespmem:s17+$0x20]  }
0x1bc: {  	v20 =	vld [tilespmem:s16+$0x20]  }
0x1bd: {  	v21 =	vld [tilespmem:s17+$0x30]  }
0x1be: {  	s20 =	sadd.s32 $0x1, s20;
	v22 =	vld [tilespmem:s16+$0x30]  }
0x1bf: {  	v23 =	vld [tilespmem:s16+$0xFFFFFFF0]  }
0x1c0: {  	v24 =	vld [tilespmem:s16+$0xFFFFFFD0]  }
0x1c1: {  	v11 =	vmul.f32 v11, v14  }
0x1c2: {  	v50 =	vmul.f32 v16, v15;
	v51 =	vmul.f32 v18, v17  }
0x1c3: {  	v52 =	vmul.f32 v20, v19;
	v53 =	vmul.f32 v22, v21  }
0x1c4: {  	v10 =	vmul.f32 v12, v10;
	v54 =	vmul.f32 v23, v13  }
0x1c5: {  	v55 =	vadd.f32 v51, v50;
	v9 =	vmul.f32 v24, v9;
	v56 =	vadd.f32 v53, v52  }
0x1c6: {  	v10 =	vadd.f32 v54, v10  }
0x1c7: {  	v9 =	vadd.f32 v9, v11;
	v11 =	vperm.xlane v55, v3;
	v57 =	vperm.xlane v56, v3  }
0x1c8: {  	v58 =	vperm.xlane v10, v3  }
0x1c9: {  	v59 =	vperm.xlane v9, v3;
	v11 =	vadd.f32 v55, v11;
	v12 =	vadd.f32 v56, v57  }
0x1ca: {  	v10 =	vadd.f32 v10, v58  }
0x1cb: {  	v9 =	vadd.f32 v9, v59;
	v13 =	vperm.xlane v11, v4;
	v14 =	vperm.xlane v12, v4  }
0x1cc: {  	v15 =	vperm.xlane v10, v4  }
0x1cd: {  	v16 =	vperm.xlane v9, v4;
	v11 =	vadd.f32 v11, v13;
	v12 =	vadd.f32 v12, v14  }
0x1ce: {  	v10 =	vadd.f32 v10, v15  }
0x1cf: {  	v9 =	vadd.f32 v9, v16;
	v11 =	vsel vm1, v12, v11  }
0x1d0: {  	v10 =	vsel vm2, v11, v10;
	v11 =	vmov s14  }
0x1d1: {  	v9 =	vsel vm4, v9, v10;
	vm6 =	veq.s32 v11, v0  }
0x1d2: {  	v11 =	vor.u32 s14, v0;
	v10 =	vperm.xlane v9, v5;
	vm6 =	vmand vm6, vm5  }
0x1d3: {  	v11 =	vshrl.u32 v11, $0x2;
	v60 =	vsel vm6, $0xFFFFFFFF, v1  }
0x1d4: {  	s0 =	sshll.u32 s0, $0x3;
	v61 =	vadd.f32 v9, v10;
	v10 =	vadd.s32 v60, v11  }
0x1d5: {  	v11 =	vor.u32 s0, v7;
	v9 =	vshll.u32 v10, $0x3  }
0x1d6: {  	v62 =	vperm.xlane v61, v6;
	v9 =	vor.u32 v8, v9;
	_ =	sdelay $0x1  }
0x1d7: {  	v12 =	vadd.f32 v61, v62;
	_ =	sdelay $0x1  }
0x1d8: {  	[tilespmem:v11+s11+$0x0] =	vst.idx.msk vm3, v12  }
0x1d9: {  	v11 =	vld.idx.msk [tilespmem:v9+s11+$0x0], $0xffff;
	_ =	sdelay $0x4  }
0x1da: {  	v11 =	vmax.f32 v11, $-1.000000000e+01  }
0x1db: {  	v11 =	vmin.f32 v11, $1.000000000e+01  }
0x1dc: {  	v11 =	vmul.f32 $1.442695020e+00, v11;
	_ =	sdelay $0x1  }
0x1dd: {  	s0 =	simm.s32 $0x10;
	(erf) = vpow2.f32 v11  }
0x1de: {  	v63 =	vmov s0  }
0x1df: {  	s14 =	simm.s32 $0x20;
	vm6 =	veq.s32 v63, v0  }
.LBB2_21:
0x1e0: {  	p3 =	sne.s32 s14, $0x130;
	v11 =	vor.u32 s0, v0;
	vm6 =	vmand vm6, vm5;
	s0 =	smov.u32 s14  }
0x1e1: {  	v11 =	vshrl.u32 v11, $0x2;
	v12 =	vsel vm6, $0xFFFFFFFF, v1  }
0x1e2: {  	v13 =	vshll.u32 v10, $0x4;
	v10 =	vadd.s32 v12, v11  }
0x1e3: {  	v12 =	vor.u32 v8, v13;
	v11 =	vshll.u32 v10, $0x3  }
0x1e4: {  	v11 =	vor.u32 v8, v11;
	_ =	sdelay $0x1  }
0x1e5: {  	v13 =	vpop (erf)  }
0x1e6: {  	[tilespmem:v9+s11+$0x0] =	vst.idx.msk $0xffff, v13;
	v9 =	vmov v11  }
0x1e7: {  	[tilespmem:v12+s31+$0x0] =	vst.idx.msk $0xffff, v13  }
0x1e8: {  	v11 =	vld.idx.msk [tilespmem:v11+s11+$0x0], $0xffff;
	_ =	sdelay $0x5  }
0x1e9: {  	v11 =	vmax.f32 v11, $-1.000000000e+01  }
0x1ea: {  	v11 =	vmin.f32 v11, $1.000000000e+01  }
.Ltmp10:
0x1eb: {  	v11 =	vmul.f32 $1.442695020e+00, v11;
	(pc) =	sbr.rel @p3 .LBB2_21-.Ltmp10, $4  }
0x1ec: {  	_ = 	snop  }
0x1ed: {  	(erf) = vpow2.f32 v11  }
0x1ee: {  	v11 =	vmov s14  }
0x1ef: {  	s14 =	sadd.s32 $0x10, s14;
	vm6 =	veq.s32 v11, v0  }
0x1f0: {  	v11 =	vor.u32 s0, v0;
	vm6 =	vmand vm6, vm5  }
0x1f1: {  	v11 =	vshrl.u32 v11, $0x2;
	v12 =	vsel vm6, $0xFFFFFFFF, v1  }
0x1f2: {  	v10 =	vshll.u32 v10, $0x4;
	v11 =	vadd.s32 v12, v11  }
0x1f3: {  	v10 =	vor.u32 v8, v10;
	v12 =	vshll.u32 v11, $0x3  }
0x1f4: {  	v12 =	vor.u32 v8, v12;
	_ =	sdelay $0x1  }
0x1f5: {  	v13 =	vpop (erf)  }
0x1f6: {  	[tilespmem:v9+s11+$0x0] =	vst.idx.msk $0xffff, v13  }
0x1f7: {  	[tilespmem:v10+s31+$0x0] =	vst.idx.msk $0xffff, v13  }
0x1f8: {  	v9 =	vld.idx.msk [tilespmem:v12+s11+$0x0], $0xffff;
	_ =	sdelay $0x4  }
0x1f9: {  	v9 =	vmax.f32 v9, $-1.000000000e+01  }
0x1fa: {  	v9 =	vmin.f32 v9, $1.000000000e+01  }
0x1fb: {  	v9 =	vmul.f32 $1.442695020e+00, v9;
	_ =	sdelay $0x1  }
0x1fc: {  	(erf) = vpow2.f32 v9;
	_ =	sdelay $0x4  }
0x1fd: {  	v9 =	vshll.u32 v11, $0x4  }
0x1fe: {  	v9 =	vor.u32 v8, v9;
	_ =	sdelay $0x2  }
0x1ff: {  	v10 =	vpop (erf)  }
0x200: {  	[tilespmem:v12+s11+$0x0] =	vst.idx.msk $0xffff, v10  }
0x201: {  	s20 =	rddreg [dreg:$0x7];
	[tilespmem:v9+s31+$0x0] =	vst.idx.msk $0xffff, v10  }
0x202: {  	[hbm4b:s20+s4] =	stream.linear.scatter [tilespmem:s11], [sflag:$0x3], $0x280, $0x38;
	[tilespmem:$0x10A40] =	vst v63  }
0x203: {  	s21 =	simm.s32 $0x26C0  }
0x204: {  	[spmem:s3] =	stream.indirect.scatter.add.f32 [tilespmem:s31], [sflag:$0x7], $0x10, s21, s24, $0xb8;
	[tilespmem:$0x10A40] =	vst v63  }
0x205: {  	_ =	swait.ge [sflag:s22], $0x500  }
0x206: {  	[sflag:s22] =	ssyncset.done $0x0  }
0x207: {  	s25 =	simm.s32 $0x3;
	[sflag:s22] =	ssyncadd.s32 $0xFFFFFB00  }
0x208: {  	_ =	swait.ge [sflag:s25], $0x280  }
0x209: {  	[sflag:s25] =	ssyncset.done $0x0  }
0x20a: {  	[sflag:s25] =	ssyncadd.s32 $0xFFFFFD80  }
0x20b: {  	_ =	swait.ge [sflag:s18], $0x280  }
0x20c: {  	[sflag:s18] =	ssyncset.done $0x0  }
0x20d: {  	[sflag:s18] =	ssyncadd.s32 $0xFFFFFD80  }
0x20e: {  	s17 =	stileid.u32;
	[bflag:$0x0] =	sbarrier.arrive $0xFFFF  }
0x20f: {  	s0 =	sshll.u32 @p0 s17, $0x6;
	s20 =	rddreg [dreg:$0x9]  }
0x210: {  	s0 =	sor.u32 @p0 $0x1C07, s0;
	s16 =	rddreg [dreg:$0x8];
	s14 =	sshrl.u32 @p0 s20, $0x3  }
0x211: {  	[hbm:s16], [sflag:s0] =	dma.local @p0 [spmem:s14], $0x7D0  }
0x212: {  	s0 =	simm.s32 @p0 $0x7  }
0x213: {  	_ =	swait.ge @p0 [sflag:s0], $0x7D0  }
0x214: {  	s14 =	sshll.u32 @p1 s17, $0x6;
	[sflag:s0] =	ssyncset.done @p0 $0x0;
	s17 =	rddreg [dreg:$0xa]  }
0x215: {  	[sflag:s0] =	ssyncadd.s32 @p0 $0xFFFFF830;
	s0 =	sor.u32 @p1 $0x1C07, s14;
	s14 =	sshrl.u32 @p1 s20, $0x3  }
0x216: {  	[hbm:s17], [sflag:s0] =	dma.local @p1 [spmem:s14], $0x7D0  }
0x217: {  	s0 =	simm.s32 @p1 $0x7  }
0x218: {  	_ =	swait.ge @p1 [sflag:s0], $0x7D0  }
0x219: {  	s29 =	rddreg [dreg:$0x11]  }
0x21a: {  	s30 =	rddreg [dreg:$0xc];
	s17 =	sadd.s32 $0x1, s29  }
0x21b: {  	p3 =	sne.s32 s17, s30  }
.Ltmp11:
0x21c: {  	_ = 	snop;
	(pc) =	sbr.rel @p3 .LBB2_1-.Ltmp11, $3  }
0x21d: {  	_ =	sdelay $0x1  }
0x21e: {  	[sflag:s0] =	ssyncset.done @p1 $0x0  }
0x21f: {  	s16 =	stileid.u32;
	[sflag:s0] =	ssyncadd.s32 @p1 $0xFFFFF830  }
0x220: {  	_ =	sfence.sel $0x180000  }
0x221: {  	[bflag:$0x0] =	sbarrier.arrive $0xFFFF  }
0x222: {  	_ =	strace $0x90000047  }
0x223: {  	[bflag:$0x2] =	sbarrier.arrive $0xFFFF  }
0x224: {  	p0 =	sne.s32 s16, $0x0;
	s0 =	rddreg [dreg:$0x3]  }
0x225: {  	s0 =	sadd.s32 @!p0 $0x100000, s0  }
0x226: {  	[sflag:s0] =	ssyncadd.tile.s32 @!p0 $0x1;
	_ =	shalt  }
.Lfunc_end2:
_tile_overlayer_lowered:
.L_overlay_start_2:
0x227: {  	(tag) =	ssettag $0x2  }
0x228: {  	s0 =	rddreg [dreg:$0x0];
	s2 =	stileid.u32  }
0x229: {  	s1 =	rddreg [dreg:$0x1];
	p0 =	sne.s32 s2, $0x0  }
0x22a: {  	s3 =	rddreg [dreg:$0x2];
	[bflag:$0x3] =	sbarrier.arrive $0xFFFF;
	s2 =	simm.s32 @!p0 $0x1C07  }
0x22b: {  	[timem:s3], [sflag:s2] =	dma.local @!p0 [hbm:s0], s1  }
0x22c: {  	s0 =	simm.s32 @!p0 $0x7  }
0x22d: {  	_ =	swait.ge @!p0 [sflag:s0], s1  }
0x22e: {  	s1 =	ssub.s32 @!p0 $0x0, s1;
	[sflag:s0] =	ssyncset.done @!p0 $0x0  }
0x22f: {  	[sflag:s0] =	ssyncadd.s32 @!p0 s1  }
0x230: {  	[bflag:$0x3] =	sbarrier.arrive $0xFFFF  }
0x231: {  	_ =	shalt  }

</sc_bundles>
